<compile_context>
chip_gen: v7x
topology: tpu7x:2x2x1
jax: 0.10.2.dev20260603
libtpu: 0.0.44.dev20260713+nightly
codegen_flags: <defaults>
</compile_context>

<pallas_src>
import functools

import jax
import jax.numpy as jnp
from jax import lax
from jax.experimental import pallas as pl
from jax.experimental.pallas import tpu as pltpu
from jax.experimental.pallas import tpu_sc as plsc

N = 10000
E = 320000
D = 128
NEG_SLOPE = 0.2

NC = 2
NS = 16
NW = NC * NS
EPW = E // NW
CHUNK = 40
NCHUNKS = EPW // CHUNK
ROWS_PER_TILE = 624
TAIL_ROW0 = NS * ROWS_PER_TILE
TAIL_ROWS = N - TAIL_ROW0


def _mm_body(h_ref, wl_ref, wr_ref, xl_ref, xr_ref):
    h = h_ref[...]
    xl_ref[...] = jnp.dot(h, wl_ref[...], preferred_element_type=jnp.float32)
    xr_ref[...] = jnp.dot(h, wr_ref[...], preferred_element_type=jnp.float32)


_mm_call = pl.pallas_call(
    _mm_body,
    out_shape=[jax.ShapeDtypeStruct((N, D), jnp.float32)] * 2,
)


def _edge_body(xl_hbm, xr_hbm, src_hbm, dst_hbm, att_hbm,
               out_hbm, den_hbm,
               xlrows, xrrows, srcv, dstv, denv, attv, exb,
               acc_sh, sem1, sem2, sem3, sem4):
    cid = lax.axis_index("c")
    sid = lax.axis_index("s")
    wid = cid * NS + sid

    pltpu.sync_copy(att_hbm, attv)
    att_vs = [attv[pl.ds(16 * k, 16)] for k in range(8)]

    zero16 = jnp.zeros((16,), jnp.float32)
    lane = lax.iota(jnp.int32, 16)
    lane0 = lane == 0

    def zden_body(j, _):
        denv[pl.ds(16 * j, 16)] = zero16
        return 0

    lax.fori_loop(0, N // 16, zden_body, 0)

    def zrow_body(r, _):
        for k in range(8):
            xlrows[0, r, pl.ds(16 * k, 16)] = zero16
        return 0

    lax.fori_loop(0, CHUNK, zrow_body, 0)
    r0 = sid * ROWS_PER_TILE

    def zcopy_body(j, _):
        pltpu.sync_copy(xlrows.at[0],
                        acc_sh.at[pl.ds(r0 + j * CHUNK, CHUNK)])
        return 0

    lax.fori_loop(0, 15, zcopy_body, 0)
    pltpu.sync_copy(xlrows.at[0, pl.ds(0, 24)],
                    acc_sh.at[pl.ds(r0 + 600, 24)])

    @pl.when(sid == NS - 1)
    def _zero_tail():
        pltpu.sync_copy(xlrows.at[0, pl.ds(0, TAIL_ROWS)],
                        acc_sh.at[pl.ds(TAIL_ROW0, TAIL_ROWS)])

    plsc.subcore_barrier()

    pltpu.sync_copy(src_hbm.at[wid, 0], srcv.at[0])
    pltpu.sync_copy(dst_hbm.at[wid, 0], dstv.at[0])
    pltpu.sync_copy(src_hbm.at[wid, 1], srcv.at[1])
    pltpu.sync_copy(dst_hbm.at[wid, 1], dstv.at[1])
    pltpu.async_copy(xl_hbm.at[srcv.at[0]], xlrows.at[0], sem1)
    pltpu.async_copy(xr_hbm.at[dstv.at[0]], xrrows.at[0], sem2)

    def chunk_body(c, _):
        p = lax.rem(c, 2)
        slot = lax.rem(c, 3)
        slot1 = lax.rem(c + 1, 3)
        slot2 = lax.rem(c + 2, 3)

        @pl.when(c + 2 < NCHUNKS)
        def _idx_prefetch():
            pltpu.async_copy(src_hbm.at[wid, c + 2], srcv.at[slot2], sem4)
            pltpu.async_copy(dst_hbm.at[wid, c + 2], dstv.at[slot2], sem4)

        pltpu.make_async_copy(
            xl_hbm.at[srcv.at[slot]], xlrows.at[p], sem1).wait()
        pltpu.make_async_copy(
            xr_hbm.at[dstv.at[slot]], xrrows.at[p], sem2).wait()

        @pl.when(c > 0)
        def _scatter_wait():
            pltpu.make_async_copy(
                xlrows.at[1 - p], acc_sh.at[dstv.at[lax.rem(c + 2, 3)]],
                sem3).wait()

        @pl.when(c + 1 < NCHUNKS)
        def _row_prefetch():
            @pl.when(c > 0)
            def _idx_wait():
                pltpu.make_async_copy(
                    src_hbm.at[wid, c + 1], srcv.at[slot1], sem4).wait()
                pltpu.make_async_copy(
                    dst_hbm.at[wid, c + 1], dstv.at[slot1], sem4).wait()

            pltpu.async_copy(xl_hbm.at[srcv.at[slot1]], xlrows.at[1 - p], sem1)
            pltpu.async_copy(xr_hbm.at[dstv.at[slot1]], xrrows.at[1 - p], sem2)

        @plsc.parallel_loop(0, CHUNK, unroll=2)
        def edge_body(e):
            acc = jnp.zeros((16,), jnp.float32)
            xls = []
            for k in range(8):
                xlk = xlrows[p, e, pl.ds(16 * k, 16)]
                xls.append(xlk)
                m = xlk + xrrows[p, e, pl.ds(16 * k, 16)]
                m = jnp.maximum(m, NEG_SLOPE * m)
                acc = acc + m * att_vs[k]
            for s in (1, 2, 4, 8):
                acc = acc + lax.gather(
                    acc, (lane ^ s)[:, None],
                    lax.GatherDimensionNumbers(
                        offset_dims=(), collapsed_slice_dims=(0,),
                        start_index_map=(0,)),
                    slice_sizes=(1,),
                    mode=lax.GatherScatterMode.PROMISE_IN_BOUNDS)
            ex16 = jnp.exp(acc)
            plsc.store_scatter(
                exb, [jnp.full((16,), e, jnp.int32)], ex16, mask=lane0)
            for k in range(8):
                xlrows[p, e, pl.ds(16 * k, 16)] = xls[k] * ex16

        for off, msk in ((0, None), (16, None), (24, lane >= 8)):
            ex16 = exb[pl.ds(off, 16)]
            dst16 = dstv[slot, pl.ds(off, 16)]
            plsc.addupdate_scatter(denv, [dst16], ex16, mask=msk)

        pltpu.async_copy(xlrows.at[p], acc_sh.at[dstv.at[slot]], sem3,
                         add=True)
        return 0

    lax.fori_loop(0, NCHUNKS, chunk_body, 0)

    pltpu.make_async_copy(
        xlrows.at[(NCHUNKS - 1) % 2],
        acc_sh.at[dstv.at[(NCHUNKS - 1) % 3]], sem3).wait()

    pltpu.sync_copy(denv, den_hbm.at[wid])

    plsc.subcore_barrier()

    def fcopy_body(j, _):
        rr = r0 + j * CHUNK
        pltpu.sync_copy(acc_sh.at[pl.ds(rr, CHUNK)], xlrows.at[0])
        pltpu.sync_copy(xlrows.at[0], out_hbm.at[cid, pl.ds(rr, CHUNK)])
        return 0

    lax.fori_loop(0, 15, fcopy_body, 0)
    pltpu.sync_copy(acc_sh.at[pl.ds(r0 + 600, 24)],
                    xlrows.at[0, pl.ds(0, 24)])
    pltpu.sync_copy(xlrows.at[0, pl.ds(0, 24)],
                    out_hbm.at[cid, pl.ds(r0 + 600, 24)])

    @pl.when(sid == NS - 1)
    def _flush_tail():
        pltpu.sync_copy(acc_sh.at[pl.ds(TAIL_ROW0, TAIL_ROWS)],
                        xlrows.at[0, pl.ds(0, TAIL_ROWS)])
        pltpu.sync_copy(xlrows.at[0, pl.ds(0, TAIL_ROWS)],
                        out_hbm.at[cid, pl.ds(TAIL_ROW0, TAIL_ROWS)])


@functools.cache
def _make_edge_call():
  return pl.kernel(
    _edge_body,
    out_type=[
        jax.ShapeDtypeStruct((NC, N, D), jnp.float32),
        jax.ShapeDtypeStruct((NW, N), jnp.float32),
    ],
    mesh=plsc.VectorSubcoreMesh(
        core_axis_name="c", subcore_axis_name="s", num_cores=NC,
        num_subcores=NS),
    compiler_params=pltpu.CompilerParams(needs_layout_passes=False),
    scratch_types=[
        pltpu.VMEM((2, CHUNK, D), jnp.float32),
        pltpu.VMEM((2, CHUNK, D), jnp.float32),
        pltpu.VMEM((3, CHUNK), jnp.int32),
        pltpu.VMEM((3, CHUNK), jnp.int32),
        pltpu.VMEM((N,), jnp.float32),
        pltpu.VMEM((D,), jnp.float32),
        pltpu.VMEM((CHUNK,), jnp.float32),
        pltpu.VMEM_SHARED((N, D), jnp.float32),
        pltpu.SemaphoreType.DMA,
        pltpu.SemaphoreType.DMA,
        pltpu.SemaphoreType.DMA,
        pltpu.SemaphoreType.DMA,
    ],
  )


def _fin_body(op_ref, dp_ref, b_ref, o_ref):
    num = op_ref[0] + op_ref[1]
    den = jnp.sum(dp_ref[...], axis=0)[:, None]
    h0 = num / (den + 1e-16) + b_ref[...][None, :]
    mu = jnp.mean(h0, axis=0, keepdims=True)
    hc = h0 - mu
    s = jnp.mean(jnp.sum(hc * hc, axis=-1))
    o_ref[...] = jnp.maximum(hc / jnp.sqrt(1e-5 + s), 0.0)


_fin_call = pl.pallas_call(
    _fin_body,
    out_shape=jax.ShapeDtypeStruct((N, D), jnp.float32),
)


def kernel(x, edge_index, Wl0, Wr0, att0, b0, Wl1, Wr1, att1, b1):
    src = edge_index[0].reshape(NW, NCHUNKS, CHUNK)
    dst = edge_index[1].reshape(NW, NCHUNKS, CHUNK)
    h = x
    for Wl, Wr, att, b in ((Wl0, Wr0, att0, b0), (Wl1, Wr1, att1, b1)):
        xl, xr = _mm_call(h, Wl, Wr)
        out_part, den_part = _make_edge_call()(
            xl, xr, src, dst, att.reshape(D))
        h = _fin_call(out_part, den_part, b)
    return h

# --- scband reference (transcript-rebuilt; emitter-appended) ---
"""Pipeline reference for scband-graph-local-encoder-36197984370752 (READ-ONLY COPY).

The authoritative reference and input builder live on the scoring server;
editing this copy changes nothing except your own understanding.
"""

import jax, jax.numpy as jnp
import numpy as np

N = 10000
E = 320000
IN_C = 128
HID = 128
HEADS = 1
NUM_LAYERS = 2
NEG_SLOPE = 0.2


def pair_norm(x, scale=1.0, eps=1e-5):
    # PyG PairNorm (default mode, not scale_individually)
    x = x - x.mean(axis=0, keepdims=True)
    return scale * x / jnp.sqrt(eps + (x * x).sum(axis=-1, keepdims=True).mean())


def gatv2_layer(x, src, dst, Wl, Wr, att, bias):
    # PyG GATv2Conv semantics: x_l = lin_l(x_src), x_r = lin_r(x_dst)
    # e_ij = att . leaky_relu(x_l[src] + x_r[dst]); softmax over dst; msg = x_l[src]*alpha
    n = x.shape[0]
    xl = (x @ Wl).reshape(n, HEADS, HID)
    xr = (x @ Wr).reshape(n, HEADS, HID)
    m = xl[src] + xr[dst]
    m = jnp.where(m > 0, m, NEG_SLOPE * m)
    logits = (m * att[None, :, :]).sum(axis=-1)  # [E, H]
    mx = jax.ops.segment_max(logits, dst, num_segments=n)
    mx = jnp.where(jnp.isfinite(mx), mx, 0.0)
    mx = jax.lax.stop_gradient(mx)
    ex = jnp.exp(logits - mx[dst])
    den = jax.ops.segment_sum(ex, dst, num_segments=n)
    alpha = ex / (den[dst] + 1e-16)
    out = jax.ops.segment_sum(xl[src] * alpha[:, :, None], dst, num_segments=n)
    return out.reshape(n, HEADS * HID) + bias


def setup_inputs(seed: int = 0) -> dict:
    key = jax.random.key(seed)
    inp = {}
    inp["x"] = jax.random.normal(jax.random.fold_in(key, 0), (N, IN_C), dtype=jnp.float32)
    inp["edge_index"] = jax.random.randint(jax.random.fold_in(key, 1), (2, E), 0, N, dtype=jnp.int32)
    dims = [IN_C] + [HID * HEADS] * (NUM_LAYERS - 1)
    for i in range(NUM_LAYERS):
        in_c = dims[i]
        s = 1.0 / float(np.sqrt(in_c))
        inp[f"Wl{i}"] = jax.random.normal(jax.random.fold_in(key, 10 + 4 * i), (in_c, HEADS * HID), dtype=jnp.float32) * s
        inp[f"Wr{i}"] = jax.random.normal(jax.random.fold_in(key, 11 + 4 * i), (in_c, HEADS * HID), dtype=jnp.float32) * s
        inp[f"att{i}"] = jax.random.normal(jax.random.fold_in(key, 12 + 4 * i), (HEADS, HID), dtype=jnp.float32) * 0.1
        inp[f"b{i}"] = jnp.zeros((HEADS * HID,), dtype=jnp.float32)
    return inp


def reference(x, edge_index, Wl0, Wr0, att0, b0, Wl1, Wr1, att1, b1):
    src = edge_index[0]
    dst = edge_index[1]
    params = [(Wl0, Wr0, att0, b0), (Wl1, Wr1, att1, b1)]
    h = x
    for (Wl, Wr, att, b) in params:
        h = gatv2_layer(h, src, dst, Wl, Wr, att, b)
        h = pair_norm(h)
        h = jax.nn.relu(h)
    return h

if __name__ == "__main__":
    import jax
    _d = setup_inputs()
    print(jax.jit(kernel)(*tuple(_d.values())))

</pallas_src>

<mosaic_0001>
#map = affine_map<(d0, d1) -> (0, 0)>
#map1 = affine_map<(d0, d1) -> (0, 0, 0)>
#map2 = affine_map<(d0, d1) -> (0)>
module attributes {stable_mosaic.version = 14 : i64} {
  func.func @_edge_body(%arg0: i32, %arg1: i32, %arg2: memref<10000x128xf32, #tpu.memory_space<hbm>>, %arg3: memref<10000x128xf32, #tpu.memory_space<hbm>>, %arg4: memref<32x250x40xi32, #tpu.memory_space<hbm>>, %arg5: memref<32x250x40xi32, #tpu.memory_space<hbm>>, %arg6: memref<128xf32, #tpu.memory_space<hbm>>, %arg7: memref<2x10000x128xf32, #tpu.memory_space<hbm>>, %arg8: memref<32x10000xf32, #tpu.memory_space<hbm>>, %arg9: memref<2x40x128xf32, #tpu.memory_space<vmem>>, %arg10: memref<2x40x128xf32, #tpu.memory_space<vmem>>, %arg11: memref<3x40xi32, #tpu.memory_space<vmem>>, %arg12: memref<3x40xi32, #tpu.memory_space<vmem>>, %arg13: memref<10000xf32, #tpu.memory_space<vmem>>, %arg14: memref<128xf32, #tpu.memory_space<vmem>>, %arg15: memref<40xf32, #tpu.memory_space<vmem>>, %arg16: memref<10000x128xf32, #tpu.memory_space<vmem_shared>>, %arg17: memref<!tpu.dma_semaphore, #tpu.memory_space<semaphore_mem>>, %arg18: memref<!tpu.dma_semaphore, #tpu.memory_space<semaphore_mem>>, %arg19: memref<!tpu.dma_semaphore, #tpu.memory_space<semaphore_mem>>, %arg20: memref<!tpu.dma_semaphore, #tpu.memory_space<semaphore_mem>>) attributes {dimension_semantics = [#tpu.dimension_semantics<core_parallel>, #tpu.dimension_semantics<subcore_parallel>], iteration_bounds = array<i64: 2, 16>, scalar_prefetch = 0 : i64, scratch_operands = 12 : i64, tpu.core_type = #tpu.core_type<sc_vector_subcore>, window_params = [{transform_indices = #map}, {transform_indices = #map}, {transform_indices = #map1}, {transform_indices = #map1}, {transform_indices = #map2}, {transform_indices = #map1}, {transform_indices = #map}]} {
    %mul3A = arith.constant 16 : i32
    %mul3A_0 = arith.muli %arg0, %mul3A : i32
    %add3A = arith.addi %mul3A_0, %arg1 : i32
    "tpu.region"() ({
      %run_scoped3A_114 = tpu.sem_alloc : memref<!tpu.dma_semaphore, #tpu.memory_space<semaphore_mem>>
      tpu.enqueue_dma source(%arg6 : memref<128xf32, #tpu.memory_space<hbm>>) target(%arg14 : memref<128xf32, #tpu.memory_space<vmem>>) target_semaphore(%run_scoped3A_114 : memref<!tpu.dma_semaphore, #tpu.memory_space<semaphore_mem>>)
      tpu.wait_dma2 semaphore(%run_scoped3A_114 : memref<!tpu.dma_semaphore, #tpu.memory_space<semaphore_mem>>) src(%arg6 : memref<128xf32, #tpu.memory_space<hbm>>) dst(%arg14 : memref<128xf32, #tpu.memory_space<vmem>>)
      tpu.yield
    }) : () -> ()
    %get3A = arith.constant 0 : index
    %get3A_1 = tpu.vector_load %arg14[%get3A] {strides = array<i32>} : memref<128xf32, #tpu.memory_space<vmem>>, vector<16xf32>,
    %get3A_2 = arith.constant 16 : index
    %get3A_3 = tpu.vector_load %arg14[%get3A_2] {strides = array<i32>} : memref<128xf32, #tpu.memory_space<vmem>>, vector<16xf32>,
    %get3A_4 = arith.constant 32 : index
    %get3A_5 = tpu.vector_load %arg14[%get3A_4] {strides = array<i32>} : memref<128xf32, #tpu.memory_space<vmem>>, vector<16xf32>,
    %get3A_6 = arith.constant 48 : index
    %get3A_7 = tpu.vector_load %arg14[%get3A_6] {strides = array<i32>} : memref<128xf32, #tpu.memory_space<vmem>>, vector<16xf32>,
    %get3A_8 = arith.constant 64 : index
    %get3A_9 = tpu.vector_load %arg14[%get3A_8] {strides = array<i32>} : memref<128xf32, #tpu.memory_space<vmem>>, vector<16xf32>,
    %get3A_10 = arith.constant 80 : index
    %get3A_11 = tpu.vector_load %arg14[%get3A_10] {strides = array<i32>} : memref<128xf32, #tpu.memory_space<vmem>>, vector<16xf32>,
    %get3A_12 = arith.constant 96 : index
    %get3A_13 = tpu.vector_load %arg14[%get3A_12] {strides = array<i32>} : memref<128xf32, #tpu.memory_space<vmem>>, vector<16xf32>,
    %get3A_14 = arith.constant 112 : index
    %get3A_15 = tpu.vector_load %arg14[%get3A_14] {strides = array<i32>} : memref<128xf32, #tpu.memory_space<vmem>>, vector<16xf32>,
    %broadcast_in_dim3A = arith.constant 0.000000e+00 : f32
    %broadcast_in_dim3A_16 = vector.broadcast %broadcast_in_dim3A : f32 to vector<16xf32>
    %iota3A = tpu.iota {dimensions = array<i32: 0>} : vector<16xi32>
    %eq3A = arith.constant 0 : i32
    %eq3A_17 = vector.broadcast %eq3A : i32 to vector<16xi32>
    %eq3A_18 = arith.cmpi eq, %iota3A, %eq3A_17 : vector<16xi32>
    %scan3A = arith.constant 0 : i32
    %scan3A_19 = arith.constant 0 : i32
    %scan3A_20 = arith.constant 625 : i32
    %scan3A_21 = arith.addi %scan3A_19, %scan3A_20 : i32
    %scan3A_22 = arith.constant 1 : i32
    %scan3A_23 = scf.for %scan3A_114 = %scan3A_19 to %scan3A_21 step %scan3A_22 iter_args(%scan3A_115 = %scan3A) -> (i32)  : i32 {
      %mul3A_116 = arith.constant 16 : i32
      %mul3A_117 = arith.muli %mul3A_116, %scan3A_114 : i32
      %swap3A = arith.index_cast %mul3A_117 : i32 to index
      %swap3A_118 = tpu.vector_load %arg13[%swap3A] {strides = array<i32>} : memref<10000xf32, #tpu.memory_space<vmem>>, vector<16xf32>,
      tpu.vector_store %arg13[%swap3A], %broadcast_in_dim3A_16 {strides = array<i32>} : memref<10000xf32, #tpu.memory_space<vmem>>, vector<16xf32>,
      %scan3A_119 = arith.constant 0 : i32
      scf.yield %scan3A_119 : i32
    }
    %scan3A_24 = arith.constant 625 : i32
    %scan3A_25 = arith.constant 0 : i32
    %scan3A_26 = arith.constant 0 : i32
    %scan3A_27 = arith.constant 40 : i32
    %scan3A_28 = arith.addi %scan3A_26, %scan3A_27 : i32
    %scan3A_29 = arith.constant 1 : i32
    %scan3A_30 = scf.for %scan3A_114 = %scan3A_26 to %scan3A_28 step %scan3A_29 iter_args(%scan3A_115 = %scan3A_25) -> (i32)  : i32 {
      %swap3A = arith.constant 0 : i32
      %swap3A_116 = arith.index_cast %swap3A : i32 to index
      %swap3A_117 = arith.index_cast %scan3A_114 : i32 to index
      %swap3A_118 = arith.constant 0 : index
      %swap3A_119 = tpu.vector_load %arg9[%swap3A_116, %swap3A_117, %swap3A_118] {strides = array<i32>} : memref<2x40x128xf32, #tpu.memory_space<vmem>>, vector<16xf32>,
      tpu.vector_store %arg9[%swap3A_116, %swap3A_117, %swap3A_118], %broadcast_in_dim3A_16 {strides = array<i32>} : memref<2x40x128xf32, #tpu.memory_space<vmem>>, vector<16xf32>,
      %swap3A_120 = arith.constant 0 : i32
      %swap3A_121 = arith.index_cast %swap3A_120 : i32 to index
      %swap3A_122 = arith.index_cast %scan3A_114 : i32 to index
      %swap3A_123 = arith.constant 16 : index
      %swap3A_124 = tpu.vector_load %arg9[%swap3A_121, %swap3A_122, %swap3A_123] {strides = array<i32>} : memref<2x40x128xf32, #tpu.memory_space<vmem>>, vector<16xf32>,
      tpu.vector_store %arg9[%swap3A_121, %swap3A_122, %swap3A_123], %broadcast_in_dim3A_16 {strides = array<i32>} : memref<2x40x128xf32, #tpu.memory_space<vmem>>, vector<16xf32>,
      %swap3A_125 = arith.constant 0 : i32
      %swap3A_126 = arith.index_cast %swap3A_125 : i32 to index
      %swap3A_127 = arith.index_cast %scan3A_114 : i32 to index
      %swap3A_128 = arith.constant 32 : index
      %swap3A_129 = tpu.vector_load %arg9[%swap3A_126, %swap3A_127, %swap3A_128] {strides = array<i32>} : memref<2x40x128xf32, #tpu.memory_space<vmem>>, vector<16xf32>,
      tpu.vector_store %arg9[%swap3A_126, %swap3A_127, %swap3A_128], %broadcast_in_dim3A_16 {strides = array<i32>} : memref<2x40x128xf32, #tpu.memory_space<vmem>>, vector<16xf32>,
      %swap3A_130 = arith.constant 0 : i32
      %swap3A_131 = arith.index_cast %swap3A_130 : i32 to index
      %swap3A_132 = arith.index_cast %scan3A_114 : i32 to index
      %swap3A_133 = arith.constant 48 : index
      %swap3A_134 = tpu.vector_load %arg9[%swap3A_131, %swap3A_132, %swap3A_133] {strides = array<i32>} : memref<2x40x128xf32, #tpu.memory_space<vmem>>, vector<16xf32>,
      tpu.vector_store %arg9[%swap3A_131, %swap3A_132, %swap3A_133], %broadcast_in_dim3A_16 {strides = array<i32>} : memref<2x40x128xf32, #tpu.memory_space<vmem>>, vector<16xf32>,
      %swap3A_135 = arith.constant 0 : i32
      %swap3A_136 = arith.index_cast %swap3A_135 : i32 to index
      %swap3A_137 = arith.index_cast %scan3A_114 : i32 to index
      %swap3A_138 = arith.constant 64 : index
      %swap3A_139 = tpu.vector_load %arg9[%swap3A_136, %swap3A_137, %swap3A_138] {strides = array<i32>} : memref<2x40x128xf32, #tpu.memory_space<vmem>>, vector<16xf32>,
      tpu.vector_store %arg9[%swap3A_136, %swap3A_137, %swap3A_138], %broadcast_in_dim3A_16 {strides = array<i32>} : memref<2x40x128xf32, #tpu.memory_space<vmem>>, vector<16xf32>,
      %swap3A_140 = arith.constant 0 : i32
      %swap3A_141 = arith.index_cast %swap3A_140 : i32 to index
      %swap3A_142 = arith.index_cast %scan3A_114 : i32 to index
      %swap3A_143 = arith.constant 80 : index
      %swap3A_144 = tpu.vector_load %arg9[%swap3A_141, %swap3A_142, %swap3A_143] {strides = array<i32>} : memref<2x40x128xf32, #tpu.memory_space<vmem>>, vector<16xf32>,
      tpu.vector_store %arg9[%swap3A_141, %swap3A_142, %swap3A_143], %broadcast_in_dim3A_16 {strides = array<i32>} : memref<2x40x128xf32, #tpu.memory_space<vmem>>, vector<16xf32>,
      %swap3A_145 = arith.constant 0 : i32
      %swap3A_146 = arith.index_cast %swap3A_145 : i32 to index
      %swap3A_147 = arith.index_cast %scan3A_114 : i32 to index
      %swap3A_148 = arith.constant 96 : index
      %swap3A_149 = tpu.vector_load %arg9[%swap3A_146, %swap3A_147, %swap3A_148] {strides = array<i32>} : memref<2x40x128xf32, #tpu.memory_space<vmem>>, vector<16xf32>,
      tpu.vector_store %arg9[%swap3A_146, %swap3A_147, %swap3A_148], %broadcast_in_dim3A_16 {strides = array<i32>} : memref<2x40x128xf32, #tpu.memory_space<vmem>>, vector<16xf32>,
      %swap3A_150 = arith.constant 0 : i32
      %swap3A_151 = arith.index_cast %swap3A_150 : i32 to index
      %swap3A_152 = arith.index_cast %scan3A_114 : i32 to index
      %swap3A_153 = arith.constant 112 : index
      %swap3A_154 = tpu.vector_load %arg9[%swap3A_151, %swap3A_152, %swap3A_153] {strides = array<i32>} : memref<2x40x128xf32, #tpu.memory_space<vmem>>, vector<16xf32>,
      tpu.vector_store %arg9[%swap3A_151, %swap3A_152, %swap3A_153], %broadcast_in_dim3A_16 {strides = array<i32>} : memref<2x40x128xf32, #tpu.memory_space<vmem>>, vector<16xf32>,
      %scan3A_155 = arith.constant 0 : i32
      scf.yield %scan3A_155 : i32
    }
    %scan3A_31 = arith.constant 40 : i32
    %mul3A_32 = arith.constant 624 : i32
    %mul3A_33 = arith.muli %arg1, %mul3A_32 : i32
    %scan3A_34 = arith.constant 0 : i32
    %scan3A_35 = arith.constant 0 : i32
    %scan3A_36 = arith.constant 15 : i32
    %scan3A_37 = arith.addi %scan3A_35, %scan3A_36 : i32
    %scan3A_38 = arith.constant 1 : i32
    %scan3A_39 = scf.for %scan3A_114 = %scan3A_35 to %scan3A_37 step %scan3A_38 iter_args(%scan3A_115 = %scan3A_34) -> (i32)  : i32 {
      %mul3A_116 = arith.constant 40 : i32
      %mul3A_117 = arith.muli %scan3A_114, %mul3A_116 : i32
      %add3A_118 = arith.addi %mul3A_33, %mul3A_117 : i32
      %run_scoped3A_119 = arith.constant 0 : i32
      "tpu.region"() ({
        %run_scoped3A_121 = tpu.sem_alloc : memref<!tpu.dma_semaphore, #tpu.memory_space<semaphore_mem>>
        %dma_start3A_122 = arith.constant 0 : i32
        %dma_start3A_123 = arith.constant 0 : i32
        %dma_start3A_124 = tpu.memref_slice %arg9[%run_scoped3A_119, %dma_start3A_122, %dma_start3A_123] : memref<2x40x128xf32, #tpu.memory_space<vmem>> -> memref<1x40x128xf32, #tpu.memory_space<vmem>>
        %dma_start3A_125 = tpu.memref_squeeze %dma_start3A_124 : memref<1x40x128xf32, #tpu.memory_space<vmem>> -> memref<40x128xf32, #tpu.memory_space<vmem>>
        %dma_start3A_126 = arith.constant 0 : i32
        %dma_start3A_127 = tpu.memref_slice %arg16[%add3A_118, %dma_start3A_126] : memref<10000x128xf32, #tpu.memory_space<vmem_shared>> -> memref<40x128xf32, #tpu.memory_space<vmem_shared>>
        %dma_start3A_128 = arith.constant 0 : i32
        %dma_start3A_129 = tpu.memref_slice %arg16[%add3A_118, %dma_start3A_128] : memref<10000x128xf32, #tpu.memory_space<vmem_shared>> -> memref<40x128xf32, #tpu.memory_space<vmem_shared>>
        %dma_start3A_130 = arith.constant 0 : i32
        %dma_start3A_131 = arith.constant 0 : i32
        %dma_start3A_132 = tpu.memref_slice %arg9[%run_scoped3A_119, %dma_start3A_130, %dma_start3A_131] : memref<2x40x128xf32, #tpu.memory_space<vmem>> -> memref<1x40x128xf32, #tpu.memory_space<vmem>>
        %dma_start3A_133 = tpu.memref_squeeze %dma_start3A_132 : memref<1x40x128xf32, #tpu.memory_space<vmem>> -> memref<40x128xf32, #tpu.memory_space<vmem>>
        tpu.enqueue_dma source(%dma_start3A_133 : memref<40x128xf32, #tpu.memory_space<vmem>>) target(%dma_start3A_129 : memref<40x128xf32, #tpu.memory_space<vmem_shared>>) target_semaphore(%run_scoped3A_121 : memref<!tpu.dma_semaphore, #tpu.memory_space<semaphore_mem>>)
        %dma_wait3A_134 = arith.constant 0 : i32
        %dma_wait3A_135 = arith.constant 0 : i32
        %dma_wait3A_136 = tpu.memref_slice %arg9[%run_scoped3A_119, %dma_wait3A_134, %dma_wait3A_135] : memref<2x40x128xf32, #tpu.memory_space<vmem>> -> memref<1x40x128xf32, #tpu.memory_space<vmem>>
        %dma_wait3A_137 = tpu.memref_squeeze %dma_wait3A_136 : memref<1x40x128xf32, #tpu.memory_space<vmem>> -> memref<40x128xf32, #tpu.memory_space<vmem>>
        %dma_wait3A_138 = arith.constant 0 : i32
        %dma_wait3A_139 = tpu.memref_slice %arg16[%add3A_118, %dma_wait3A_138] : memref<10000x128xf32, #tpu.memory_space<vmem_shared>> -> memref<40x128xf32, #tpu.memory_space<vmem_shared>>
        %dma_wait3A_140 = arith.constant 0 : i32
        %dma_wait3A_141 = tpu.memref_slice %arg16[%add3A_118, %dma_wait3A_140] : memref<10000x128xf32, #tpu.memory_space<vmem_shared>> -> memref<40x128xf32, #tpu.memory_space<vmem_shared>>
        %dma_wait3A_142 = arith.constant 0 : i32
        %dma_wait3A_143 = arith.constant 0 : i32
        %dma_wait3A_144 = tpu.memref_slice %arg9[%run_scoped3A_119, %dma_wait3A_142, %dma_wait3A_143] : memref<2x40x128xf32, #tpu.memory_space<vmem>> -> memref<1x40x128xf32, #tpu.memory_space<vmem>>
        %dma_wait3A_145 = tpu.memref_squeeze %dma_wait3A_144 : memref<1x40x128xf32, #tpu.memory_space<vmem>> -> memref<40x128xf32, #tpu.memory_space<vmem>>
        tpu.wait_dma2 semaphore(%run_scoped3A_121 : memref<!tpu.dma_semaphore, #tpu.memory_space<semaphore_mem>>) src(%dma_wait3A_145 : memref<40x128xf32, #tpu.memory_space<vmem>>) dst(%dma_wait3A_141 : memref<40x128xf32, #tpu.memory_space<vmem_shared>>)
        tpu.yield
      }) : () -> ()
      %scan3A_120 = arith.constant 0 : i32
      scf.yield %scan3A_120 : i32
    }
    %scan3A_40 = arith.constant 15 : i32
    %add3A_41 = arith.constant 600 : i32
    %add3A_42 = arith.addi %mul3A_33, %add3A_41 : i32
    %run_scoped3A = arith.constant 0 : i32
    "tpu.region"() ({
      %run_scoped3A_114 = tpu.sem_alloc : memref<!tpu.dma_semaphore, #tpu.memory_space<semaphore_mem>>
      %dma_start3A_115 = arith.constant 0 : i32
      %dma_start3A_116 = arith.constant 0 : i32
      %dma_start3A_117 = tpu.memref_slice %arg9[%run_scoped3A, %dma_start3A_115, %dma_start3A_116] : memref<2x40x128xf32, #tpu.memory_space<vmem>> -> memref<1x24x128xf32, #tpu.memory_space<vmem>>
      %dma_start3A_118 = tpu.memref_squeeze %dma_start3A_117 : memref<1x24x128xf32, #tpu.memory_space<vmem>> -> memref<24x128xf32, #tpu.memory_space<vmem>>
      %dma_start3A_119 = arith.constant 0 : i32
      %dma_start3A_120 = tpu.memref_slice %arg16[%add3A_42, %dma_start3A_119] : memref<10000x128xf32, #tpu.memory_space<vmem_shared>> -> memref<24x128xf32, #tpu.memory_space<vmem_shared>>
      %dma_start3A_121 = arith.constant 0 : i32
      %dma_start3A_122 = tpu.memref_slice %arg16[%add3A_42, %dma_start3A_121] : memref<10000x128xf32, #tpu.memory_space<vmem_shared>> -> memref<24x128xf32, #tpu.memory_space<vmem_shared>>
      %dma_start3A_123 = arith.constant 0 : i32
      %dma_start3A_124 = arith.constant 0 : i32
      %dma_start3A_125 = tpu.memref_slice %arg9[%run_scoped3A, %dma_start3A_123, %dma_start3A_124] : memref<2x40x128xf32, #tpu.memory_space<vmem>> -> memref<1x24x128xf32, #tpu.memory_space<vmem>>
      %dma_start3A_126 = tpu.memref_squeeze %dma_start3A_125 : memref<1x24x128xf32, #tpu.memory_space<vmem>> -> memref<24x128xf32, #tpu.memory_space<vmem>>
      tpu.enqueue_dma source(%dma_start3A_126 : memref<24x128xf32, #tpu.memory_space<vmem>>) target(%dma_start3A_122 : memref<24x128xf32, #tpu.memory_space<vmem_shared>>) target_semaphore(%run_scoped3A_114 : memref<!tpu.dma_semaphore, #tpu.memory_space<semaphore_mem>>)
      %dma_wait3A_127 = arith.constant 0 : i32
      %dma_wait3A_128 = arith.constant 0 : i32
      %dma_wait3A_129 = tpu.memref_slice %arg9[%run_scoped3A, %dma_wait3A_127, %dma_wait3A_128] : memref<2x40x128xf32, #tpu.memory_space<vmem>> -> memref<1x24x128xf32, #tpu.memory_space<vmem>>
      %dma_wait3A_130 = tpu.memref_squeeze %dma_wait3A_129 : memref<1x24x128xf32, #tpu.memory_space<vmem>> -> memref<24x128xf32, #tpu.memory_space<vmem>>
      %dma_wait3A_131 = arith.constant 0 : i32
      %dma_wait3A_132 = tpu.memref_slice %arg16[%add3A_42, %dma_wait3A_131] : memref<10000x128xf32, #tpu.memory_space<vmem_shared>> -> memref<24x128xf32, #tpu.memory_space<vmem_shared>>
      %dma_wait3A_133 = arith.constant 0 : i32
      %dma_wait3A_134 = tpu.memref_slice %arg16[%add3A_42, %dma_wait3A_133] : memref<10000x128xf32, #tpu.memory_space<vmem_shared>> -> memref<24x128xf32, #tpu.memory_space<vmem_shared>>
      %dma_wait3A_135 = arith.constant 0 : i32
      %dma_wait3A_136 = arith.constant 0 : i32
      %dma_wait3A_137 = tpu.memref_slice %arg9[%run_scoped3A, %dma_wait3A_135, %dma_wait3A_136] : memref<2x40x128xf32, #tpu.memory_space<vmem>> -> memref<1x24x128xf32, #tpu.memory_space<vmem>>
      %dma_wait3A_138 = tpu.memref_squeeze %dma_wait3A_137 : memref<1x24x128xf32, #tpu.memory_space<vmem>> -> memref<24x128xf32, #tpu.memory_space<vmem>>
      tpu.wait_dma2 semaphore(%run_scoped3A_114 : memref<!tpu.dma_semaphore, #tpu.memory_space<semaphore_mem>>) src(%dma_wait3A_138 : memref<24x128xf32, #tpu.memory_space<vmem>>) dst(%dma_wait3A_134 : memref<24x128xf32, #tpu.memory_space<vmem_shared>>)
      tpu.yield
    }) : () -> ()
    %eq3A_43 = arith.constant 15 : i32
    %eq3A_44 = arith.cmpi eq, %arg1, %eq3A_43 : i32
    %convert_element_type3A = arith.extui %eq3A_44 : i1 to i32
    %cond3A = arith.constant 0 : i32
    %cond3A_45 = arith.cmpi ne, %convert_element_type3A, %cond3A : i32
    scf.if %cond3A_45 {
      %run_scoped3A_114 = arith.constant 0 : i32
      "tpu.region"() ({
        %run_scoped3A_115 = tpu.sem_alloc : memref<!tpu.dma_semaphore, #tpu.memory_space<semaphore_mem>>
        %dma_start3A_116 = arith.constant 0 : i32
        %dma_start3A_117 = arith.constant 0 : i32
        %dma_start3A_118 = tpu.memref_slice %arg9[%run_scoped3A_114, %dma_start3A_116, %dma_start3A_117] : memref<2x40x128xf32, #tpu.memory_space<vmem>> -> memref<1x16x128xf32, #tpu.memory_space<vmem>>
        %dma_start3A_119 = tpu.memref_squeeze %dma_start3A_118 : memref<1x16x128xf32, #tpu.memory_space<vmem>> -> memref<16x128xf32, #tpu.memory_space<vmem>>
        %dma_start3A_120 = arith.constant 9984 : i32
        %dma_start3A_121 = arith.constant 0 : i32
        %dma_start3A_122 = tpu.memref_slice %arg16[%dma_start3A_120, %dma_start3A_121] : memref<10000x128xf32, #tpu.memory_space<vmem_shared>> -> memref<16x128xf32, #tpu.memory_space<vmem_shared>>
        %dma_start3A_123 = arith.constant 9984 : i32
        %dma_start3A_124 = arith.constant 0 : i32
        %dma_start3A_125 = tpu.memref_slice %arg16[%dma_start3A_123, %dma_start3A_124] : memref<10000x128xf32, #tpu.memory_space<vmem_shared>> -> memref<16x128xf32, #tpu.memory_space<vmem_shared>>
        %dma_start3A_126 = arith.constant 0 : i32
        %dma_start3A_127 = arith.constant 0 : i32
        %dma_start3A_128 = tpu.memref_slice %arg9[%run_scoped3A_114, %dma_start3A_126, %dma_start3A_127] : memref<2x40x128xf32, #tpu.memory_space<vmem>> -> memref<1x16x128xf32, #tpu.memory_space<vmem>>
        %dma_start3A_129 = tpu.memref_squeeze %dma_start3A_128 : memref<1x16x128xf32, #tpu.memory_space<vmem>> -> memref<16x128xf32, #tpu.memory_space<vmem>>
        tpu.enqueue_dma source(%dma_start3A_129 : memref<16x128xf32, #tpu.memory_space<vmem>>) target(%dma_start3A_125 : memref<16x128xf32, #tpu.memory_space<vmem_shared>>) target_semaphore(%run_scoped3A_115 : memref<!tpu.dma_semaphore, #tpu.memory_space<semaphore_mem>>)
        %dma_wait3A_130 = arith.constant 0 : i32
        %dma_wait3A_131 = arith.constant 0 : i32
        %dma_wait3A_132 = tpu.memref_slice %arg9[%run_scoped3A_114, %dma_wait3A_130, %dma_wait3A_131] : memref<2x40x128xf32, #tpu.memory_space<vmem>> -> memref<1x16x128xf32, #tpu.memory_space<vmem>>
        %dma_wait3A_133 = tpu.memref_squeeze %dma_wait3A_132 : memref<1x16x128xf32, #tpu.memory_space<vmem>> -> memref<16x128xf32, #tpu.memory_space<vmem>>
        %dma_wait3A_134 = arith.constant 9984 : i32
        %dma_wait3A_135 = arith.constant 0 : i32
        %dma_wait3A_136 = tpu.memref_slice %arg16[%dma_wait3A_134, %dma_wait3A_135] : memref<10000x128xf32, #tpu.memory_space<vmem_shared>> -> memref<16x128xf32, #tpu.memory_space<vmem_shared>>
        %dma_wait3A_137 = arith.constant 9984 : i32
        %dma_wait3A_138 = arith.constant 0 : i32
        %dma_wait3A_139 = tpu.memref_slice %arg16[%dma_wait3A_137, %dma_wait3A_138] : memref<10000x128xf32, #tpu.memory_space<vmem_shared>> -> memref<16x128xf32, #tpu.memory_space<vmem_shared>>
        %dma_wait3A_140 = arith.constant 0 : i32
        %dma_wait3A_141 = arith.constant 0 : i32
        %dma_wait3A_142 = tpu.memref_slice %arg9[%run_scoped3A_114, %dma_wait3A_140, %dma_wait3A_141] : memref<2x40x128xf32, #tpu.memory_space<vmem>> -> memref<1x16x128xf32, #tpu.memory_space<vmem>>
        %dma_wait3A_143 = tpu.memref_squeeze %dma_wait3A_142 : memref<1x16x128xf32, #tpu.memory_space<vmem>> -> memref<16x128xf32, #tpu.memory_space<vmem>>
        tpu.wait_dma2 semaphore(%run_scoped3A_115 : memref<!tpu.dma_semaphore, #tpu.memory_space<semaphore_mem>>) src(%dma_wait3A_143 : memref<16x128xf32, #tpu.memory_space<vmem>>) dst(%dma_wait3A_139 : memref<16x128xf32, #tpu.memory_space<vmem_shared>>)
        tpu.yield
      }) : () -> ()
    } else {
    }
    %barrier3A = arith.constant 0 : index
    tpu.barrier barrier_id(%barrier3A)
    %run_scoped3A_46 = arith.constant 0 : i32
    %run_scoped3A_47 = arith.constant 0 : i32
    "tpu.region"() ({
      %run_scoped3A_114 = tpu.sem_alloc : memref<!tpu.dma_semaphore, #tpu.memory_space<semaphore_mem>>
      %dma_start3A_115 = arith.constant 0 : i32
      %dma_start3A_116 = tpu.memref_slice %arg11[%run_scoped3A_47, %dma_start3A_115] : memref<3x40xi32, #tpu.memory_space<vmem>> -> memref<1x40xi32, #tpu.memory_space<vmem>>
      %dma_start3A_117 = tpu.memref_squeeze %dma_start3A_116 : memref<1x40xi32, #tpu.memory_space<vmem>> -> memref<40xi32, #tpu.memory_space<vmem>>
      %dma_start3A_118 = arith.constant 0 : i32
      %dma_start3A_119 = tpu.memref_slice %arg4[%add3A, %run_scoped3A_46, %dma_start3A_118] : memref<32x250x40xi32, #tpu.memory_space<hbm>> -> memref<1x1x40xi32, #tpu.memory_space<hbm>>
      %dma_start3A_120 = tpu.memref_squeeze %dma_start3A_119 : memref<1x1x40xi32, #tpu.memory_space<hbm>> -> memref<40xi32, #tpu.memory_space<hbm>>
      %dma_start3A_121 = arith.constant 0 : i32
      %dma_start3A_122 = tpu.memref_slice %arg11[%run_scoped3A_47, %dma_start3A_121] : memref<3x40xi32, #tpu.memory_space<vmem>> -> memref<1x40xi32, #tpu.memory_space<vmem>>
      %dma_start3A_123 = tpu.memref_squeeze %dma_start3A_122 : memref<1x40xi32, #tpu.memory_space<vmem>> -> memref<40xi32, #tpu.memory_space<vmem>>
      %dma_start3A_124 = arith.constant 0 : i32
      %dma_start3A_125 = tpu.memref_slice %arg4[%add3A, %run_scoped3A_46, %dma_start3A_124] : memref<32x250x40xi32, #tpu.memory_space<hbm>> -> memref<1x1x40xi32, #tpu.memory_space<hbm>>
      %dma_start3A_126 = tpu.memref_squeeze %dma_start3A_125 : memref<1x1x40xi32, #tpu.memory_space<hbm>> -> memref<40xi32, #tpu.memory_space<hbm>>
      tpu.enqueue_dma source(%dma_start3A_126 : memref<40xi32, #tpu.memory_space<hbm>>) target(%dma_start3A_123 : memref<40xi32, #tpu.memory_space<vmem>>) target_semaphore(%run_scoped3A_114 : memref<!tpu.dma_semaphore, #tpu.memory_space<semaphore_mem>>)
      %dma_wait3A_127 = arith.constant 0 : i32
      %dma_wait3A_128 = tpu.memref_slice %arg11[%run_scoped3A_47, %dma_wait3A_127] : memref<3x40xi32, #tpu.memory_space<vmem>> -> memref<1x40xi32, #tpu.memory_space<vmem>>
      %dma_wait3A_129 = tpu.memref_squeeze %dma_wait3A_128 : memref<1x40xi32, #tpu.memory_space<vmem>> -> memref<40xi32, #tpu.memory_space<vmem>>
      %dma_wait3A_130 = arith.constant 0 : i32
      %dma_wait3A_131 = tpu.memref_slice %arg4[%add3A, %run_scoped3A_46, %dma_wait3A_130] : memref<32x250x40xi32, #tpu.memory_space<hbm>> -> memref<1x1x40xi32, #tpu.memory_space<hbm>>
      %dma_wait3A_132 = tpu.memref_squeeze %dma_wait3A_131 : memref<1x1x40xi32, #tpu.memory_space<hbm>> -> memref<40xi32, #tpu.memory_space<hbm>>
      %dma_wait3A_133 = arith.constant 0 : i32
      %dma_wait3A_134 = tpu.memref_slice %arg11[%run_scoped3A_47, %dma_wait3A_133] : memref<3x40xi32, #tpu.memory_space<vmem>> -> memref<1x40xi32, #tpu.memory_space<vmem>>
      %dma_wait3A_135 = tpu.memref_squeeze %dma_wait3A_134 : memref<1x40xi32, #tpu.memory_space<vmem>> -> memref<40xi32, #tpu.memory_space<vmem>>
      %dma_wait3A_136 = arith.constant 0 : i32
      %dma_wait3A_137 = tpu.memref_slice %arg4[%add3A, %run_scoped3A_46, %dma_wait3A_136] : memref<32x250x40xi32, #tpu.memory_space<hbm>> -> memref<1x1x40xi32, #tpu.memory_space<hbm>>
      %dma_wait3A_138 = tpu.memref_squeeze %dma_wait3A_137 : memref<1x1x40xi32, #tpu.memory_space<hbm>> -> memref<40xi32, #tpu.memory_space<hbm>>
      tpu.wait_dma2 semaphore(%run_scoped3A_114 : memref<!tpu.dma_semaphore, #tpu.memory_space<semaphore_mem>>) src(%dma_wait3A_138 : memref<40xi32, #tpu.memory_space<hbm>>) dst(%dma_wait3A_135 : memref<40xi32, #tpu.memory_space<vmem>>)
      tpu.yield
    }) : () -> ()
    %run_scoped3A_48 = arith.constant 0 : i32
    %run_scoped3A_49 = arith.constant 0 : i32
    "tpu.region"() ({
      %run_scoped3A_114 = tpu.sem_alloc : memref<!tpu.dma_semaphore, #tpu.memory_space<semaphore_mem>>
      %dma_start3A_115 = arith.constant 0 : i32
      %dma_start3A_116 = tpu.memref_slice %arg12[%run_scoped3A_49, %dma_start3A_115] : memref<3x40xi32, #tpu.memory_space<vmem>> -> memref<1x40xi32, #tpu.memory_space<vmem>>
      %dma_start3A_117 = tpu.memref_squeeze %dma_start3A_116 : memref<1x40xi32, #tpu.memory_space<vmem>> -> memref<40xi32, #tpu.memory_space<vmem>>
      %dma_start3A_118 = arith.constant 0 : i32
      %dma_start3A_119 = tpu.memref_slice %arg5[%add3A, %run_scoped3A_48, %dma_start3A_118] : memref<32x250x40xi32, #tpu.memory_space<hbm>> -> memref<1x1x40xi32, #tpu.memory_space<hbm>>
      %dma_start3A_120 = tpu.memref_squeeze %dma_start3A_119 : memref<1x1x40xi32, #tpu.memory_space<hbm>> -> memref<40xi32, #tpu.memory_space<hbm>>
      %dma_start3A_121 = arith.constant 0 : i32
      %dma_start3A_122 = tpu.memref_slice %arg12[%run_scoped3A_49, %dma_start3A_121] : memref<3x40xi32, #tpu.memory_space<vmem>> -> memref<1x40xi32, #tpu.memory_space<vmem>>
      %dma_start3A_123 = tpu.memref_squeeze %dma_start3A_122 : memref<1x40xi32, #tpu.memory_space<vmem>> -> memref<40xi32, #tpu.memory_space<vmem>>
      %dma_start3A_124 = arith.constant 0 : i32
      %dma_start3A_125 = tpu.memref_slice %arg5[%add3A, %run_scoped3A_48, %dma_start3A_124] : memref<32x250x40xi32, #tpu.memory_space<hbm>> -> memref<1x1x40xi32, #tpu.memory_space<hbm>>
      %dma_start3A_126 = tpu.memref_squeeze %dma_start3A_125 : memref<1x1x40xi32, #tpu.memory_space<hbm>> -> memref<40xi32, #tpu.memory_space<hbm>>
      tpu.enqueue_dma source(%dma_start3A_126 : memref<40xi32, #tpu.memory_space<hbm>>) target(%dma_start3A_123 : memref<40xi32, #tpu.memory_space<vmem>>) target_semaphore(%run_scoped3A_114 : memref<!tpu.dma_semaphore, #tpu.memory_space<semaphore_mem>>)
      %dma_wait3A_127 = arith.constant 0 : i32
      %dma_wait3A_128 = tpu.memref_slice %arg12[%run_scoped3A_49, %dma_wait3A_127] : memref<3x40xi32, #tpu.memory_space<vmem>> -> memref<1x40xi32, #tpu.memory_space<vmem>>
      %dma_wait3A_129 = tpu.memref_squeeze %dma_wait3A_128 : memref<1x40xi32, #tpu.memory_space<vmem>> -> memref<40xi32, #tpu.memory_space<vmem>>
      %dma_wait3A_130 = arith.constant 0 : i32
      %dma_wait3A_131 = tpu.memref_slice %arg5[%add3A, %run_scoped3A_48, %dma_wait3A_130] : memref<32x250x40xi32, #tpu.memory_space<hbm>> -> memref<1x1x40xi32, #tpu.memory_space<hbm>>
      %dma_wait3A_132 = tpu.memref_squeeze %dma_wait3A_131 : memref<1x1x40xi32, #tpu.memory_space<hbm>> -> memref<40xi32, #tpu.memory_space<hbm>>
      %dma_wait3A_133 = arith.constant 0 : i32
      %dma_wait3A_134 = tpu.memref_slice %arg12[%run_scoped3A_49, %dma_wait3A_133] : memref<3x40xi32, #tpu.memory_space<vmem>> -> memref<1x40xi32, #tpu.memory_space<vmem>>
      %dma_wait3A_135 = tpu.memref_squeeze %dma_wait3A_134 : memref<1x40xi32, #tpu.memory_space<vmem>> -> memref<40xi32, #tpu.memory_space<vmem>>
      %dma_wait3A_136 = arith.constant 0 : i32
      %dma_wait3A_137 = tpu.memref_slice %arg5[%add3A, %run_scoped3A_48, %dma_wait3A_136] : memref<32x250x40xi32, #tpu.memory_space<hbm>> -> memref<1x1x40xi32, #tpu.memory_space<hbm>>
      %dma_wait3A_138 = tpu.memref_squeeze %dma_wait3A_137 : memref<1x1x40xi32, #tpu.memory_space<hbm>> -> memref<40xi32, #tpu.memory_space<hbm>>
      tpu.wait_dma2 semaphore(%run_scoped3A_114 : memref<!tpu.dma_semaphore, #tpu.memory_space<semaphore_mem>>) src(%dma_wait3A_138 : memref<40xi32, #tpu.memory_space<hbm>>) dst(%dma_wait3A_135 : memref<40xi32, #tpu.memory_space<vmem>>)
      tpu.yield
    }) : () -> ()
    %run_scoped3A_50 = arith.constant 1 : i32
    %run_scoped3A_51 = arith.constant 1 : i32
    "tpu.region"() ({
      %run_scoped3A_114 = tpu.sem_alloc : memref<!tpu.dma_semaphore, #tpu.memory_space<semaphore_mem>>
      %dma_start3A_115 = arith.constant 0 : i32
      %dma_start3A_116 = tpu.memref_slice %arg11[%run_scoped3A_51, %dma_start3A_115] : memref<3x40xi32, #tpu.memory_space<vmem>> -> memref<1x40xi32, #tpu.memory_space<vmem>>
      %dma_start3A_117 = tpu.memref_squeeze %dma_start3A_116 : memref<1x40xi32, #tpu.memory_space<vmem>> -> memref<40xi32, #tpu.memory_space<vmem>>
      %dma_start3A_118 = arith.constant 0 : i32
      %dma_start3A_119 = tpu.memref_slice %arg4[%add3A, %run_scoped3A_50, %dma_start3A_118] : memref<32x250x40xi32, #tpu.memory_space<hbm>> -> memref<1x1x40xi32, #tpu.memory_space<hbm>>
      %dma_start3A_120 = tpu.memref_squeeze %dma_start3A_119 : memref<1x1x40xi32, #tpu.memory_space<hbm>> -> memref<40xi32, #tpu.memory_space<hbm>>
      %dma_start3A_121 = arith.constant 0 : i32
      %dma_start3A_122 = tpu.memref_slice %arg11[%run_scoped3A_51, %dma_start3A_121] : memref<3x40xi32, #tpu.memory_space<vmem>> -> memref<1x40xi32, #tpu.memory_space<vmem>>
      %dma_start3A_123 = tpu.memref_squeeze %dma_start3A_122 : memref<1x40xi32, #tpu.memory_space<vmem>> -> memref<40xi32, #tpu.memory_space<vmem>>
      %dma_start3A_124 = arith.constant 0 : i32
      %dma_start3A_125 = tpu.memref_slice %arg4[%add3A, %run_scoped3A_50, %dma_start3A_124] : memref<32x250x40xi32, #tpu.memory_space<hbm>> -> memref<1x1x40xi32, #tpu.memory_space<hbm>>
      %dma_start3A_126 = tpu.memref_squeeze %dma_start3A_125 : memref<1x1x40xi32, #tpu.memory_space<hbm>> -> memref<40xi32, #tpu.memory_space<hbm>>
      tpu.enqueue_dma source(%dma_start3A_126 : memref<40xi32, #tpu.memory_space<hbm>>) target(%dma_start3A_123 : memref<40xi32, #tpu.memory_space<vmem>>) target_semaphore(%run_scoped3A_114 : memref<!tpu.dma_semaphore, #tpu.memory_space<semaphore_mem>>)
      %dma_wait3A_127 = arith.constant 0 : i32
      %dma_wait3A_128 = tpu.memref_slice %arg11[%run_scoped3A_51, %dma_wait3A_127] : memref<3x40xi32, #tpu.memory_space<vmem>> -> memref<1x40xi32, #tpu.memory_space<vmem>>
      %dma_wait3A_129 = tpu.memref_squeeze %dma_wait3A_128 : memref<1x40xi32, #tpu.memory_space<vmem>> -> memref<40xi32, #tpu.memory_space<vmem>>
      %dma_wait3A_130 = arith.constant 0 : i32
      %dma_wait3A_131 = tpu.memref_slice %arg4[%add3A, %run_scoped3A_50, %dma_wait3A_130] : memref<32x250x40xi32, #tpu.memory_space<hbm>> -> memref<1x1x40xi32, #tpu.memory_space<hbm>>
      %dma_wait3A_132 = tpu.memref_squeeze %dma_wait3A_131 : memref<1x1x40xi32, #tpu.memory_space<hbm>> -> memref<40xi32, #tpu.memory_space<hbm>>
      %dma_wait3A_133 = arith.constant 0 : i32
      %dma_wait3A_134 = tpu.memref_slice %arg11[%run_scoped3A_51, %dma_wait3A_133] : memref<3x40xi32, #tpu.memory_space<vmem>> -> memref<1x40xi32, #tpu.memory_space<vmem>>
      %dma_wait3A_135 = tpu.memref_squeeze %dma_wait3A_134 : memref<1x40xi32, #tpu.memory_space<vmem>> -> memref<40xi32, #tpu.memory_space<vmem>>
      %dma_wait3A_136 = arith.constant 0 : i32
      %dma_wait3A_137 = tpu.memref_slice %arg4[%add3A, %run_scoped3A_50, %dma_wait3A_136] : memref<32x250x40xi32, #tpu.memory_space<hbm>> -> memref<1x1x40xi32, #tpu.memory_space<hbm>>
      %dma_wait3A_138 = tpu.memref_squeeze %dma_wait3A_137 : memref<1x1x40xi32, #tpu.memory_space<hbm>> -> memref<40xi32, #tpu.memory_space<hbm>>
      tpu.wait_dma2 semaphore(%run_scoped3A_114 : memref<!tpu.dma_semaphore, #tpu.memory_space<semaphore_mem>>) src(%dma_wait3A_138 : memref<40xi32, #tpu.memory_space<hbm>>) dst(%dma_wait3A_135 : memref<40xi32, #tpu.memory_space<vmem>>)
      tpu.yield
    }) : () -> ()
    %run_scoped3A_52 = arith.constant 1 : i32
    %run_scoped3A_53 = arith.constant 1 : i32
    "tpu.region"() ({
      %run_scoped3A_114 = tpu.sem_alloc : memref<!tpu.dma_semaphore, #tpu.memory_space<semaphore_mem>>
      %dma_start3A_115 = arith.constant 0 : i32
      %dma_start3A_116 = tpu.memref_slice %arg12[%run_scoped3A_53, %dma_start3A_115] : memref<3x40xi32, #tpu.memory_space<vmem>> -> memref<1x40xi32, #tpu.memory_space<vmem>>
      %dma_start3A_117 = tpu.memref_squeeze %dma_start3A_116 : memref<1x40xi32, #tpu.memory_space<vmem>> -> memref<40xi32, #tpu.memory_space<vmem>>
      %dma_start3A_118 = arith.constant 0 : i32
      %dma_start3A_119 = tpu.memref_slice %arg5[%add3A, %run_scoped3A_52, %dma_start3A_118] : memref<32x250x40xi32, #tpu.memory_space<hbm>> -> memref<1x1x40xi32, #tpu.memory_space<hbm>>
      %dma_start3A_120 = tpu.memref_squeeze %dma_start3A_119 : memref<1x1x40xi32, #tpu.memory_space<hbm>> -> memref<40xi32, #tpu.memory_space<hbm>>
      %dma_start3A_121 = arith.constant 0 : i32
      %dma_start3A_122 = tpu.memref_slice %arg12[%run_scoped3A_53, %dma_start3A_121] : memref<3x40xi32, #tpu.memory_space<vmem>> -> memref<1x40xi32, #tpu.memory_space<vmem>>
      %dma_start3A_123 = tpu.memref_squeeze %dma_start3A_122 : memref<1x40xi32, #tpu.memory_space<vmem>> -> memref<40xi32, #tpu.memory_space<vmem>>
      %dma_start3A_124 = arith.constant 0 : i32
      %dma_start3A_125 = tpu.memref_slice %arg5[%add3A, %run_scoped3A_52, %dma_start3A_124] : memref<32x250x40xi32, #tpu.memory_space<hbm>> -> memref<1x1x40xi32, #tpu.memory_space<hbm>>
      %dma_start3A_126 = tpu.memref_squeeze %dma_start3A_125 : memref<1x1x40xi32, #tpu.memory_space<hbm>> -> memref<40xi32, #tpu.memory_space<hbm>>
      tpu.enqueue_dma source(%dma_start3A_126 : memref<40xi32, #tpu.memory_space<hbm>>) target(%dma_start3A_123 : memref<40xi32, #tpu.memory_space<vmem>>) target_semaphore(%run_scoped3A_114 : memref<!tpu.dma_semaphore, #tpu.memory_space<semaphore_mem>>)
      %dma_wait3A_127 = arith.constant 0 : i32
      %dma_wait3A_128 = tpu.memref_slice %arg12[%run_scoped3A_53, %dma_wait3A_127] : memref<3x40xi32, #tpu.memory_space<vmem>> -> memref<1x40xi32, #tpu.memory_space<vmem>>
      %dma_wait3A_129 = tpu.memref_squeeze %dma_wait3A_128 : memref<1x40xi32, #tpu.memory_space<vmem>> -> memref<40xi32, #tpu.memory_space<vmem>>
      %dma_wait3A_130 = arith.constant 0 : i32
      %dma_wait3A_131 = tpu.memref_slice %arg5[%add3A, %run_scoped3A_52, %dma_wait3A_130] : memref<32x250x40xi32, #tpu.memory_space<hbm>> -> memref<1x1x40xi32, #tpu.memory_space<hbm>>
      %dma_wait3A_132 = tpu.memref_squeeze %dma_wait3A_131 : memref<1x1x40xi32, #tpu.memory_space<hbm>> -> memref<40xi32, #tpu.memory_space<hbm>>
      %dma_wait3A_133 = arith.constant 0 : i32
      %dma_wait3A_134 = tpu.memref_slice %arg12[%run_scoped3A_53, %dma_wait3A_133] : memref<3x40xi32, #tpu.memory_space<vmem>> -> memref<1x40xi32, #tpu.memory_space<vmem>>
      %dma_wait3A_135 = tpu.memref_squeeze %dma_wait3A_134 : memref<1x40xi32, #tpu.memory_space<vmem>> -> memref<40xi32, #tpu.memory_space<vmem>>
      %dma_wait3A_136 = arith.constant 0 : i32
      %dma_wait3A_137 = tpu.memref_slice %arg5[%add3A, %run_scoped3A_52, %dma_wait3A_136] : memref<32x250x40xi32, #tpu.memory_space<hbm>> -> memref<1x1x40xi32, #tpu.memory_space<hbm>>
      %dma_wait3A_138 = tpu.memref_squeeze %dma_wait3A_137 : memref<1x1x40xi32, #tpu.memory_space<hbm>> -> memref<40xi32, #tpu.memory_space<hbm>>
      tpu.wait_dma2 semaphore(%run_scoped3A_114 : memref<!tpu.dma_semaphore, #tpu.memory_space<semaphore_mem>>) src(%dma_wait3A_138 : memref<40xi32, #tpu.memory_space<hbm>>) dst(%dma_wait3A_135 : memref<40xi32, #tpu.memory_space<vmem>>)
      tpu.yield
    }) : () -> ()
    %dma_start3A = arith.constant 0 : i32
    %dma_start3A_54 = arith.constant 0 : i32
    %dma_start3A_55 = arith.constant 0 : i32
    %dma_start3A_56 = arith.constant 0 : i32
    %dma_start3A_57 = tpu.memref_slice %arg9[%dma_start3A_54, %dma_start3A_55, %dma_start3A_56] : memref<2x40x128xf32, #tpu.memory_space<vmem>> -> memref<1x40x128xf32, #tpu.memory_space<vmem>>
    %dma_start3A_58 = tpu.memref_squeeze %dma_start3A_57 : memref<1x40x128xf32, #tpu.memory_space<vmem>> -> memref<40x128xf32, #tpu.memory_space<vmem>>
    %dma_start3A_59 = arith.constant 0 : i32
    %dma_start3A_60 = tpu.memref_slice %arg11[%dma_start3A, %dma_start3A_59] : memref<3x40xi32, #tpu.memory_space<vmem>> -> memref<1x40xi32, #tpu.memory_space<vmem>>
    %dma_start3A_61 = tpu.memref_squeeze %dma_start3A_60 : memref<1x40xi32, #tpu.memory_space<vmem>> -> memref<40xi32, #tpu.memory_space<vmem>>
    %dma_start3A_62 = arith.constant 0 : i32
    %dma_start3A_63 = arith.constant 0 : i32
    %dma_start3A_64 = tpu.memref_slice %arg2[%dma_start3A_62, %dma_start3A_63] : memref<10000x128xf32, #tpu.memory_space<hbm>> -> memref<10000x128xf32, #tpu.memory_space<hbm>>
    tpu.enqueue_indirect_dma source(%dma_start3A_64 : memref<10000x128xf32, #tpu.memory_space<hbm>>) target(%dma_start3A_58 : memref<40x128xf32, #tpu.memory_space<vmem>>) offsets(%dma_start3A_61 : memref<40xi32, #tpu.memory_space<vmem>>) semaphore(%arg17 : memref<!tpu.dma_semaphore, #tpu.memory_space<semaphore_mem>>)
    %dma_start3A_65 = arith.constant 0 : i32
    %dma_start3A_66 = arith.constant 0 : i32
    %dma_start3A_67 = arith.constant 0 : i32
    %dma_start3A_68 = arith.constant 0 : i32
    %dma_start3A_69 = tpu.memref_slice %arg10[%dma_start3A_66, %dma_start3A_67, %dma_start3A_68] : memref<2x40x128xf32, #tpu.memory_space<vmem>> -> memref<1x40x128xf32, #tpu.memory_space<vmem>>
    %dma_start3A_70 = tpu.memref_squeeze %dma_start3A_69 : memref<1x40x128xf32, #tpu.memory_space<vmem>> -> memref<40x128xf32, #tpu.memory_space<vmem>>
    %dma_start3A_71 = arith.constant 0 : i32
    %dma_start3A_72 = tpu.memref_slice %arg12[%dma_start3A_65, %dma_start3A_71] : memref<3x40xi32, #tpu.memory_space<vmem>> -> memref<1x40xi32, #tpu.memory_space<vmem>>
    %dma_start3A_73 = tpu.memref_squeeze %dma_start3A_72 : memref<1x40xi32, #tpu.memory_space<vmem>> -> memref<40xi32, #tpu.memory_space<vmem>>
    %dma_start3A_74 = arith.constant 0 : i32
    %dma_start3A_75 = arith.constant 0 : i32
    %dma_start3A_76 = tpu.memref_slice %arg3[%dma_start3A_74, %dma_start3A_75] : memref<10000x128xf32, #tpu.memory_space<hbm>> -> memref<10000x128xf32, #tpu.memory_space<hbm>>
    tpu.enqueue_indirect_dma source(%dma_start3A_76 : memref<10000x128xf32, #tpu.memory_space<hbm>>) target(%dma_start3A_70 : memref<40x128xf32, #tpu.memory_space<vmem>>) offsets(%dma_start3A_73 : memref<40xi32, #tpu.memory_space<vmem>>) semaphore(%arg18 : memref<!tpu.dma_semaphore, #tpu.memory_space<semaphore_mem>>)
    %scan3A_77 = arith.constant 0 : i32
    %scan3A_78 = arith.constant 0 : i32
    %scan3A_79 = arith.constant 250 : i32
    %scan3A_80 = arith.addi %scan3A_78, %scan3A_79 : i32
    %scan3A_81 = arith.constant 1 : i32
    %scan3A_82 = scf.for %scan3A_114 = %scan3A_78 to %scan3A_80 step %scan3A_81 iter_args(%scan3A_115 = %scan3A_77) -> (i32)  : i32 {
      %rem3A = arith.constant 2 : i32
      %rem3A_116 = arith.remsi %scan3A_114, %rem3A : i32
      %rem3A_117 = arith.constant 3 : i32
      %rem3A_118 = arith.remsi %scan3A_114, %rem3A_117 : i32
      %add3A_119 = arith.constant 1 : i32
      %add3A_120 = arith.addi %scan3A_114, %add3A_119 : i32
      %rem3A_121 = arith.constant 3 : i32
      %rem3A_122 = arith.remsi %add3A_120, %rem3A_121 : i32
      %add3A_123 = arith.constant 2 : i32
      %add3A_124 = arith.addi %scan3A_114, %add3A_123 : i32
      %rem3A_125 = arith.constant 3 : i32
      %rem3A_126 = arith.remsi %add3A_124, %rem3A_125 : i32
      %add3A_127 = arith.constant 2 : i32
      %add3A_128 = arith.addi %scan3A_114, %add3A_127 : i32
      %lt3A = arith.constant 250 : i32
      %lt3A_129 = arith.cmpi slt, %add3A_128, %lt3A : i32
      %convert_element_type3A_130 = arith.extui %lt3A_129 : i1 to i32
      %cond3A_131 = arith.constant 0 : i32
      %cond3A_132 = arith.cmpi ne, %convert_element_type3A_130, %cond3A_131 : i32
      scf.if %cond3A_132 {
        %add3A_194 = arith.constant 2 : i32
        %add3A_195 = arith.addi %scan3A_114, %add3A_194 : i32
        %dma_start3A_196 = arith.constant 0 : i32
        %dma_start3A_197 = tpu.memref_slice %arg11[%rem3A_126, %dma_start3A_196] : memref<3x40xi32, #tpu.memory_space<vmem>> -> memref<1x40xi32, #tpu.memory_space<vmem>>
        %dma_start3A_198 = tpu.memref_squeeze %dma_start3A_197 : memref<1x40xi32, #tpu.memory_space<vmem>> -> memref<40xi32, #tpu.memory_space<vmem>>
        %dma_start3A_199 = arith.constant 0 : i32
        %dma_start3A_200 = tpu.memref_slice %arg4[%add3A, %add3A_195, %dma_start3A_199] : memref<32x250x40xi32, #tpu.memory_space<hbm>> -> memref<1x1x40xi32, #tpu.memory_space<hbm>>
        %dma_start3A_201 = tpu.memref_squeeze %dma_start3A_200 : memref<1x1x40xi32, #tpu.memory_space<hbm>> -> memref<40xi32, #tpu.memory_space<hbm>>
        %dma_start3A_202 = arith.constant 0 : i32
        %dma_start3A_203 = tpu.memref_slice %arg11[%rem3A_126, %dma_start3A_202] : memref<3x40xi32, #tpu.memory_space<vmem>> -> memref<1x40xi32, #tpu.memory_space<vmem>>
        %dma_start3A_204 = tpu.memref_squeeze %dma_start3A_203 : memref<1x40xi32, #tpu.memory_space<vmem>> -> memref<40xi32, #tpu.memory_space<vmem>>
        %dma_start3A_205 = arith.constant 0 : i32
        %dma_start3A_206 = tpu.memref_slice %arg4[%add3A, %add3A_195, %dma_start3A_205] : memref<32x250x40xi32, #tpu.memory_space<hbm>> -> memref<1x1x40xi32, #tpu.memory_space<hbm>>
        %dma_start3A_207 = tpu.memref_squeeze %dma_start3A_206 : memref<1x1x40xi32, #tpu.memory_space<hbm>> -> memref<40xi32, #tpu.memory_space<hbm>>
        tpu.enqueue_dma source(%dma_start3A_207 : memref<40xi32, #tpu.memory_space<hbm>>) target(%dma_start3A_204 : memref<40xi32, #tpu.memory_space<vmem>>) target_semaphore(%arg20 : memref<!tpu.dma_semaphore, #tpu.memory_space<semaphore_mem>>)
        %add3A_208 = arith.constant 2 : i32
        %add3A_209 = arith.addi %scan3A_114, %add3A_208 : i32
        %dma_start3A_210 = arith.constant 0 : i32
        %dma_start3A_211 = tpu.memref_slice %arg12[%rem3A_126, %dma_start3A_210] : memref<3x40xi32, #tpu.memory_space<vmem>> -> memref<1x40xi32, #tpu.memory_space<vmem>>
        %dma_start3A_212 = tpu.memref_squeeze %dma_start3A_211 : memref<1x40xi32, #tpu.memory_space<vmem>> -> memref<40xi32, #tpu.memory_space<vmem>>
        %dma_start3A_213 = arith.constant 0 : i32
        %dma_start3A_214 = tpu.memref_slice %arg5[%add3A, %add3A_209, %dma_start3A_213] : memref<32x250x40xi32, #tpu.memory_space<hbm>> -> memref<1x1x40xi32, #tpu.memory_space<hbm>>
        %dma_start3A_215 = tpu.memref_squeeze %dma_start3A_214 : memref<1x1x40xi32, #tpu.memory_space<hbm>> -> memref<40xi32, #tpu.memory_space<hbm>>
        %dma_start3A_216 = arith.constant 0 : i32
        %dma_start3A_217 = tpu.memref_slice %arg12[%rem3A_126, %dma_start3A_216] : memref<3x40xi32, #tpu.memory_space<vmem>> -> memref<1x40xi32, #tpu.memory_space<vmem>>
        %dma_start3A_218 = tpu.memref_squeeze %dma_start3A_217 : memref<1x40xi32, #tpu.memory_space<vmem>> -> memref<40xi32, #tpu.memory_space<vmem>>
        %dma_start3A_219 = arith.constant 0 : i32
        %dma_start3A_220 = tpu.memref_slice %arg5[%add3A, %add3A_209, %dma_start3A_219] : memref<32x250x40xi32, #tpu.memory_space<hbm>> -> memref<1x1x40xi32, #tpu.memory_space<hbm>>
        %dma_start3A_221 = tpu.memref_squeeze %dma_start3A_220 : memref<1x1x40xi32, #tpu.memory_space<hbm>> -> memref<40xi32, #tpu.memory_space<hbm>>
        tpu.enqueue_dma source(%dma_start3A_221 : memref<40xi32, #tpu.memory_space<hbm>>) target(%dma_start3A_218 : memref<40xi32, #tpu.memory_space<vmem>>) target_semaphore(%arg20 : memref<!tpu.dma_semaphore, #tpu.memory_space<semaphore_mem>>)
      } else {
      }
      %dma_wait3A_133 = arith.constant 0 : i32
      %dma_wait3A_134 = arith.constant 0 : i32
      %dma_wait3A_135 = tpu.memref_slice %arg9[%rem3A_116, %dma_wait3A_133, %dma_wait3A_134] : memref<2x40x128xf32, #tpu.memory_space<vmem>> -> memref<1x40x128xf32, #tpu.memory_space<vmem>>
      %dma_wait3A_136 = tpu.memref_squeeze %dma_wait3A_135 : memref<1x40x128xf32, #tpu.memory_space<vmem>> -> memref<40x128xf32, #tpu.memory_space<vmem>>
      %dma_wait3A_137 = arith.constant 0 : i32
      %dma_wait3A_138 = tpu.memref_slice %arg11[%rem3A_118, %dma_wait3A_137] : memref<3x40xi32, #tpu.memory_space<vmem>> -> memref<1x40xi32, #tpu.memory_space<vmem>>
      %dma_wait3A_139 = tpu.memref_squeeze %dma_wait3A_138 : memref<1x40xi32, #tpu.memory_space<vmem>> -> memref<40xi32, #tpu.memory_space<vmem>>
      %dma_wait3A_140 = arith.constant 0 : i32
      %dma_wait3A_141 = arith.constant 0 : i32
      %dma_wait3A_142 = tpu.memref_slice %arg2[%dma_wait3A_140, %dma_wait3A_141] : memref<10000x128xf32, #tpu.memory_space<hbm>> -> memref<10000x128xf32, #tpu.memory_space<hbm>>
      tpu.wait_indirect_dma semaphore(%arg17 : memref<!tpu.dma_semaphore, #tpu.memory_space<semaphore_mem>>) src(%dma_wait3A_142 : memref<10000x128xf32, #tpu.memory_space<hbm>>) dst(%dma_wait3A_136 : memref<40x128xf32, #tpu.memory_space<vmem>>)
      %dma_wait3A_143 = arith.constant 0 : i32
      %dma_wait3A_144 = arith.constant 0 : i32
      %dma_wait3A_145 = tpu.memref_slice %arg10[%rem3A_116, %dma_wait3A_143, %dma_wait3A_144] : memref<2x40x128xf32, #tpu.memory_space<vmem>> -> memref<1x40x128xf32, #tpu.memory_space<vmem>>
      %dma_wait3A_146 = tpu.memref_squeeze %dma_wait3A_145 : memref<1x40x128xf32, #tpu.memory_space<vmem>> -> memref<40x128xf32, #tpu.memory_space<vmem>>
      %dma_wait3A_147 = arith.constant 0 : i32
      %dma_wait3A_148 = tpu.memref_slice %arg12[%rem3A_118, %dma_wait3A_147] : memref<3x40xi32, #tpu.memory_space<vmem>> -> memref<1x40xi32, #tpu.memory_space<vmem>>
      %dma_wait3A_149 = tpu.memref_squeeze %dma_wait3A_148 : memref<1x40xi32, #tpu.memory_space<vmem>> -> memref<40xi32, #tpu.memory_space<vmem>>
      %dma_wait3A_150 = arith.constant 0 : i32
      %dma_wait3A_151 = arith.constant 0 : i32
      %dma_wait3A_152 = tpu.memref_slice %arg3[%dma_wait3A_150, %dma_wait3A_151] : memref<10000x128xf32, #tpu.memory_space<hbm>> -> memref<10000x128xf32, #tpu.memory_space<hbm>>
      tpu.wait_indirect_dma semaphore(%arg18 : memref<!tpu.dma_semaphore, #tpu.memory_space<semaphore_mem>>) src(%dma_wait3A_152 : memref<10000x128xf32, #tpu.memory_space<hbm>>) dst(%dma_wait3A_146 : memref<40x128xf32, #tpu.memory_space<vmem>>)
      %gt3A = arith.constant 0 : i32
      %gt3A_153 = arith.cmpi sgt, %scan3A_114, %gt3A : i32
      %convert_element_type3A_154 = arith.extui %gt3A_153 : i1 to i32
      %cond3A_155 = arith.constant 0 : i32
      %cond3A_156 = arith.cmpi ne, %convert_element_type3A_154, %cond3A_155 : i32
      scf.if %cond3A_156 {
        %sub3A = arith.constant 1 : i32
        %sub3A_194 = arith.subi %sub3A, %rem3A_116 : i32
        %add3A_195 = arith.constant 2 : i32
        %add3A_196 = arith.addi %scan3A_114, %add3A_195 : i32
        %rem3A_197 = arith.constant 3 : i32
        %rem3A_198 = arith.remsi %add3A_196, %rem3A_197 : i32
        %dma_wait3A_199 = arith.constant 0 : i32
        %dma_wait3A_200 = arith.constant 0 : i32
        %dma_wait3A_201 = tpu.memref_slice %arg9[%sub3A_194, %dma_wait3A_199, %dma_wait3A_200] : memref<2x40x128xf32, #tpu.memory_space<vmem>> -> memref<1x40x128xf32, #tpu.memory_space<vmem>>
        %dma_wait3A_202 = tpu.memref_squeeze %dma_wait3A_201 : memref<1x40x128xf32, #tpu.memory_space<vmem>> -> memref<40x128xf32, #tpu.memory_space<vmem>>
        %dma_wait3A_203 = arith.constant 0 : i32
        %dma_wait3A_204 = tpu.memref_slice %arg12[%rem3A_198, %dma_wait3A_203] : memref<3x40xi32, #tpu.memory_space<vmem>> -> memref<1x40xi32, #tpu.memory_space<vmem>>
        %dma_wait3A_205 = tpu.memref_squeeze %dma_wait3A_204 : memref<1x40xi32, #tpu.memory_space<vmem>> -> memref<40xi32, #tpu.memory_space<vmem>>
        %dma_wait3A_206 = arith.constant 0 : i32
        %dma_wait3A_207 = arith.constant 0 : i32
        %dma_wait3A_208 = tpu.memref_slice %arg16[%dma_wait3A_206, %dma_wait3A_207] : memref<10000x128xf32, #tpu.memory_space<vmem_shared>> -> memref<10000x128xf32, #tpu.memory_space<vmem_shared>>
        tpu.wait_indirect_dma semaphore(%arg19 : memref<!tpu.dma_semaphore, #tpu.memory_space<semaphore_mem>>) src(%dma_wait3A_202 : memref<40x128xf32, #tpu.memory_space<vmem>>) dst(%dma_wait3A_208 : memref<10000x128xf32, #tpu.memory_space<vmem_shared>>)
      } else {
      }
      %add3A_157 = arith.constant 1 : i32
      %add3A_158 = arith.addi %scan3A_114, %add3A_157 : i32
      %lt3A_159 = arith.constant 250 : i32
      %lt3A_160 = arith.cmpi slt, %add3A_158, %lt3A_159 : i32
      %convert_element_type3A_161 = arith.extui %lt3A_160 : i1 to i32
      %cond3A_162 = arith.constant 0 : i32
      %cond3A_163 = arith.cmpi ne, %convert_element_type3A_161, %cond3A_162 : i32
      scf.if %cond3A_163 {
        %gt3A_194 = arith.constant 0 : i32
        %gt3A_195 = arith.cmpi sgt, %scan3A_114, %gt3A_194 : i32
        %convert_element_type3A_196 = arith.extui %gt3A_195 : i1 to i32
        %cond3A_197 = arith.constant 0 : i32
        %cond3A_198 = arith.cmpi ne, %convert_element_type3A_196, %cond3A_197 : i32
        scf.if %cond3A_198 {
          %add3A_222 = arith.constant 1 : i32
          %add3A_223 = arith.addi %scan3A_114, %add3A_222 : i32
          %dma_wait3A_224 = arith.constant 0 : i32
          %dma_wait3A_225 = tpu.memref_slice %arg11[%rem3A_122, %dma_wait3A_224] : memref<3x40xi32, #tpu.memory_space<vmem>> -> memref<1x40xi32, #tpu.memory_space<vmem>>
          %dma_wait3A_226 = tpu.memref_squeeze %dma_wait3A_225 : memref<1x40xi32, #tpu.memory_space<vmem>> -> memref<40xi32, #tpu.memory_space<vmem>>
          %dma_wait3A_227 = arith.constant 0 : i32
          %dma_wait3A_228 = tpu.memref_slice %arg4[%add3A, %add3A_223, %dma_wait3A_227] : memref<32x250x40xi32, #tpu.memory_space<hbm>> -> memref<1x1x40xi32, #tpu.memory_space<hbm>>
          %dma_wait3A_229 = tpu.memref_squeeze %dma_wait3A_228 : memref<1x1x40xi32, #tpu.memory_space<hbm>> -> memref<40xi32, #tpu.memory_space<hbm>>
          %dma_wait3A_230 = arith.constant 0 : i32
          %dma_wait3A_231 = tpu.memref_slice %arg11[%rem3A_122, %dma_wait3A_230] : memref<3x40xi32, #tpu.memory_space<vmem>> -> memref<1x40xi32, #tpu.memory_space<vmem>>
          %dma_wait3A_232 = tpu.memref_squeeze %dma_wait3A_231 : memref<1x40xi32, #tpu.memory_space<vmem>> -> memref<40xi32, #tpu.memory_space<vmem>>
          %dma_wait3A_233 = arith.constant 0 : i32
          %dma_wait3A_234 = tpu.memref_slice %arg4[%add3A, %add3A_223, %dma_wait3A_233] : memref<32x250x40xi32, #tpu.memory_space<hbm>> -> memref<1x1x40xi32, #tpu.memory_space<hbm>>
          %dma_wait3A_235 = tpu.memref_squeeze %dma_wait3A_234 : memref<1x1x40xi32, #tpu.memory_space<hbm>> -> memref<40xi32, #tpu.memory_space<hbm>>
          tpu.wait_dma2 semaphore(%arg20 : memref<!tpu.dma_semaphore, #tpu.memory_space<semaphore_mem>>) src(%dma_wait3A_235 : memref<40xi32, #tpu.memory_space<hbm>>) dst(%dma_wait3A_232 : memref<40xi32, #tpu.memory_space<vmem>>)
          %add3A_236 = arith.constant 1 : i32
          %add3A_237 = arith.addi %scan3A_114, %add3A_236 : i32
          %dma_wait3A_238 = arith.constant 0 : i32
          %dma_wait3A_239 = tpu.memref_slice %arg12[%rem3A_122, %dma_wait3A_238] : memref<3x40xi32, #tpu.memory_space<vmem>> -> memref<1x40xi32, #tpu.memory_space<vmem>>
          %dma_wait3A_240 = tpu.memref_squeeze %dma_wait3A_239 : memref<1x40xi32, #tpu.memory_space<vmem>> -> memref<40xi32, #tpu.memory_space<vmem>>
          %dma_wait3A_241 = arith.constant 0 : i32
          %dma_wait3A_242 = tpu.memref_slice %arg5[%add3A, %add3A_237, %dma_wait3A_241] : memref<32x250x40xi32, #tpu.memory_space<hbm>> -> memref<1x1x40xi32, #tpu.memory_space<hbm>>
          %dma_wait3A_243 = tpu.memref_squeeze %dma_wait3A_242 : memref<1x1x40xi32, #tpu.memory_space<hbm>> -> memref<40xi32, #tpu.memory_space<hbm>>
          %dma_wait3A_244 = arith.constant 0 : i32
          %dma_wait3A_245 = tpu.memref_slice %arg12[%rem3A_122, %dma_wait3A_244] : memref<3x40xi32, #tpu.memory_space<vmem>> -> memref<1x40xi32, #tpu.memory_space<vmem>>
          %dma_wait3A_246 = tpu.memref_squeeze %dma_wait3A_245 : memref<1x40xi32, #tpu.memory_space<vmem>> -> memref<40xi32, #tpu.memory_space<vmem>>
          %dma_wait3A_247 = arith.constant 0 : i32
          %dma_wait3A_248 = tpu.memref_slice %arg5[%add3A, %add3A_237, %dma_wait3A_247] : memref<32x250x40xi32, #tpu.memory_space<hbm>> -> memref<1x1x40xi32, #tpu.memory_space<hbm>>
          %dma_wait3A_249 = tpu.memref_squeeze %dma_wait3A_248 : memref<1x1x40xi32, #tpu.memory_space<hbm>> -> memref<40xi32, #tpu.memory_space<hbm>>
          tpu.wait_dma2 semaphore(%arg20 : memref<!tpu.dma_semaphore, #tpu.memory_space<semaphore_mem>>) src(%dma_wait3A_249 : memref<40xi32, #tpu.memory_space<hbm>>) dst(%dma_wait3A_246 : memref<40xi32, #tpu.memory_space<vmem>>)
        } else {
        }
        %sub3A = arith.constant 1 : i32
        %sub3A_199 = arith.subi %sub3A, %rem3A_116 : i32
        %dma_start3A_200 = arith.constant 0 : i32
        %dma_start3A_201 = arith.constant 0 : i32
        %dma_start3A_202 = tpu.memref_slice %arg9[%sub3A_199, %dma_start3A_200, %dma_start3A_201] : memref<2x40x128xf32, #tpu.memory_space<vmem>> -> memref<1x40x128xf32, #tpu.memory_space<vmem>>
        %dma_start3A_203 = tpu.memref_squeeze %dma_start3A_202 : memref<1x40x128xf32, #tpu.memory_space<vmem>> -> memref<40x128xf32, #tpu.memory_space<vmem>>
        %dma_start3A_204 = arith.constant 0 : i32
        %dma_start3A_205 = tpu.memref_slice %arg11[%rem3A_122, %dma_start3A_204] : memref<3x40xi32, #tpu.memory_space<vmem>> -> memref<1x40xi32, #tpu.memory_space<vmem>>
        %dma_start3A_206 = tpu.memref_squeeze %dma_start3A_205 : memref<1x40xi32, #tpu.memory_space<vmem>> -> memref<40xi32, #tpu.memory_space<vmem>>
        %dma_start3A_207 = arith.constant 0 : i32
        %dma_start3A_208 = arith.constant 0 : i32
        %dma_start3A_209 = tpu.memref_slice %arg2[%dma_start3A_207, %dma_start3A_208] : memref<10000x128xf32, #tpu.memory_space<hbm>> -> memref<10000x128xf32, #tpu.memory_space<hbm>>
        tpu.enqueue_indirect_dma source(%dma_start3A_209 : memref<10000x128xf32, #tpu.memory_space<hbm>>) target(%dma_start3A_203 : memref<40x128xf32, #tpu.memory_space<vmem>>) offsets(%dma_start3A_206 : memref<40xi32, #tpu.memory_space<vmem>>) semaphore(%arg17 : memref<!tpu.dma_semaphore, #tpu.memory_space<semaphore_mem>>)
        %sub3A_210 = arith.constant 1 : i32
        %sub3A_211 = arith.subi %sub3A_210, %rem3A_116 : i32
        %dma_start3A_212 = arith.constant 0 : i32
        %dma_start3A_213 = arith.constant 0 : i32
        %dma_start3A_214 = tpu.memref_slice %arg10[%sub3A_211, %dma_start3A_212, %dma_start3A_213] : memref<2x40x128xf32, #tpu.memory_space<vmem>> -> memref<1x40x128xf32, #tpu.memory_space<vmem>>
        %dma_start3A_215 = tpu.memref_squeeze %dma_start3A_214 : memref<1x40x128xf32, #tpu.memory_space<vmem>> -> memref<40x128xf32, #tpu.memory_space<vmem>>
        %dma_start3A_216 = arith.constant 0 : i32
        %dma_start3A_217 = tpu.memref_slice %arg12[%rem3A_122, %dma_start3A_216] : memref<3x40xi32, #tpu.memory_space<vmem>> -> memref<1x40xi32, #tpu.memory_space<vmem>>
        %dma_start3A_218 = tpu.memref_squeeze %dma_start3A_217 : memref<1x40xi32, #tpu.memory_space<vmem>> -> memref<40xi32, #tpu.memory_space<vmem>>
        %dma_start3A_219 = arith.constant 0 : i32
        %dma_start3A_220 = arith.constant 0 : i32
        %dma_start3A_221 = tpu.memref_slice %arg3[%dma_start3A_219, %dma_start3A_220] : memref<10000x128xf32, #tpu.memory_space<hbm>> -> memref<10000x128xf32, #tpu.memory_space<hbm>>
        tpu.enqueue_indirect_dma source(%dma_start3A_221 : memref<10000x128xf32, #tpu.memory_space<hbm>>) target(%dma_start3A_215 : memref<40x128xf32, #tpu.memory_space<vmem>>) offsets(%dma_start3A_218 : memref<40xi32, #tpu.memory_space<vmem>>) semaphore(%arg18 : memref<!tpu.dma_semaphore, #tpu.memory_space<semaphore_mem>>)
      } else {
      }
      %parallel_loop3A = arith.constant 0 : i32
      %parallel_loop3A_164 = arith.constant 40 : i32
      %parallel_loop3A_165 = arith.constant 1 : i32
      scf.for %parallel_loop3A_194 = %parallel_loop3A to %parallel_loop3A_164 step %parallel_loop3A_165  : i32 {
        %parallel_loop3A_195 = arith.constant 0.000000e+00 : f32
        %parallel_loop3A_196 = vector.broadcast %parallel_loop3A_195 : f32 to vector<16xf32>
        %parallel_loop3A_197 = arith.index_cast %rem3A_116 : i32 to index
        %parallel_loop3A_198 = arith.index_cast %parallel_loop3A_194 : i32 to index
        %parallel_loop3A_199 = arith.constant 0 : index
        %parallel_loop3A_200 = tpu.vector_load %arg9[%parallel_loop3A_197, %parallel_loop3A_198, %parallel_loop3A_199] {strides = array<i32>} : memref<2x40x128xf32, #tpu.memory_space<vmem>>, vector<16xf32>,
        %parallel_loop3A_201 = arith.index_cast %rem3A_116 : i32 to index
        %parallel_loop3A_202 = arith.index_cast %parallel_loop3A_194 : i32 to index
        %parallel_loop3A_203 = arith.constant 0 : index
        %parallel_loop3A_204 = tpu.vector_load %arg10[%parallel_loop3A_201, %parallel_loop3A_202, %parallel_loop3A_203] {strides = array<i32>} : memref<2x40x128xf32, #tpu.memory_space<vmem>>, vector<16xf32>,
        %parallel_loop3A_205 = arith.addf %parallel_loop3A_200, %parallel_loop3A_204 : vector<16xf32>
        %parallel_loop3A_206 = arith.constant 2.000000e-01 : f32
        %parallel_loop3A_207 = vector.broadcast %parallel_loop3A_206 : f32 to vector<16xf32>
        %parallel_loop3A_208 = arith.mulf %parallel_loop3A_207, %parallel_loop3A_205 : vector<16xf32>
        %parallel_loop3A_209 = arith.maximumf %parallel_loop3A_205, %parallel_loop3A_208 : vector<16xf32>
        %parallel_loop3A_210 = arith.mulf %parallel_loop3A_209, %get3A_1 : vector<16xf32>
        %parallel_loop3A_211 = arith.addf %parallel_loop3A_196, %parallel_loop3A_210 : vector<16xf32>
        %parallel_loop3A_212 = arith.index_cast %rem3A_116 : i32 to index
        %parallel_loop3A_213 = arith.index_cast %parallel_loop3A_194 : i32 to index
        %parallel_loop3A_214 = arith.constant 16 : index
        %parallel_loop3A_215 = tpu.vector_load %arg9[%parallel_loop3A_212, %parallel_loop3A_213, %parallel_loop3A_214] {strides = array<i32>} : memref<2x40x128xf32, #tpu.memory_space<vmem>>, vector<16xf32>,
        %parallel_loop3A_216 = arith.index_cast %rem3A_116 : i32 to index
        %parallel_loop3A_217 = arith.index_cast %parallel_loop3A_194 : i32 to index
        %parallel_loop3A_218 = arith.constant 16 : index
        %parallel_loop3A_219 = tpu.vector_load %arg10[%parallel_loop3A_216, %parallel_loop3A_217, %parallel_loop3A_218] {strides = array<i32>} : memref<2x40x128xf32, #tpu.memory_space<vmem>>, vector<16xf32>,
        %parallel_loop3A_220 = arith.addf %parallel_loop3A_215, %parallel_loop3A_219 : vector<16xf32>
        %parallel_loop3A_221 = arith.constant 2.000000e-01 : f32
        %parallel_loop3A_222 = vector.broadcast %parallel_loop3A_221 : f32 to vector<16xf32>
        %parallel_loop3A_223 = arith.mulf %parallel_loop3A_222, %parallel_loop3A_220 : vector<16xf32>
        %parallel_loop3A_224 = arith.maximumf %parallel_loop3A_220, %parallel_loop3A_223 : vector<16xf32>
        %parallel_loop3A_225 = arith.mulf %parallel_loop3A_224, %get3A_3 : vector<16xf32>
        %parallel_loop3A_226 = arith.addf %parallel_loop3A_211, %parallel_loop3A_225 : vector<16xf32>
        %parallel_loop3A_227 = arith.index_cast %rem3A_116 : i32 to index
        %parallel_loop3A_228 = arith.index_cast %parallel_loop3A_194 : i32 to index
        %parallel_loop3A_229 = arith.constant 32 : index
        %parallel_loop3A_230 = tpu.vector_load %arg9[%parallel_loop3A_227, %parallel_loop3A_228, %parallel_loop3A_229] {strides = array<i32>} : memref<2x40x128xf32, #tpu.memory_space<vmem>>, vector<16xf32>,
        %parallel_loop3A_231 = arith.index_cast %rem3A_116 : i32 to index
        %parallel_loop3A_232 = arith.index_cast %parallel_loop3A_194 : i32 to index
        %parallel_loop3A_233 = arith.constant 32 : index
        %parallel_loop3A_234 = tpu.vector_load %arg10[%parallel_loop3A_231, %parallel_loop3A_232, %parallel_loop3A_233] {strides = array<i32>} : memref<2x40x128xf32, #tpu.memory_space<vmem>>, vector<16xf32>,
        %parallel_loop3A_235 = arith.addf %parallel_loop3A_230, %parallel_loop3A_234 : vector<16xf32>
        %parallel_loop3A_236 = arith.constant 2.000000e-01 : f32
        %parallel_loop3A_237 = vector.broadcast %parallel_loop3A_236 : f32 to vector<16xf32>
        %parallel_loop3A_238 = arith.mulf %parallel_loop3A_237, %parallel_loop3A_235 : vector<16xf32>
        %parallel_loop3A_239 = arith.maximumf %parallel_loop3A_235, %parallel_loop3A_238 : vector<16xf32>
        %parallel_loop3A_240 = arith.mulf %parallel_loop3A_239, %get3A_5 : vector<16xf32>
        %parallel_loop3A_241 = arith.addf %parallel_loop3A_226, %parallel_loop3A_240 : vector<16xf32>
        %parallel_loop3A_242 = arith.index_cast %rem3A_116 : i32 to index
        %parallel_loop3A_243 = arith.index_cast %parallel_loop3A_194 : i32 to index
        %parallel_loop3A_244 = arith.constant 48 : index
        %parallel_loop3A_245 = tpu.vector_load %arg9[%parallel_loop3A_242, %parallel_loop3A_243, %parallel_loop3A_244] {strides = array<i32>} : memref<2x40x128xf32, #tpu.memory_space<vmem>>, vector<16xf32>,
        %parallel_loop3A_246 = arith.index_cast %rem3A_116 : i32 to index
        %parallel_loop3A_247 = arith.index_cast %parallel_loop3A_194 : i32 to index
        %parallel_loop3A_248 = arith.constant 48 : index
        %parallel_loop3A_249 = tpu.vector_load %arg10[%parallel_loop3A_246, %parallel_loop3A_247, %parallel_loop3A_248] {strides = array<i32>} : memref<2x40x128xf32, #tpu.memory_space<vmem>>, vector<16xf32>,
        %parallel_loop3A_250 = arith.addf %parallel_loop3A_245, %parallel_loop3A_249 : vector<16xf32>
        %parallel_loop3A_251 = arith.constant 2.000000e-01 : f32
        %parallel_loop3A_252 = vector.broadcast %parallel_loop3A_251 : f32 to vector<16xf32>
        %parallel_loop3A_253 = arith.mulf %parallel_loop3A_252, %parallel_loop3A_250 : vector<16xf32>
        %parallel_loop3A_254 = arith.maximumf %parallel_loop3A_250, %parallel_loop3A_253 : vector<16xf32>
        %parallel_loop3A_255 = arith.mulf %parallel_loop3A_254, %get3A_7 : vector<16xf32>
        %parallel_loop3A_256 = arith.addf %parallel_loop3A_241, %parallel_loop3A_255 : vector<16xf32>
        %parallel_loop3A_257 = arith.index_cast %rem3A_116 : i32 to index
        %parallel_loop3A_258 = arith.index_cast %parallel_loop3A_194 : i32 to index
        %parallel_loop3A_259 = arith.constant 64 : index
        %parallel_loop3A_260 = tpu.vector_load %arg9[%parallel_loop3A_257, %parallel_loop3A_258, %parallel_loop3A_259] {strides = array<i32>} : memref<2x40x128xf32, #tpu.memory_space<vmem>>, vector<16xf32>,
        %parallel_loop3A_261 = arith.index_cast %rem3A_116 : i32 to index
        %parallel_loop3A_262 = arith.index_cast %parallel_loop3A_194 : i32 to index
        %parallel_loop3A_263 = arith.constant 64 : index
        %parallel_loop3A_264 = tpu.vector_load %arg10[%parallel_loop3A_261, %parallel_loop3A_262, %parallel_loop3A_263] {strides = array<i32>} : memref<2x40x128xf32, #tpu.memory_space<vmem>>, vector<16xf32>,
        %parallel_loop3A_265 = arith.addf %parallel_loop3A_260, %parallel_loop3A_264 : vector<16xf32>
        %parallel_loop3A_266 = arith.constant 2.000000e-01 : f32
        %parallel_loop3A_267 = vector.broadcast %parallel_loop3A_266 : f32 to vector<16xf32>
        %parallel_loop3A_268 = arith.mulf %parallel_loop3A_267, %parallel_loop3A_265 : vector<16xf32>
        %parallel_loop3A_269 = arith.maximumf %parallel_loop3A_265, %parallel_loop3A_268 : vector<16xf32>
        %parallel_loop3A_270 = arith.mulf %parallel_loop3A_269, %get3A_9 : vector<16xf32>
        %parallel_loop3A_271 = arith.addf %parallel_loop3A_256, %parallel_loop3A_270 : vector<16xf32>
        %parallel_loop3A_272 = arith.index_cast %rem3A_116 : i32 to index
        %parallel_loop3A_273 = arith.index_cast %parallel_loop3A_194 : i32 to index
        %parallel_loop3A_274 = arith.constant 80 : index
        %parallel_loop3A_275 = tpu.vector_load %arg9[%parallel_loop3A_272, %parallel_loop3A_273, %parallel_loop3A_274] {strides = array<i32>} : memref<2x40x128xf32, #tpu.memory_space<vmem>>, vector<16xf32>,
        %parallel_loop3A_276 = arith.index_cast %rem3A_116 : i32 to index
        %parallel_loop3A_277 = arith.index_cast %parallel_loop3A_194 : i32 to index
        %parallel_loop3A_278 = arith.constant 80 : index
        %parallel_loop3A_279 = tpu.vector_load %arg10[%parallel_loop3A_276, %parallel_loop3A_277, %parallel_loop3A_278] {strides = array<i32>} : memref<2x40x128xf32, #tpu.memory_space<vmem>>, vector<16xf32>,
        %parallel_loop3A_280 = arith.addf %parallel_loop3A_275, %parallel_loop3A_279 : vector<16xf32>
        %parallel_loop3A_281 = arith.constant 2.000000e-01 : f32
        %parallel_loop3A_282 = vector.broadcast %parallel_loop3A_281 : f32 to vector<16xf32>
        %parallel_loop3A_283 = arith.mulf %parallel_loop3A_282, %parallel_loop3A_280 : vector<16xf32>
        %parallel_loop3A_284 = arith.maximumf %parallel_loop3A_280, %parallel_loop3A_283 : vector<16xf32>
        %parallel_loop3A_285 = arith.mulf %parallel_loop3A_284, %get3A_11 : vector<16xf32>
        %parallel_loop3A_286 = arith.addf %parallel_loop3A_271, %parallel_loop3A_285 : vector<16xf32>
        %parallel_loop3A_287 = arith.index_cast %rem3A_116 : i32 to index
        %parallel_loop3A_288 = arith.index_cast %parallel_loop3A_194 : i32 to index
        %parallel_loop3A_289 = arith.constant 96 : index
        %parallel_loop3A_290 = tpu.vector_load %arg9[%parallel_loop3A_287, %parallel_loop3A_288, %parallel_loop3A_289] {strides = array<i32>} : memref<2x40x128xf32, #tpu.memory_space<vmem>>, vector<16xf32>,
        %parallel_loop3A_291 = arith.index_cast %rem3A_116 : i32 to index
        %parallel_loop3A_292 = arith.index_cast %parallel_loop3A_194 : i32 to index
        %parallel_loop3A_293 = arith.constant 96 : index
        %parallel_loop3A_294 = tpu.vector_load %arg10[%parallel_loop3A_291, %parallel_loop3A_292, %parallel_loop3A_293] {strides = array<i32>} : memref<2x40x128xf32, #tpu.memory_space<vmem>>, vector<16xf32>,
        %parallel_loop3A_295 = arith.addf %parallel_loop3A_290, %parallel_loop3A_294 : vector<16xf32>
        %parallel_loop3A_296 = arith.constant 2.000000e-01 : f32
        %parallel_loop3A_297 = vector.broadcast %parallel_loop3A_296 : f32 to vector<16xf32>
        %parallel_loop3A_298 = arith.mulf %parallel_loop3A_297, %parallel_loop3A_295 : vector<16xf32>
        %parallel_loop3A_299 = arith.maximumf %parallel_loop3A_295, %parallel_loop3A_298 : vector<16xf32>
        %parallel_loop3A_300 = arith.mulf %parallel_loop3A_299, %get3A_13 : vector<16xf32>
        %parallel_loop3A_301 = arith.addf %parallel_loop3A_286, %parallel_loop3A_300 : vector<16xf32>
        %parallel_loop3A_302 = arith.index_cast %rem3A_116 : i32 to index
        %parallel_loop3A_303 = arith.index_cast %parallel_loop3A_194 : i32 to index
        %parallel_loop3A_304 = arith.constant 112 : index
        %parallel_loop3A_305 = tpu.vector_load %arg9[%parallel_loop3A_302, %parallel_loop3A_303, %parallel_loop3A_304] {strides = array<i32>} : memref<2x40x128xf32, #tpu.memory_space<vmem>>, vector<16xf32>,
        %parallel_loop3A_306 = arith.index_cast %rem3A_116 : i32 to index
        %parallel_loop3A_307 = arith.index_cast %parallel_loop3A_194 : i32 to index
        %parallel_loop3A_308 = arith.constant 112 : index
        %parallel_loop3A_309 = tpu.vector_load %arg10[%parallel_loop3A_306, %parallel_loop3A_307, %parallel_loop3A_308] {strides = array<i32>} : memref<2x40x128xf32, #tpu.memory_space<vmem>>, vector<16xf32>,
        %parallel_loop3A_310 = arith.addf %parallel_loop3A_305, %parallel_loop3A_309 : vector<16xf32>
        %parallel_loop3A_311 = arith.constant 2.000000e-01 : f32
        %parallel_loop3A_312 = vector.broadcast %parallel_loop3A_311 : f32 to vector<16xf32>
        %parallel_loop3A_313 = arith.mulf %parallel_loop3A_312, %parallel_loop3A_310 : vector<16xf32>
        %parallel_loop3A_314 = arith.maximumf %parallel_loop3A_310, %parallel_loop3A_313 : vector<16xf32>
        %parallel_loop3A_315 = arith.mulf %parallel_loop3A_314, %get3A_15 : vector<16xf32>
        %parallel_loop3A_316 = arith.addf %parallel_loop3A_301, %parallel_loop3A_315 : vector<16xf32>
        %parallel_loop3A_317 = arith.constant 1 : i32
        %parallel_loop3A_318 = vector.broadcast %parallel_loop3A_317 : i32 to vector<16xi32>
        %parallel_loop3A_319 = arith.xori %iota3A, %parallel_loop3A_318 : vector<16xi32>
        %parallel_loop3A_320 = vector.shape_cast %parallel_loop3A_319 : vector<16xi32> to vector<16x1xi32>
        %parallel_loop3A_321 = vector.shape_cast %parallel_loop3A_320 : vector<16x1xi32> to vector<16xi32>
        %parallel_loop3A_322 = tpu.dynamic_gather %parallel_loop3A_316[%parallel_loop3A_321] in [0] : vector<16xf32>, vector<16xi32> -> vector<16xf32>
        %parallel_loop3A_323 = arith.addf %parallel_loop3A_316, %parallel_loop3A_322 : vector<16xf32>
        %parallel_loop3A_324 = arith.constant 2 : i32
        %parallel_loop3A_325 = vector.broadcast %parallel_loop3A_324 : i32 to vector<16xi32>
        %parallel_loop3A_326 = arith.xori %iota3A, %parallel_loop3A_325 : vector<16xi32>
        %parallel_loop3A_327 = vector.shape_cast %parallel_loop3A_326 : vector<16xi32> to vector<16x1xi32>
        %parallel_loop3A_328 = vector.shape_cast %parallel_loop3A_327 : vector<16x1xi32> to vector<16xi32>
        %parallel_loop3A_329 = tpu.dynamic_gather %parallel_loop3A_323[%parallel_loop3A_328] in [0] : vector<16xf32>, vector<16xi32> -> vector<16xf32>
        %parallel_loop3A_330 = arith.addf %parallel_loop3A_323, %parallel_loop3A_329 : vector<16xf32>
        %parallel_loop3A_331 = arith.constant 4 : i32
        %parallel_loop3A_332 = vector.broadcast %parallel_loop3A_331 : i32 to vector<16xi32>
        %parallel_loop3A_333 = arith.xori %iota3A, %parallel_loop3A_332 : vector<16xi32>
        %parallel_loop3A_334 = vector.shape_cast %parallel_loop3A_333 : vector<16xi32> to vector<16x1xi32>
        %parallel_loop3A_335 = vector.shape_cast %parallel_loop3A_334 : vector<16x1xi32> to vector<16xi32>
        %parallel_loop3A_336 = tpu.dynamic_gather %parallel_loop3A_330[%parallel_loop3A_335] in [0] : vector<16xf32>, vector<16xi32> -> vector<16xf32>
        %parallel_loop3A_337 = arith.addf %parallel_loop3A_330, %parallel_loop3A_336 : vector<16xf32>
        %parallel_loop3A_338 = arith.constant 8 : i32
        %parallel_loop3A_339 = vector.broadcast %parallel_loop3A_338 : i32 to vector<16xi32>
        %parallel_loop3A_340 = arith.xori %iota3A, %parallel_loop3A_339 : vector<16xi32>
        %parallel_loop3A_341 = vector.shape_cast %parallel_loop3A_340 : vector<16xi32> to vector<16x1xi32>
        %parallel_loop3A_342 = vector.shape_cast %parallel_loop3A_341 : vector<16x1xi32> to vector<16xi32>
        %parallel_loop3A_343 = tpu.dynamic_gather %parallel_loop3A_337[%parallel_loop3A_342] in [0] : vector<16xf32>, vector<16xi32> -> vector<16xf32>
        %parallel_loop3A_344 = arith.addf %parallel_loop3A_337, %parallel_loop3A_343 : vector<16xf32>
        %parallel_loop3A_345 = math.exp %parallel_loop3A_344 : vector<16xf32>
        %parallel_loop3A_346 = vector.broadcast %parallel_loop3A_194 : i32 to vector<16xi32>
        tpu.vector_store_idx %arg15[%parallel_loop3A_346], %parallel_loop3A_345 masked %eq3A_18 : memref<40xf32, #tpu.memory_space<vmem>>[vector<16xi32>], vector<16xf32>, vector<16xi1>
        %parallel_loop3A_347 = arith.mulf %parallel_loop3A_200, %parallel_loop3A_345 : vector<16xf32>
        %parallel_loop3A_348 = arith.index_cast %rem3A_116 : i32 to index
        %parallel_loop3A_349 = arith.index_cast %parallel_loop3A_194 : i32 to index
        %parallel_loop3A_350 = arith.constant 0 : index
        %parallel_loop3A_351 = tpu.vector_load %arg9[%parallel_loop3A_348, %parallel_loop3A_349, %parallel_loop3A_350] {strides = array<i32>} : memref<2x40x128xf32, #tpu.memory_space<vmem>>, vector<16xf32>,
        tpu.vector_store %arg9[%parallel_loop3A_348, %parallel_loop3A_349, %parallel_loop3A_350], %parallel_loop3A_347 {strides = array<i32>} : memref<2x40x128xf32, #tpu.memory_space<vmem>>, vector<16xf32>,
        %parallel_loop3A_352 = arith.mulf %parallel_loop3A_215, %parallel_loop3A_345 : vector<16xf32>
        %parallel_loop3A_353 = arith.index_cast %rem3A_116 : i32 to index
        %parallel_loop3A_354 = arith.index_cast %parallel_loop3A_194 : i32 to index
        %parallel_loop3A_355 = arith.constant 16 : index
        %parallel_loop3A_356 = tpu.vector_load %arg9[%parallel_loop3A_353, %parallel_loop3A_354, %parallel_loop3A_355] {strides = array<i32>} : memref<2x40x128xf32, #tpu.memory_space<vmem>>, vector<16xf32>,
        tpu.vector_store %arg9[%parallel_loop3A_353, %parallel_loop3A_354, %parallel_loop3A_355], %parallel_loop3A_352 {strides = array<i32>} : memref<2x40x128xf32, #tpu.memory_space<vmem>>, vector<16xf32>,
        %parallel_loop3A_357 = arith.mulf %parallel_loop3A_230, %parallel_loop3A_345 : vector<16xf32>
        %parallel_loop3A_358 = arith.index_cast %rem3A_116 : i32 to index
        %parallel_loop3A_359 = arith.index_cast %parallel_loop3A_194 : i32 to index
        %parallel_loop3A_360 = arith.constant 32 : index
        %parallel_loop3A_361 = tpu.vector_load %arg9[%parallel_loop3A_358, %parallel_loop3A_359, %parallel_loop3A_360] {strides = array<i32>} : memref<2x40x128xf32, #tpu.memory_space<vmem>>, vector<16xf32>,
        tpu.vector_store %arg9[%parallel_loop3A_358, %parallel_loop3A_359, %parallel_loop3A_360], %parallel_loop3A_357 {strides = array<i32>} : memref<2x40x128xf32, #tpu.memory_space<vmem>>, vector<16xf32>,
        %parallel_loop3A_362 = arith.mulf %parallel_loop3A_245, %parallel_loop3A_345 : vector<16xf32>
        %parallel_loop3A_363 = arith.index_cast %rem3A_116 : i32 to index
        %parallel_loop3A_364 = arith.index_cast %parallel_loop3A_194 : i32 to index
        %parallel_loop3A_365 = arith.constant 48 : index
        %parallel_loop3A_366 = tpu.vector_load %arg9[%parallel_loop3A_363, %parallel_loop3A_364, %parallel_loop3A_365] {strides = array<i32>} : memref<2x40x128xf32, #tpu.memory_space<vmem>>, vector<16xf32>,
        tpu.vector_store %arg9[%parallel_loop3A_363, %parallel_loop3A_364, %parallel_loop3A_365], %parallel_loop3A_362 {strides = array<i32>} : memref<2x40x128xf32, #tpu.memory_space<vmem>>, vector<16xf32>,
        %parallel_loop3A_367 = arith.mulf %parallel_loop3A_260, %parallel_loop3A_345 : vector<16xf32>
        %parallel_loop3A_368 = arith.index_cast %rem3A_116 : i32 to index
        %parallel_loop3A_369 = arith.index_cast %parallel_loop3A_194 : i32 to index
        %parallel_loop3A_370 = arith.constant 64 : index
        %parallel_loop3A_371 = tpu.vector_load %arg9[%parallel_loop3A_368, %parallel_loop3A_369, %parallel_loop3A_370] {strides = array<i32>} : memref<2x40x128xf32, #tpu.memory_space<vmem>>, vector<16xf32>,
        tpu.vector_store %arg9[%parallel_loop3A_368, %parallel_loop3A_369, %parallel_loop3A_370], %parallel_loop3A_367 {strides = array<i32>} : memref<2x40x128xf32, #tpu.memory_space<vmem>>, vector<16xf32>,
        %parallel_loop3A_372 = arith.mulf %parallel_loop3A_275, %parallel_loop3A_345 : vector<16xf32>
        %parallel_loop3A_373 = arith.index_cast %rem3A_116 : i32 to index
        %parallel_loop3A_374 = arith.index_cast %parallel_loop3A_194 : i32 to index
        %parallel_loop3A_375 = arith.constant 80 : index
        %parallel_loop3A_376 = tpu.vector_load %arg9[%parallel_loop3A_373, %parallel_loop3A_374, %parallel_loop3A_375] {strides = array<i32>} : memref<2x40x128xf32, #tpu.memory_space<vmem>>, vector<16xf32>,
        tpu.vector_store %arg9[%parallel_loop3A_373, %parallel_loop3A_374, %parallel_loop3A_375], %parallel_loop3A_372 {strides = array<i32>} : memref<2x40x128xf32, #tpu.memory_space<vmem>>, vector<16xf32>,
        %parallel_loop3A_377 = arith.mulf %parallel_loop3A_290, %parallel_loop3A_345 : vector<16xf32>
        %parallel_loop3A_378 = arith.index_cast %rem3A_116 : i32 to index
        %parallel_loop3A_379 = arith.index_cast %parallel_loop3A_194 : i32 to index
        %parallel_loop3A_380 = arith.constant 96 : index
        %parallel_loop3A_381 = tpu.vector_load %arg9[%parallel_loop3A_378, %parallel_loop3A_379, %parallel_loop3A_380] {strides = array<i32>} : memref<2x40x128xf32, #tpu.memory_space<vmem>>, vector<16xf32>,
        tpu.vector_store %arg9[%parallel_loop3A_378, %parallel_loop3A_379, %parallel_loop3A_380], %parallel_loop3A_377 {strides = array<i32>} : memref<2x40x128xf32, #tpu.memory_space<vmem>>, vector<16xf32>,
        %parallel_loop3A_382 = arith.mulf %parallel_loop3A_305, %parallel_loop3A_345 : vector<16xf32>
        %parallel_loop3A_383 = arith.index_cast %rem3A_116 : i32 to index
        %parallel_loop3A_384 = arith.index_cast %parallel_loop3A_194 : i32 to index
        %parallel_loop3A_385 = arith.constant 112 : index
        %parallel_loop3A_386 = tpu.vector_load %arg9[%parallel_loop3A_383, %parallel_loop3A_384, %parallel_loop3A_385] {strides = array<i32>} : memref<2x40x128xf32, #tpu.memory_space<vmem>>, vector<16xf32>,
        tpu.vector_store %arg9[%parallel_loop3A_383, %parallel_loop3A_384, %parallel_loop3A_385], %parallel_loop3A_382 {strides = array<i32>} : memref<2x40x128xf32, #tpu.memory_space<vmem>>, vector<16xf32>,
      } {sc.loop_unroll_factor = 2 : i64, sc.parallel_access}
      %ge3A = arith.constant 8 : i32
      %ge3A_166 = vector.broadcast %ge3A : i32 to vector<16xi32>
      %ge3A_167 = arith.cmpi sge, %iota3A, %ge3A_166 : vector<16xi32>
      %get3A_168 = arith.constant 0 : index
      %get3A_169 = tpu.vector_load %arg15[%get3A_168] {strides = array<i32>} : memref<40xf32, #tpu.memory_space<vmem>>, vector<16xf32>,
      %get3A_170 = arith.index_cast %rem3A_118 : i32 to index
      %get3A_171 = arith.constant 0 : index
      %get3A_172 = tpu.vector_load %arg12[%get3A_170, %get3A_171] {strides = array<i32>} : memref<3x40xi32, #tpu.memory_space<vmem>>, vector<16xi32>,
      tpu.vector_store_idx %arg13[%get3A_172], %get3A_169 {add = true} : memref<10000xf32, #tpu.memory_space<vmem>>[vector<16xi32>], vector<16xf32>,
      %get3A_173 = arith.constant 16 : index
      %get3A_174 = tpu.vector_load %arg15[%get3A_173] {strides = array<i32>} : memref<40xf32, #tpu.memory_space<vmem>>, vector<16xf32>,
      %get3A_175 = arith.index_cast %rem3A_118 : i32 to index
      %get3A_176 = arith.constant 16 : index
      %get3A_177 = tpu.vector_load %arg12[%get3A_175, %get3A_176] {strides = array<i32>} : memref<3x40xi32, #tpu.memory_space<vmem>>, vector<16xi32>,
      tpu.vector_store_idx %arg13[%get3A_177], %get3A_174 {add = true} : memref<10000xf32, #tpu.memory_space<vmem>>[vector<16xi32>], vector<16xf32>,
      %get3A_178 = arith.constant 24 : index
      %get3A_179 = tpu.vector_load %arg15[%get3A_178] {strides = array<i32>} : memref<40xf32, #tpu.memory_space<vmem>>, vector<16xf32>,
      %get3A_180 = arith.index_cast %rem3A_118 : i32 to index
      %get3A_181 = arith.constant 24 : index
      %get3A_182 = tpu.vector_load %arg12[%get3A_180, %get3A_181] {strides = array<i32>} : memref<3x40xi32, #tpu.memory_space<vmem>>, vector<16xi32>,
      tpu.vector_store_idx %arg13[%get3A_182], %get3A_179 masked %ge3A_167 {add = true} : memref<10000xf32, #tpu.memory_space<vmem>>[vector<16xi32>], vector<16xf32>, vector<16xi1>
      %dma_start3A_183 = arith.constant 0 : i32
      %dma_start3A_184 = arith.constant 0 : i32
      %dma_start3A_185 = tpu.memref_slice %arg9[%rem3A_116, %dma_start3A_183, %dma_start3A_184] : memref<2x40x128xf32, #tpu.memory_space<vmem>> -> memref<1x40x128xf32, #tpu.memory_space<vmem>>
      %dma_start3A_186 = tpu.memref_squeeze %dma_start3A_185 : memref<1x40x128xf32, #tpu.memory_space<vmem>> -> memref<40x128xf32, #tpu.memory_space<vmem>>
      %dma_start3A_187 = arith.constant 0 : i32
      %dma_start3A_188 = tpu.memref_slice %arg12[%rem3A_118, %dma_start3A_187] : memref<3x40xi32, #tpu.memory_space<vmem>> -> memref<1x40xi32, #tpu.memory_space<vmem>>
      %dma_start3A_189 = tpu.memref_squeeze %dma_start3A_188 : memref<1x40xi32, #tpu.memory_space<vmem>> -> memref<40xi32, #tpu.memory_space<vmem>>
      %dma_start3A_190 = arith.constant 0 : i32
      %dma_start3A_191 = arith.constant 0 : i32
      %dma_start3A_192 = tpu.memref_slice %arg16[%dma_start3A_190, %dma_start3A_191] : memref<10000x128xf32, #tpu.memory_space<vmem_shared>> -> memref<10000x128xf32, #tpu.memory_space<vmem_shared>>
      tpu.enqueue_indirect_dma source(%dma_start3A_186 : memref<40x128xf32, #tpu.memory_space<vmem>>) target(%dma_start3A_192 : memref<10000x128xf32, #tpu.memory_space<vmem_shared>>) offsets(%dma_start3A_189 : memref<40xi32, #tpu.memory_space<vmem>>) semaphore(%arg19 : memref<!tpu.dma_semaphore, #tpu.memory_space<semaphore_mem>>) {add = true}
      %scan3A_193 = arith.constant 0 : i32
      scf.yield %scan3A_193 : i32
    }
    %scan3A_83 = arith.constant 250 : i32
    %dma_wait3A = arith.constant 1 : i32
    %dma_wait3A_84 = arith.constant 0 : i32
    %dma_wait3A_85 = arith.constant 0 : i32
    %dma_wait3A_86 = arith.constant 0 : i32
    %dma_wait3A_87 = tpu.memref_slice %arg9[%dma_wait3A, %dma_wait3A_85, %dma_wait3A_86] : memref<2x40x128xf32, #tpu.memory_space<vmem>> -> memref<1x40x128xf32, #tpu.memory_space<vmem>>
    %dma_wait3A_88 = tpu.memref_squeeze %dma_wait3A_87 : memref<1x40x128xf32, #tpu.memory_space<vmem>> -> memref<40x128xf32, #tpu.memory_space<vmem>>
    %dma_wait3A_89 = arith.constant 0 : i32
    %dma_wait3A_90 = tpu.memref_slice %arg12[%dma_wait3A_84, %dma_wait3A_89] : memref<3x40xi32, #tpu.memory_space<vmem>> -> memref<1x40xi32, #tpu.memory_space<vmem>>
    %dma_wait3A_91 = tpu.memref_squeeze %dma_wait3A_90 : memref<1x40xi32, #tpu.memory_space<vmem>> -> memref<40xi32, #tpu.memory_space<vmem>>
    %dma_wait3A_92 = arith.constant 0 : i32
    %dma_wait3A_93 = arith.constant 0 : i32
    %dma_wait3A_94 = tpu.memref_slice %arg16[%dma_wait3A_92, %dma_wait3A_93] : memref<10000x128xf32, #tpu.memory_space<vmem_shared>> -> memref<10000x128xf32, #tpu.memory_space<vmem_shared>>
    tpu.wait_indirect_dma semaphore(%arg19 : memref<!tpu.dma_semaphore, #tpu.memory_space<semaphore_mem>>) src(%dma_wait3A_88 : memref<40x128xf32, #tpu.memory_space<vmem>>) dst(%dma_wait3A_94 : memref<10000x128xf32, #tpu.memory_space<vmem_shared>>)
    "tpu.region"() ({
      %run_scoped3A_114 = tpu.sem_alloc : memref<!tpu.dma_semaphore, #tpu.memory_space<semaphore_mem>>
      %dma_start3A_115 = arith.constant 0 : i32
      %dma_start3A_116 = tpu.memref_slice %arg8[%add3A, %dma_start3A_115] : memref<32x10000xf32, #tpu.memory_space<hbm>> -> memref<1x10000xf32, #tpu.memory_space<hbm>>
      %dma_start3A_117 = tpu.memref_squeeze %dma_start3A_116 : memref<1x10000xf32, #tpu.memory_space<hbm>> -> memref<10000xf32, #tpu.memory_space<hbm>>
      %dma_start3A_118 = arith.constant 0 : i32
      %dma_start3A_119 = tpu.memref_slice %arg8[%add3A, %dma_start3A_118] : memref<32x10000xf32, #tpu.memory_space<hbm>> -> memref<1x10000xf32, #tpu.memory_space<hbm>>
      %dma_start3A_120 = tpu.memref_squeeze %dma_start3A_119 : memref<1x10000xf32, #tpu.memory_space<hbm>> -> memref<10000xf32, #tpu.memory_space<hbm>>
      tpu.enqueue_dma source(%arg13 : memref<10000xf32, #tpu.memory_space<vmem>>) target(%dma_start3A_120 : memref<10000xf32, #tpu.memory_space<hbm>>) target_semaphore(%run_scoped3A_114 : memref<!tpu.dma_semaphore, #tpu.memory_space<semaphore_mem>>)
      %dma_wait3A_121 = arith.constant 0 : i32
      %dma_wait3A_122 = tpu.memref_slice %arg8[%add3A, %dma_wait3A_121] : memref<32x10000xf32, #tpu.memory_space<hbm>> -> memref<1x10000xf32, #tpu.memory_space<hbm>>
      %dma_wait3A_123 = tpu.memref_squeeze %dma_wait3A_122 : memref<1x10000xf32, #tpu.memory_space<hbm>> -> memref<10000xf32, #tpu.memory_space<hbm>>
      %dma_wait3A_124 = arith.constant 0 : i32
      %dma_wait3A_125 = tpu.memref_slice %arg8[%add3A, %dma_wait3A_124] : memref<32x10000xf32, #tpu.memory_space<hbm>> -> memref<1x10000xf32, #tpu.memory_space<hbm>>
      %dma_wait3A_126 = tpu.memref_squeeze %dma_wait3A_125 : memref<1x10000xf32, #tpu.memory_space<hbm>> -> memref<10000xf32, #tpu.memory_space<hbm>>
      tpu.wait_dma2 semaphore(%run_scoped3A_114 : memref<!tpu.dma_semaphore, #tpu.memory_space<semaphore_mem>>) src(%arg13 : memref<10000xf32, #tpu.memory_space<vmem>>) dst(%dma_wait3A_126 : memref<10000xf32, #tpu.memory_space<hbm>>)
      tpu.yield
    }) : () -> ()
    %barrier3A_95 = arith.constant 0 : index
    tpu.barrier barrier_id(%barrier3A_95)
    %scan3A_96 = arith.constant 0 : i32
    %scan3A_97 = arith.constant 0 : i32
    %scan3A_98 = arith.constant 15 : i32
    %scan3A_99 = arith.addi %scan3A_97, %scan3A_98 : i32
    %scan3A_100 = arith.constant 1 : i32
    %scan3A_101 = scf.for %scan3A_114 = %scan3A_97 to %scan3A_99 step %scan3A_100 iter_args(%scan3A_115 = %scan3A_96) -> (i32)  : i32 {
      %mul3A_116 = arith.constant 40 : i32
      %mul3A_117 = arith.muli %scan3A_114, %mul3A_116 : i32
      %add3A_118 = arith.addi %mul3A_33, %mul3A_117 : i32
      %run_scoped3A_119 = arith.constant 0 : i32
      "tpu.region"() ({
        %run_scoped3A_122 = tpu.sem_alloc : memref<!tpu.dma_semaphore, #tpu.memory_space<semaphore_mem>>
        %dma_start3A_123 = arith.constant 0 : i32
        %dma_start3A_124 = arith.constant 0 : i32
        %dma_start3A_125 = tpu.memref_slice %arg9[%run_scoped3A_119, %dma_start3A_123, %dma_start3A_124] : memref<2x40x128xf32, #tpu.memory_space<vmem>> -> memref<1x40x128xf32, #tpu.memory_space<vmem>>
        %dma_start3A_126 = tpu.memref_squeeze %dma_start3A_125 : memref<1x40x128xf32, #tpu.memory_space<vmem>> -> memref<40x128xf32, #tpu.memory_space<vmem>>
        %dma_start3A_127 = arith.constant 0 : i32
        %dma_start3A_128 = tpu.memref_slice %arg16[%add3A_118, %dma_start3A_127] : memref<10000x128xf32, #tpu.memory_space<vmem_shared>> -> memref<40x128xf32, #tpu.memory_space<vmem_shared>>
        %dma_start3A_129 = arith.constant 0 : i32
        %dma_start3A_130 = arith.constant 0 : i32
        %dma_start3A_131 = tpu.memref_slice %arg9[%run_scoped3A_119, %dma_start3A_129, %dma_start3A_130] : memref<2x40x128xf32, #tpu.memory_space<vmem>> -> memref<1x40x128xf32, #tpu.memory_space<vmem>>
        %dma_start3A_132 = tpu.memref_squeeze %dma_start3A_131 : memref<1x40x128xf32, #tpu.memory_space<vmem>> -> memref<40x128xf32, #tpu.memory_space<vmem>>
        %dma_start3A_133 = arith.constant 0 : i32
        %dma_start3A_134 = tpu.memref_slice %arg16[%add3A_118, %dma_start3A_133] : memref<10000x128xf32, #tpu.memory_space<vmem_shared>> -> memref<40x128xf32, #tpu.memory_space<vmem_shared>>
        tpu.enqueue_dma source(%dma_start3A_134 : memref<40x128xf32, #tpu.memory_space<vmem_shared>>) target(%dma_start3A_132 : memref<40x128xf32, #tpu.memory_space<vmem>>) target_semaphore(%run_scoped3A_122 : memref<!tpu.dma_semaphore, #tpu.memory_space<semaphore_mem>>)
        %dma_wait3A_135 = arith.constant 0 : i32
        %dma_wait3A_136 = arith.constant 0 : i32
        %dma_wait3A_137 = tpu.memref_slice %arg9[%run_scoped3A_119, %dma_wait3A_135, %dma_wait3A_136] : memref<2x40x128xf32, #tpu.memory_space<vmem>> -> memref<1x40x128xf32, #tpu.memory_space<vmem>>
        %dma_wait3A_138 = tpu.memref_squeeze %dma_wait3A_137 : memref<1x40x128xf32, #tpu.memory_space<vmem>> -> memref<40x128xf32, #tpu.memory_space<vmem>>
        %dma_wait3A_139 = arith.constant 0 : i32
        %dma_wait3A_140 = tpu.memref_slice %arg16[%add3A_118, %dma_wait3A_139] : memref<10000x128xf32, #tpu.memory_space<vmem_shared>> -> memref<40x128xf32, #tpu.memory_space<vmem_shared>>
        %dma_wait3A_141 = arith.constant 0 : i32
        %dma_wait3A_142 = arith.constant 0 : i32
        %dma_wait3A_143 = tpu.memref_slice %arg9[%run_scoped3A_119, %dma_wait3A_141, %dma_wait3A_142] : memref<2x40x128xf32, #tpu.memory_space<vmem>> -> memref<1x40x128xf32, #tpu.memory_space<vmem>>
        %dma_wait3A_144 = tpu.memref_squeeze %dma_wait3A_143 : memref<1x40x128xf32, #tpu.memory_space<vmem>> -> memref<40x128xf32, #tpu.memory_space<vmem>>
        %dma_wait3A_145 = arith.constant 0 : i32
        %dma_wait3A_146 = tpu.memref_slice %arg16[%add3A_118, %dma_wait3A_145] : memref<10000x128xf32, #tpu.memory_space<vmem_shared>> -> memref<40x128xf32, #tpu.memory_space<vmem_shared>>
        tpu.wait_dma2 semaphore(%run_scoped3A_122 : memref<!tpu.dma_semaphore, #tpu.memory_space<semaphore_mem>>) src(%dma_wait3A_146 : memref<40x128xf32, #tpu.memory_space<vmem_shared>>) dst(%dma_wait3A_144 : memref<40x128xf32, #tpu.memory_space<vmem>>)
        tpu.yield
      }) : () -> ()
      %run_scoped3A_120 = arith.constant 0 : i32
      "tpu.region"() ({
        %run_scoped3A_122 = tpu.sem_alloc : memref<!tpu.dma_semaphore, #tpu.memory_space<semaphore_mem>>
        %dma_start3A_123 = arith.constant 0 : i32
        %dma_start3A_124 = arith.constant 0 : i32
        %dma_start3A_125 = tpu.memref_slice %arg9[%run_scoped3A_120, %dma_start3A_123, %dma_start3A_124] : memref<2x40x128xf32, #tpu.memory_space<vmem>> -> memref<1x40x128xf32, #tpu.memory_space<vmem>>
        %dma_start3A_126 = tpu.memref_squeeze %dma_start3A_125 : memref<1x40x128xf32, #tpu.memory_space<vmem>> -> memref<40x128xf32, #tpu.memory_space<vmem>>
        %dma_start3A_127 = arith.constant 0 : i32
        %dma_start3A_128 = tpu.memref_slice %arg7[%arg0, %add3A_118, %dma_start3A_127] : memref<2x10000x128xf32, #tpu.memory_space<hbm>> -> memref<1x40x128xf32, #tpu.memory_space<hbm>>
        %dma_start3A_129 = tpu.memref_squeeze %dma_start3A_128 : memref<1x40x128xf32, #tpu.memory_space<hbm>> -> memref<40x128xf32, #tpu.memory_space<hbm>>
        %dma_start3A_130 = arith.constant 0 : i32
        %dma_start3A_131 = tpu.memref_slice %arg7[%arg0, %add3A_118, %dma_start3A_130] : memref<2x10000x128xf32, #tpu.memory_space<hbm>> -> memref<1x40x128xf32, #tpu.memory_space<hbm>>
        %dma_start3A_132 = tpu.memref_squeeze %dma_start3A_131 : memref<1x40x128xf32, #tpu.memory_space<hbm>> -> memref<40x128xf32, #tpu.memory_space<hbm>>
        %dma_start3A_133 = arith.constant 0 : i32
        %dma_start3A_134 = arith.constant 0 : i32
        %dma_start3A_135 = tpu.memref_slice %arg9[%run_scoped3A_120, %dma_start3A_133, %dma_start3A_134] : memref<2x40x128xf32, #tpu.memory_space<vmem>> -> memref<1x40x128xf32, #tpu.memory_space<vmem>>
        %dma_start3A_136 = tpu.memref_squeeze %dma_start3A_135 : memref<1x40x128xf32, #tpu.memory_space<vmem>> -> memref<40x128xf32, #tpu.memory_space<vmem>>
        tpu.enqueue_dma source(%dma_start3A_136 : memref<40x128xf32, #tpu.memory_space<vmem>>) target(%dma_start3A_132 : memref<40x128xf32, #tpu.memory_space<hbm>>) target_semaphore(%run_scoped3A_122 : memref<!tpu.dma_semaphore, #tpu.memory_space<semaphore_mem>>)
        %dma_wait3A_137 = arith.constant 0 : i32
        %dma_wait3A_138 = arith.constant 0 : i32
        %dma_wait3A_139 = tpu.memref_slice %arg9[%run_scoped3A_120, %dma_wait3A_137, %dma_wait3A_138] : memref<2x40x128xf32, #tpu.memory_space<vmem>> -> memref<1x40x128xf32, #tpu.memory_space<vmem>>
        %dma_wait3A_140 = tpu.memref_squeeze %dma_wait3A_139 : memref<1x40x128xf32, #tpu.memory_space<vmem>> -> memref<40x128xf32, #tpu.memory_space<vmem>>
        %dma_wait3A_141 = arith.constant 0 : i32
        %dma_wait3A_142 = tpu.memref_slice %arg7[%arg0, %add3A_118, %dma_wait3A_141] : memref<2x10000x128xf32, #tpu.memory_space<hbm>> -> memref<1x40x128xf32, #tpu.memory_space<hbm>>
        %dma_wait3A_143 = tpu.memref_squeeze %dma_wait3A_142 : memref<1x40x128xf32, #tpu.memory_space<hbm>> -> memref<40x128xf32, #tpu.memory_space<hbm>>
        %dma_wait3A_144 = arith.constant 0 : i32
        %dma_wait3A_145 = tpu.memref_slice %arg7[%arg0, %add3A_118, %dma_wait3A_144] : memref<2x10000x128xf32, #tpu.memory_space<hbm>> -> memref<1x40x128xf32, #tpu.memory_space<hbm>>
        %dma_wait3A_146 = tpu.memref_squeeze %dma_wait3A_145 : memref<1x40x128xf32, #tpu.memory_space<hbm>> -> memref<40x128xf32, #tpu.memory_space<hbm>>
        %dma_wait3A_147 = arith.constant 0 : i32
        %dma_wait3A_148 = arith.constant 0 : i32
        %dma_wait3A_149 = tpu.memref_slice %arg9[%run_scoped3A_120, %dma_wait3A_147, %dma_wait3A_148] : memref<2x40x128xf32, #tpu.memory_space<vmem>> -> memref<1x40x128xf32, #tpu.memory_space<vmem>>
        %dma_wait3A_150 = tpu.memref_squeeze %dma_wait3A_149 : memref<1x40x128xf32, #tpu.memory_space<vmem>> -> memref<40x128xf32, #tpu.memory_space<vmem>>
        tpu.wait_dma2 semaphore(%run_scoped3A_122 : memref<!tpu.dma_semaphore, #tpu.memory_space<semaphore_mem>>) src(%dma_wait3A_150 : memref<40x128xf32, #tpu.memory_space<vmem>>) dst(%dma_wait3A_146 : memref<40x128xf32, #tpu.memory_space<hbm>>)
        tpu.yield
      }) : () -> ()
      %scan3A_121 = arith.constant 0 : i32
      scf.yield %scan3A_121 : i32
    }
    %scan3A_102 = arith.constant 15 : i32
    %add3A_103 = arith.constant 600 : i32
    %add3A_104 = arith.addi %mul3A_33, %add3A_103 : i32
    %run_scoped3A_105 = arith.constant 0 : i32
    "tpu.region"() ({
      %run_scoped3A_114 = tpu.sem_alloc : memref<!tpu.dma_semaphore, #tpu.memory_space<semaphore_mem>>
      %dma_start3A_115 = arith.constant 0 : i32
      %dma_start3A_116 = arith.constant 0 : i32
      %dma_start3A_117 = tpu.memref_slice %arg9[%run_scoped3A_105, %dma_start3A_115, %dma_start3A_116] : memref<2x40x128xf32, #tpu.memory_space<vmem>> -> memref<1x24x128xf32, #tpu.memory_space<vmem>>
      %dma_start3A_118 = tpu.memref_squeeze %dma_start3A_117 : memref<1x24x128xf32, #tpu.memory_space<vmem>> -> memref<24x128xf32, #tpu.memory_space<vmem>>
      %dma_start3A_119 = arith.constant 0 : i32
      %dma_start3A_120 = tpu.memref_slice %arg16[%add3A_104, %dma_start3A_119] : memref<10000x128xf32, #tpu.memory_space<vmem_shared>> -> memref<24x128xf32, #tpu.memory_space<vmem_shared>>
      %dma_start3A_121 = arith.constant 0 : i32
      %dma_start3A_122 = arith.constant 0 : i32
      %dma_start3A_123 = tpu.memref_slice %arg9[%run_scoped3A_105, %dma_start3A_121, %dma_start3A_122] : memref<2x40x128xf32, #tpu.memory_space<vmem>> -> memref<1x24x128xf32, #tpu.memory_space<vmem>>
      %dma_start3A_124 = tpu.memref_squeeze %dma_start3A_123 : memref<1x24x128xf32, #tpu.memory_space<vmem>> -> memref<24x128xf32, #tpu.memory_space<vmem>>
      %dma_start3A_125 = arith.constant 0 : i32
      %dma_start3A_126 = tpu.memref_slice %arg16[%add3A_104, %dma_start3A_125] : memref<10000x128xf32, #tpu.memory_space<vmem_shared>> -> memref<24x128xf32, #tpu.memory_space<vmem_shared>>
      tpu.enqueue_dma source(%dma_start3A_126 : memref<24x128xf32, #tpu.memory_space<vmem_shared>>) target(%dma_start3A_124 : memref<24x128xf32, #tpu.memory_space<vmem>>) target_semaphore(%run_scoped3A_114 : memref<!tpu.dma_semaphore, #tpu.memory_space<semaphore_mem>>)
      %dma_wait3A_127 = arith.constant 0 : i32
      %dma_wait3A_128 = arith.constant 0 : i32
      %dma_wait3A_129 = tpu.memref_slice %arg9[%run_scoped3A_105, %dma_wait3A_127, %dma_wait3A_128] : memref<2x40x128xf32, #tpu.memory_space<vmem>> -> memref<1x24x128xf32, #tpu.memory_space<vmem>>
      %dma_wait3A_130 = tpu.memref_squeeze %dma_wait3A_129 : memref<1x24x128xf32, #tpu.memory_space<vmem>> -> memref<24x128xf32, #tpu.memory_space<vmem>>
      %dma_wait3A_131 = arith.constant 0 : i32
      %dma_wait3A_132 = tpu.memref_slice %arg16[%add3A_104, %dma_wait3A_131] : memref<10000x128xf32, #tpu.memory_space<vmem_shared>> -> memref<24x128xf32, #tpu.memory_space<vmem_shared>>
      %dma_wait3A_133 = arith.constant 0 : i32
      %dma_wait3A_134 = arith.constant 0 : i32
      %dma_wait3A_135 = tpu.memref_slice %arg9[%run_scoped3A_105, %dma_wait3A_133, %dma_wait3A_134] : memref<2x40x128xf32, #tpu.memory_space<vmem>> -> memref<1x24x128xf32, #tpu.memory_space<vmem>>
      %dma_wait3A_136 = tpu.memref_squeeze %dma_wait3A_135 : memref<1x24x128xf32, #tpu.memory_space<vmem>> -> memref<24x128xf32, #tpu.memory_space<vmem>>
      %dma_wait3A_137 = arith.constant 0 : i32
      %dma_wait3A_138 = tpu.memref_slice %arg16[%add3A_104, %dma_wait3A_137] : memref<10000x128xf32, #tpu.memory_space<vmem_shared>> -> memref<24x128xf32, #tpu.memory_space<vmem_shared>>
      tpu.wait_dma2 semaphore(%run_scoped3A_114 : memref<!tpu.dma_semaphore, #tpu.memory_space<semaphore_mem>>) src(%dma_wait3A_138 : memref<24x128xf32, #tpu.memory_space<vmem_shared>>) dst(%dma_wait3A_136 : memref<24x128xf32, #tpu.memory_space<vmem>>)
      tpu.yield
    }) : () -> ()
    %add3A_106 = arith.constant 600 : i32
    %add3A_107 = arith.addi %mul3A_33, %add3A_106 : i32
    %run_scoped3A_108 = arith.constant 0 : i32
    "tpu.region"() ({
      %run_scoped3A_114 = tpu.sem_alloc : memref<!tpu.dma_semaphore, #tpu.memory_space<semaphore_mem>>
      %dma_start3A_115 = arith.constant 0 : i32
      %dma_start3A_116 = arith.constant 0 : i32
      %dma_start3A_117 = tpu.memref_slice %arg9[%run_scoped3A_108, %dma_start3A_115, %dma_start3A_116] : memref<2x40x128xf32, #tpu.memory_space<vmem>> -> memref<1x24x128xf32, #tpu.memory_space<vmem>>
      %dma_start3A_118 = tpu.memref_squeeze %dma_start3A_117 : memref<1x24x128xf32, #tpu.memory_space<vmem>> -> memref<24x128xf32, #tpu.memory_space<vmem>>
      %dma_start3A_119 = arith.constant 0 : i32
      %dma_start3A_120 = tpu.memref_slice %arg7[%arg0, %add3A_107, %dma_start3A_119] : memref<2x10000x128xf32, #tpu.memory_space<hbm>> -> memref<1x24x128xf32, #tpu.memory_space<hbm>>
      %dma_start3A_121 = tpu.memref_squeeze %dma_start3A_120 : memref<1x24x128xf32, #tpu.memory_space<hbm>> -> memref<24x128xf32, #tpu.memory_space<hbm>>
      %dma_start3A_122 = arith.constant 0 : i32
      %dma_start3A_123 = tpu.memref_slice %arg7[%arg0, %add3A_107, %dma_start3A_122] : memref<2x10000x128xf32, #tpu.memory_space<hbm>> -> memref<1x24x128xf32, #tpu.memory_space<hbm>>
      %dma_start3A_124 = tpu.memref_squeeze %dma_start3A_123 : memref<1x24x128xf32, #tpu.memory_space<hbm>> -> memref<24x128xf32, #tpu.memory_space<hbm>>
      %dma_start3A_125 = arith.constant 0 : i32
      %dma_start3A_126 = arith.constant 0 : i32
      %dma_start3A_127 = tpu.memref_slice %arg9[%run_scoped3A_108, %dma_start3A_125, %dma_start3A_126] : memref<2x40x128xf32, #tpu.memory_space<vmem>> -> memref<1x24x128xf32, #tpu.memory_space<vmem>>
      %dma_start3A_128 = tpu.memref_squeeze %dma_start3A_127 : memref<1x24x128xf32, #tpu.memory_space<vmem>> -> memref<24x128xf32, #tpu.memory_space<vmem>>
      tpu.enqueue_dma source(%dma_start3A_128 : memref<24x128xf32, #tpu.memory_space<vmem>>) target(%dma_start3A_124 : memref<24x128xf32, #tpu.memory_space<hbm>>) target_semaphore(%run_scoped3A_114 : memref<!tpu.dma_semaphore, #tpu.memory_space<semaphore_mem>>)
      %dma_wait3A_129 = arith.constant 0 : i32
      %dma_wait3A_130 = arith.constant 0 : i32
      %dma_wait3A_131 = tpu.memref_slice %arg9[%run_scoped3A_108, %dma_wait3A_129, %dma_wait3A_130] : memref<2x40x128xf32, #tpu.memory_space<vmem>> -> memref<1x24x128xf32, #tpu.memory_space<vmem>>
      %dma_wait3A_132 = tpu.memref_squeeze %dma_wait3A_131 : memref<1x24x128xf32, #tpu.memory_space<vmem>> -> memref<24x128xf32, #tpu.memory_space<vmem>>
      %dma_wait3A_133 = arith.constant 0 : i32
      %dma_wait3A_134 = tpu.memref_slice %arg7[%arg0, %add3A_107, %dma_wait3A_133] : memref<2x10000x128xf32, #tpu.memory_space<hbm>> -> memref<1x24x128xf32, #tpu.memory_space<hbm>>
      %dma_wait3A_135 = tpu.memref_squeeze %dma_wait3A_134 : memref<1x24x128xf32, #tpu.memory_space<hbm>> -> memref<24x128xf32, #tpu.memory_space<hbm>>
      %dma_wait3A_136 = arith.constant 0 : i32
      %dma_wait3A_137 = tpu.memref_slice %arg7[%arg0, %add3A_107, %dma_wait3A_136] : memref<2x10000x128xf32, #tpu.memory_space<hbm>> -> memref<1x24x128xf32, #tpu.memory_space<hbm>>
      %dma_wait3A_138 = tpu.memref_squeeze %dma_wait3A_137 : memref<1x24x128xf32, #tpu.memory_space<hbm>> -> memref<24x128xf32, #tpu.memory_space<hbm>>
      %dma_wait3A_139 = arith.constant 0 : i32
      %dma_wait3A_140 = arith.constant 0 : i32
      %dma_wait3A_141 = tpu.memref_slice %arg9[%run_scoped3A_108, %dma_wait3A_139, %dma_wait3A_140] : memref<2x40x128xf32, #tpu.memory_space<vmem>> -> memref<1x24x128xf32, #tpu.memory_space<vmem>>
      %dma_wait3A_142 = tpu.memref_squeeze %dma_wait3A_141 : memref<1x24x128xf32, #tpu.memory_space<vmem>> -> memref<24x128xf32, #tpu.memory_space<vmem>>
      tpu.wait_dma2 semaphore(%run_scoped3A_114 : memref<!tpu.dma_semaphore, #tpu.memory_space<semaphore_mem>>) src(%dma_wait3A_142 : memref<24x128xf32, #tpu.memory_space<vmem>>) dst(%dma_wait3A_138 : memref<24x128xf32, #tpu.memory_space<hbm>>)
      tpu.yield
    }) : () -> ()
    %eq3A_109 = arith.constant 15 : i32
    %eq3A_110 = arith.cmpi eq, %arg1, %eq3A_109 : i32
    %convert_element_type3A_111 = arith.extui %eq3A_110 : i1 to i32
    %cond3A_112 = arith.constant 0 : i32
    %cond3A_113 = arith.cmpi ne, %convert_element_type3A_111, %cond3A_112 : i32
    scf.if %cond3A_113 {
      %run_scoped3A_114 = arith.constant 0 : i32
      "tpu.region"() ({
        %run_scoped3A_116 = tpu.sem_alloc : memref<!tpu.dma_semaphore, #tpu.memory_space<semaphore_mem>>
        %dma_start3A_117 = arith.constant 0 : i32
        %dma_start3A_118 = arith.constant 0 : i32
        %dma_start3A_119 = tpu.memref_slice %arg9[%run_scoped3A_114, %dma_start3A_117, %dma_start3A_118] : memref<2x40x128xf32, #tpu.memory_space<vmem>> -> memref<1x16x128xf32, #tpu.memory_space<vmem>>
        %dma_start3A_120 = tpu.memref_squeeze %dma_start3A_119 : memref<1x16x128xf32, #tpu.memory_space<vmem>> -> memref<16x128xf32, #tpu.memory_space<vmem>>
        %dma_start3A_121 = arith.constant 9984 : i32
        %dma_start3A_122 = arith.constant 0 : i32
        %dma_start3A_123 = tpu.memref_slice %arg16[%dma_start3A_121, %dma_start3A_122] : memref<10000x128xf32, #tpu.memory_space<vmem_shared>> -> memref<16x128xf32, #tpu.memory_space<vmem_shared>>
        %dma_start3A_124 = arith.constant 0 : i32
        %dma_start3A_125 = arith.constant 0 : i32
        %dma_start3A_126 = tpu.memref_slice %arg9[%run_scoped3A_114, %dma_start3A_124, %dma_start3A_125] : memref<2x40x128xf32, #tpu.memory_space<vmem>> -> memref<1x16x128xf32, #tpu.memory_space<vmem>>
        %dma_start3A_127 = tpu.memref_squeeze %dma_start3A_126 : memref<1x16x128xf32, #tpu.memory_space<vmem>> -> memref<16x128xf32, #tpu.memory_space<vmem>>
        %dma_start3A_128 = arith.constant 9984 : i32
        %dma_start3A_129 = arith.constant 0 : i32
        %dma_start3A_130 = tpu.memref_slice %arg16[%dma_start3A_128, %dma_start3A_129] : memref<10000x128xf32, #tpu.memory_space<vmem_shared>> -> memref<16x128xf32, #tpu.memory_space<vmem_shared>>
        tpu.enqueue_dma source(%dma_start3A_130 : memref<16x128xf32, #tpu.memory_space<vmem_shared>>) target(%dma_start3A_127 : memref<16x128xf32, #tpu.memory_space<vmem>>) target_semaphore(%run_scoped3A_116 : memref<!tpu.dma_semaphore, #tpu.memory_space<semaphore_mem>>)
        %dma_wait3A_131 = arith.constant 0 : i32
        %dma_wait3A_132 = arith.constant 0 : i32
        %dma_wait3A_133 = tpu.memref_slice %arg9[%run_scoped3A_114, %dma_wait3A_131, %dma_wait3A_132] : memref<2x40x128xf32, #tpu.memory_space<vmem>> -> memref<1x16x128xf32, #tpu.memory_space<vmem>>
        %dma_wait3A_134 = tpu.memref_squeeze %dma_wait3A_133 : memref<1x16x128xf32, #tpu.memory_space<vmem>> -> memref<16x128xf32, #tpu.memory_space<vmem>>
        %dma_wait3A_135 = arith.constant 9984 : i32
        %dma_wait3A_136 = arith.constant 0 : i32
        %dma_wait3A_137 = tpu.memref_slice %arg16[%dma_wait3A_135, %dma_wait3A_136] : memref<10000x128xf32, #tpu.memory_space<vmem_shared>> -> memref<16x128xf32, #tpu.memory_space<vmem_shared>>
        %dma_wait3A_138 = arith.constant 0 : i32
        %dma_wait3A_139 = arith.constant 0 : i32
        %dma_wait3A_140 = tpu.memref_slice %arg9[%run_scoped3A_114, %dma_wait3A_138, %dma_wait3A_139] : memref<2x40x128xf32, #tpu.memory_space<vmem>> -> memref<1x16x128xf32, #tpu.memory_space<vmem>>
        %dma_wait3A_141 = tpu.memref_squeeze %dma_wait3A_140 : memref<1x16x128xf32, #tpu.memory_space<vmem>> -> memref<16x128xf32, #tpu.memory_space<vmem>>
        %dma_wait3A_142 = arith.constant 9984 : i32
        %dma_wait3A_143 = arith.constant 0 : i32
        %dma_wait3A_144 = tpu.memref_slice %arg16[%dma_wait3A_142, %dma_wait3A_143] : memref<10000x128xf32, #tpu.memory_space<vmem_shared>> -> memref<16x128xf32, #tpu.memory_space<vmem_shared>>
        tpu.wait_dma2 semaphore(%run_scoped3A_116 : memref<!tpu.dma_semaphore, #tpu.memory_space<semaphore_mem>>) src(%dma_wait3A_144 : memref<16x128xf32, #tpu.memory_space<vmem_shared>>) dst(%dma_wait3A_141 : memref<16x128xf32, #tpu.memory_space<vmem>>)
        tpu.yield
      }) : () -> ()
      %run_scoped3A_115 = arith.constant 0 : i32
      "tpu.region"() ({
        %run_scoped3A_116 = tpu.sem_alloc : memref<!tpu.dma_semaphore, #tpu.memory_space<semaphore_mem>>
        %dma_start3A_117 = arith.constant 0 : i32
        %dma_start3A_118 = arith.constant 0 : i32
        %dma_start3A_119 = tpu.memref_slice %arg9[%run_scoped3A_115, %dma_start3A_117, %dma_start3A_118] : memref<2x40x128xf32, #tpu.memory_space<vmem>> -> memref<1x16x128xf32, #tpu.memory_space<vmem>>
        %dma_start3A_120 = tpu.memref_squeeze %dma_start3A_119 : memref<1x16x128xf32, #tpu.memory_space<vmem>> -> memref<16x128xf32, #tpu.memory_space<vmem>>
        %dma_start3A_121 = arith.constant 9984 : i32
        %dma_start3A_122 = arith.constant 0 : i32
        %dma_start3A_123 = tpu.memref_slice %arg7[%arg0, %dma_start3A_121, %dma_start3A_122] : memref<2x10000x128xf32, #tpu.memory_space<hbm>> -> memref<1x16x128xf32, #tpu.memory_space<hbm>>
        %dma_start3A_124 = tpu.memref_squeeze %dma_start3A_123 : memref<1x16x128xf32, #tpu.memory_space<hbm>> -> memref<16x128xf32, #tpu.memory_space<hbm>>
        %dma_start3A_125 = arith.constant 9984 : i32
        %dma_start3A_126 = arith.constant 0 : i32
        %dma_start3A_127 = tpu.memref_slice %arg7[%arg0, %dma_start3A_125, %dma_start3A_126] : memref<2x10000x128xf32, #tpu.memory_space<hbm>> -> memref<1x16x128xf32, #tpu.memory_space<hbm>>
        %dma_start3A_128 = tpu.memref_squeeze %dma_start3A_127 : memref<1x16x128xf32, #tpu.memory_space<hbm>> -> memref<16x128xf32, #tpu.memory_space<hbm>>
        %dma_start3A_129 = arith.constant 0 : i32
        %dma_start3A_130 = arith.constant 0 : i32
        %dma_start3A_131 = tpu.memref_slice %arg9[%run_scoped3A_115, %dma_start3A_129, %dma_start3A_130] : memref<2x40x128xf32, #tpu.memory_space<vmem>> -> memref<1x16x128xf32, #tpu.memory_space<vmem>>
        %dma_start3A_132 = tpu.memref_squeeze %dma_start3A_131 : memref<1x16x128xf32, #tpu.memory_space<vmem>> -> memref<16x128xf32, #tpu.memory_space<vmem>>
        tpu.enqueue_dma source(%dma_start3A_132 : memref<16x128xf32, #tpu.memory_space<vmem>>) target(%dma_start3A_128 : memref<16x128xf32, #tpu.memory_space<hbm>>) target_semaphore(%run_scoped3A_116 : memref<!tpu.dma_semaphore, #tpu.memory_space<semaphore_mem>>)
        %dma_wait3A_133 = arith.constant 0 : i32
        %dma_wait3A_134 = arith.constant 0 : i32
        %dma_wait3A_135 = tpu.memref_slice %arg9[%run_scoped3A_115, %dma_wait3A_133, %dma_wait3A_134] : memref<2x40x128xf32, #tpu.memory_space<vmem>> -> memref<1x16x128xf32, #tpu.memory_space<vmem>>
        %dma_wait3A_136 = tpu.memref_squeeze %dma_wait3A_135 : memref<1x16x128xf32, #tpu.memory_space<vmem>> -> memref<16x128xf32, #tpu.memory_space<vmem>>
        %dma_wait3A_137 = arith.constant 9984 : i32
        %dma_wait3A_138 = arith.constant 0 : i32
        %dma_wait3A_139 = tpu.memref_slice %arg7[%arg0, %dma_wait3A_137, %dma_wait3A_138] : memref<2x10000x128xf32, #tpu.memory_space<hbm>> -> memref<1x16x128xf32, #tpu.memory_space<hbm>>
        %dma_wait3A_140 = tpu.memref_squeeze %dma_wait3A_139 : memref<1x16x128xf32, #tpu.memory_space<hbm>> -> memref<16x128xf32, #tpu.memory_space<hbm>>
        %dma_wait3A_141 = arith.constant 9984 : i32
        %dma_wait3A_142 = arith.constant 0 : i32
        %dma_wait3A_143 = tpu.memref_slice %arg7[%arg0, %dma_wait3A_141, %dma_wait3A_142] : memref<2x10000x128xf32, #tpu.memory_space<hbm>> -> memref<1x16x128xf32, #tpu.memory_space<hbm>>
        %dma_wait3A_144 = tpu.memref_squeeze %dma_wait3A_143 : memref<1x16x128xf32, #tpu.memory_space<hbm>> -> memref<16x128xf32, #tpu.memory_space<hbm>>
        %dma_wait3A_145 = arith.constant 0 : i32
        %dma_wait3A_146 = arith.constant 0 : i32
        %dma_wait3A_147 = tpu.memref_slice %arg9[%run_scoped3A_115, %dma_wait3A_145, %dma_wait3A_146] : memref<2x40x128xf32, #tpu.memory_space<vmem>> -> memref<1x16x128xf32, #tpu.memory_space<vmem>>
        %dma_wait3A_148 = tpu.memref_squeeze %dma_wait3A_147 : memref<1x16x128xf32, #tpu.memory_space<vmem>> -> memref<16x128xf32, #tpu.memory_space<vmem>>
        tpu.wait_dma2 semaphore(%run_scoped3A_116 : memref<!tpu.dma_semaphore, #tpu.memory_space<semaphore_mem>>) src(%dma_wait3A_148 : memref<16x128xf32, #tpu.memory_space<vmem>>) dst(%dma_wait3A_144 : memref<16x128xf32, #tpu.memory_space<hbm>>)
        tpu.yield
      }) : () -> ()
    } else {
    }
    return
  }
}

#map = affine_map<(d0, d1) -> (0, 0)>
#map1 = affine_map<(d0, d1) -> (0, 0, 0)>
#map2 = affine_map<(d0, d1) -> (0)>
module attributes {stable_mosaic.version = 14 : i64} {
  func.func @_edge_body(%arg0: i32, %arg1: i32, %arg2: memref<10000x128xf32, #tpu.memory_space<hbm>>, %arg3: memref<10000x128xf32, #tpu.memory_space<hbm>>, %arg4: memref<32x250x40xi32, #tpu.memory_space<hbm>>, %arg5: memref<32x250x40xi32, #tpu.memory_space<hbm>>, %arg6: memref<128xf32, #tpu.memory_space<hbm>>, %arg7: memref<2x10000x128xf32, #tpu.memory_space<hbm>>, %arg8: memref<32x10000xf32, #tpu.memory_space<hbm>>, %arg9: memref<2x40x128xf32, #tpu.memory_space<vmem>>, %arg10: memref<2x40x128xf32, #tpu.memory_space<vmem>>, %arg11: memref<3x40xi32, #tpu.memory_space<vmem>>, %arg12: memref<3x40xi32, #tpu.memory_space<vmem>>, %arg13: memref<10000xf32, #tpu.memory_space<vmem>>, %arg14: memref<128xf32, #tpu.memory_space<vmem>>, %arg15: memref<40xf32, #tpu.memory_space<vmem>>, %arg16: memref<10000x128xf32, #tpu.memory_space<vmem_shared>>, %arg17: memref<!tpu.dma_semaphore, #tpu.memory_space<semaphore_mem>>, %arg18: memref<!tpu.dma_semaphore, #tpu.memory_space<semaphore_mem>>, %arg19: memref<!tpu.dma_semaphore, #tpu.memory_space<semaphore_mem>>, %arg20: memref<!tpu.dma_semaphore, #tpu.memory_space<semaphore_mem>>) attributes {dimension_semantics = [#tpu.dimension_semantics<core_parallel>, #tpu.dimension_semantics<subcore_parallel>], iteration_bounds = array<i64: 2, 16>, scalar_prefetch = 0 : i64, scratch_operands = 12 : i64, tpu.core_type = #tpu.core_type<sc_vector_subcore>, window_params = [{transform_indices = #map}, {transform_indices = #map}, {transform_indices = #map1}, {transform_indices = #map1}, {transform_indices = #map2}, {transform_indices = #map1}, {transform_indices = #map}]} {
    %mul3A = arith.constant 16 : i32
    %mul3A_0 = arith.muli %arg0, %mul3A : i32
    %add3A = arith.addi %mul3A_0, %arg1 : i32
    "tpu.region"() ({
      %run_scoped3A_114 = tpu.sem_alloc : memref<!tpu.dma_semaphore, #tpu.memory_space<semaphore_mem>>
      tpu.enqueue_dma source(%arg6 : memref<128xf32, #tpu.memory_space<hbm>>) target(%arg14 : memref<128xf32, #tpu.memory_space<vmem>>) target_semaphore(%run_scoped3A_114 : memref<!tpu.dma_semaphore, #tpu.memory_space<semaphore_mem>>)
      tpu.wait_dma2 semaphore(%run_scoped3A_114 : memref<!tpu.dma_semaphore, #tpu.memory_space<semaphore_mem>>) src(%arg6 : memref<128xf32, #tpu.memory_space<hbm>>) dst(%arg14 : memref<128xf32, #tpu.memory_space<vmem>>)
      tpu.yield
    }) : () -> ()
    %get3A = arith.constant 0 : index
    %get3A_1 = tpu.vector_load %arg14[%get3A] {strides = array<i32>} : memref<128xf32, #tpu.memory_space<vmem>>, vector<16xf32>,
    %get3A_2 = arith.constant 16 : index
    %get3A_3 = tpu.vector_load %arg14[%get3A_2] {strides = array<i32>} : memref<128xf32, #tpu.memory_space<vmem>>, vector<16xf32>,
    %get3A_4 = arith.constant 32 : index
    %get3A_5 = tpu.vector_load %arg14[%get3A_4] {strides = array<i32>} : memref<128xf32, #tpu.memory_space<vmem>>, vector<16xf32>,
    %get3A_6 = arith.constant 48 : index
    %get3A_7 = tpu.vector_load %arg14[%get3A_6] {strides = array<i32>} : memref<128xf32, #tpu.memory_space<vmem>>, vector<16xf32>,
    %get3A_8 = arith.constant 64 : index
    %get3A_9 = tpu.vector_load %arg14[%get3A_8] {strides = array<i32>} : memref<128xf32, #tpu.memory_space<vmem>>, vector<16xf32>,
    %get3A_10 = arith.constant 80 : index
    %get3A_11 = tpu.vector_load %arg14[%get3A_10] {strides = array<i32>} : memref<128xf32, #tpu.memory_space<vmem>>, vector<16xf32>,
    %get3A_12 = arith.constant 96 : index
    %get3A_13 = tpu.vector_load %arg14[%get3A_12] {strides = array<i32>} : memref<128xf32, #tpu.memory_space<vmem>>, vector<16xf32>,
    %get3A_14 = arith.constant 112 : index
    %get3A_15 = tpu.vector_load %arg14[%get3A_14] {strides = array<i32>} : memref<128xf32, #tpu.memory_space<vmem>>, vector<16xf32>,
    %broadcast_in_dim3A = arith.constant 0.000000e+00 : f32
    %broadcast_in_dim3A_16 = vector.broadcast %broadcast_in_dim3A : f32 to vector<16xf32>
    %iota3A = tpu.iota {dimensions = array<i32: 0>} : vector<16xi32>
    %eq3A = arith.constant 0 : i32
    %eq3A_17 = vector.broadcast %eq3A : i32 to vector<16xi32>
    %eq3A_18 = arith.cmpi eq, %iota3A, %eq3A_17 : vector<16xi32>
    %scan3A = arith.constant 0 : i32
    %scan3A_19 = arith.constant 0 : i32
    %scan3A_20 = arith.constant 625 : i32
    %scan3A_21 = arith.addi %scan3A_19, %scan3A_20 : i32
    %scan3A_22 = arith.constant 1 : i32
    %scan3A_23 = scf.for %scan3A_114 = %scan3A_19 to %scan3A_21 step %scan3A_22 iter_args(%scan3A_115 = %scan3A) -> (i32)  : i32 {
      %mul3A_116 = arith.constant 16 : i32
      %mul3A_117 = arith.muli %mul3A_116, %scan3A_114 : i32
      %swap3A = arith.index_cast %mul3A_117 : i32 to index
      %swap3A_118 = tpu.vector_load %arg13[%swap3A] {strides = array<i32>} : memref<10000xf32, #tpu.memory_space<vmem>>, vector<16xf32>,
      tpu.vector_store %arg13[%swap3A], %broadcast_in_dim3A_16 {strides = array<i32>} : memref<10000xf32, #tpu.memory_space<vmem>>, vector<16xf32>,
      %scan3A_119 = arith.constant 0 : i32
      scf.yield %scan3A_119 : i32
    }
    %scan3A_24 = arith.constant 625 : i32
    %scan3A_25 = arith.constant 0 : i32
    %scan3A_26 = arith.constant 0 : i32
    %scan3A_27 = arith.constant 40 : i32
    %scan3A_28 = arith.addi %scan3A_26, %scan3A_27 : i32
    %scan3A_29 = arith.constant 1 : i32
    %scan3A_30 = scf.for %scan3A_114 = %scan3A_26 to %scan3A_28 step %scan3A_29 iter_args(%scan3A_115 = %scan3A_25) -> (i32)  : i32 {
      %swap3A = arith.constant 0 : i32
      %swap3A_116 = arith.index_cast %swap3A : i32 to index
      %swap3A_117 = arith.index_cast %scan3A_114 : i32 to index
      %swap3A_118 = arith.constant 0 : index
      %swap3A_119 = tpu.vector_load %arg9[%swap3A_116, %swap3A_117, %swap3A_118] {strides = array<i32>} : memref<2x40x128xf32, #tpu.memory_space<vmem>>, vector<16xf32>,
      tpu.vector_store %arg9[%swap3A_116, %swap3A_117, %swap3A_118], %broadcast_in_dim3A_16 {strides = array<i32>} : memref<2x40x128xf32, #tpu.memory_space<vmem>>, vector<16xf32>,
      %swap3A_120 = arith.constant 0 : i32
      %swap3A_121 = arith.index_cast %swap3A_120 : i32 to index
      %swap3A_122 = arith.index_cast %scan3A_114 : i32 to index
      %swap3A_123 = arith.constant 16 : index
      %swap3A_124 = tpu.vector_load %arg9[%swap3A_121, %swap3A_122, %swap3A_123] {strides = array<i32>} : memref<2x40x128xf32, #tpu.memory_space<vmem>>, vector<16xf32>,
      tpu.vector_store %arg9[%swap3A_121, %swap3A_122, %swap3A_123], %broadcast_in_dim3A_16 {strides = array<i32>} : memref<2x40x128xf32, #tpu.memory_space<vmem>>, vector<16xf32>,
      %swap3A_125 = arith.constant 0 : i32
      %swap3A_126 = arith.index_cast %swap3A_125 : i32 to index
      %swap3A_127 = arith.index_cast %scan3A_114 : i32 to index
      %swap3A_128 = arith.constant 32 : index
      %swap3A_129 = tpu.vector_load %arg9[%swap3A_126, %swap3A_127, %swap3A_128] {strides = array<i32>} : memref<2x40x128xf32, #tpu.memory_space<vmem>>, vector<16xf32>,
      tpu.vector_store %arg9[%swap3A_126, %swap3A_127, %swap3A_128], %broadcast_in_dim3A_16 {strides = array<i32>} : memref<2x40x128xf32, #tpu.memory_space<vmem>>, vector<16xf32>,
      %swap3A_130 = arith.constant 0 : i32
      %swap3A_131 = arith.index_cast %swap3A_130 : i32 to index
      %swap3A_132 = arith.index_cast %scan3A_114 : i32 to index
      %swap3A_133 = arith.constant 48 : index
      %swap3A_134 = tpu.vector_load %arg9[%swap3A_131, %swap3A_132, %swap3A_133] {strides = array<i32>} : memref<2x40x128xf32, #tpu.memory_space<vmem>>, vector<16xf32>,
      tpu.vector_store %arg9[%swap3A_131, %swap3A_132, %swap3A_133], %broadcast_in_dim3A_16 {strides = array<i32>} : memref<2x40x128xf32, #tpu.memory_space<vmem>>, vector<16xf32>,
      %swap3A_135 = arith.constant 0 : i32
      %swap3A_136 = arith.index_cast %swap3A_135 : i32 to index
      %swap3A_137 = arith.index_cast %scan3A_114 : i32 to index
      %swap3A_138 = arith.constant 64 : index
      %swap3A_139 = tpu.vector_load %arg9[%swap3A_136, %swap3A_137, %swap3A_138] {strides = array<i32>} : memref<2x40x128xf32, #tpu.memory_space<vmem>>, vector<16xf32>,
      tpu.vector_store %arg9[%swap3A_136, %swap3A_137, %swap3A_138], %broadcast_in_dim3A_16 {strides = array<i32>} : memref<2x40x128xf32, #tpu.memory_space<vmem>>, vector<16xf32>,
      %swap3A_140 = arith.constant 0 : i32
      %swap3A_141 = arith.index_cast %swap3A_140 : i32 to index
      %swap3A_142 = arith.index_cast %scan3A_114 : i32 to index
      %swap3A_143 = arith.constant 80 : index
      %swap3A_144 = tpu.vector_load %arg9[%swap3A_141, %swap3A_142, %swap3A_143] {strides = array<i32>} : memref<2x40x128xf32, #tpu.memory_space<vmem>>, vector<16xf32>,
      tpu.vector_store %arg9[%swap3A_141, %swap3A_142, %swap3A_143], %broadcast_in_dim3A_16 {strides = array<i32>} : memref<2x40x128xf32, #tpu.memory_space<vmem>>, vector<16xf32>,
      %swap3A_145 = arith.constant 0 : i32
      %swap3A_146 = arith.index_cast %swap3A_145 : i32 to index
      %swap3A_147 = arith.index_cast %scan3A_114 : i32 to index
      %swap3A_148 = arith.constant 96 : index
      %swap3A_149 = tpu.vector_load %arg9[%swap3A_146, %swap3A_147, %swap3A_148] {strides = array<i32>} : memref<2x40x128xf32, #tpu.memory_space<vmem>>, vector<16xf32>,
      tpu.vector_store %arg9[%swap3A_146, %swap3A_147, %swap3A_148], %broadcast_in_dim3A_16 {strides = array<i32>} : memref<2x40x128xf32, #tpu.memory_space<vmem>>, vector<16xf32>,
      %swap3A_150 = arith.constant 0 : i32
      %swap3A_151 = arith.index_cast %swap3A_150 : i32 to index
      %swap3A_152 = arith.index_cast %scan3A_114 : i32 to index
      %swap3A_153 = arith.constant 112 : index
      %swap3A_154 = tpu.vector_load %arg9[%swap3A_151, %swap3A_152, %swap3A_153] {strides = array<i32>} : memref<2x40x128xf32, #tpu.memory_space<vmem>>, vector<16xf32>,
      tpu.vector_store %arg9[%swap3A_151, %swap3A_152, %swap3A_153], %broadcast_in_dim3A_16 {strides = array<i32>} : memref<2x40x128xf32, #tpu.memory_space<vmem>>, vector<16xf32>,
      %scan3A_155 = arith.constant 0 : i32
      scf.yield %scan3A_155 : i32
    }
    %scan3A_31 = arith.constant 40 : i32
    %mul3A_32 = arith.constant 624 : i32
    %mul3A_33 = arith.muli %arg1, %mul3A_32 : i32
    %scan3A_34 = arith.constant 0 : i32
    %scan3A_35 = arith.constant 0 : i32
    %scan3A_36 = arith.constant 15 : i32
    %scan3A_37 = arith.addi %scan3A_35, %scan3A_36 : i32
    %scan3A_38 = arith.constant 1 : i32
    %scan3A_39 = scf.for %scan3A_114 = %scan3A_35 to %scan3A_37 step %scan3A_38 iter_args(%scan3A_115 = %scan3A_34) -> (i32)  : i32 {
      %mul3A_116 = arith.constant 40 : i32
      %mul3A_117 = arith.muli %scan3A_114, %mul3A_116 : i32
      %add3A_118 = arith.addi %mul3A_33, %mul3A_117 : i32
      %run_scoped3A_119 = arith.constant 0 : i32
      "tpu.region"() ({
        %run_scoped3A_121 = tpu.sem_alloc : memref<!tpu.dma_semaphore, #tpu.memory_space<semaphore_mem>>
        %dma_start3A_122 = arith.constant 0 : i32
        %dma_start3A_123 = arith.constant 0 : i32
        %dma_start3A_124 = tpu.memref_slice %arg9[%run_scoped3A_119, %dma_start3A_122, %dma_start3A_123] : memref<2x40x128xf32, #tpu.memory_space<vmem>> -> memref<1x40x128xf32, #tpu.memory_space<vmem>>
        %dma_start3A_125 = tpu.memref_squeeze %dma_start3A_124 : memref<1x40x128xf32, #tpu.memory_space<vmem>> -> memref<40x128xf32, #tpu.memory_space<vmem>>
        %dma_start3A_126 = arith.constant 0 : i32
        %dma_start3A_127 = tpu.memref_slice %arg16[%add3A_118, %dma_start3A_126] : memref<10000x128xf32, #tpu.memory_space<vmem_shared>> -> memref<40x128xf32, #tpu.memory_space<vmem_shared>>
        %dma_start3A_128 = arith.constant 0 : i32
        %dma_start3A_129 = tpu.memref_slice %arg16[%add3A_118, %dma_start3A_128] : memref<10000x128xf32, #tpu.memory_space<vmem_shared>> -> memref<40x128xf32, #tpu.memory_space<vmem_shared>>
        %dma_start3A_130 = arith.constant 0 : i32
        %dma_start3A_131 = arith.constant 0 : i32
        %dma_start3A_132 = tpu.memref_slice %arg9[%run_scoped3A_119, %dma_start3A_130, %dma_start3A_131] : memref<2x40x128xf32, #tpu.memory_space<vmem>> -> memref<1x40x128xf32, #tpu.memory_space<vmem>>
        %dma_start3A_133 = tpu.memref_squeeze %dma_start3A_132 : memref<1x40x128xf32, #tpu.memory_space<vmem>> -> memref<40x128xf32, #tpu.memory_space<vmem>>
        tpu.enqueue_dma source(%dma_start3A_133 : memref<40x128xf32, #tpu.memory_space<vmem>>) target(%dma_start3A_129 : memref<40x128xf32, #tpu.memory_space<vmem_shared>>) target_semaphore(%run_scoped3A_121 : memref<!tpu.dma_semaphore, #tpu.memory_space<semaphore_mem>>)
        %dma_wait3A_134 = arith.constant 0 : i32
        %dma_wait3A_135 = arith.constant 0 : i32
        %dma_wait3A_136 = tpu.memref_slice %arg9[%run_scoped3A_119, %dma_wait3A_134, %dma_wait3A_135] : memref<2x40x128xf32, #tpu.memory_space<vmem>> -> memref<1x40x128xf32, #tpu.memory_space<vmem>>
        %dma_wait3A_137 = tpu.memref_squeeze %dma_wait3A_136 : memref<1x40x128xf32, #tpu.memory_space<vmem>> -> memref<40x128xf32, #tpu.memory_space<vmem>>
        %dma_wait3A_138 = arith.constant 0 : i32
        %dma_wait3A_139 = tpu.memref_slice %arg16[%add3A_118, %dma_wait3A_138] : memref<10000x128xf32, #tpu.memory_space<vmem_shared>> -> memref<40x128xf32, #tpu.memory_space<vmem_shared>>
        %dma_wait3A_140 = arith.constant 0 : i32
        %dma_wait3A_141 = tpu.memref_slice %arg16[%add3A_118, %dma_wait3A_140] : memref<10000x128xf32, #tpu.memory_space<vmem_shared>> -> memref<40x128xf32, #tpu.memory_space<vmem_shared>>
        %dma_wait3A_142 = arith.constant 0 : i32
        %dma_wait3A_143 = arith.constant 0 : i32
        %dma_wait3A_144 = tpu.memref_slice %arg9[%run_scoped3A_119, %dma_wait3A_142, %dma_wait3A_143] : memref<2x40x128xf32, #tpu.memory_space<vmem>> -> memref<1x40x128xf32, #tpu.memory_space<vmem>>
        %dma_wait3A_145 = tpu.memref_squeeze %dma_wait3A_144 : memref<1x40x128xf32, #tpu.memory_space<vmem>> -> memref<40x128xf32, #tpu.memory_space<vmem>>
        tpu.wait_dma2 semaphore(%run_scoped3A_121 : memref<!tpu.dma_semaphore, #tpu.memory_space<semaphore_mem>>) src(%dma_wait3A_145 : memref<40x128xf32, #tpu.memory_space<vmem>>) dst(%dma_wait3A_141 : memref<40x128xf32, #tpu.memory_space<vmem_shared>>)
        tpu.yield
      }) : () -> ()
      %scan3A_120 = arith.constant 0 : i32
      scf.yield %scan3A_120 : i32
    }
    %scan3A_40 = arith.constant 15 : i32
    %add3A_41 = arith.constant 600 : i32
    %add3A_42 = arith.addi %mul3A_33, %add3A_41 : i32
    %run_scoped3A = arith.constant 0 : i32
    "tpu.region"() ({
      %run_scoped3A_114 = tpu.sem_alloc : memref<!tpu.dma_semaphore, #tpu.memory_space<semaphore_mem>>
      %dma_start3A_115 = arith.constant 0 : i32
      %dma_start3A_116 = arith.constant 0 : i32
      %dma_start3A_117 = tpu.memref_slice %arg9[%run_scoped3A, %dma_start3A_115, %dma_start3A_116] : memref<2x40x128xf32, #tpu.memory_space<vmem>> -> memref<1x24x128xf32, #tpu.memory_space<vmem>>
      %dma_start3A_118 = tpu.memref_squeeze %dma_start3A_117 : memref<1x24x128xf32, #tpu.memory_space<vmem>> -> memref<24x128xf32, #tpu.memory_space<vmem>>
      %dma_start3A_119 = arith.constant 0 : i32
      %dma_start3A_120 = tpu.memref_slice %arg16[%add3A_42, %dma_start3A_119] : memref<10000x128xf32, #tpu.memory_space<vmem_shared>> -> memref<24x128xf32, #tpu.memory_space<vmem_shared>>
      %dma_start3A_121 = arith.constant 0 : i32
      %dma_start3A_122 = tpu.memref_slice %arg16[%add3A_42, %dma_start3A_121] : memref<10000x128xf32, #tpu.memory_space<vmem_shared>> -> memref<24x128xf32, #tpu.memory_space<vmem_shared>>
      %dma_start3A_123 = arith.constant 0 : i32
      %dma_start3A_124 = arith.constant 0 : i32
      %dma_start3A_125 = tpu.memref_slice %arg9[%run_scoped3A, %dma_start3A_123, %dma_start3A_124] : memref<2x40x128xf32, #tpu.memory_space<vmem>> -> memref<1x24x128xf32, #tpu.memory_space<vmem>>
      %dma_start3A_126 = tpu.memref_squeeze %dma_start3A_125 : memref<1x24x128xf32, #tpu.memory_space<vmem>> -> memref<24x128xf32, #tpu.memory_space<vmem>>
      tpu.enqueue_dma source(%dma_start3A_126 : memref<24x128xf32, #tpu.memory_space<vmem>>) target(%dma_start3A_122 : memref<24x128xf32, #tpu.memory_space<vmem_shared>>) target_semaphore(%run_scoped3A_114 : memref<!tpu.dma_semaphore, #tpu.memory_space<semaphore_mem>>)
      %dma_wait3A_127 = arith.constant 0 : i32
      %dma_wait3A_128 = arith.constant 0 : i32
      %dma_wait3A_129 = tpu.memref_slice %arg9[%run_scoped3A, %dma_wait3A_127, %dma_wait3A_128] : memref<2x40x128xf32, #tpu.memory_space<vmem>> -> memref<1x24x128xf32, #tpu.memory_space<vmem>>
      %dma_wait3A_130 = tpu.memref_squeeze %dma_wait3A_129 : memref<1x24x128xf32, #tpu.memory_space<vmem>> -> memref<24x128xf32, #tpu.memory_space<vmem>>
      %dma_wait3A_131 = arith.constant 0 : i32
      %dma_wait3A_132 = tpu.memref_slice %arg16[%add3A_42, %dma_wait3A_131] : memref<10000x128xf32, #tpu.memory_space<vmem_shared>> -> memref<24x128xf32, #tpu.memory_space<vmem_shared>>
      %dma_wait3A_133 = arith.constant 0 : i32
      %dma_wait3A_134 = tpu.memref_slice %arg16[%add3A_42, %dma_wait3A_133] : memref<10000x128xf32, #tpu.memory_space<vmem_shared>> -> memref<24x128xf32, #tpu.memory_space<vmem_shared>>
      %dma_wait3A_135 = arith.constant 0 : i32
      %dma_wait3A_136 = arith.constant 0 : i32
      %dma_wait3A_137 = tpu.memref_slice %arg9[%run_scoped3A, %dma_wait3A_135, %dma_wait3A_136] : memref<2x40x128xf32, #tpu.memory_space<vmem>> -> memref<1x24x128xf32, #tpu.memory_space<vmem>>
      %dma_wait3A_138 = tpu.memref_squeeze %dma_wait3A_137 : memref<1x24x128xf32, #tpu.memory_space<vmem>> -> memref<24x128xf32, #tpu.memory_space<vmem>>
      tpu.wait_dma2 semaphore(%run_scoped3A_114 : memref<!tpu.dma_semaphore, #tpu.memory_space<semaphore_mem>>) src(%dma_wait3A_138 : memref<24x128xf32, #tpu.memory_space<vmem>>) dst(%dma_wait3A_134 : memref<24x128xf32, #tpu.memory_space<vmem_shared>>)
      tpu.yield
    }) : () -> ()
    %eq3A_43 = arith.constant 15 : i32
    %eq3A_44 = arith.cmpi eq, %arg1, %eq3A_43 : i32
    %convert_element_type3A = arith.extui %eq3A_44 : i1 to i32
    %cond3A = arith.constant 0 : i32
    %cond3A_45 = arith.cmpi ne, %convert_element_type3A, %cond3A : i32
    scf.if %cond3A_45 {
      %run_scoped3A_114 = arith.constant 0 : i32
      "tpu.region"() ({
        %run_scoped3A_115 = tpu.sem_alloc : memref<!tpu.dma_semaphore, #tpu.memory_space<semaphore_mem>>
        %dma_start3A_116 = arith.constant 0 : i32
        %dma_start3A_117 = arith.constant 0 : i32
        %dma_start3A_118 = tpu.memref_slice %arg9[%run_scoped3A_114, %dma_start3A_116, %dma_start3A_117] : memref<2x40x128xf32, #tpu.memory_space<vmem>> -> memref<1x16x128xf32, #tpu.memory_space<vmem>>
        %dma_start3A_119 = tpu.memref_squeeze %dma_start3A_118 : memref<1x16x128xf32, #tpu.memory_space<vmem>> -> memref<16x128xf32, #tpu.memory_space<vmem>>
        %dma_start3A_120 = arith.constant 9984 : i32
        %dma_start3A_121 = arith.constant 0 : i32
        %dma_start3A_122 = tpu.memref_slice %arg16[%dma_start3A_120, %dma_start3A_121] : memref<10000x128xf32, #tpu.memory_space<vmem_shared>> -> memref<16x128xf32, #tpu.memory_space<vmem_shared>>
        %dma_start3A_123 = arith.constant 9984 : i32
        %dma_start3A_124 = arith.constant 0 : i32
        %dma_start3A_125 = tpu.memref_slice %arg16[%dma_start3A_123, %dma_start3A_124] : memref<10000x128xf32, #tpu.memory_space<vmem_shared>> -> memref<16x128xf32, #tpu.memory_space<vmem_shared>>
        %dma_start3A_126 = arith.constant 0 : i32
        %dma_start3A_127 = arith.constant 0 : i32
        %dma_start3A_128 = tpu.memref_slice %arg9[%run_scoped3A_114, %dma_start3A_126, %dma_start3A_127] : memref<2x40x128xf32, #tpu.memory_space<vmem>> -> memref<1x16x128xf32, #tpu.memory_space<vmem>>
        %dma_start3A_129 = tpu.memref_squeeze %dma_start3A_128 : memref<1x16x128xf32, #tpu.memory_space<vmem>> -> memref<16x128xf32, #tpu.memory_space<vmem>>
        tpu.enqueue_dma source(%dma_start3A_129 : memref<16x128xf32, #tpu.memory_space<vmem>>) target(%dma_start3A_125 : memref<16x128xf32, #tpu.memory_space<vmem_shared>>) target_semaphore(%run_scoped3A_115 : memref<!tpu.dma_semaphore, #tpu.memory_space<semaphore_mem>>)
        %dma_wait3A_130 = arith.constant 0 : i32
        %dma_wait3A_131 = arith.constant 0 : i32
        %dma_wait3A_132 = tpu.memref_slice %arg9[%run_scoped3A_114, %dma_wait3A_130, %dma_wait3A_131] : memref<2x40x128xf32, #tpu.memory_space<vmem>> -> memref<1x16x128xf32, #tpu.memory_space<vmem>>
        %dma_wait3A_133 = tpu.memref_squeeze %dma_wait3A_132 : memref<1x16x128xf32, #tpu.memory_space<vmem>> -> memref<16x128xf32, #tpu.memory_space<vmem>>
        %dma_wait3A_134 = arith.constant 9984 : i32
        %dma_wait3A_135 = arith.constant 0 : i32
        %dma_wait3A_136 = tpu.memref_slice %arg16[%dma_wait3A_134, %dma_wait3A_135] : memref<10000x128xf32, #tpu.memory_space<vmem_shared>> -> memref<16x128xf32, #tpu.memory_space<vmem_shared>>
        %dma_wait3A_137 = arith.constant 9984 : i32
        %dma_wait3A_138 = arith.constant 0 : i32
        %dma_wait3A_139 = tpu.memref_slice %arg16[%dma_wait3A_137, %dma_wait3A_138] : memref<10000x128xf32, #tpu.memory_space<vmem_shared>> -> memref<16x128xf32, #tpu.memory_space<vmem_shared>>
        %dma_wait3A_140 = arith.constant 0 : i32
        %dma_wait3A_141 = arith.constant 0 : i32
        %dma_wait3A_142 = tpu.memref_slice %arg9[%run_scoped3A_114, %dma_wait3A_140, %dma_wait3A_141] : memref<2x40x128xf32, #tpu.memory_space<vmem>> -> memref<1x16x128xf32, #tpu.memory_space<vmem>>
        %dma_wait3A_143 = tpu.memref_squeeze %dma_wait3A_142 : memref<1x16x128xf32, #tpu.memory_space<vmem>> -> memref<16x128xf32, #tpu.memory_space<vmem>>
        tpu.wait_dma2 semaphore(%run_scoped3A_115 : memref<!tpu.dma_semaphore, #tpu.memory_space<semaphore_mem>>) src(%dma_wait3A_143 : memref<16x128xf32, #tpu.memory_space<vmem>>) dst(%dma_wait3A_139 : memref<16x128xf32, #tpu.memory_space<vmem_shared>>)
        tpu.yield
      }) : () -> ()
    } else {
    }
    %barrier3A = arith.constant 0 : index
    tpu.barrier barrier_id(%barrier3A)
    %run_scoped3A_46 = arith.constant 0 : i32
    %run_scoped3A_47 = arith.constant 0 : i32
    "tpu.region"() ({
      %run_scoped3A_114 = tpu.sem_alloc : memref<!tpu.dma_semaphore, #tpu.memory_space<semaphore_mem>>
      %dma_start3A_115 = arith.constant 0 : i32
      %dma_start3A_116 = tpu.memref_slice %arg11[%run_scoped3A_47, %dma_start3A_115] : memref<3x40xi32, #tpu.memory_space<vmem>> -> memref<1x40xi32, #tpu.memory_space<vmem>>
      %dma_start3A_117 = tpu.memref_squeeze %dma_start3A_116 : memref<1x40xi32, #tpu.memory_space<vmem>> -> memref<40xi32, #tpu.memory_space<vmem>>
      %dma_start3A_118 = arith.constant 0 : i32
      %dma_start3A_119 = tpu.memref_slice %arg4[%add3A, %run_scoped3A_46, %dma_start3A_118] : memref<32x250x40xi32, #tpu.memory_space<hbm>> -> memref<1x1x40xi32, #tpu.memory_space<hbm>>
      %dma_start3A_120 = tpu.memref_squeeze %dma_start3A_119 : memref<1x1x40xi32, #tpu.memory_space<hbm>> -> memref<40xi32, #tpu.memory_space<hbm>>
      %dma_start3A_121 = arith.constant 0 : i32
      %dma_start3A_122 = tpu.memref_slice %arg11[%run_scoped3A_47, %dma_start3A_121] : memref<3x40xi32, #tpu.memory_space<vmem>> -> memref<1x40xi32, #tpu.memory_space<vmem>>
      %dma_start3A_123 = tpu.memref_squeeze %dma_start3A_122 : memref<1x40xi32, #tpu.memory_space<vmem>> -> memref<40xi32, #tpu.memory_space<vmem>>
      %dma_start3A_124 = arith.constant 0 : i32
      %dma_start3A_125 = tpu.memref_slice %arg4[%add3A, %run_scoped3A_46, %dma_start3A_124] : memref<32x250x40xi32, #tpu.memory_space<hbm>> -> memref<1x1x40xi32, #tpu.memory_space<hbm>>
      %dma_start3A_126 = tpu.memref_squeeze %dma_start3A_125 : memref<1x1x40xi32, #tpu.memory_space<hbm>> -> memref<40xi32, #tpu.memory_space<hbm>>
      tpu.enqueue_dma source(%dma_start3A_126 : memref<40xi32, #tpu.memory_space<hbm>>) target(%dma_start3A_123 : memref<40xi32, #tpu.memory_space<vmem>>) target_semaphore(%run_scoped3A_114 : memref<!tpu.dma_semaphore, #tpu.memory_space<semaphore_mem>>)
      %dma_wait3A_127 = arith.constant 0 : i32
      %dma_wait3A_128 = tpu.memref_slice %arg11[%run_scoped3A_47, %dma_wait3A_127] : memref<3x40xi32, #tpu.memory_space<vmem>> -> memref<1x40xi32, #tpu.memory_space<vmem>>
      %dma_wait3A_129 = tpu.memref_squeeze %dma_wait3A_128 : memref<1x40xi32, #tpu.memory_space<vmem>> -> memref<40xi32, #tpu.memory_space<vmem>>
      %dma_wait3A_130 = arith.constant 0 : i32
      %dma_wait3A_131 = tpu.memref_slice %arg4[%add3A, %run_scoped3A_46, %dma_wait3A_130] : memref<32x250x40xi32, #tpu.memory_space<hbm>> -> memref<1x1x40xi32, #tpu.memory_space<hbm>>
      %dma_wait3A_132 = tpu.memref_squeeze %dma_wait3A_131 : memref<1x1x40xi32, #tpu.memory_space<hbm>> -> memref<40xi32, #tpu.memory_space<hbm>>
      %dma_wait3A_133 = arith.constant 0 : i32
      %dma_wait3A_134 = tpu.memref_slice %arg11[%run_scoped3A_47, %dma_wait3A_133] : memref<3x40xi32, #tpu.memory_space<vmem>> -> memref<1x40xi32, #tpu.memory_space<vmem>>
      %dma_wait3A_135 = tpu.memref_squeeze %dma_wait3A_134 : memref<1x40xi32, #tpu.memory_space<vmem>> -> memref<40xi32, #tpu.memory_space<vmem>>
      %dma_wait3A_136 = arith.constant 0 : i32
      %dma_wait3A_137 = tpu.memref_slice %arg4[%add3A, %run_scoped3A_46, %dma_wait3A_136] : memref<32x250x40xi32, #tpu.memory_space<hbm>> -> memref<1x1x40xi32, #tpu.memory_space<hbm>>
      %dma_wait3A_138 = tpu.memref_squeeze %dma_wait3A_137 : memref<1x1x40xi32, #tpu.memory_space<hbm>> -> memref<40xi32, #tpu.memory_space<hbm>>
      tpu.wait_dma2 semaphore(%run_scoped3A_114 : memref<!tpu.dma_semaphore, #tpu.memory_space<semaphore_mem>>) src(%dma_wait3A_138 : memref<40xi32, #tpu.memory_space<hbm>>) dst(%dma_wait3A_135 : memref<40xi32, #tpu.memory_space<vmem>>)
      tpu.yield
    }) : () -> ()
    %run_scoped3A_48 = arith.constant 0 : i32
    %run_scoped3A_49 = arith.constant 0 : i32
    "tpu.region"() ({
      %run_scoped3A_114 = tpu.sem_alloc : memref<!tpu.dma_semaphore, #tpu.memory_space<semaphore_mem>>
      %dma_start3A_115 = arith.constant 0 : i32
      %dma_start3A_116 = tpu.memref_slice %arg12[%run_scoped3A_49, %dma_start3A_115] : memref<3x40xi32, #tpu.memory_space<vmem>> -> memref<1x40xi32, #tpu.memory_space<vmem>>
      %dma_start3A_117 = tpu.memref_squeeze %dma_start3A_116 : memref<1x40xi32, #tpu.memory_space<vmem>> -> memref<40xi32, #tpu.memory_space<vmem>>
      %dma_start3A_118 = arith.constant 0 : i32
      %dma_start3A_119 = tpu.memref_slice %arg5[%add3A, %run_scoped3A_48, %dma_start3A_118] : memref<32x250x40xi32, #tpu.memory_space<hbm>> -> memref<1x1x40xi32, #tpu.memory_space<hbm>>
      %dma_start3A_120 = tpu.memref_squeeze %dma_start3A_119 : memref<1x1x40xi32, #tpu.memory_space<hbm>> -> memref<40xi32, #tpu.memory_space<hbm>>
      %dma_start3A_121 = arith.constant 0 : i32
      %dma_start3A_122 = tpu.memref_slice %arg12[%run_scoped3A_49, %dma_start3A_121] : memref<3x40xi32, #tpu.memory_space<vmem>> -> memref<1x40xi32, #tpu.memory_space<vmem>>
      %dma_start3A_123 = tpu.memref_squeeze %dma_start3A_122 : memref<1x40xi32, #tpu.memory_space<vmem>> -> memref<40xi32, #tpu.memory_space<vmem>>
      %dma_start3A_124 = arith.constant 0 : i32
      %dma_start3A_125 = tpu.memref_slice %arg5[%add3A, %run_scoped3A_48, %dma_start3A_124] : memref<32x250x40xi32, #tpu.memory_space<hbm>> -> memref<1x1x40xi32, #tpu.memory_space<hbm>>
      %dma_start3A_126 = tpu.memref_squeeze %dma_start3A_125 : memref<1x1x40xi32, #tpu.memory_space<hbm>> -> memref<40xi32, #tpu.memory_space<hbm>>
      tpu.enqueue_dma source(%dma_start3A_126 : memref<40xi32, #tpu.memory_space<hbm>>) target(%dma_start3A_123 : memref<40xi32, #tpu.memory_space<vmem>>) target_semaphore(%run_scoped3A_114 : memref<!tpu.dma_semaphore, #tpu.memory_space<semaphore_mem>>)
      %dma_wait3A_127 = arith.constant 0 : i32
      %dma_wait3A_128 = tpu.memref_slice %arg12[%run_scoped3A_49, %dma_wait3A_127] : memref<3x40xi32, #tpu.memory_space<vmem>> -> memref<1x40xi32, #tpu.memory_space<vmem>>
      %dma_wait3A_129 = tpu.memref_squeeze %dma_wait3A_128 : memref<1x40xi32, #tpu.memory_space<vmem>> -> memref<40xi32, #tpu.memory_space<vmem>>
      %dma_wait3A_130 = arith.constant 0 : i32
      %dma_wait3A_131 = tpu.memref_slice %arg5[%add3A, %run_scoped3A_48, %dma_wait3A_130] : memref<32x250x40xi32, #tpu.memory_space<hbm>> -> memref<1x1x40xi32, #tpu.memory_space<hbm>>
      %dma_wait3A_132 = tpu.memref_squeeze %dma_wait3A_131 : memref<1x1x40xi32, #tpu.memory_space<hbm>> -> memref<40xi32, #tpu.memory_space<hbm>>
      %dma_wait3A_133 = arith.constant 0 : i32
      %dma_wait3A_134 = tpu.memref_slice %arg12[%run_scoped3A_49, %dma_wait3A_133] : memref<3x40xi32, #tpu.memory_space<vmem>> -> memref<1x40xi32, #tpu.memory_space<vmem>>
      %dma_wait3A_135 = tpu.memref_squeeze %dma_wait3A_134 : memref<1x40xi32, #tpu.memory_space<vmem>> -> memref<40xi32, #tpu.memory_space<vmem>>
      %dma_wait3A_136 = arith.constant 0 : i32
      %dma_wait3A_137 = tpu.memref_slice %arg5[%add3A, %run_scoped3A_48, %dma_wait3A_136] : memref<32x250x40xi32, #tpu.memory_space<hbm>> -> memref<1x1x40xi32, #tpu.memory_space<hbm>>
      %dma_wait3A_138 = tpu.memref_squeeze %dma_wait3A_137 : memref<1x1x40xi32, #tpu.memory_space<hbm>> -> memref<40xi32, #tpu.memory_space<hbm>>
      tpu.wait_dma2 semaphore(%run_scoped3A_114 : memref<!tpu.dma_semaphore, #tpu.memory_space<semaphore_mem>>) src(%dma_wait3A_138 : memref<40xi32, #tpu.memory_space<hbm>>) dst(%dma_wait3A_135 : memref<40xi32, #tpu.memory_space<vmem>>)
      tpu.yield
    }) : () -> ()
    %run_scoped3A_50 = arith.constant 1 : i32
    %run_scoped3A_51 = arith.constant 1 : i32
    "tpu.region"() ({
      %run_scoped3A_114 = tpu.sem_alloc : memref<!tpu.dma_semaphore, #tpu.memory_space<semaphore_mem>>
      %dma_start3A_115 = arith.constant 0 : i32
      %dma_start3A_116 = tpu.memref_slice %arg11[%run_scoped3A_51, %dma_start3A_115] : memref<3x40xi32, #tpu.memory_space<vmem>> -> memref<1x40xi32, #tpu.memory_space<vmem>>
      %dma_start3A_117 = tpu.memref_squeeze %dma_start3A_116 : memref<1x40xi32, #tpu.memory_space<vmem>> -> memref<40xi32, #tpu.memory_space<vmem>>
      %dma_start3A_118 = arith.constant 0 : i32
      %dma_start3A_119 = tpu.memref_slice %arg4[%add3A, %run_scoped3A_50, %dma_start3A_118] : memref<32x250x40xi32, #tpu.memory_space<hbm>> -> memref<1x1x40xi32, #tpu.memory_space<hbm>>
      %dma_start3A_120 = tpu.memref_squeeze %dma_start3A_119 : memref<1x1x40xi32, #tpu.memory_space<hbm>> -> memref<40xi32, #tpu.memory_space<hbm>>
      %dma_start3A_121 = arith.constant 0 : i32
      %dma_start3A_122 = tpu.memref_slice %arg11[%run_scoped3A_51, %dma_start3A_121] : memref<3x40xi32, #tpu.memory_space<vmem>> -> memref<1x40xi32, #tpu.memory_space<vmem>>
      %dma_start3A_123 = tpu.memref_squeeze %dma_start3A_122 : memref<1x40xi32, #tpu.memory_space<vmem>> -> memref<40xi32, #tpu.memory_space<vmem>>
      %dma_start3A_124 = arith.constant 0 : i32
      %dma_start3A_125 = tpu.memref_slice %arg4[%add3A, %run_scoped3A_50, %dma_start3A_124] : memref<32x250x40xi32, #tpu.memory_space<hbm>> -> memref<1x1x40xi32, #tpu.memory_space<hbm>>
      %dma_start3A_126 = tpu.memref_squeeze %dma_start3A_125 : memref<1x1x40xi32, #tpu.memory_space<hbm>> -> memref<40xi32, #tpu.memory_space<hbm>>
      tpu.enqueue_dma source(%dma_start3A_126 : memref<40xi32, #tpu.memory_space<hbm>>) target(%dma_start3A_123 : memref<40xi32, #tpu.memory_space<vmem>>) target_semaphore(%run_scoped3A_114 : memref<!tpu.dma_semaphore, #tpu.memory_space<semaphore_mem>>)
      %dma_wait3A_127 = arith.constant 0 : i32
      %dma_wait3A_128 = tpu.memref_slice %arg11[%run_scoped3A_51, %dma_wait3A_127] : memref<3x40xi32, #tpu.memory_space<vmem>> -> memref<1x40xi32, #tpu.memory_space<vmem>>
      %dma_wait3A_129 = tpu.memref_squeeze %dma_wait3A_128 : memref<1x40xi32, #tpu.memory_space<vmem>> -> memref<40xi32, #tpu.memory_space<vmem>>
      %dma_wait3A_130 = arith.constant 0 : i32
      %dma_wait3A_131 = tpu.memref_slice %arg4[%add3A, %run_scoped3A_50, %dma_wait3A_130] : memref<32x250x40xi32, #tpu.memory_space<hbm>> -> memref<1x1x40xi32, #tpu.memory_space<hbm>>
      %dma_wait3A_132 = tpu.memref_squeeze %dma_wait3A_131 : memref<1x1x40xi32, #tpu.memory_space<hbm>> -> memref<40xi32, #tpu.memory_space<hbm>>
      %dma_wait3A_133 = arith.constant 0 : i32
      %dma_wait3A_134 = tpu.memref_slice %arg11[%run_scoped3A_51, %dma_wait3A_133] : memref<3x40xi32, #tpu.memory_space<vmem>> -> memref<1x40xi32, #tpu.memory_space<vmem>>
      %dma_wait3A_135 = tpu.memref_squeeze %dma_wait3A_134 : memref<1x40xi32, #tpu.memory_space<vmem>> -> memref<40xi32, #tpu.memory_space<vmem>>
      %dma_wait3A_136 = arith.constant 0 : i32
      %dma_wait3A_137 = tpu.memref_slice %arg4[%add3A, %run_scoped3A_50, %dma_wait3A_136] : memref<32x250x40xi32, #tpu.memory_space<hbm>> -> memref<1x1x40xi32, #tpu.memory_space<hbm>>
      %dma_wait3A_138 = tpu.memref_squeeze %dma_wait3A_137 : memref<1x1x40xi32, #tpu.memory_space<hbm>> -> memref<40xi32, #tpu.memory_space<hbm>>
      tpu.wait_dma2 semaphore(%run_scoped3A_114 : memref<!tpu.dma_semaphore, #tpu.memory_space<semaphore_mem>>) src(%dma_wait3A_138 : memref<40xi32, #tpu.memory_space<hbm>>) dst(%dma_wait3A_135 : memref<40xi32, #tpu.memory_space<vmem>>)
      tpu.yield
    }) : () -> ()
    %run_scoped3A_52 = arith.constant 1 : i32
    %run_scoped3A_53 = arith.constant 1 : i32
    "tpu.region"() ({
      %run_scoped3A_114 = tpu.sem_alloc : memref<!tpu.dma_semaphore, #tpu.memory_space<semaphore_mem>>
      %dma_start3A_115 = arith.constant 0 : i32
      %dma_start3A_116 = tpu.memref_slice %arg12[%run_scoped3A_53, %dma_start3A_115] : memref<3x40xi32, #tpu.memory_space<vmem>> -> memref<1x40xi32, #tpu.memory_space<vmem>>
      %dma_start3A_117 = tpu.memref_squeeze %dma_start3A_116 : memref<1x40xi32, #tpu.memory_space<vmem>> -> memref<40xi32, #tpu.memory_space<vmem>>
      %dma_start3A_118 = arith.constant 0 : i32
      %dma_start3A_119 = tpu.memref_slice %arg5[%add3A, %run_scoped3A_52, %dma_start3A_118] : memref<32x250x40xi32, #tpu.memory_space<hbm>> -> memref<1x1x40xi32, #tpu.memory_space<hbm>>
      %dma_start3A_120 = tpu.memref_squeeze %dma_start3A_119 : memref<1x1x40xi32, #tpu.memory_space<hbm>> -> memref<40xi32, #tpu.memory_space<hbm>>
      %dma_start3A_121 = arith.constant 0 : i32
      %dma_start3A_122 = tpu.memref_slice %arg12[%run_scoped3A_53, %dma_start3A_121] : memref<3x40xi32, #tpu.memory_space<vmem>> -> memref<1x40xi32, #tpu.memory_space<vmem>>
      %dma_start3A_123 = tpu.memref_squeeze %dma_start3A_122 : memref<1x40xi32, #tpu.memory_space<vmem>> -> memref<40xi32, #tpu.memory_space<vmem>>
      %dma_start3A_124 = arith.constant 0 : i32
      %dma_start3A_125 = tpu.memref_slice %arg5[%add3A, %run_scoped3A_52, %dma_start3A_124] : memref<32x250x40xi32, #tpu.memory_space<hbm>> -> memref<1x1x40xi32, #tpu.memory_space<hbm>>
      %dma_start3A_126 = tpu.memref_squeeze %dma_start3A_125 : memref<1x1x40xi32, #tpu.memory_space<hbm>> -> memref<40xi32, #tpu.memory_space<hbm>>
      tpu.enqueue_dma source(%dma_start3A_126 : memref<40xi32, #tpu.memory_space<hbm>>) target(%dma_start3A_123 : memref<40xi32, #tpu.memory_space<vmem>>) target_semaphore(%run_scoped3A_114 : memref<!tpu.dma_semaphore, #tpu.memory_space<semaphore_mem>>)
      %dma_wait3A_127 = arith.constant 0 : i32
      %dma_wait3A_128 = tpu.memref_slice %arg12[%run_scoped3A_53, %dma_wait3A_127] : memref<3x40xi32, #tpu.memory_space<vmem>> -> memref<1x40xi32, #tpu.memory_space<vmem>>
      %dma_wait3A_129 = tpu.memref_squeeze %dma_wait3A_128 : memref<1x40xi32, #tpu.memory_space<vmem>> -> memref<40xi32, #tpu.memory_space<vmem>>
      %dma_wait3A_130 = arith.constant 0 : i32
      %dma_wait3A_131 = tpu.memref_slice %arg5[%add3A, %run_scoped3A_52, %dma_wait3A_130] : memref<32x250x40xi32, #tpu.memory_space<hbm>> -> memref<1x1x40xi32, #tpu.memory_space<hbm>>
      %dma_wait3A_132 = tpu.memref_squeeze %dma_wait3A_131 : memref<1x1x40xi32, #tpu.memory_space<hbm>> -> memref<40xi32, #tpu.memory_space<hbm>>
      %dma_wait3A_133 = arith.constant 0 : i32
      %dma_wait3A_134 = tpu.memref_slice %arg12[%run_scoped3A_53, %dma_wait3A_133] : memref<3x40xi32, #tpu.memory_space<vmem>> -> memref<1x40xi32, #tpu.memory_space<vmem>>
      %dma_wait3A_135 = tpu.memref_squeeze %dma_wait3A_134 : memref<1x40xi32, #tpu.memory_space<vmem>> -> memref<40xi32, #tpu.memory_space<vmem>>
      %dma_wait3A_136 = arith.constant 0 : i32
      %dma_wait3A_137 = tpu.memref_slice %arg5[%add3A, %run_scoped3A_52, %dma_wait3A_136] : memref<32x250x40xi32, #tpu.memory_space<hbm>> -> memref<1x1x40xi32, #tpu.memory_space<hbm>>
      %dma_wait3A_138 = tpu.memref_squeeze %dma_wait3A_137 : memref<1x1x40xi32, #tpu.memory_space<hbm>> -> memref<40xi32, #tpu.memory_space<hbm>>
      tpu.wait_dma2 semaphore(%run_scoped3A_114 : memref<!tpu.dma_semaphore, #tpu.memory_space<semaphore_mem>>) src(%dma_wait3A_138 : memref<40xi32, #tpu.memory_space<hbm>>) dst(%dma_wait3A_135 : memref<40xi32, #tpu.memory_space<vmem>>)
      tpu.yield
    }) : () -> ()
    %dma_start3A = arith.constant 0 : i32
    %dma_start3A_54 = arith.constant 0 : i32
    %dma_start3A_55 = arith.constant 0 : i32
    %dma_start3A_56 = arith.constant 0 : i32
    %dma_start3A_57 = tpu.memref_slice %arg9[%dma_start3A_54, %dma_start3A_55, %dma_start3A_56] : memref<2x40x128xf32, #tpu.memory_space<vmem>> -> memref<1x40x128xf32, #tpu.memory_space<vmem>>
    %dma_start3A_58 = tpu.memref_squeeze %dma_start3A_57 : memref<1x40x128xf32, #tpu.memory_space<vmem>> -> memref<40x128xf32, #tpu.memory_space<vmem>>
    %dma_start3A_59 = arith.constant 0 : i32
    %dma_start3A_60 = tpu.memref_slice %arg11[%dma_start3A, %dma_start3A_59] : memref<3x40xi32, #tpu.memory_space<vmem>> -> memref<1x40xi32, #tpu.memory_space<vmem>>
    %dma_start3A_61 = tpu.memref_squeeze %dma_start3A_60 : memref<1x40xi32, #tpu.memory_space<vmem>> -> memref<40xi32, #tpu.memory_space<vmem>>
    %dma_start3A_62 = arith.constant 0 : i32
    %dma_start3A_63 = arith.constant 0 : i32
    %dma_start3A_64 = tpu.memref_slice %arg2[%dma_start3A_62, %dma_start3A_63] : memref<10000x128xf32, #tpu.memory_space<hbm>> -> memref<10000x128xf32, #tpu.memory_space<hbm>>
    tpu.enqueue_indirect_dma source(%dma_start3A_64 : memref<10000x128xf32, #tpu.memory_space<hbm>>) target(%dma_start3A_58 : memref<40x128xf32, #tpu.memory_space<vmem>>) offsets(%dma_start3A_61 : memref<40xi32, #tpu.memory_space<vmem>>) semaphore(%arg17 : memref<!tpu.dma_semaphore, #tpu.memory_space<semaphore_mem>>)
    %dma_start3A_65 = arith.constant 0 : i32
    %dma_start3A_66 = arith.constant 0 : i32
    %dma_start3A_67 = arith.constant 0 : i32
    %dma_start3A_68 = arith.constant 0 : i32
    %dma_start3A_69 = tpu.memref_slice %arg10[%dma_start3A_66, %dma_start3A_67, %dma_start3A_68] : memref<2x40x128xf32, #tpu.memory_space<vmem>> -> memref<1x40x128xf32, #tpu.memory_space<vmem>>
    %dma_start3A_70 = tpu.memref_squeeze %dma_start3A_69 : memref<1x40x128xf32, #tpu.memory_space<vmem>> -> memref<40x128xf32, #tpu.memory_space<vmem>>
    %dma_start3A_71 = arith.constant 0 : i32
    %dma_start3A_72 = tpu.memref_slice %arg12[%dma_start3A_65, %dma_start3A_71] : memref<3x40xi32, #tpu.memory_space<vmem>> -> memref<1x40xi32, #tpu.memory_space<vmem>>
    %dma_start3A_73 = tpu.memref_squeeze %dma_start3A_72 : memref<1x40xi32, #tpu.memory_space<vmem>> -> memref<40xi32, #tpu.memory_space<vmem>>
    %dma_start3A_74 = arith.constant 0 : i32
    %dma_start3A_75 = arith.constant 0 : i32
    %dma_start3A_76 = tpu.memref_slice %arg3[%dma_start3A_74, %dma_start3A_75] : memref<10000x128xf32, #tpu.memory_space<hbm>> -> memref<10000x128xf32, #tpu.memory_space<hbm>>
    tpu.enqueue_indirect_dma source(%dma_start3A_76 : memref<10000x128xf32, #tpu.memory_space<hbm>>) target(%dma_start3A_70 : memref<40x128xf32, #tpu.memory_space<vmem>>) offsets(%dma_start3A_73 : memref<40xi32, #tpu.memory_space<vmem>>) semaphore(%arg18 : memref<!tpu.dma_semaphore, #tpu.memory_space<semaphore_mem>>)
    %scan3A_77 = arith.constant 0 : i32
    %scan3A_78 = arith.constant 0 : i32
    %scan3A_79 = arith.constant 250 : i32
    %scan3A_80 = arith.addi %scan3A_78, %scan3A_79 : i32
    %scan3A_81 = arith.constant 1 : i32
    %scan3A_82 = scf.for %scan3A_114 = %scan3A_78 to %scan3A_80 step %scan3A_81 iter_args(%scan3A_115 = %scan3A_77) -> (i32)  : i32 {
      %rem3A = arith.constant 2 : i32
      %rem3A_116 = arith.remsi %scan3A_114, %rem3A : i32
      %rem3A_117 = arith.constant 3 : i32
      %rem3A_118 = arith.remsi %scan3A_114, %rem3A_117 : i32
      %add3A_119 = arith.constant 1 : i32
      %add3A_120 = arith.addi %scan3A_114, %add3A_119 : i32
      %rem3A_121 = arith.constant 3 : i32
      %rem3A_122 = arith.remsi %add3A_120, %rem3A_121 : i32
      %add3A_123 = arith.constant 2 : i32
      %add3A_124 = arith.addi %scan3A_114, %add3A_123 : i32
      %rem3A_125 = arith.constant 3 : i32
      %rem3A_126 = arith.remsi %add3A_124, %rem3A_125 : i32
      %add3A_127 = arith.constant 2 : i32
      %add3A_128 = arith.addi %scan3A_114, %add3A_127 : i32
      %lt3A = arith.constant 250 : i32
      %lt3A_129 = arith.cmpi slt, %add3A_128, %lt3A : i32
      %convert_element_type3A_130 = arith.extui %lt3A_129 : i1 to i32
      %cond3A_131 = arith.constant 0 : i32
      %cond3A_132 = arith.cmpi ne, %convert_element_type3A_130, %cond3A_131 : i32
      scf.if %cond3A_132 {
        %add3A_194 = arith.constant 2 : i32
        %add3A_195 = arith.addi %scan3A_114, %add3A_194 : i32
        %dma_start3A_196 = arith.constant 0 : i32
        %dma_start3A_197 = tpu.memref_slice %arg11[%rem3A_126, %dma_start3A_196] : memref<3x40xi32, #tpu.memory_space<vmem>> -> memref<1x40xi32, #tpu.memory_space<vmem>>
        %dma_start3A_198 = tpu.memref_squeeze %dma_start3A_197 : memref<1x40xi32, #tpu.memory_space<vmem>> -> memref<40xi32, #tpu.memory_space<vmem>>
        %dma_start3A_199 = arith.constant 0 : i32
        %dma_start3A_200 = tpu.memref_slice %arg4[%add3A, %add3A_195, %dma_start3A_199] : memref<32x250x40xi32, #tpu.memory_space<hbm>> -> memref<1x1x40xi32, #tpu.memory_space<hbm>>
        %dma_start3A_201 = tpu.memref_squeeze %dma_start3A_200 : memref<1x1x40xi32, #tpu.memory_space<hbm>> -> memref<40xi32, #tpu.memory_space<hbm>>
        %dma_start3A_202 = arith.constant 0 : i32
        %dma_start3A_203 = tpu.memref_slice %arg11[%rem3A_126, %dma_start3A_202] : memref<3x40xi32, #tpu.memory_space<vmem>> -> memref<1x40xi32, #tpu.memory_space<vmem>>
        %dma_start3A_204 = tpu.memref_squeeze %dma_start3A_203 : memref<1x40xi32, #tpu.memory_space<vmem>> -> memref<40xi32, #tpu.memory_space<vmem>>
        %dma_start3A_205 = arith.constant 0 : i32
        %dma_start3A_206 = tpu.memref_slice %arg4[%add3A, %add3A_195, %dma_start3A_205] : memref<32x250x40xi32, #tpu.memory_space<hbm>> -> memref<1x1x40xi32, #tpu.memory_space<hbm>>
        %dma_start3A_207 = tpu.memref_squeeze %dma_start3A_206 : memref<1x1x40xi32, #tpu.memory_space<hbm>> -> memref<40xi32, #tpu.memory_space<hbm>>
        tpu.enqueue_dma source(%dma_start3A_207 : memref<40xi32, #tpu.memory_space<hbm>>) target(%dma_start3A_204 : memref<40xi32, #tpu.memory_space<vmem>>) target_semaphore(%arg20 : memref<!tpu.dma_semaphore, #tpu.memory_space<semaphore_mem>>)
        %add3A_208 = arith.constant 2 : i32
        %add3A_209 = arith.addi %scan3A_114, %add3A_208 : i32
        %dma_start3A_210 = arith.constant 0 : i32
        %dma_start3A_211 = tpu.memref_slice %arg12[%rem3A_126, %dma_start3A_210] : memref<3x40xi32, #tpu.memory_space<vmem>> -> memref<1x40xi32, #tpu.memory_space<vmem>>
        %dma_start3A_212 = tpu.memref_squeeze %dma_start3A_211 : memref<1x40xi32, #tpu.memory_space<vmem>> -> memref<40xi32, #tpu.memory_space<vmem>>
        %dma_start3A_213 = arith.constant 0 : i32
        %dma_start3A_214 = tpu.memref_slice %arg5[%add3A, %add3A_209, %dma_start3A_213] : memref<32x250x40xi32, #tpu.memory_space<hbm>> -> memref<1x1x40xi32, #tpu.memory_space<hbm>>
        %dma_start3A_215 = tpu.memref_squeeze %dma_start3A_214 : memref<1x1x40xi32, #tpu.memory_space<hbm>> -> memref<40xi32, #tpu.memory_space<hbm>>
        %dma_start3A_216 = arith.constant 0 : i32
        %dma_start3A_217 = tpu.memref_slice %arg12[%rem3A_126, %dma_start3A_216] : memref<3x40xi32, #tpu.memory_space<vmem>> -> memref<1x40xi32, #tpu.memory_space<vmem>>
        %dma_start3A_218 = tpu.memref_squeeze %dma_start3A_217 : memref<1x40xi32, #tpu.memory_space<vmem>> -> memref<40xi32, #tpu.memory_space<vmem>>
        %dma_start3A_219 = arith.constant 0 : i32
        %dma_start3A_220 = tpu.memref_slice %arg5[%add3A, %add3A_209, %dma_start3A_219] : memref<32x250x40xi32, #tpu.memory_space<hbm>> -> memref<1x1x40xi32, #tpu.memory_space<hbm>>
        %dma_start3A_221 = tpu.memref_squeeze %dma_start3A_220 : memref<1x1x40xi32, #tpu.memory_space<hbm>> -> memref<40xi32, #tpu.memory_space<hbm>>
        tpu.enqueue_dma source(%dma_start3A_221 : memref<40xi32, #tpu.memory_space<hbm>>) target(%dma_start3A_218 : memref<40xi32, #tpu.memory_space<vmem>>) target_semaphore(%arg20 : memref<!tpu.dma_semaphore, #tpu.memory_space<semaphore_mem>>)
      } else {
      }
      %dma_wait3A_133 = arith.constant 0 : i32
      %dma_wait3A_134 = arith.constant 0 : i32
      %dma_wait3A_135 = tpu.memref_slice %arg9[%rem3A_116, %dma_wait3A_133, %dma_wait3A_134] : memref<2x40x128xf32, #tpu.memory_space<vmem>> -> memref<1x40x128xf32, #tpu.memory_space<vmem>>
      %dma_wait3A_136 = tpu.memref_squeeze %dma_wait3A_135 : memref<1x40x128xf32, #tpu.memory_space<vmem>> -> memref<40x128xf32, #tpu.memory_space<vmem>>
      %dma_wait3A_137 = arith.constant 0 : i32
      %dma_wait3A_138 = tpu.memref_slice %arg11[%rem3A_118, %dma_wait3A_137] : memref<3x40xi32, #tpu.memory_space<vmem>> -> memref<1x40xi32, #tpu.memory_space<vmem>>
      %dma_wait3A_139 = tpu.memref_squeeze %dma_wait3A_138 : memref<1x40xi32, #tpu.memory_space<vmem>> -> memref<40xi32, #tpu.memory_space<vmem>>
      %dma_wait3A_140 = arith.constant 0 : i32
      %dma_wait3A_141 = arith.constant 0 : i32
      %dma_wait3A_142 = tpu.memref_slice %arg2[%dma_wait3A_140, %dma_wait3A_141] : memref<10000x128xf32, #tpu.memory_space<hbm>> -> memref<10000x128xf32, #tpu.memory_space<hbm>>
      tpu.wait_indirect_dma semaphore(%arg17 : memref<!tpu.dma_semaphore, #tpu.memory_space<semaphore_mem>>) src(%dma_wait3A_142 : memref<10000x128xf32, #tpu.memory_space<hbm>>) dst(%dma_wait3A_136 : memref<40x128xf32, #tpu.memory_space<vmem>>)
      %dma_wait3A_143 = arith.constant 0 : i32
      %dma_wait3A_144 = arith.constant 0 : i32
      %dma_wait3A_145 = tpu.memref_slice %arg10[%rem3A_116, %dma_wait3A_143, %dma_wait3A_144] : memref<2x40x128xf32, #tpu.memory_space<vmem>> -> memref<1x40x128xf32, #tpu.memory_space<vmem>>
      %dma_wait3A_146 = tpu.memref_squeeze %dma_wait3A_145 : memref<1x40x128xf32, #tpu.memory_space<vmem>> -> memref<40x128xf32, #tpu.memory_space<vmem>>
      %dma_wait3A_147 = arith.constant 0 : i32
      %dma_wait3A_148 = tpu.memref_slice %arg12[%rem3A_118, %dma_wait3A_147] : memref<3x40xi32, #tpu.memory_space<vmem>> -> memref<1x40xi32, #tpu.memory_space<vmem>>
      %dma_wait3A_149 = tpu.memref_squeeze %dma_wait3A_148 : memref<1x40xi32, #tpu.memory_space<vmem>> -> memref<40xi32, #tpu.memory_space<vmem>>
      %dma_wait3A_150 = arith.constant 0 : i32
      %dma_wait3A_151 = arith.constant 0 : i32
      %dma_wait3A_152 = tpu.memref_slice %arg3[%dma_wait3A_150, %dma_wait3A_151] : memref<10000x128xf32, #tpu.memory_space<hbm>> -> memref<10000x128xf32, #tpu.memory_space<hbm>>
      tpu.wait_indirect_dma semaphore(%arg18 : memref<!tpu.dma_semaphore, #tpu.memory_space<semaphore_mem>>) src(%dma_wait3A_152 : memref<10000x128xf32, #tpu.memory_space<hbm>>) dst(%dma_wait3A_146 : memref<40x128xf32, #tpu.memory_space<vmem>>)
      %gt3A = arith.constant 0 : i32
      %gt3A_153 = arith.cmpi sgt, %scan3A_114, %gt3A : i32
      %convert_element_type3A_154 = arith.extui %gt3A_153 : i1 to i32
      %cond3A_155 = arith.constant 0 : i32
      %cond3A_156 = arith.cmpi ne, %convert_element_type3A_154, %cond3A_155 : i32
      scf.if %cond3A_156 {
        %sub3A = arith.constant 1 : i32
        %sub3A_194 = arith.subi %sub3A, %rem3A_116 : i32
        %add3A_195 = arith.constant 2 : i32
        %add3A_196 = arith.addi %scan3A_114, %add3A_195 : i32
        %rem3A_197 = arith.constant 3 : i32
        %rem3A_198 = arith.remsi %add3A_196, %rem3A_197 : i32
        %dma_wait3A_199 = arith.constant 0 : i32
        %dma_wait3A_200 = arith.constant 0 : i32
        %dma_wait3A_201 = tpu.memref_slice %arg9[%sub3A_194, %dma_wait3A_199, %dma_wait3A_200] : memref<2x40x128xf32, #tpu.memory_space<vmem>> -> memref<1x40x128xf32, #tpu.memory_space<vmem>>
        %dma_wait3A_202 = tpu.memref_squeeze %dma_wait3A_201 : memref<1x40x128xf32, #tpu.memory_space<vmem>> -> memref<40x128xf32, #tpu.memory_space<vmem>>
        %dma_wait3A_203 = arith.constant 0 : i32
        %dma_wait3A_204 = tpu.memref_slice %arg12[%rem3A_198, %dma_wait3A_203] : memref<3x40xi32, #tpu.memory_space<vmem>> -> memref<1x40xi32, #tpu.memory_space<vmem>>
        %dma_wait3A_205 = tpu.memref_squeeze %dma_wait3A_204 : memref<1x40xi32, #tpu.memory_space<vmem>> -> memref<40xi32, #tpu.memory_space<vmem>>
        %dma_wait3A_206 = arith.constant 0 : i32
        %dma_wait3A_207 = arith.constant 0 : i32
        %dma_wait3A_208 = tpu.memref_slice %arg16[%dma_wait3A_206, %dma_wait3A_207] : memref<10000x128xf32, #tpu.memory_space<vmem_shared>> -> memref<10000x128xf32, #tpu.memory_space<vmem_shared>>
        tpu.wait_indirect_dma semaphore(%arg19 : memref<!tpu.dma_semaphore, #tpu.memory_space<semaphore_mem>>) src(%dma_wait3A_202 : memref<40x128xf32, #tpu.memory_space<vmem>>) dst(%dma_wait3A_208 : memref<10000x128xf32, #tpu.memory_space<vmem_shared>>)
      } else {
      }
      %add3A_157 = arith.constant 1 : i32
      %add3A_158 = arith.addi %scan3A_114, %add3A_157 : i32
      %lt3A_159 = arith.constant 250 : i32
      %lt3A_160 = arith.cmpi slt, %add3A_158, %lt3A_159 : i32
      %convert_element_type3A_161 = arith.extui %lt3A_160 : i1 to i32
      %cond3A_162 = arith.constant 0 : i32
      %cond3A_163 = arith.cmpi ne, %convert_element_type3A_161, %cond3A_162 : i32
      scf.if %cond3A_163 {
        %gt3A_194 = arith.constant 0 : i32
        %gt3A_195 = arith.cmpi sgt, %scan3A_114, %gt3A_194 : i32
        %convert_element_type3A_196 = arith.extui %gt3A_195 : i1 to i32
        %cond3A_197 = arith.constant 0 : i32
        %cond3A_198 = arith.cmpi ne, %convert_element_type3A_196, %cond3A_197 : i32
        scf.if %cond3A_198 {
          %add3A_222 = arith.constant 1 : i32
          %add3A_223 = arith.addi %scan3A_114, %add3A_222 : i32
          %dma_wait3A_224 = arith.constant 0 : i32
          %dma_wait3A_225 = tpu.memref_slice %arg11[%rem3A_122, %dma_wait3A_224] : memref<3x40xi32, #tpu.memory_space<vmem>> -> memref<1x40xi32, #tpu.memory_space<vmem>>
          %dma_wait3A_226 = tpu.memref_squeeze %dma_wait3A_225 : memref<1x40xi32, #tpu.memory_space<vmem>> -> memref<40xi32, #tpu.memory_space<vmem>>
          %dma_wait3A_227 = arith.constant 0 : i32
          %dma_wait3A_228 = tpu.memref_slice %arg4[%add3A, %add3A_223, %dma_wait3A_227] : memref<32x250x40xi32, #tpu.memory_space<hbm>> -> memref<1x1x40xi32, #tpu.memory_space<hbm>>
          %dma_wait3A_229 = tpu.memref_squeeze %dma_wait3A_228 : memref<1x1x40xi32, #tpu.memory_space<hbm>> -> memref<40xi32, #tpu.memory_space<hbm>>
          %dma_wait3A_230 = arith.constant 0 : i32
          %dma_wait3A_231 = tpu.memref_slice %arg11[%rem3A_122, %dma_wait3A_230] : memref<3x40xi32, #tpu.memory_space<vmem>> -> memref<1x40xi32, #tpu.memory_space<vmem>>
          %dma_wait3A_232 = tpu.memref_squeeze %dma_wait3A_231 : memref<1x40xi32, #tpu.memory_space<vmem>> -> memref<40xi32, #tpu.memory_space<vmem>>
          %dma_wait3A_233 = arith.constant 0 : i32
          %dma_wait3A_234 = tpu.memref_slice %arg4[%add3A, %add3A_223, %dma_wait3A_233] : memref<32x250x40xi32, #tpu.memory_space<hbm>> -> memref<1x1x40xi32, #tpu.memory_space<hbm>>
          %dma_wait3A_235 = tpu.memref_squeeze %dma_wait3A_234 : memref<1x1x40xi32, #tpu.memory_space<hbm>> -> memref<40xi32, #tpu.memory_space<hbm>>
          tpu.wait_dma2 semaphore(%arg20 : memref<!tpu.dma_semaphore, #tpu.memory_space<semaphore_mem>>) src(%dma_wait3A_235 : memref<40xi32, #tpu.memory_space<hbm>>) dst(%dma_wait3A_232 : memref<40xi32, #tpu.memory_space<vmem>>)
          %add3A_236 = arith.constant 1 : i32
          %add3A_237 = arith.addi %scan3A_114, %add3A_236 : i32
          %dma_wait3A_238 = arith.constant 0 : i32
          %dma_wait3A_239 = tpu.memref_slice %arg12[%rem3A_122, %dma_wait3A_238] : memref<3x40xi32, #tpu.memory_space<vmem>> -> memref<1x40xi32, #tpu.memory_space<vmem>>
          %dma_wait3A_240 = tpu.memref_squeeze %dma_wait3A_239 : memref<1x40xi32, #tpu.memory_space<vmem>> -> memref<40xi32, #tpu.memory_space<vmem>>
          %dma_wait3A_241 = arith.constant 0 : i32
          %dma_wait3A_242 = tpu.memref_slice %arg5[%add3A, %add3A_237, %dma_wait3A_241] : memref<32x250x40xi32, #tpu.memory_space<hbm>> -> memref<1x1x40xi32, #tpu.memory_space<hbm>>
          %dma_wait3A_243 = tpu.memref_squeeze %dma_wait3A_242 : memref<1x1x40xi32, #tpu.memory_space<hbm>> -> memref<40xi32, #tpu.memory_space<hbm>>
          %dma_wait3A_244 = arith.constant 0 : i32
          %dma_wait3A_245 = tpu.memref_slice %arg12[%rem3A_122, %dma_wait3A_244] : memref<3x40xi32, #tpu.memory_space<vmem>> -> memref<1x40xi32, #tpu.memory_space<vmem>>
          %dma_wait3A_246 = tpu.memref_squeeze %dma_wait3A_245 : memref<1x40xi32, #tpu.memory_space<vmem>> -> memref<40xi32, #tpu.memory_space<vmem>>
          %dma_wait3A_247 = arith.constant 0 : i32
          %dma_wait3A_248 = tpu.memref_slice %arg5[%add3A, %add3A_237, %dma_wait3A_247] : memref<32x250x40xi32, #tpu.memory_space<hbm>> -> memref<1x1x40xi32, #tpu.memory_space<hbm>>
          %dma_wait3A_249 = tpu.memref_squeeze %dma_wait3A_248 : memref<1x1x40xi32, #tpu.memory_space<hbm>> -> memref<40xi32, #tpu.memory_space<hbm>>
          tpu.wait_dma2 semaphore(%arg20 : memref<!tpu.dma_semaphore, #tpu.memory_space<semaphore_mem>>) src(%dma_wait3A_249 : memref<40xi32, #tpu.memory_space<hbm>>) dst(%dma_wait3A_246 : memref<40xi32, #tpu.memory_space<vmem>>)
        } else {
        }
        %sub3A = arith.constant 1 : i32
        %sub3A_199 = arith.subi %sub3A, %rem3A_116 : i32
        %dma_start3A_200 = arith.constant 0 : i32
        %dma_start3A_201 = arith.constant 0 : i32
        %dma_start3A_202 = tpu.memref_slice %arg9[%sub3A_199, %dma_start3A_200, %dma_start3A_201] : memref<2x40x128xf32, #tpu.memory_space<vmem>> -> memref<1x40x128xf32, #tpu.memory_space<vmem>>
        %dma_start3A_203 = tpu.memref_squeeze %dma_start3A_202 : memref<1x40x128xf32, #tpu.memory_space<vmem>> -> memref<40x128xf32, #tpu.memory_space<vmem>>
        %dma_start3A_204 = arith.constant 0 : i32
        %dma_start3A_205 = tpu.memref_slice %arg11[%rem3A_122, %dma_start3A_204] : memref<3x40xi32, #tpu.memory_space<vmem>> -> memref<1x40xi32, #tpu.memory_space<vmem>>
        %dma_start3A_206 = tpu.memref_squeeze %dma_start3A_205 : memref<1x40xi32, #tpu.memory_space<vmem>> -> memref<40xi32, #tpu.memory_space<vmem>>
        %dma_start3A_207 = arith.constant 0 : i32
        %dma_start3A_208 = arith.constant 0 : i32
        %dma_start3A_209 = tpu.memref_slice %arg2[%dma_start3A_207, %dma_start3A_208] : memref<10000x128xf32, #tpu.memory_space<hbm>> -> memref<10000x128xf32, #tpu.memory_space<hbm>>
        tpu.enqueue_indirect_dma source(%dma_start3A_209 : memref<10000x128xf32, #tpu.memory_space<hbm>>) target(%dma_start3A_203 : memref<40x128xf32, #tpu.memory_space<vmem>>) offsets(%dma_start3A_206 : memref<40xi32, #tpu.memory_space<vmem>>) semaphore(%arg17 : memref<!tpu.dma_semaphore, #tpu.memory_space<semaphore_mem>>)
        %sub3A_210 = arith.constant 1 : i32
        %sub3A_211 = arith.subi %sub3A_210, %rem3A_116 : i32
        %dma_start3A_212 = arith.constant 0 : i32
        %dma_start3A_213 = arith.constant 0 : i32
        %dma_start3A_214 = tpu.memref_slice %arg10[%sub3A_211, %dma_start3A_212, %dma_start3A_213] : memref<2x40x128xf32, #tpu.memory_space<vmem>> -> memref<1x40x128xf32, #tpu.memory_space<vmem>>
        %dma_start3A_215 = tpu.memref_squeeze %dma_start3A_214 : memref<1x40x128xf32, #tpu.memory_space<vmem>> -> memref<40x128xf32, #tpu.memory_space<vmem>>
        %dma_start3A_216 = arith.constant 0 : i32
        %dma_start3A_217 = tpu.memref_slice %arg12[%rem3A_122, %dma_start3A_216] : memref<3x40xi32, #tpu.memory_space<vmem>> -> memref<1x40xi32, #tpu.memory_space<vmem>>
        %dma_start3A_218 = tpu.memref_squeeze %dma_start3A_217 : memref<1x40xi32, #tpu.memory_space<vmem>> -> memref<40xi32, #tpu.memory_space<vmem>>
        %dma_start3A_219 = arith.constant 0 : i32
        %dma_start3A_220 = arith.constant 0 : i32
        %dma_start3A_221 = tpu.memref_slice %arg3[%dma_start3A_219, %dma_start3A_220] : memref<10000x128xf32, #tpu.memory_space<hbm>> -> memref<10000x128xf32, #tpu.memory_space<hbm>>
        tpu.enqueue_indirect_dma source(%dma_start3A_221 : memref<10000x128xf32, #tpu.memory_space<hbm>>) target(%dma_start3A_215 : memref<40x128xf32, #tpu.memory_space<vmem>>) offsets(%dma_start3A_218 : memref<40xi32, #tpu.memory_space<vmem>>) semaphore(%arg18 : memref<!tpu.dma_semaphore, #tpu.memory_space<semaphore_mem>>)
      } else {
      }
      %parallel_loop3A = arith.constant 0 : i32
      %parallel_loop3A_164 = arith.constant 40 : i32
      %parallel_loop3A_165 = arith.constant 1 : i32
      scf.for %parallel_loop3A_194 = %parallel_loop3A to %parallel_loop3A_164 step %parallel_loop3A_165  : i32 {
        %parallel_loop3A_195 = arith.constant 0.000000e+00 : f32
        %parallel_loop3A_196 = vector.broadcast %parallel_loop3A_195 : f32 to vector<16xf32>
        %parallel_loop3A_197 = arith.index_cast %rem3A_116 : i32 to index
        %parallel_loop3A_198 = arith.index_cast %parallel_loop3A_194 : i32 to index
        %parallel_loop3A_199 = arith.constant 0 : index
        %parallel_loop3A_200 = tpu.vector_load %arg9[%parallel_loop3A_197, %parallel_loop3A_198, %parallel_loop3A_199] {strides = array<i32>} : memref<2x40x128xf32, #tpu.memory_space<vmem>>, vector<16xf32>,
        %parallel_loop3A_201 = arith.index_cast %rem3A_116 : i32 to index
        %parallel_loop3A_202 = arith.index_cast %parallel_loop3A_194 : i32 to index
        %parallel_loop3A_203 = arith.constant 0 : index
        %parallel_loop3A_204 = tpu.vector_load %arg10[%parallel_loop3A_201, %parallel_loop3A_202, %parallel_loop3A_203] {strides = array<i32>} : memref<2x40x128xf32, #tpu.memory_space<vmem>>, vector<16xf32>,
        %parallel_loop3A_205 = arith.addf %parallel_loop3A_200, %parallel_loop3A_204 : vector<16xf32>
        %parallel_loop3A_206 = arith.constant 2.000000e-01 : f32
        %parallel_loop3A_207 = vector.broadcast %parallel_loop3A_206 : f32 to vector<16xf32>
        %parallel_loop3A_208 = arith.mulf %parallel_loop3A_207, %parallel_loop3A_205 : vector<16xf32>
        %parallel_loop3A_209 = arith.maximumf %parallel_loop3A_205, %parallel_loop3A_208 : vector<16xf32>
        %parallel_loop3A_210 = arith.mulf %parallel_loop3A_209, %get3A_1 : vector<16xf32>
        %parallel_loop3A_211 = arith.addf %parallel_loop3A_196, %parallel_loop3A_210 : vector<16xf32>
        %parallel_loop3A_212 = arith.index_cast %rem3A_116 : i32 to index
        %parallel_loop3A_213 = arith.index_cast %parallel_loop3A_194 : i32 to index
        %parallel_loop3A_214 = arith.constant 16 : index
        %parallel_loop3A_215 = tpu.vector_load %arg9[%parallel_loop3A_212, %parallel_loop3A_213, %parallel_loop3A_214] {strides = array<i32>} : memref<2x40x128xf32, #tpu.memory_space<vmem>>, vector<16xf32>,
        %parallel_loop3A_216 = arith.index_cast %rem3A_116 : i32 to index
        %parallel_loop3A_217 = arith.index_cast %parallel_loop3A_194 : i32 to index
        %parallel_loop3A_218 = arith.constant 16 : index
        %parallel_loop3A_219 = tpu.vector_load %arg10[%parallel_loop3A_216, %parallel_loop3A_217, %parallel_loop3A_218] {strides = array<i32>} : memref<2x40x128xf32, #tpu.memory_space<vmem>>, vector<16xf32>,
        %parallel_loop3A_220 = arith.addf %parallel_loop3A_215, %parallel_loop3A_219 : vector<16xf32>
        %parallel_loop3A_221 = arith.constant 2.000000e-01 : f32
        %parallel_loop3A_222 = vector.broadcast %parallel_loop3A_221 : f32 to vector<16xf32>
        %parallel_loop3A_223 = arith.mulf %parallel_loop3A_222, %parallel_loop3A_220 : vector<16xf32>
        %parallel_loop3A_224 = arith.maximumf %parallel_loop3A_220, %parallel_loop3A_223 : vector<16xf32>
        %parallel_loop3A_225 = arith.mulf %parallel_loop3A_224, %get3A_3 : vector<16xf32>
        %parallel_loop3A_226 = arith.addf %parallel_loop3A_211, %parallel_loop3A_225 : vector<16xf32>
        %parallel_loop3A_227 = arith.index_cast %rem3A_116 : i32 to index
        %parallel_loop3A_228 = arith.index_cast %parallel_loop3A_194 : i32 to index
        %parallel_loop3A_229 = arith.constant 32 : index
        %parallel_loop3A_230 = tpu.vector_load %arg9[%parallel_loop3A_227, %parallel_loop3A_228, %parallel_loop3A_229] {strides = array<i32>} : memref<2x40x128xf32, #tpu.memory_space<vmem>>, vector<16xf32>,
        %parallel_loop3A_231 = arith.index_cast %rem3A_116 : i32 to index
        %parallel_loop3A_232 = arith.index_cast %parallel_loop3A_194 : i32 to index
        %parallel_loop3A_233 = arith.constant 32 : index
        %parallel_loop3A_234 = tpu.vector_load %arg10[%parallel_loop3A_231, %parallel_loop3A_232, %parallel_loop3A_233] {strides = array<i32>} : memref<2x40x128xf32, #tpu.memory_space<vmem>>, vector<16xf32>,
        %parallel_loop3A_235 = arith.addf %parallel_loop3A_230, %parallel_loop3A_234 : vector<16xf32>
        %parallel_loop3A_236 = arith.constant 2.000000e-01 : f32
        %parallel_loop3A_237 = vector.broadcast %parallel_loop3A_236 : f32 to vector<16xf32>
        %parallel_loop3A_238 = arith.mulf %parallel_loop3A_237, %parallel_loop3A_235 : vector<16xf32>
        %parallel_loop3A_239 = arith.maximumf %parallel_loop3A_235, %parallel_loop3A_238 : vector<16xf32>
        %parallel_loop3A_240 = arith.mulf %parallel_loop3A_239, %get3A_5 : vector<16xf32>
        %parallel_loop3A_241 = arith.addf %parallel_loop3A_226, %parallel_loop3A_240 : vector<16xf32>
        %parallel_loop3A_242 = arith.index_cast %rem3A_116 : i32 to index
        %parallel_loop3A_243 = arith.index_cast %parallel_loop3A_194 : i32 to index
        %parallel_loop3A_244 = arith.constant 48 : index
        %parallel_loop3A_245 = tpu.vector_load %arg9[%parallel_loop3A_242, %parallel_loop3A_243, %parallel_loop3A_244] {strides = array<i32>} : memref<2x40x128xf32, #tpu.memory_space<vmem>>, vector<16xf32>,
        %parallel_loop3A_246 = arith.index_cast %rem3A_116 : i32 to index
        %parallel_loop3A_247 = arith.index_cast %parallel_loop3A_194 : i32 to index
        %parallel_loop3A_248 = arith.constant 48 : index
        %parallel_loop3A_249 = tpu.vector_load %arg10[%parallel_loop3A_246, %parallel_loop3A_247, %parallel_loop3A_248] {strides = array<i32>} : memref<2x40x128xf32, #tpu.memory_space<vmem>>, vector<16xf32>,
        %parallel_loop3A_250 = arith.addf %parallel_loop3A_245, %parallel_loop3A_249 : vector<16xf32>
        %parallel_loop3A_251 = arith.constant 2.000000e-01 : f32
        %parallel_loop3A_252 = vector.broadcast %parallel_loop3A_251 : f32 to vector<16xf32>
        %parallel_loop3A_253 = arith.mulf %parallel_loop3A_252, %parallel_loop3A_250 : vector<16xf32>
        %parallel_loop3A_254 = arith.maximumf %parallel_loop3A_250, %parallel_loop3A_253 : vector<16xf32>
        %parallel_loop3A_255 = arith.mulf %parallel_loop3A_254, %get3A_7 : vector<16xf32>
        %parallel_loop3A_256 = arith.addf %parallel_loop3A_241, %parallel_loop3A_255 : vector<16xf32>
        %parallel_loop3A_257 = arith.index_cast %rem3A_116 : i32 to index
        %parallel_loop3A_258 = arith.index_cast %parallel_loop3A_194 : i32 to index
        %parallel_loop3A_259 = arith.constant 64 : index
        %parallel_loop3A_260 = tpu.vector_load %arg9[%parallel_loop3A_257, %parallel_loop3A_258, %parallel_loop3A_259] {strides = array<i32>} : memref<2x40x128xf32, #tpu.memory_space<vmem>>, vector<16xf32>,
        %parallel_loop3A_261 = arith.index_cast %rem3A_116 : i32 to index
        %parallel_loop3A_262 = arith.index_cast %parallel_loop3A_194 : i32 to index
        %parallel_loop3A_263 = arith.constant 64 : index
        %parallel_loop3A_264 = tpu.vector_load %arg10[%parallel_loop3A_261, %parallel_loop3A_262, %parallel_loop3A_263] {strides = array<i32>} : memref<2x40x128xf32, #tpu.memory_space<vmem>>, vector<16xf32>,
        %parallel_loop3A_265 = arith.addf %parallel_loop3A_260, %parallel_loop3A_264 : vector<16xf32>
        %parallel_loop3A_266 = arith.constant 2.000000e-01 : f32
        %parallel_loop3A_267 = vector.broadcast %parallel_loop3A_266 : f32 to vector<16xf32>
        %parallel_loop3A_268 = arith.mulf %parallel_loop3A_267, %parallel_loop3A_265 : vector<16xf32>
        %parallel_loop3A_269 = arith.maximumf %parallel_loop3A_265, %parallel_loop3A_268 : vector<16xf32>
        %parallel_loop3A_270 = arith.mulf %parallel_loop3A_269, %get3A_9 : vector<16xf32>
        %parallel_loop3A_271 = arith.addf %parallel_loop3A_256, %parallel_loop3A_270 : vector<16xf32>
        %parallel_loop3A_272 = arith.index_cast %rem3A_116 : i32 to index
        %parallel_loop3A_273 = arith.index_cast %parallel_loop3A_194 : i32 to index
        %parallel_loop3A_274 = arith.constant 80 : index
        %parallel_loop3A_275 = tpu.vector_load %arg9[%parallel_loop3A_272, %parallel_loop3A_273, %parallel_loop3A_274] {strides = array<i32>} : memref<2x40x128xf32, #tpu.memory_space<vmem>>, vector<16xf32>,
        %parallel_loop3A_276 = arith.index_cast %rem3A_116 : i32 to index
        %parallel_loop3A_277 = arith.index_cast %parallel_loop3A_194 : i32 to index
        %parallel_loop3A_278 = arith.constant 80 : index
        %parallel_loop3A_279 = tpu.vector_load %arg10[%parallel_loop3A_276, %parallel_loop3A_277, %parallel_loop3A_278] {strides = array<i32>} : memref<2x40x128xf32, #tpu.memory_space<vmem>>, vector<16xf32>,
        %parallel_loop3A_280 = arith.addf %parallel_loop3A_275, %parallel_loop3A_279 : vector<16xf32>
        %parallel_loop3A_281 = arith.constant 2.000000e-01 : f32
        %parallel_loop3A_282 = vector.broadcast %parallel_loop3A_281 : f32 to vector<16xf32>
        %parallel_loop3A_283 = arith.mulf %parallel_loop3A_282, %parallel_loop3A_280 : vector<16xf32>
        %parallel_loop3A_284 = arith.maximumf %parallel_loop3A_280, %parallel_loop3A_283 : vector<16xf32>
        %parallel_loop3A_285 = arith.mulf %parallel_loop3A_284, %get3A_11 : vector<16xf32>
        %parallel_loop3A_286 = arith.addf %parallel_loop3A_271, %parallel_loop3A_285 : vector<16xf32>
        %parallel_loop3A_287 = arith.index_cast %rem3A_116 : i32 to index
        %parallel_loop3A_288 = arith.index_cast %parallel_loop3A_194 : i32 to index
        %parallel_loop3A_289 = arith.constant 96 : index
        %parallel_loop3A_290 = tpu.vector_load %arg9[%parallel_loop3A_287, %parallel_loop3A_288, %parallel_loop3A_289] {strides = array<i32>} : memref<2x40x128xf32, #tpu.memory_space<vmem>>, vector<16xf32>,
        %parallel_loop3A_291 = arith.index_cast %rem3A_116 : i32 to index
        %parallel_loop3A_292 = arith.index_cast %parallel_loop3A_194 : i32 to index
        %parallel_loop3A_293 = arith.constant 96 : index
        %parallel_loop3A_294 = tpu.vector_load %arg10[%parallel_loop3A_291, %parallel_loop3A_292, %parallel_loop3A_293] {strides = array<i32>} : memref<2x40x128xf32, #tpu.memory_space<vmem>>, vector<16xf32>,
        %parallel_loop3A_295 = arith.addf %parallel_loop3A_290, %parallel_loop3A_294 : vector<16xf32>
        %parallel_loop3A_296 = arith.constant 2.000000e-01 : f32
        %parallel_loop3A_297 = vector.broadcast %parallel_loop3A_296 : f32 to vector<16xf32>
        %parallel_loop3A_298 = arith.mulf %parallel_loop3A_297, %parallel_loop3A_295 : vector<16xf32>
        %parallel_loop3A_299 = arith.maximumf %parallel_loop3A_295, %parallel_loop3A_298 : vector<16xf32>
        %parallel_loop3A_300 = arith.mulf %parallel_loop3A_299, %get3A_13 : vector<16xf32>
        %parallel_loop3A_301 = arith.addf %parallel_loop3A_286, %parallel_loop3A_300 : vector<16xf32>
        %parallel_loop3A_302 = arith.index_cast %rem3A_116 : i32 to index
        %parallel_loop3A_303 = arith.index_cast %parallel_loop3A_194 : i32 to index
        %parallel_loop3A_304 = arith.constant 112 : index
        %parallel_loop3A_305 = tpu.vector_load %arg9[%parallel_loop3A_302, %parallel_loop3A_303, %parallel_loop3A_304] {strides = array<i32>} : memref<2x40x128xf32, #tpu.memory_space<vmem>>, vector<16xf32>,
        %parallel_loop3A_306 = arith.index_cast %rem3A_116 : i32 to index
        %parallel_loop3A_307 = arith.index_cast %parallel_loop3A_194 : i32 to index
        %parallel_loop3A_308 = arith.constant 112 : index
        %parallel_loop3A_309 = tpu.vector_load %arg10[%parallel_loop3A_306, %parallel_loop3A_307, %parallel_loop3A_308] {strides = array<i32>} : memref<2x40x128xf32, #tpu.memory_space<vmem>>, vector<16xf32>,
        %parallel_loop3A_310 = arith.addf %parallel_loop3A_305, %parallel_loop3A_309 : vector<16xf32>
        %parallel_loop3A_311 = arith.constant 2.000000e-01 : f32
        %parallel_loop3A_312 = vector.broadcast %parallel_loop3A_311 : f32 to vector<16xf32>
        %parallel_loop3A_313 = arith.mulf %parallel_loop3A_312, %parallel_loop3A_310 : vector<16xf32>
        %parallel_loop3A_314 = arith.maximumf %parallel_loop3A_310, %parallel_loop3A_313 : vector<16xf32>
        %parallel_loop3A_315 = arith.mulf %parallel_loop3A_314, %get3A_15 : vector<16xf32>
        %parallel_loop3A_316 = arith.addf %parallel_loop3A_301, %parallel_loop3A_315 : vector<16xf32>
        %parallel_loop3A_317 = arith.constant 1 : i32
        %parallel_loop3A_318 = vector.broadcast %parallel_loop3A_317 : i32 to vector<16xi32>
        %parallel_loop3A_319 = arith.xori %iota3A, %parallel_loop3A_318 : vector<16xi32>
        %parallel_loop3A_320 = vector.shape_cast %parallel_loop3A_319 : vector<16xi32> to vector<16x1xi32>
        %parallel_loop3A_321 = vector.shape_cast %parallel_loop3A_320 : vector<16x1xi32> to vector<16xi32>
        %parallel_loop3A_322 = tpu.dynamic_gather %parallel_loop3A_316[%parallel_loop3A_321] in [0] : vector<16xf32>, vector<16xi32> -> vector<16xf32>
        %parallel_loop3A_323 = arith.addf %parallel_loop3A_316, %parallel_loop3A_322 : vector<16xf32>
        %parallel_loop3A_324 = arith.constant 2 : i32
        %parallel_loop3A_325 = vector.broadcast %parallel_loop3A_324 : i32 to vector<16xi32>
        %parallel_loop3A_326 = arith.xori %iota3A, %parallel_loop3A_325 : vector<16xi32>
        %parallel_loop3A_327 = vector.shape_cast %parallel_loop3A_326 : vector<16xi32> to vector<16x1xi32>
        %parallel_loop3A_328 = vector.shape_cast %parallel_loop3A_327 : vector<16x1xi32> to vector<16xi32>
        %parallel_loop3A_329 = tpu.dynamic_gather %parallel_loop3A_323[%parallel_loop3A_328] in [0] : vector<16xf32>, vector<16xi32> -> vector<16xf32>
        %parallel_loop3A_330 = arith.addf %parallel_loop3A_323, %parallel_loop3A_329 : vector<16xf32>
        %parallel_loop3A_331 = arith.constant 4 : i32
        %parallel_loop3A_332 = vector.broadcast %parallel_loop3A_331 : i32 to vector<16xi32>
        %parallel_loop3A_333 = arith.xori %iota3A, %parallel_loop3A_332 : vector<16xi32>
        %parallel_loop3A_334 = vector.shape_cast %parallel_loop3A_333 : vector<16xi32> to vector<16x1xi32>
        %parallel_loop3A_335 = vector.shape_cast %parallel_loop3A_334 : vector<16x1xi32> to vector<16xi32>
        %parallel_loop3A_336 = tpu.dynamic_gather %parallel_loop3A_330[%parallel_loop3A_335] in [0] : vector<16xf32>, vector<16xi32> -> vector<16xf32>
        %parallel_loop3A_337 = arith.addf %parallel_loop3A_330, %parallel_loop3A_336 : vector<16xf32>
        %parallel_loop3A_338 = arith.constant 8 : i32
        %parallel_loop3A_339 = vector.broadcast %parallel_loop3A_338 : i32 to vector<16xi32>
        %parallel_loop3A_340 = arith.xori %iota3A, %parallel_loop3A_339 : vector<16xi32>
        %parallel_loop3A_341 = vector.shape_cast %parallel_loop3A_340 : vector<16xi32> to vector<16x1xi32>
        %parallel_loop3A_342 = vector.shape_cast %parallel_loop3A_341 : vector<16x1xi32> to vector<16xi32>
        %parallel_loop3A_343 = tpu.dynamic_gather %parallel_loop3A_337[%parallel_loop3A_342] in [0] : vector<16xf32>, vector<16xi32> -> vector<16xf32>
        %parallel_loop3A_344 = arith.addf %parallel_loop3A_337, %parallel_loop3A_343 : vector<16xf32>
        %parallel_loop3A_345 = math.exp %parallel_loop3A_344 : vector<16xf32>
        %parallel_loop3A_346 = vector.broadcast %parallel_loop3A_194 : i32 to vector<16xi32>
        tpu.vector_store_idx %arg15[%parallel_loop3A_346], %parallel_loop3A_345 masked %eq3A_18 : memref<40xf32, #tpu.memory_space<vmem>>[vector<16xi32>], vector<16xf32>, vector<16xi1>
        %parallel_loop3A_347 = arith.mulf %parallel_loop3A_200, %parallel_loop3A_345 : vector<16xf32>
        %parallel_loop3A_348 = arith.index_cast %rem3A_116 : i32 to index
        %parallel_loop3A_349 = arith.index_cast %parallel_loop3A_194 : i32 to index
        %parallel_loop3A_350 = arith.constant 0 : index
        %parallel_loop3A_351 = tpu.vector_load %arg9[%parallel_loop3A_348, %parallel_loop3A_349, %parallel_loop3A_350] {strides = array<i32>} : memref<2x40x128xf32, #tpu.memory_space<vmem>>, vector<16xf32>,
        tpu.vector_store %arg9[%parallel_loop3A_348, %parallel_loop3A_349, %parallel_loop3A_350], %parallel_loop3A_347 {strides = array<i32>} : memref<2x40x128xf32, #tpu.memory_space<vmem>>, vector<16xf32>,
        %parallel_loop3A_352 = arith.mulf %parallel_loop3A_215, %parallel_loop3A_345 : vector<16xf32>
        %parallel_loop3A_353 = arith.index_cast %rem3A_116 : i32 to index
        %parallel_loop3A_354 = arith.index_cast %parallel_loop3A_194 : i32 to index
        %parallel_loop3A_355 = arith.constant 16 : index
        %parallel_loop3A_356 = tpu.vector_load %arg9[%parallel_loop3A_353, %parallel_loop3A_354, %parallel_loop3A_355] {strides = array<i32>} : memref<2x40x128xf32, #tpu.memory_space<vmem>>, vector<16xf32>,
        tpu.vector_store %arg9[%parallel_loop3A_353, %parallel_loop3A_354, %parallel_loop3A_355], %parallel_loop3A_352 {strides = array<i32>} : memref<2x40x128xf32, #tpu.memory_space<vmem>>, vector<16xf32>,
        %parallel_loop3A_357 = arith.mulf %parallel_loop3A_230, %parallel_loop3A_345 : vector<16xf32>
        %parallel_loop3A_358 = arith.index_cast %rem3A_116 : i32 to index
        %parallel_loop3A_359 = arith.index_cast %parallel_loop3A_194 : i32 to index
        %parallel_loop3A_360 = arith.constant 32 : index
        %parallel_loop3A_361 = tpu.vector_load %arg9[%parallel_loop3A_358, %parallel_loop3A_359, %parallel_loop3A_360] {strides = array<i32>} : memref<2x40x128xf32, #tpu.memory_space<vmem>>, vector<16xf32>,
        tpu.vector_store %arg9[%parallel_loop3A_358, %parallel_loop3A_359, %parallel_loop3A_360], %parallel_loop3A_357 {strides = array<i32>} : memref<2x40x128xf32, #tpu.memory_space<vmem>>, vector<16xf32>,
        %parallel_loop3A_362 = arith.mulf %parallel_loop3A_245, %parallel_loop3A_345 : vector<16xf32>
        %parallel_loop3A_363 = arith.index_cast %rem3A_116 : i32 to index
        %parallel_loop3A_364 = arith.index_cast %parallel_loop3A_194 : i32 to index
        %parallel_loop3A_365 = arith.constant 48 : index
        %parallel_loop3A_366 = tpu.vector_load %arg9[%parallel_loop3A_363, %parallel_loop3A_364, %parallel_loop3A_365] {strides = array<i32>} : memref<2x40x128xf32, #tpu.memory_space<vmem>>, vector<16xf32>,
        tpu.vector_store %arg9[%parallel_loop3A_363, %parallel_loop3A_364, %parallel_loop3A_365], %parallel_loop3A_362 {strides = array<i32>} : memref<2x40x128xf32, #tpu.memory_space<vmem>>, vector<16xf32>,
        %parallel_loop3A_367 = arith.mulf %parallel_loop3A_260, %parallel_loop3A_345 : vector<16xf32>
        %parallel_loop3A_368 = arith.index_cast %rem3A_116 : i32 to index
        %parallel_loop3A_369 = arith.index_cast %parallel_loop3A_194 : i32 to index
        %parallel_loop3A_370 = arith.constant 64 : index
        %parallel_loop3A_371 = tpu.vector_load %arg9[%parallel_loop3A_368, %parallel_loop3A_369, %parallel_loop3A_370] {strides = array<i32>} : memref<2x40x128xf32, #tpu.memory_space<vmem>>, vector<16xf32>,
        tpu.vector_store %arg9[%parallel_loop3A_368, %parallel_loop3A_369, %parallel_loop3A_370], %parallel_loop3A_367 {strides = array<i32>} : memref<2x40x128xf32, #tpu.memory_space<vmem>>, vector<16xf32>,
        %parallel_loop3A_372 = arith.mulf %parallel_loop3A_275, %parallel_loop3A_345 : vector<16xf32>
        %parallel_loop3A_373 = arith.index_cast %rem3A_116 : i32 to index
        %parallel_loop3A_374 = arith.index_cast %parallel_loop3A_194 : i32 to index
        %parallel_loop3A_375 = arith.constant 80 : index
        %parallel_loop3A_376 = tpu.vector_load %arg9[%parallel_loop3A_373, %parallel_loop3A_374, %parallel_loop3A_375] {strides = array<i32>} : memref<2x40x128xf32, #tpu.memory_space<vmem>>, vector<16xf32>,
        tpu.vector_store %arg9[%parallel_loop3A_373, %parallel_loop3A_374, %parallel_loop3A_375], %parallel_loop3A_372 {strides = array<i32>} : memref<2x40x128xf32, #tpu.memory_space<vmem>>, vector<16xf32>,
        %parallel_loop3A_377 = arith.mulf %parallel_loop3A_290, %parallel_loop3A_345 : vector<16xf32>
        %parallel_loop3A_378 = arith.index_cast %rem3A_116 : i32 to index
        %parallel_loop3A_379 = arith.index_cast %parallel_loop3A_194 : i32 to index
        %parallel_loop3A_380 = arith.constant 96 : index
        %parallel_loop3A_381 = tpu.vector_load %arg9[%parallel_loop3A_378, %parallel_loop3A_379, %parallel_loop3A_380] {strides = array<i32>} : memref<2x40x128xf32, #tpu.memory_space<vmem>>, vector<16xf32>,
        tpu.vector_store %arg9[%parallel_loop3A_378, %parallel_loop3A_379, %parallel_loop3A_380], %parallel_loop3A_377 {strides = array<i32>} : memref<2x40x128xf32, #tpu.memory_space<vmem>>, vector<16xf32>,
        %parallel_loop3A_382 = arith.mulf %parallel_loop3A_305, %parallel_loop3A_345 : vector<16xf32>
        %parallel_loop3A_383 = arith.index_cast %rem3A_116 : i32 to index
        %parallel_loop3A_384 = arith.index_cast %parallel_loop3A_194 : i32 to index
        %parallel_loop3A_385 = arith.constant 112 : index
        %parallel_loop3A_386 = tpu.vector_load %arg9[%parallel_loop3A_383, %parallel_loop3A_384, %parallel_loop3A_385] {strides = array<i32>} : memref<2x40x128xf32, #tpu.memory_space<vmem>>, vector<16xf32>,
        tpu.vector_store %arg9[%parallel_loop3A_383, %parallel_loop3A_384, %parallel_loop3A_385], %parallel_loop3A_382 {strides = array<i32>} : memref<2x40x128xf32, #tpu.memory_space<vmem>>, vector<16xf32>,
      } {sc.loop_unroll_factor = 2 : i64, sc.parallel_access}
      %ge3A = arith.constant 8 : i32
      %ge3A_166 = vector.broadcast %ge3A : i32 to vector<16xi32>
      %ge3A_167 = arith.cmpi sge, %iota3A, %ge3A_166 : vector<16xi32>
      %get3A_168 = arith.constant 0 : index
      %get3A_169 = tpu.vector_load %arg15[%get3A_168] {strides = array<i32>} : memref<40xf32, #tpu.memory_space<vmem>>, vector<16xf32>,
      %get3A_170 = arith.index_cast %rem3A_118 : i32 to index
      %get3A_171 = arith.constant 0 : index
      %get3A_172 = tpu.vector_load %arg12[%get3A_170, %get3A_171] {strides = array<i32>} : memref<3x40xi32, #tpu.memory_space<vmem>>, vector<16xi32>,
      tpu.vector_store_idx %arg13[%get3A_172], %get3A_169 {add = true} : memref<10000xf32, #tpu.memory_space<vmem>>[vector<16xi32>], vector<16xf32>,
      %get3A_173 = arith.constant 16 : index
      %get3A_174 = tpu.vector_load %arg15[%get3A_173] {strides = array<i32>} : memref<40xf32, #tpu.memory_space<vmem>>, vector<16xf32>,
      %get3A_175 = arith.index_cast %rem3A_118 : i32 to index
      %get3A_176 = arith.constant 16 : index
      %get3A_177 = tpu.vector_load %arg12[%get3A_175, %get3A_176] {strides = array<i32>} : memref<3x40xi32, #tpu.memory_space<vmem>>, vector<16xi32>,
      tpu.vector_store_idx %arg13[%get3A_177], %get3A_174 {add = true} : memref<10000xf32, #tpu.memory_space<vmem>>[vector<16xi32>], vector<16xf32>,
      %get3A_178 = arith.constant 24 : index
      %get3A_179 = tpu.vector_load %arg15[%get3A_178] {strides = array<i32>} : memref<40xf32, #tpu.memory_space<vmem>>, vector<16xf32>,
      %get3A_180 = arith.index_cast %rem3A_118 : i32 to index
      %get3A_181 = arith.constant 24 : index
      %get3A_182 = tpu.vector_load %arg12[%get3A_180, %get3A_181] {strides = array<i32>} : memref<3x40xi32, #tpu.memory_space<vmem>>, vector<16xi32>,
      tpu.vector_store_idx %arg13[%get3A_182], %get3A_179 masked %ge3A_167 {add = true} : memref<10000xf32, #tpu.memory_space<vmem>>[vector<16xi32>], vector<16xf32>, vector<16xi1>
      %dma_start3A_183 = arith.constant 0 : i32
      %dma_start3A_184 = arith.constant 0 : i32
      %dma_start3A_185 = tpu.memref_slice %arg9[%rem3A_116, %dma_start3A_183, %dma_start3A_184] : memref<2x40x128xf32, #tpu.memory_space<vmem>> -> memref<1x40x128xf32, #tpu.memory_space<vmem>>
      %dma_start3A_186 = tpu.memref_squeeze %dma_start3A_185 : memref<1x40x128xf32, #tpu.memory_space<vmem>> -> memref<40x128xf32, #tpu.memory_space<vmem>>
      %dma_start3A_187 = arith.constant 0 : i32
      %dma_start3A_188 = tpu.memref_slice %arg12[%rem3A_118, %dma_start3A_187] : memref<3x40xi32, #tpu.memory_space<vmem>> -> memref<1x40xi32, #tpu.memory_space<vmem>>
      %dma_start3A_189 = tpu.memref_squeeze %dma_start3A_188 : memref<1x40xi32, #tpu.memory_space<vmem>> -> memref<40xi32, #tpu.memory_space<vmem>>
      %dma_start3A_190 = arith.constant 0 : i32
      %dma_start3A_191 = arith.constant 0 : i32
      %dma_start3A_192 = tpu.memref_slice %arg16[%dma_start3A_190, %dma_start3A_191] : memref<10000x128xf32, #tpu.memory_space<vmem_shared>> -> memref<10000x128xf32, #tpu.memory_space<vmem_shared>>
      tpu.enqueue_indirect_dma source(%dma_start3A_186 : memref<40x128xf32, #tpu.memory_space<vmem>>) target(%dma_start3A_192 : memref<10000x128xf32, #tpu.memory_space<vmem_shared>>) offsets(%dma_start3A_189 : memref<40xi32, #tpu.memory_space<vmem>>) semaphore(%arg19 : memref<!tpu.dma_semaphore, #tpu.memory_space<semaphore_mem>>) {add = true}
      %scan3A_193 = arith.constant 0 : i32
      scf.yield %scan3A_193 : i32
    }
    %scan3A_83 = arith.constant 250 : i32
    %dma_wait3A = arith.constant 1 : i32
    %dma_wait3A_84 = arith.constant 0 : i32
    %dma_wait3A_85 = arith.constant 0 : i32
    %dma_wait3A_86 = arith.constant 0 : i32
    %dma_wait3A_87 = tpu.memref_slice %arg9[%dma_wait3A, %dma_wait3A_85, %dma_wait3A_86] : memref<2x40x128xf32, #tpu.memory_space<vmem>> -> memref<1x40x128xf32, #tpu.memory_space<vmem>>
    %dma_wait3A_88 = tpu.memref_squeeze %dma_wait3A_87 : memref<1x40x128xf32, #tpu.memory_space<vmem>> -> memref<40x128xf32, #tpu.memory_space<vmem>>
    %dma_wait3A_89 = arith.constant 0 : i32
    %dma_wait3A_90 = tpu.memref_slice %arg12[%dma_wait3A_84, %dma_wait3A_89] : memref<3x40xi32, #tpu.memory_space<vmem>> -> memref<1x40xi32, #tpu.memory_space<vmem>>
    %dma_wait3A_91 = tpu.memref_squeeze %dma_wait3A_90 : memref<1x40xi32, #tpu.memory_space<vmem>> -> memref<40xi32, #tpu.memory_space<vmem>>
    %dma_wait3A_92 = arith.constant 0 : i32
    %dma_wait3A_93 = arith.constant 0 : i32
    %dma_wait3A_94 = tpu.memref_slice %arg16[%dma_wait3A_92, %dma_wait3A_93] : memref<10000x128xf32, #tpu.memory_space<vmem_shared>> -> memref<10000x128xf32, #tpu.memory_space<vmem_shared>>
    tpu.wait_indirect_dma semaphore(%arg19 : memref<!tpu.dma_semaphore, #tpu.memory_space<semaphore_mem>>) src(%dma_wait3A_88 : memref<40x128xf32, #tpu.memory_space<vmem>>) dst(%dma_wait3A_94 : memref<10000x128xf32, #tpu.memory_space<vmem_shared>>)
    "tpu.region"() ({
      %run_scoped3A_114 = tpu.sem_alloc : memref<!tpu.dma_semaphore, #tpu.memory_space<semaphore_mem>>
      %dma_start3A_115 = arith.constant 0 : i32
      %dma_start3A_116 = tpu.memref_slice %arg8[%add3A, %dma_start3A_115] : memref<32x10000xf32, #tpu.memory_space<hbm>> -> memref<1x10000xf32, #tpu.memory_space<hbm>>
      %dma_start3A_117 = tpu.memref_squeeze %dma_start3A_116 : memref<1x10000xf32, #tpu.memory_space<hbm>> -> memref<10000xf32, #tpu.memory_space<hbm>>
      %dma_start3A_118 = arith.constant 0 : i32
      %dma_start3A_119 = tpu.memref_slice %arg8[%add3A, %dma_start3A_118] : memref<32x10000xf32, #tpu.memory_space<hbm>> -> memref<1x10000xf32, #tpu.memory_space<hbm>>
      %dma_start3A_120 = tpu.memref_squeeze %dma_start3A_119 : memref<1x10000xf32, #tpu.memory_space<hbm>> -> memref<10000xf32, #tpu.memory_space<hbm>>
      tpu.enqueue_dma source(%arg13 : memref<10000xf32, #tpu.memory_space<vmem>>) target(%dma_start3A_120 : memref<10000xf32, #tpu.memory_space<hbm>>) target_semaphore(%run_scoped3A_114 : memref<!tpu.dma_semaphore, #tpu.memory_space<semaphore_mem>>)
      %dma_wait3A_121 = arith.constant 0 : i32
      %dma_wait3A_122 = tpu.memref_slice %arg8[%add3A, %dma_wait3A_121] : memref<32x10000xf32, #tpu.memory_space<hbm>> -> memref<1x10000xf32, #tpu.memory_space<hbm>>
      %dma_wait3A_123 = tpu.memref_squeeze %dma_wait3A_122 : memref<1x10000xf32, #tpu.memory_space<hbm>> -> memref<10000xf32, #tpu.memory_space<hbm>>
      %dma_wait3A_124 = arith.constant 0 : i32
      %dma_wait3A_125 = tpu.memref_slice %arg8[%add3A, %dma_wait3A_124] : memref<32x10000xf32, #tpu.memory_space<hbm>> -> memref<1x10000xf32, #tpu.memory_space<hbm>>
      %dma_wait3A_126 = tpu.memref_squeeze %dma_wait3A_125 : memref<1x10000xf32, #tpu.memory_space<hbm>> -> memref<10000xf32, #tpu.memory_space<hbm>>
      tpu.wait_dma2 semaphore(%run_scoped3A_114 : memref<!tpu.dma_semaphore, #tpu.memory_space<semaphore_mem>>) src(%arg13 : memref<10000xf32, #tpu.memory_space<vmem>>) dst(%dma_wait3A_126 : memref<10000xf32, #tpu.memory_space<hbm>>)
      tpu.yield
    }) : () -> ()
    %barrier3A_95 = arith.constant 0 : index
    tpu.barrier barrier_id(%barrier3A_95)
    %scan3A_96 = arith.constant 0 : i32
    %scan3A_97 = arith.constant 0 : i32
    %scan3A_98 = arith.constant 15 : i32
    %scan3A_99 = arith.addi %scan3A_97, %scan3A_98 : i32
    %scan3A_100 = arith.constant 1 : i32
    %scan3A_101 = scf.for %scan3A_114 = %scan3A_97 to %scan3A_99 step %scan3A_100 iter_args(%scan3A_115 = %scan3A_96) -> (i32)  : i32 {
      %mul3A_116 = arith.constant 40 : i32
      %mul3A_117 = arith.muli %scan3A_114, %mul3A_116 : i32
      %add3A_118 = arith.addi %mul3A_33, %mul3A_117 : i32
      %run_scoped3A_119 = arith.constant 0 : i32
      "tpu.region"() ({
        %run_scoped3A_122 = tpu.sem_alloc : memref<!tpu.dma_semaphore, #tpu.memory_space<semaphore_mem>>
        %dma_start3A_123 = arith.constant 0 : i32
        %dma_start3A_124 = arith.constant 0 : i32
        %dma_start3A_125 = tpu.memref_slice %arg9[%run_scoped3A_119, %dma_start3A_123, %dma_start3A_124] : memref<2x40x128xf32, #tpu.memory_space<vmem>> -> memref<1x40x128xf32, #tpu.memory_space<vmem>>
        %dma_start3A_126 = tpu.memref_squeeze %dma_start3A_125 : memref<1x40x128xf32, #tpu.memory_space<vmem>> -> memref<40x128xf32, #tpu.memory_space<vmem>>
        %dma_start3A_127 = arith.constant 0 : i32
        %dma_start3A_128 = tpu.memref_slice %arg16[%add3A_118, %dma_start3A_127] : memref<10000x128xf32, #tpu.memory_space<vmem_shared>> -> memref<40x128xf32, #tpu.memory_space<vmem_shared>>
        %dma_start3A_129 = arith.constant 0 : i32
        %dma_start3A_130 = arith.constant 0 : i32
        %dma_start3A_131 = tpu.memref_slice %arg9[%run_scoped3A_119, %dma_start3A_129, %dma_start3A_130] : memref<2x40x128xf32, #tpu.memory_space<vmem>> -> memref<1x40x128xf32, #tpu.memory_space<vmem>>
        %dma_start3A_132 = tpu.memref_squeeze %dma_start3A_131 : memref<1x40x128xf32, #tpu.memory_space<vmem>> -> memref<40x128xf32, #tpu.memory_space<vmem>>
        %dma_start3A_133 = arith.constant 0 : i32
        %dma_start3A_134 = tpu.memref_slice %arg16[%add3A_118, %dma_start3A_133] : memref<10000x128xf32, #tpu.memory_space<vmem_shared>> -> memref<40x128xf32, #tpu.memory_space<vmem_shared>>
        tpu.enqueue_dma source(%dma_start3A_134 : memref<40x128xf32, #tpu.memory_space<vmem_shared>>) target(%dma_start3A_132 : memref<40x128xf32, #tpu.memory_space<vmem>>) target_semaphore(%run_scoped3A_122 : memref<!tpu.dma_semaphore, #tpu.memory_space<semaphore_mem>>)
        %dma_wait3A_135 = arith.constant 0 : i32
        %dma_wait3A_136 = arith.constant 0 : i32
        %dma_wait3A_137 = tpu.memref_slice %arg9[%run_scoped3A_119, %dma_wait3A_135, %dma_wait3A_136] : memref<2x40x128xf32, #tpu.memory_space<vmem>> -> memref<1x40x128xf32, #tpu.memory_space<vmem>>
        %dma_wait3A_138 = tpu.memref_squeeze %dma_wait3A_137 : memref<1x40x128xf32, #tpu.memory_space<vmem>> -> memref<40x128xf32, #tpu.memory_space<vmem>>
        %dma_wait3A_139 = arith.constant 0 : i32
        %dma_wait3A_140 = tpu.memref_slice %arg16[%add3A_118, %dma_wait3A_139] : memref<10000x128xf32, #tpu.memory_space<vmem_shared>> -> memref<40x128xf32, #tpu.memory_space<vmem_shared>>
        %dma_wait3A_141 = arith.constant 0 : i32
        %dma_wait3A_142 = arith.constant 0 : i32
        %dma_wait3A_143 = tpu.memref_slice %arg9[%run_scoped3A_119, %dma_wait3A_141, %dma_wait3A_142] : memref<2x40x128xf32, #tpu.memory_space<vmem>> -> memref<1x40x128xf32, #tpu.memory_space<vmem>>
        %dma_wait3A_144 = tpu.memref_squeeze %dma_wait3A_143 : memref<1x40x128xf32, #tpu.memory_space<vmem>> -> memref<40x128xf32, #tpu.memory_space<vmem>>
        %dma_wait3A_145 = arith.constant 0 : i32
        %dma_wait3A_146 = tpu.memref_slice %arg16[%add3A_118, %dma_wait3A_145] : memref<10000x128xf32, #tpu.memory_space<vmem_shared>> -> memref<40x128xf32, #tpu.memory_space<vmem_shared>>
        tpu.wait_dma2 semaphore(%run_scoped3A_122 : memref<!tpu.dma_semaphore, #tpu.memory_space<semaphore_mem>>) src(%dma_wait3A_146 : memref<40x128xf32, #tpu.memory_space<vmem_shared>>) dst(%dma_wait3A_144 : memref<40x128xf32, #tpu.memory_space<vmem>>)
        tpu.yield
      }) : () -> ()
      %run_scoped3A_120 = arith.constant 0 : i32
      "tpu.region"() ({
        %run_scoped3A_122 = tpu.sem_alloc : memref<!tpu.dma_semaphore, #tpu.memory_space<semaphore_mem>>
        %dma_start3A_123 = arith.constant 0 : i32
        %dma_start3A_124 = arith.constant 0 : i32
        %dma_start3A_125 = tpu.memref_slice %arg9[%run_scoped3A_120, %dma_start3A_123, %dma_start3A_124] : memref<2x40x128xf32, #tpu.memory_space<vmem>> -> memref<1x40x128xf32, #tpu.memory_space<vmem>>
        %dma_start3A_126 = tpu.memref_squeeze %dma_start3A_125 : memref<1x40x128xf32, #tpu.memory_space<vmem>> -> memref<40x128xf32, #tpu.memory_space<vmem>>
        %dma_start3A_127 = arith.constant 0 : i32
        %dma_start3A_128 = tpu.memref_slice %arg7[%arg0, %add3A_118, %dma_start3A_127] : memref<2x10000x128xf32, #tpu.memory_space<hbm>> -> memref<1x40x128xf32, #tpu.memory_space<hbm>>
        %dma_start3A_129 = tpu.memref_squeeze %dma_start3A_128 : memref<1x40x128xf32, #tpu.memory_space<hbm>> -> memref<40x128xf32, #tpu.memory_space<hbm>>
        %dma_start3A_130 = arith.constant 0 : i32
        %dma_start3A_131 = tpu.memref_slice %arg7[%arg0, %add3A_118, %dma_start3A_130] : memref<2x10000x128xf32, #tpu.memory_space<hbm>> -> memref<1x40x128xf32, #tpu.memory_space<hbm>>
        %dma_start3A_132 = tpu.memref_squeeze %dma_start3A_131 : memref<1x40x128xf32, #tpu.memory_space<hbm>> -> memref<40x128xf32, #tpu.memory_space<hbm>>
        %dma_start3A_133 = arith.constant 0 : i32
        %dma_start3A_134 = arith.constant 0 : i32
        %dma_start3A_135 = tpu.memref_slice %arg9[%run_scoped3A_120, %dma_start3A_133, %dma_start3A_134] : memref<2x40x128xf32, #tpu.memory_space<vmem>> -> memref<1x40x128xf32, #tpu.memory_space<vmem>>
        %dma_start3A_136 = tpu.memref_squeeze %dma_start3A_135 : memref<1x40x128xf32, #tpu.memory_space<vmem>> -> memref<40x128xf32, #tpu.memory_space<vmem>>
        tpu.enqueue_dma source(%dma_start3A_136 : memref<40x128xf32, #tpu.memory_space<vmem>>) target(%dma_start3A_132 : memref<40x128xf32, #tpu.memory_space<hbm>>) target_semaphore(%run_scoped3A_122 : memref<!tpu.dma_semaphore, #tpu.memory_space<semaphore_mem>>)
        %dma_wait3A_137 = arith.constant 0 : i32
        %dma_wait3A_138 = arith.constant 0 : i32
        %dma_wait3A_139 = tpu.memref_slice %arg9[%run_scoped3A_120, %dma_wait3A_137, %dma_wait3A_138] : memref<2x40x128xf32, #tpu.memory_space<vmem>> -> memref<1x40x128xf32, #tpu.memory_space<vmem>>
        %dma_wait3A_140 = tpu.memref_squeeze %dma_wait3A_139 : memref<1x40x128xf32, #tpu.memory_space<vmem>> -> memref<40x128xf32, #tpu.memory_space<vmem>>
        %dma_wait3A_141 = arith.constant 0 : i32
        %dma_wait3A_142 = tpu.memref_slice %arg7[%arg0, %add3A_118, %dma_wait3A_141] : memref<2x10000x128xf32, #tpu.memory_space<hbm>> -> memref<1x40x128xf32, #tpu.memory_space<hbm>>
        %dma_wait3A_143 = tpu.memref_squeeze %dma_wait3A_142 : memref<1x40x128xf32, #tpu.memory_space<hbm>> -> memref<40x128xf32, #tpu.memory_space<hbm>>
        %dma_wait3A_144 = arith.constant 0 : i32
        %dma_wait3A_145 = tpu.memref_slice %arg7[%arg0, %add3A_118, %dma_wait3A_144] : memref<2x10000x128xf32, #tpu.memory_space<hbm>> -> memref<1x40x128xf32, #tpu.memory_space<hbm>>
        %dma_wait3A_146 = tpu.memref_squeeze %dma_wait3A_145 : memref<1x40x128xf32, #tpu.memory_space<hbm>> -> memref<40x128xf32, #tpu.memory_space<hbm>>
        %dma_wait3A_147 = arith.constant 0 : i32
        %dma_wait3A_148 = arith.constant 0 : i32
        %dma_wait3A_149 = tpu.memref_slice %arg9[%run_scoped3A_120, %dma_wait3A_147, %dma_wait3A_148] : memref<2x40x128xf32, #tpu.memory_space<vmem>> -> memref<1x40x128xf32, #tpu.memory_space<vmem>>
        %dma_wait3A_150 = tpu.memref_squeeze %dma_wait3A_149 : memref<1x40x128xf32, #tpu.memory_space<vmem>> -> memref<40x128xf32, #tpu.memory_space<vmem>>
        tpu.wait_dma2 semaphore(%run_scoped3A_122 : memref<!tpu.dma_semaphore, #tpu.memory_space<semaphore_mem>>) src(%dma_wait3A_150 : memref<40x128xf32, #tpu.memory_space<vmem>>) dst(%dma_wait3A_146 : memref<40x128xf32, #tpu.memory_space<hbm>>)
        tpu.yield
      }) : () -> ()
      %scan3A_121 = arith.constant 0 : i32
      scf.yield %scan3A_121 : i32
    }
    %scan3A_102 = arith.constant 15 : i32
    %add3A_103 = arith.constant 600 : i32
    %add3A_104 = arith.addi %mul3A_33, %add3A_103 : i32
    %run_scoped3A_105 = arith.constant 0 : i32
    "tpu.region"() ({
      %run_scoped3A_114 = tpu.sem_alloc : memref<!tpu.dma_semaphore, #tpu.memory_space<semaphore_mem>>
      %dma_start3A_115 = arith.constant 0 : i32
      %dma_start3A_116 = arith.constant 0 : i32
      %dma_start3A_117 = tpu.memref_slice %arg9[%run_scoped3A_105, %dma_start3A_115, %dma_start3A_116] : memref<2x40x128xf32, #tpu.memory_space<vmem>> -> memref<1x24x128xf32, #tpu.memory_space<vmem>>
      %dma_start3A_118 = tpu.memref_squeeze %dma_start3A_117 : memref<1x24x128xf32, #tpu.memory_space<vmem>> -> memref<24x128xf32, #tpu.memory_space<vmem>>
      %dma_start3A_119 = arith.constant 0 : i32
      %dma_start3A_120 = tpu.memref_slice %arg16[%add3A_104, %dma_start3A_119] : memref<10000x128xf32, #tpu.memory_space<vmem_shared>> -> memref<24x128xf32, #tpu.memory_space<vmem_shared>>
      %dma_start3A_121 = arith.constant 0 : i32
      %dma_start3A_122 = arith.constant 0 : i32
      %dma_start3A_123 = tpu.memref_slice %arg9[%run_scoped3A_105, %dma_start3A_121, %dma_start3A_122] : memref<2x40x128xf32, #tpu.memory_space<vmem>> -> memref<1x24x128xf32, #tpu.memory_space<vmem>>
      %dma_start3A_124 = tpu.memref_squeeze %dma_start3A_123 : memref<1x24x128xf32, #tpu.memory_space<vmem>> -> memref<24x128xf32, #tpu.memory_space<vmem>>
      %dma_start3A_125 = arith.constant 0 : i32
      %dma_start3A_126 = tpu.memref_slice %arg16[%add3A_104, %dma_start3A_125] : memref<10000x128xf32, #tpu.memory_space<vmem_shared>> -> memref<24x128xf32, #tpu.memory_space<vmem_shared>>
      tpu.enqueue_dma source(%dma_start3A_126 : memref<24x128xf32, #tpu.memory_space<vmem_shared>>) target(%dma_start3A_124 : memref<24x128xf32, #tpu.memory_space<vmem>>) target_semaphore(%run_scoped3A_114 : memref<!tpu.dma_semaphore, #tpu.memory_space<semaphore_mem>>)
      %dma_wait3A_127 = arith.constant 0 : i32
      %dma_wait3A_128 = arith.constant 0 : i32
      %dma_wait3A_129 = tpu.memref_slice %arg9[%run_scoped3A_105, %dma_wait3A_127, %dma_wait3A_128] : memref<2x40x128xf32, #tpu.memory_space<vmem>> -> memref<1x24x128xf32, #tpu.memory_space<vmem>>
      %dma_wait3A_130 = tpu.memref_squeeze %dma_wait3A_129 : memref<1x24x128xf32, #tpu.memory_space<vmem>> -> memref<24x128xf32, #tpu.memory_space<vmem>>
      %dma_wait3A_131 = arith.constant 0 : i32
      %dma_wait3A_132 = tpu.memref_slice %arg16[%add3A_104, %dma_wait3A_131] : memref<10000x128xf32, #tpu.memory_space<vmem_shared>> -> memref<24x128xf32, #tpu.memory_space<vmem_shared>>
      %dma_wait3A_133 = arith.constant 0 : i32
      %dma_wait3A_134 = arith.constant 0 : i32
      %dma_wait3A_135 = tpu.memref_slice %arg9[%run_scoped3A_105, %dma_wait3A_133, %dma_wait3A_134] : memref<2x40x128xf32, #tpu.memory_space<vmem>> -> memref<1x24x128xf32, #tpu.memory_space<vmem>>
      %dma_wait3A_136 = tpu.memref_squeeze %dma_wait3A_135 : memref<1x24x128xf32, #tpu.memory_space<vmem>> -> memref<24x128xf32, #tpu.memory_space<vmem>>
      %dma_wait3A_137 = arith.constant 0 : i32
      %dma_wait3A_138 = tpu.memref_slice %arg16[%add3A_104, %dma_wait3A_137] : memref<10000x128xf32, #tpu.memory_space<vmem_shared>> -> memref<24x128xf32, #tpu.memory_space<vmem_shared>>
      tpu.wait_dma2 semaphore(%run_scoped3A_114 : memref<!tpu.dma_semaphore, #tpu.memory_space<semaphore_mem>>) src(%dma_wait3A_138 : memref<24x128xf32, #tpu.memory_space<vmem_shared>>) dst(%dma_wait3A_136 : memref<24x128xf32, #tpu.memory_space<vmem>>)
      tpu.yield
    }) : () -> ()
    %add3A_106 = arith.constant 600 : i32
    %add3A_107 = arith.addi %mul3A_33, %add3A_106 : i32
    %run_scoped3A_108 = arith.constant 0 : i32
    "tpu.region"() ({
      %run_scoped3A_114 = tpu.sem_alloc : memref<!tpu.dma_semaphore, #tpu.memory_space<semaphore_mem>>
      %dma_start3A_115 = arith.constant 0 : i32
      %dma_start3A_116 = arith.constant 0 : i32
      %dma_start3A_117 = tpu.memref_slice %arg9[%run_scoped3A_108, %dma_start3A_115, %dma_start3A_116] : memref<2x40x128xf32, #tpu.memory_space<vmem>> -> memref<1x24x128xf32, #tpu.memory_space<vmem>>
      %dma_start3A_118 = tpu.memref_squeeze %dma_start3A_117 : memref<1x24x128xf32, #tpu.memory_space<vmem>> -> memref<24x128xf32, #tpu.memory_space<vmem>>
      %dma_start3A_119 = arith.constant 0 : i32
      %dma_start3A_120 = tpu.memref_slice %arg7[%arg0, %add3A_107, %dma_start3A_119] : memref<2x10000x128xf32, #tpu.memory_space<hbm>> -> memref<1x24x128xf32, #tpu.memory_space<hbm>>
      %dma_start3A_121 = tpu.memref_squeeze %dma_start3A_120 : memref<1x24x128xf32, #tpu.memory_space<hbm>> -> memref<24x128xf32, #tpu.memory_space<hbm>>
      %dma_start3A_122 = arith.constant 0 : i32
      %dma_start3A_123 = tpu.memref_slice %arg7[%arg0, %add3A_107, %dma_start3A_122] : memref<2x10000x128xf32, #tpu.memory_space<hbm>> -> memref<1x24x128xf32, #tpu.memory_space<hbm>>
      %dma_start3A_124 = tpu.memref_squeeze %dma_start3A_123 : memref<1x24x128xf32, #tpu.memory_space<hbm>> -> memref<24x128xf32, #tpu.memory_space<hbm>>
      %dma_start3A_125 = arith.constant 0 : i32
      %dma_start3A_126 = arith.constant 0 : i32
      %dma_start3A_127 = tpu.memref_slice %arg9[%run_scoped3A_108, %dma_start3A_125, %dma_start3A_126] : memref<2x40x128xf32, #tpu.memory_space<vmem>> -> memref<1x24x128xf32, #tpu.memory_space<vmem>>
      %dma_start3A_128 = tpu.memref_squeeze %dma_start3A_127 : memref<1x24x128xf32, #tpu.memory_space<vmem>> -> memref<24x128xf32, #tpu.memory_space<vmem>>
      tpu.enqueue_dma source(%dma_start3A_128 : memref<24x128xf32, #tpu.memory_space<vmem>>) target(%dma_start3A_124 : memref<24x128xf32, #tpu.memory_space<hbm>>) target_semaphore(%run_scoped3A_114 : memref<!tpu.dma_semaphore, #tpu.memory_space<semaphore_mem>>)
      %dma_wait3A_129 = arith.constant 0 : i32
      %dma_wait3A_130 = arith.constant 0 : i32
      %dma_wait3A_131 = tpu.memref_slice %arg9[%run_scoped3A_108, %dma_wait3A_129, %dma_wait3A_130] : memref<2x40x128xf32, #tpu.memory_space<vmem>> -> memref<1x24x128xf32, #tpu.memory_space<vmem>>
      %dma_wait3A_132 = tpu.memref_squeeze %dma_wait3A_131 : memref<1x24x128xf32, #tpu.memory_space<vmem>> -> memref<24x128xf32, #tpu.memory_space<vmem>>
      %dma_wait3A_133 = arith.constant 0 : i32
      %dma_wait3A_134 = tpu.memref_slice %arg7[%arg0, %add3A_107, %dma_wait3A_133] : memref<2x10000x128xf32, #tpu.memory_space<hbm>> -> memref<1x24x128xf32, #tpu.memory_space<hbm>>
      %dma_wait3A_135 = tpu.memref_squeeze %dma_wait3A_134 : memref<1x24x128xf32, #tpu.memory_space<hbm>> -> memref<24x128xf32, #tpu.memory_space<hbm>>
      %dma_wait3A_136 = arith.constant 0 : i32
      %dma_wait3A_137 = tpu.memref_slice %arg7[%arg0, %add3A_107, %dma_wait3A_136] : memref<2x10000x128xf32, #tpu.memory_space<hbm>> -> memref<1x24x128xf32, #tpu.memory_space<hbm>>
      %dma_wait3A_138 = tpu.memref_squeeze %dma_wait3A_137 : memref<1x24x128xf32, #tpu.memory_space<hbm>> -> memref<24x128xf32, #tpu.memory_space<hbm>>
      %dma_wait3A_139 = arith.constant 0 : i32
      %dma_wait3A_140 = arith.constant 0 : i32
      %dma_wait3A_141 = tpu.memref_slice %arg9[%run_scoped3A_108, %dma_wait3A_139, %dma_wait3A_140] : memref<2x40x128xf32, #tpu.memory_space<vmem>> -> memref<1x24x128xf32, #tpu.memory_space<vmem>>
      %dma_wait3A_142 = tpu.memref_squeeze %dma_wait3A_141 : memref<1x24x128xf32, #tpu.memory_space<vmem>> -> memref<24x128xf32, #tpu.memory_space<vmem>>
      tpu.wait_dma2 semaphore(%run_scoped3A_114 : memref<!tpu.dma_semaphore, #tpu.memory_space<semaphore_mem>>) src(%dma_wait3A_142 : memref<24x128xf32, #tpu.memory_space<vmem>>) dst(%dma_wait3A_138 : memref<24x128xf32, #tpu.memory_space<hbm>>)
      tpu.yield
    }) : () -> ()
    %eq3A_109 = arith.constant 15 : i32
    %eq3A_110 = arith.cmpi eq, %arg1, %eq3A_109 : i32
    %convert_element_type3A_111 = arith.extui %eq3A_110 : i1 to i32
    %cond3A_112 = arith.constant 0 : i32
    %cond3A_113 = arith.cmpi ne, %convert_element_type3A_111, %cond3A_112 : i32
    scf.if %cond3A_113 {
      %run_scoped3A_114 = arith.constant 0 : i32
      "tpu.region"() ({
        %run_scoped3A_116 = tpu.sem_alloc : memref<!tpu.dma_semaphore, #tpu.memory_space<semaphore_mem>>
        %dma_start3A_117 = arith.constant 0 : i32
        %dma_start3A_118 = arith.constant 0 : i32
        %dma_start3A_119 = tpu.memref_slice %arg9[%run_scoped3A_114, %dma_start3A_117, %dma_start3A_118] : memref<2x40x128xf32, #tpu.memory_space<vmem>> -> memref<1x16x128xf32, #tpu.memory_space<vmem>>
        %dma_start3A_120 = tpu.memref_squeeze %dma_start3A_119 : memref<1x16x128xf32, #tpu.memory_space<vmem>> -> memref<16x128xf32, #tpu.memory_space<vmem>>
        %dma_start3A_121 = arith.constant 9984 : i32
        %dma_start3A_122 = arith.constant 0 : i32
        %dma_start3A_123 = tpu.memref_slice %arg16[%dma_start3A_121, %dma_start3A_122] : memref<10000x128xf32, #tpu.memory_space<vmem_shared>> -> memref<16x128xf32, #tpu.memory_space<vmem_shared>>
        %dma_start3A_124 = arith.constant 0 : i32
        %dma_start3A_125 = arith.constant 0 : i32
        %dma_start3A_126 = tpu.memref_slice %arg9[%run_scoped3A_114, %dma_start3A_124, %dma_start3A_125] : memref<2x40x128xf32, #tpu.memory_space<vmem>> -> memref<1x16x128xf32, #tpu.memory_space<vmem>>
        %dma_start3A_127 = tpu.memref_squeeze %dma_start3A_126 : memref<1x16x128xf32, #tpu.memory_space<vmem>> -> memref<16x128xf32, #tpu.memory_space<vmem>>
        %dma_start3A_128 = arith.constant 9984 : i32
        %dma_start3A_129 = arith.constant 0 : i32
        %dma_start3A_130 = tpu.memref_slice %arg16[%dma_start3A_128, %dma_start3A_129] : memref<10000x128xf32, #tpu.memory_space<vmem_shared>> -> memref<16x128xf32, #tpu.memory_space<vmem_shared>>
        tpu.enqueue_dma source(%dma_start3A_130 : memref<16x128xf32, #tpu.memory_space<vmem_shared>>) target(%dma_start3A_127 : memref<16x128xf32, #tpu.memory_space<vmem>>) target_semaphore(%run_scoped3A_116 : memref<!tpu.dma_semaphore, #tpu.memory_space<semaphore_mem>>)
        %dma_wait3A_131 = arith.constant 0 : i32
        %dma_wait3A_132 = arith.constant 0 : i32
        %dma_wait3A_133 = tpu.memref_slice %arg9[%run_scoped3A_114, %dma_wait3A_131, %dma_wait3A_132] : memref<2x40x128xf32, #tpu.memory_space<vmem>> -> memref<1x16x128xf32, #tpu.memory_space<vmem>>
        %dma_wait3A_134 = tpu.memref_squeeze %dma_wait3A_133 : memref<1x16x128xf32, #tpu.memory_space<vmem>> -> memref<16x128xf32, #tpu.memory_space<vmem>>
        %dma_wait3A_135 = arith.constant 9984 : i32
        %dma_wait3A_136 = arith.constant 0 : i32
        %dma_wait3A_137 = tpu.memref_slice %arg16[%dma_wait3A_135, %dma_wait3A_136] : memref<10000x128xf32, #tpu.memory_space<vmem_shared>> -> memref<16x128xf32, #tpu.memory_space<vmem_shared>>
        %dma_wait3A_138 = arith.constant 0 : i32
        %dma_wait3A_139 = arith.constant 0 : i32
        %dma_wait3A_140 = tpu.memref_slice %arg9[%run_scoped3A_114, %dma_wait3A_138, %dma_wait3A_139] : memref<2x40x128xf32, #tpu.memory_space<vmem>> -> memref<1x16x128xf32, #tpu.memory_space<vmem>>
        %dma_wait3A_141 = tpu.memref_squeeze %dma_wait3A_140 : memref<1x16x128xf32, #tpu.memory_space<vmem>> -> memref<16x128xf32, #tpu.memory_space<vmem>>
        %dma_wait3A_142 = arith.constant 9984 : i32
        %dma_wait3A_143 = arith.constant 0 : i32
        %dma_wait3A_144 = tpu.memref_slice %arg16[%dma_wait3A_142, %dma_wait3A_143] : memref<10000x128xf32, #tpu.memory_space<vmem_shared>> -> memref<16x128xf32, #tpu.memory_space<vmem_shared>>
        tpu.wait_dma2 semaphore(%run_scoped3A_116 : memref<!tpu.dma_semaphore, #tpu.memory_space<semaphore_mem>>) src(%dma_wait3A_144 : memref<16x128xf32, #tpu.memory_space<vmem_shared>>) dst(%dma_wait3A_141 : memref<16x128xf32, #tpu.memory_space<vmem>>)
        tpu.yield
      }) : () -> ()
      %run_scoped3A_115 = arith.constant 0 : i32
      "tpu.region"() ({
        %run_scoped3A_116 = tpu.sem_alloc : memref<!tpu.dma_semaphore, #tpu.memory_space<semaphore_mem>>
        %dma_start3A_117 = arith.constant 0 : i32
        %dma_start3A_118 = arith.constant 0 : i32
        %dma_start3A_119 = tpu.memref_slice %arg9[%run_scoped3A_115, %dma_start3A_117, %dma_start3A_118] : memref<2x40x128xf32, #tpu.memory_space<vmem>> -> memref<1x16x128xf32, #tpu.memory_space<vmem>>
        %dma_start3A_120 = tpu.memref_squeeze %dma_start3A_119 : memref<1x16x128xf32, #tpu.memory_space<vmem>> -> memref<16x128xf32, #tpu.memory_space<vmem>>
        %dma_start3A_121 = arith.constant 9984 : i32
        %dma_start3A_122 = arith.constant 0 : i32
        %dma_start3A_123 = tpu.memref_slice %arg7[%arg0, %dma_start3A_121, %dma_start3A_122] : memref<2x10000x128xf32, #tpu.memory_space<hbm>> -> memref<1x16x128xf32, #tpu.memory_space<hbm>>
        %dma_start3A_124 = tpu.memref_squeeze %dma_start3A_123 : memref<1x16x128xf32, #tpu.memory_space<hbm>> -> memref<16x128xf32, #tpu.memory_space<hbm>>
        %dma_start3A_125 = arith.constant 9984 : i32
        %dma_start3A_126 = arith.constant 0 : i32
        %dma_start3A_127 = tpu.memref_slice %arg7[%arg0, %dma_start3A_125, %dma_start3A_126] : memref<2x10000x128xf32, #tpu.memory_space<hbm>> -> memref<1x16x128xf32, #tpu.memory_space<hbm>>
        %dma_start3A_128 = tpu.memref_squeeze %dma_start3A_127 : memref<1x16x128xf32, #tpu.memory_space<hbm>> -> memref<16x128xf32, #tpu.memory_space<hbm>>
        %dma_start3A_129 = arith.constant 0 : i32
        %dma_start3A_130 = arith.constant 0 : i32
        %dma_start3A_131 = tpu.memref_slice %arg9[%run_scoped3A_115, %dma_start3A_129, %dma_start3A_130] : memref<2x40x128xf32, #tpu.memory_space<vmem>> -> memref<1x16x128xf32, #tpu.memory_space<vmem>>
        %dma_start3A_132 = tpu.memref_squeeze %dma_start3A_131 : memref<1x16x128xf32, #tpu.memory_space<vmem>> -> memref<16x128xf32, #tpu.memory_space<vmem>>
        tpu.enqueue_dma source(%dma_start3A_132 : memref<16x128xf32, #tpu.memory_space<vmem>>) target(%dma_start3A_128 : memref<16x128xf32, #tpu.memory_space<hbm>>) target_semaphore(%run_scoped3A_116 : memref<!tpu.dma_semaphore, #tpu.memory_space<semaphore_mem>>)
        %dma_wait3A_133 = arith.constant 0 : i32
        %dma_wait3A_134 = arith.constant 0 : i32
        %dma_wait3A_135 = tpu.memref_slice %arg9[%run_scoped3A_115, %dma_wait3A_133, %dma_wait3A_134] : memref<2x40x128xf32, #tpu.memory_space<vmem>> -> memref<1x16x128xf32, #tpu.memory_space<vmem>>
        %dma_wait3A_136 = tpu.memref_squeeze %dma_wait3A_135 : memref<1x16x128xf32, #tpu.memory_space<vmem>> -> memref<16x128xf32, #tpu.memory_space<vmem>>
        %dma_wait3A_137 = arith.constant 9984 : i32
        %dma_wait3A_138 = arith.constant 0 : i32
        %dma_wait3A_139 = tpu.memref_slice %arg7[%arg0, %dma_wait3A_137, %dma_wait3A_138] : memref<2x10000x128xf32, #tpu.memory_space<hbm>> -> memref<1x16x128xf32, #tpu.memory_space<hbm>>
        %dma_wait3A_140 = tpu.memref_squeeze %dma_wait3A_139 : memref<1x16x128xf32, #tpu.memory_space<hbm>> -> memref<16x128xf32, #tpu.memory_space<hbm>>
        %dma_wait3A_141 = arith.constant 9984 : i32
        %dma_wait3A_142 = arith.constant 0 : i32
        %dma_wait3A_143 = tpu.memref_slice %arg7[%arg0, %dma_wait3A_141, %dma_wait3A_142] : memref<2x10000x128xf32, #tpu.memory_space<hbm>> -> memref<1x16x128xf32, #tpu.memory_space<hbm>>
        %dma_wait3A_144 = tpu.memref_squeeze %dma_wait3A_143 : memref<1x16x128xf32, #tpu.memory_space<hbm>> -> memref<16x128xf32, #tpu.memory_space<hbm>>
        %dma_wait3A_145 = arith.constant 0 : i32
        %dma_wait3A_146 = arith.constant 0 : i32
        %dma_wait3A_147 = tpu.memref_slice %arg9[%run_scoped3A_115, %dma_wait3A_145, %dma_wait3A_146] : memref<2x40x128xf32, #tpu.memory_space<vmem>> -> memref<1x16x128xf32, #tpu.memory_space<vmem>>
        %dma_wait3A_148 = tpu.memref_squeeze %dma_wait3A_147 : memref<1x16x128xf32, #tpu.memory_space<vmem>> -> memref<16x128xf32, #tpu.memory_space<vmem>>
        tpu.wait_dma2 semaphore(%run_scoped3A_116 : memref<!tpu.dma_semaphore, #tpu.memory_space<semaphore_mem>>) src(%dma_wait3A_148 : memref<16x128xf32, #tpu.memory_space<vmem>>) dst(%dma_wait3A_144 : memref<16x128xf32, #tpu.memory_space<hbm>>)
        tpu.yield
      }) : () -> ()
    } else {
    }
    return
  }
}

module attributes {stable_mosaic.version = 14 : i64} {
  func.func @_fin_body(%arg0: memref<2x10000x128xf32, #tpu.memory_space<vmem>>, %arg1: memref<32x10000xf32, #tpu.memory_space<vmem>>, %arg2: memref<128xf32, #tpu.memory_space<vmem>>, %arg3: memref<10000x128xf32, #tpu.memory_space<vmem>>) attributes {dimension_semantics = [], scalar_prefetch = 0 : i64, scratch_operands = 0 : i64, tpu.core_type = #tpu.core_type<tc>} {
    %get3A = arith.constant 0 : index
    %get3A_0 = arith.constant 0 : index
    %get3A_1 = arith.constant 0 : index
    %get3A_2 = vector.load %arg0[%get3A, %get3A_0, %get3A_1] : memref<2x10000x128xf32, #tpu.memory_space<vmem>>, vector<1x10000x128xf32>
    %get3A_3 = vector.shape_cast %get3A_2 : vector<1x10000x128xf32> to vector<10000x128xf32>
    %get3A_4 = arith.constant 1 : index
    %get3A_5 = arith.constant 0 : index
    %get3A_6 = arith.constant 0 : index
    %get3A_7 = vector.load %arg0[%get3A_4, %get3A_5, %get3A_6] : memref<2x10000x128xf32, #tpu.memory_space<vmem>>, vector<1x10000x128xf32>
    %get3A_8 = vector.shape_cast %get3A_7 : vector<1x10000x128xf32> to vector<10000x128xf32>
    %add3A = arith.addf %get3A_3, %get3A_8 : vector<10000x128xf32>
    %get3A_9 = arith.constant 0 : index
    %get3A_10 = arith.constant 0 : index
    %get3A_11 = vector.load %arg1[%get3A_9, %get3A_10] : memref<32x10000xf32, #tpu.memory_space<vmem>>, vector<32x10000xf32>
    %reduce_sum3A = arith.constant dense<0.000000e+00> : vector<10000xf32>
    %reduce_sum3A_12 = vector.multi_reduction <add>, %get3A_11, %reduce_sum3A [0] : vector<32x10000xf32> to vector<10000xf32>
    %broadcast_in_dim3A = vector.shape_cast %reduce_sum3A_12 : vector<10000xf32> to vector<10000x1xf32>
    %add3A_13 = arith.constant 1.000000e-16 : f32
    %add3A_14 = vector.broadcast %add3A_13 : f32 to vector<10000x1xf32>
    %add3A_15 = arith.addf %broadcast_in_dim3A, %add3A_14 : vector<10000x1xf32>
    %div3A = vector.broadcast %add3A_15 : vector<10000x1xf32> to vector<10000x128xf32>
    %div3A_16 = arith.divf %add3A, %div3A : vector<10000x128xf32>
    %get3A_17 = arith.constant 0 : index
    %get3A_18 = vector.load %arg2[%get3A_17] : memref<128xf32, #tpu.memory_space<vmem>>, vector<128xf32>
    %broadcast_in_dim3A_19 = vector.shape_cast %get3A_18 : vector<128xf32> to vector<1x128xf32>
    %add3A_20 = vector.broadcast %broadcast_in_dim3A_19 : vector<1x128xf32> to vector<10000x128xf32>
    %add3A_21 = arith.addf %div3A_16, %add3A_20 : vector<10000x128xf32>
    %reduce_sum3A_22 = arith.constant dense<0.000000e+00> : vector<128xf32>
    %reduce_sum3A_23 = vector.multi_reduction <add>, %add3A_21, %reduce_sum3A_22 [0] : vector<10000x128xf32> to vector<128xf32>
    %broadcast_in_dim3A_24 = vector.shape_cast %reduce_sum3A_23 : vector<128xf32> to vector<1x128xf32>
    %div3A_25 = arith.constant 1.000000e+04 : f32
    %div3A_26 = vector.broadcast %div3A_25 : f32 to vector<1x128xf32>
    %div3A_27 = arith.divf %broadcast_in_dim3A_24, %div3A_26 : vector<1x128xf32>
    %sub3A = vector.broadcast %div3A_27 : vector<1x128xf32> to vector<10000x128xf32>
    %sub3A_28 = arith.subf %add3A_21, %sub3A : vector<10000x128xf32>
    %mul3A = arith.mulf %sub3A_28, %sub3A_28 : vector<10000x128xf32>
    %reduce_sum3A_29 = arith.constant dense<0.000000e+00> : vector<10000xf32>
    %reduce_sum3A_30 = vector.multi_reduction <add>, %mul3A, %reduce_sum3A_29 [1] : vector<10000x128xf32> to vector<10000xf32>
    %reduce_sum3A_31 = vector.shape_cast %reduce_sum3A_30 : vector<10000xf32> to vector<1x10000xf32>
    %reduce_sum3A_32 = arith.constant dense<0.000000e+00> : vector<1xf32>
    %reduce_sum3A_33 = vector.multi_reduction <add>, %reduce_sum3A_31, %reduce_sum3A_32 [1] : vector<1x10000xf32> to vector<1xf32>
    %reduce_sum3A_34 = vector.shape_cast %reduce_sum3A_33 : vector<1xf32> to vector<1x1xf32>
    %reduce_sum3A_35 = vector.extract %reduce_sum3A_34[0, 0] : f32 from vector<1x1xf32>
    %div3A_36 = arith.constant 1.000000e+04 : f32
    %div3A_37 = arith.divf %reduce_sum3A_35, %div3A_36 : f32
    %add3A_38 = arith.constant 9.99999974E-6 : f32
    %add3A_39 = arith.addf %add3A_38, %div3A_37 : f32
    %sqrt3A = math.sqrt %add3A_39 : f32
    %div3A_40 = vector.broadcast %sqrt3A : f32 to vector<10000x128xf32>
    %div3A_41 = arith.divf %sub3A_28, %div3A_40 : vector<10000x128xf32>
    %max3A = arith.constant 0.000000e+00 : f32
    %max3A_42 = vector.broadcast %max3A : f32 to vector<10000x128xf32>
    %max3A_43 = arith.maximumf %div3A_41, %max3A_42 : vector<10000x128xf32>
    %swap3A = arith.constant 0 : index
    %swap3A_44 = arith.constant 0 : index
    %swap3A_45 = vector.load %arg3[%swap3A, %swap3A_44] : memref<10000x128xf32, #tpu.memory_space<vmem>>, vector<10000x128xf32>
    tpu.vector_store %arg3[%swap3A, %swap3A_44], %max3A_43 {strides = array<i32>} : memref<10000x128xf32, #tpu.memory_space<vmem>>, vector<10000x128xf32>,
    return
  }
}

module attributes {stable_mosaic.version = 14 : i64} {
  func.func @_mm_body(%arg0: memref<10000x128xf32, #tpu.memory_space<vmem>>, %arg1: memref<128x128xf32, #tpu.memory_space<vmem>>, %arg2: memref<128x128xf32, #tpu.memory_space<vmem>>, %arg3: memref<10000x128xf32, #tpu.memory_space<vmem>>, %arg4: memref<10000x128xf32, #tpu.memory_space<vmem>>) attributes {dimension_semantics = [], scalar_prefetch = 0 : i64, scratch_operands = 0 : i64, tpu.core_type = #tpu.core_type<tc>} {
    %get3A = arith.constant 0 : index
    %get3A_0 = arith.constant 0 : index
    %get3A_1 = vector.load %arg0[%get3A, %get3A_0] : memref<10000x128xf32, #tpu.memory_space<vmem>>, vector<10000x128xf32>
    %get3A_2 = arith.constant 0 : index
    %get3A_3 = arith.constant 0 : index
    %get3A_4 = vector.load %arg1[%get3A_2, %get3A_3] : memref<128x128xf32, #tpu.memory_space<vmem>>, vector<128x128xf32>
    %dot_general3A = arith.constant dense<0.000000e+00> : vector<10000x128xf32>
    %dot_general3A_5 = tpu.matmul %get3A_1, %get3A_4, %dot_general3A {dimension_numbers = #tpu.dot_dimension_numbers<[1], [0], [0], [1], [0, 0, 1, 1], [], []>, transpose_lhs_hint = false} : vector<10000x128xf32>, vector<128x128xf32>, vector<10000x128xf32> -> vector<10000x128xf32>
    %swap3A = arith.constant 0 : index
    %swap3A_6 = arith.constant 0 : index
    %swap3A_7 = vector.load %arg3[%swap3A, %swap3A_6] : memref<10000x128xf32, #tpu.memory_space<vmem>>, vector<10000x128xf32>
    tpu.vector_store %arg3[%swap3A, %swap3A_6], %dot_general3A_5 {strides = array<i32>} : memref<10000x128xf32, #tpu.memory_space<vmem>>, vector<10000x128xf32>,
    %get3A_8 = arith.constant 0 : index
    %get3A_9 = arith.constant 0 : index
    %get3A_10 = vector.load %arg2[%get3A_8, %get3A_9] : memref<128x128xf32, #tpu.memory_space<vmem>>, vector<128x128xf32>
    %dot_general3A_11 = arith.constant dense<0.000000e+00> : vector<10000x128xf32>
    %dot_general3A_12 = tpu.matmul %get3A_1, %get3A_10, %dot_general3A_11 {dimension_numbers = #tpu.dot_dimension_numbers<[1], [0], [0], [1], [0, 0, 1, 1], [], []>, transpose_lhs_hint = false} : vector<10000x128xf32>, vector<128x128xf32>, vector<10000x128xf32> -> vector<10000x128xf32>
    %swap3A_13 = arith.constant 0 : index
    %swap3A_14 = arith.constant 0 : index
    %swap3A_15 = vector.load %arg4[%swap3A_13, %swap3A_14] : memref<10000x128xf32, #tpu.memory_space<vmem>>, vector<10000x128xf32>
    tpu.vector_store %arg4[%swap3A_13, %swap3A_14], %dot_general3A_12 {strides = array<i32>} : memref<10000x128xf32, #tpu.memory_space<vmem>>, vector<10000x128xf32>,
    return
  }
}

module attributes {stable_mosaic.version = 14 : i64} {
  func.func @_fin_body(%arg0: memref<2x10000x128xf32, #tpu.memory_space<vmem>>, %arg1: memref<32x10000xf32, #tpu.memory_space<vmem>>, %arg2: memref<128xf32, #tpu.memory_space<vmem>>, %arg3: memref<10000x128xf32, #tpu.memory_space<vmem>>) attributes {dimension_semantics = [], scalar_prefetch = 0 : i64, scratch_operands = 0 : i64, tpu.core_type = #tpu.core_type<tc>} {
    %get3A = arith.constant 0 : index
    %get3A_0 = arith.constant 0 : index
    %get3A_1 = arith.constant 0 : index
    %get3A_2 = vector.load %arg0[%get3A, %get3A_0, %get3A_1] : memref<2x10000x128xf32, #tpu.memory_space<vmem>>, vector<1x10000x128xf32>
    %get3A_3 = vector.shape_cast %get3A_2 : vector<1x10000x128xf32> to vector<10000x128xf32>
    %get3A_4 = arith.constant 1 : index
    %get3A_5 = arith.constant 0 : index
    %get3A_6 = arith.constant 0 : index
    %get3A_7 = vector.load %arg0[%get3A_4, %get3A_5, %get3A_6] : memref<2x10000x128xf32, #tpu.memory_space<vmem>>, vector<1x10000x128xf32>
    %get3A_8 = vector.shape_cast %get3A_7 : vector<1x10000x128xf32> to vector<10000x128xf32>
    %add3A = arith.addf %get3A_3, %get3A_8 : vector<10000x128xf32>
    %get3A_9 = arith.constant 0 : index
    %get3A_10 = arith.constant 0 : index
    %get3A_11 = vector.load %arg1[%get3A_9, %get3A_10] : memref<32x10000xf32, #tpu.memory_space<vmem>>, vector<32x10000xf32>
    %reduce_sum3A = arith.constant dense<0.000000e+00> : vector<10000xf32>
    %reduce_sum3A_12 = vector.multi_reduction <add>, %get3A_11, %reduce_sum3A [0] : vector<32x10000xf32> to vector<10000xf32>
    %broadcast_in_dim3A = vector.shape_cast %reduce_sum3A_12 : vector<10000xf32> to vector<10000x1xf32>
    %add3A_13 = arith.constant 1.000000e-16 : f32
    %add3A_14 = vector.broadcast %add3A_13 : f32 to vector<10000x1xf32>
    %add3A_15 = arith.addf %broadcast_in_dim3A, %add3A_14 : vector<10000x1xf32>
    %div3A = vector.broadcast %add3A_15 : vector<10000x1xf32> to vector<10000x128xf32>
    %div3A_16 = arith.divf %add3A, %div3A : vector<10000x128xf32>
    %get3A_17 = arith.constant 0 : index
    %get3A_18 = vector.load %arg2[%get3A_17] : memref<128xf32, #tpu.memory_space<vmem>>, vector<128xf32>
    %broadcast_in_dim3A_19 = vector.shape_cast %get3A_18 : vector<128xf32> to vector<1x128xf32>
    %add3A_20 = vector.broadcast %broadcast_in_dim3A_19 : vector<1x128xf32> to vector<10000x128xf32>
    %add3A_21 = arith.addf %div3A_16, %add3A_20 : vector<10000x128xf32>
    %reduce_sum3A_22 = arith.constant dense<0.000000e+00> : vector<128xf32>
    %reduce_sum3A_23 = vector.multi_reduction <add>, %add3A_21, %reduce_sum3A_22 [0] : vector<10000x128xf32> to vector<128xf32>
    %broadcast_in_dim3A_24 = vector.shape_cast %reduce_sum3A_23 : vector<128xf32> to vector<1x128xf32>
    %div3A_25 = arith.constant 1.000000e+04 : f32
    %div3A_26 = vector.broadcast %div3A_25 : f32 to vector<1x128xf32>
    %div3A_27 = arith.divf %broadcast_in_dim3A_24, %div3A_26 : vector<1x128xf32>
    %sub3A = vector.broadcast %div3A_27 : vector<1x128xf32> to vector<10000x128xf32>
    %sub3A_28 = arith.subf %add3A_21, %sub3A : vector<10000x128xf32>
    %mul3A = arith.mulf %sub3A_28, %sub3A_28 : vector<10000x128xf32>
    %reduce_sum3A_29 = arith.constant dense<0.000000e+00> : vector<10000xf32>
    %reduce_sum3A_30 = vector.multi_reduction <add>, %mul3A, %reduce_sum3A_29 [1] : vector<10000x128xf32> to vector<10000xf32>
    %reduce_sum3A_31 = vector.shape_cast %reduce_sum3A_30 : vector<10000xf32> to vector<1x10000xf32>
    %reduce_sum3A_32 = arith.constant dense<0.000000e+00> : vector<1xf32>
    %reduce_sum3A_33 = vector.multi_reduction <add>, %reduce_sum3A_31, %reduce_sum3A_32 [1] : vector<1x10000xf32> to vector<1xf32>
    %reduce_sum3A_34 = vector.shape_cast %reduce_sum3A_33 : vector<1xf32> to vector<1x1xf32>
    %reduce_sum3A_35 = vector.extract %reduce_sum3A_34[0, 0] : f32 from vector<1x1xf32>
    %div3A_36 = arith.constant 1.000000e+04 : f32
    %div3A_37 = arith.divf %reduce_sum3A_35, %div3A_36 : f32
    %add3A_38 = arith.constant 9.99999974E-6 : f32
    %add3A_39 = arith.addf %add3A_38, %div3A_37 : f32
    %sqrt3A = math.sqrt %add3A_39 : f32
    %div3A_40 = vector.broadcast %sqrt3A : f32 to vector<10000x128xf32>
    %div3A_41 = arith.divf %sub3A_28, %div3A_40 : vector<10000x128xf32>
    %max3A = arith.constant 0.000000e+00 : f32
    %max3A_42 = vector.broadcast %max3A : f32 to vector<10000x128xf32>
    %max3A_43 = arith.maximumf %div3A_41, %max3A_42 : vector<10000x128xf32>
    %swap3A = arith.constant 0 : index
    %swap3A_44 = arith.constant 0 : index
    %swap3A_45 = vector.load %arg3[%swap3A, %swap3A_44] : memref<10000x128xf32, #tpu.memory_space<vmem>>, vector<10000x128xf32>
    tpu.vector_store %arg3[%swap3A, %swap3A_44], %max3A_43 {strides = array<i32>} : memref<10000x128xf32, #tpu.memory_space<vmem>>, vector<10000x128xf32>,
    return
  }
}

</mosaic_0001>

<sc_bundles>
// kernel: kernel.11.cloned.1.call-start
scs
__scs_entry_jumppad:
0x0: {  	(pc) =	sbr.rel $0x88, $3  }
0x1: {  	(tag) =	ssettag $0x0;
	lr =	simm.s32 $0x1  }
0x2: {  	[smem:$0x3F97] =	sst lr;
	_ =	strace $0xD0000000  }
0x3: {  	_ = 	snop  }
0x4: {  	_ = 	snop  }
0x5: {  	_ = 	snop  }
0x6: {  	_ = 	snop  }
0x7: {  	_ = 	snop  }
__scs_overlays_trampoline_lowered:
0x8: {  	[smem:$0x3FA6] =	sst s0  }
0x9: {  	[smem:$0x3FA7] =	sst s1  }
0xa: {  	[smem:$0x3FA8] =	sst s2  }
0xb: {  	[smem:$0x3FA9] =	sst s3  }
0xc: {  	[smem:$0x3FAA] =	sst s4  }
0xd: {  	[smem:$0x3FAB] =	sst s5  }
0xe: {  	[smem:$0x3FAC] =	sst s6  }
0xf: {  	[smem:$0x3FAD] =	sst s7  }
0x10: {  	[smem:$0x3FAE] =	sst s8  }
0x11: {  	[smem:$0x3FAF] =	sst s9;
	s0 =	simm.s32 @!p0 $0x0  }
0x12: {  	s1 =	sld [smem:$0x3F95];
	s0 =	simm.s32 @p0 $0x1  }
0x13: {  	[smem:$0x3FB0] =	sst s0;
	s0 =	simm.s32 @!p1 $0x0  }
0x14: {  	s2 =	sld [smem:$0x3F94];
	s0 =	simm.s32 @p1 $0x1  }
0x15: {  	[smem:$0x3FB1] =	sst s0;
	s0 =	simm.s32 @!p2 $0x0  }
0x16: {  	s3 =	sld [smem:$0x3FDB];
	s0 =	simm.s32 @p2 $0x1  }
0x17: {  	s4 =	simm.s32 $0x1BF5;
	[smem:$0x3FB3] =	sst s0  }
0x18: {  	s0 =	sld [smem:$0x3F96];
	_ =	swait.ge [sflag:s4], $0x0  }
0x19: {  	s7 =	sld [smem:$0x3F97]  }
0x1a: {  	s8 =	sadd.s32 $0xFFFFE003, lr  }
0x1b: {  	s9 =	sadd.s32 $0xFFFFFEF7, lr;
	s5 =	simm.s32 $0xFFFFFFFF;
	p2 =	slt.u32 s8, $0xFFFFF086  }
0x1c: {  	p1 =	slt.u32 s9, $0xF7A;
	s5 =	simm.s32 @!p2 $0x0  }
0x1d: {  	s5 =	simm.s32 @p1 $0x1;
	p0 =	seq.s32 s7, s2  }
0x1e: {  	s7 =	smul.u32 @!p0 $0xF7A, s2;
	p2 =	seq.s32 @!p0 s5, $0x0  }
0x1f: {  	s9 =	smul.u32 $0xF7A, s1;
	s8 =	simm.s32 @!p0 $0x1BF5;
	p2 =	por !p2, p0  }
0x20: {  	[sflag:s8] =	ssyncset.s32 @!p0 $0xFFFFF086;
	s6 =	sadd.s32 @!p0 s3, s7;
	s7 =	simm.s32 @!p0 $0x108  }
0x21: {  	s3 =	sadd.s32 s3, s9;
	s6 =	sadd.s32 @!p0 $0x88, s6;
	s7 =	simm.s32 @p2 $0x1082  }
0x22: {  	[simem:s7], [sflag:s8] =	dma.local @!p0 [hbm:s6], $0xF7A  }
0x23: {  	s9 =	sor.u32 $0xD0000000, s2;
	s6 =	simm.s32 $0x108;
	_ =	swait.ge @!p0 [sflag:s8], $0x0  }
0x24: {  	s3 =	sadd.s32 $0x88, s3;
	s6 =	simm.s32 @!p1 $0x1082;
	[sflag:s4] =	ssyncset.s32 $0xFFFFF086  }
0x25: {  	[simem:s6], [sflag:s4] =	dma.local [hbm:s3], $0xF7A  }
0x26: {  	[smem:$0x3F97] =	sst s1;
	(tag) =	ssettag s2;
	_ =	strace s9  }
0x27: {  	s1 =	sld [smem:$0x3FA7]  }
0x28: {  	s2 =	sld [smem:$0x3FA8]  }
0x29: {  	s4 =	sld [smem:$0x3FAA]  }
0x2a: {  	p0 =	seq.s32 s5, $0x0;
	s5 =	sld [smem:$0x3FAB]  }
0x2b: {  	s6 =	sld [smem:$0x3FAC]  }
0x2c: {  	s7 =	sld [smem:$0x3FAD]  }
0x2d: {  	s3 =	simm.s32 $0x108;
	s8 =	sld [smem:$0x3FAE]  }
0x2e: {  	s3 =	simm.s32 @!p0 $0x1082;
	s9 =	sld [smem:$0x3FAF]  }
0x2f: {  	lr =	sadd.s32 s0, s3;
	s0 =	sld [smem:$0x3FA6]  }
0x30: {  	s3 =	sld [smem:$0x3FA9]  }
0x31: {  	[smem:$0x3FB2] =	sst s10  }
0x32: {  	s10 =	sld [smem:$0x3FB0];
	_ =	sdelay $0x3  }
0x33: {  	p0 =	seq.s32 s10, $0x1;
	s10 =	sld [smem:$0x3FB2];
	_ =	sdelay $0x3  }
0x34: {  	[smem:$0x3FB2] =	sst s10  }
0x35: {  	s10 =	sld [smem:$0x3FB1];
	_ =	sdelay $0x3  }
0x36: {  	p1 =	seq.s32 s10, $0x1;
	s10 =	sld [smem:$0x3FB2];
	_ =	sdelay $0x3  }
0x37: {  	[smem:$0x3FB2] =	sst s10  }
0x38: {  	s10 =	sld [smem:$0x3FB3]  }
0x39: {  	_ = 	snop;
	(pc) =	sbr.ind lr, $3  }
0x3a: {  	_ = 	snop  }
0x3b: {  	_ = 	snop  }
0x3c: {  	p2 =	seq.s32 s10, $0x1;
	s10 =	sld [smem:$0x3FB2]  }
0x3d: {  	_ =	shalt  }
0x3e: {  	_ =	shalt  }
0x3f: {  	_ =	shalt  }
0x40: {  	_ =	shalt  }
0x41: {  	_ =	shalt  }
0x42: {  	_ =	shalt  }
0x43: {  	_ =	shalt  }
0x44: {  	_ =	shalt  }
0x45: {  	_ =	shalt  }
0x46: {  	_ =	shalt  }
0x47: {  	_ =	shalt  }
0x48: {  	_ =	shalt  }
0x49: {  	_ =	shalt  }
0x4a: {  	_ =	shalt  }
0x4b: {  	_ =	shalt  }
0x4c: {  	_ =	shalt  }
0x4d: {  	_ =	shalt  }
0x4e: {  	_ =	shalt  }
0x4f: {  	_ =	shalt  }
0x50: {  	_ =	shalt  }
0x51: {  	_ =	shalt  }
0x52: {  	_ =	shalt  }
0x53: {  	_ =	shalt  }
0x54: {  	_ =	shalt  }
0x55: {  	_ =	shalt  }
0x56: {  	_ =	shalt  }
0x57: {  	_ =	shalt  }
0x58: {  	_ =	shalt  }
0x59: {  	_ =	shalt  }
0x5a: {  	_ =	shalt  }
0x5b: {  	_ =	shalt  }
0x5c: {  	_ =	shalt  }
0x5d: {  	_ =	shalt  }
0x5e: {  	_ =	shalt  }
0x5f: {  	_ =	shalt  }
0x60: {  	_ =	shalt  }
0x61: {  	_ =	shalt  }
0x62: {  	_ =	shalt  }
0x63: {  	_ =	shalt  }
0x64: {  	_ =	shalt  }
0x65: {  	_ =	shalt  }
0x66: {  	_ =	shalt  }
0x67: {  	_ =	shalt  }
0x68: {  	_ =	shalt  }
0x69: {  	_ =	shalt  }
0x6a: {  	_ =	shalt  }
0x6b: {  	_ =	shalt  }
0x6c: {  	_ =	shalt  }
0x6d: {  	_ =	shalt  }
0x6e: {  	_ =	shalt  }
0x6f: {  	_ =	shalt  }
0x70: {  	_ =	shalt  }
0x71: {  	_ =	shalt  }
0x72: {  	_ =	shalt  }
0x73: {  	_ =	shalt  }
0x74: {  	_ =	shalt  }
0x75: {  	_ =	shalt  }
0x76: {  	_ =	shalt  }
0x77: {  	_ =	shalt  }
0x78: {  	_ =	shalt  }
0x79: {  	_ =	shalt  }
0x7a: {  	_ =	shalt  }
0x7b: {  	_ =	shalt  }
0x7c: {  	_ =	shalt  }
0x7d: {  	_ =	shalt  }
0x7e: {  	_ =	shalt  }
0x7f: {  	_ =	shalt  }
0x80: {  	_ =	shalt  }
0x81: {  	_ =	shalt  }
0x82: {  	_ =	shalt  }
0x83: {  	_ =	shalt  }
0x84: {  	_ =	shalt  }
0x85: {  	_ =	shalt  }
0x86: {  	_ =	shalt  }
0x87: {  	_ =	shalt  }
.Lfunc_end0:
.L_simem_size_0:
called_computation.1_lowered:
.L_overlay_start_0:
0x88: {  	s2 =	sld [smem:$0x3FD9]  }
0x89: {  	s3 =	sld [smem:$0x3FFE];
	_ =	sdelay $0x1  }
0x8a: {  	s1 =	srdreg.scid  }
0x8b: {  	s0 =	sand.u32 $0x1, s1  }
0x8c: {  	s17 =	sshll.u32 s0, $0xA;
	s2 =	sadd.s32 s3, s2  }
0x8d: {  	s2 =	sadd.s32 s2, s17  }
0x8e: {  	[smem:$0x3FBE] =	sst s2  }
0x8f: {  	_ = 	snop  }
0x90: {  	s2 =	sld [smem:$0x3FC1]  }
0x91: {  	s18 =	sld [smem:$0x3FD0];
	(tm) =	ssettm $0x1  }
0x92: {  	s4 =	sld [smem:$0x3FFB];
	_ =	sdelay $0x3  }
0x93: {  	_ =	strace s4  }
0x94: {  	s4 =	sld [smem:$0x3FFC];
	_ =	sdelay $0x3  }
0x95: {  	_ =	strace s4  }
0x96: {  	s4 =	sld [smem:$0x3FFD];
	_ =	sdelay $0x3  }
0x97: {  	_ =	strace s4  }
0x98: {  	_ =	strace $0x8FFFFFFF  }
0x99: {  	s19 =	sld [smem:$0x3FDB];
	_ =	sdelay $0x1  }
0x9a: {  	s5 =	simm.s32 $_scs_section_size  }
0x9b: {  	s6 =	simm.s32 $_size__tile_overlayer_lowered;
	s7 =	simm.s32 $_tile_overlayer_lowered  }
0x9c: {  	s22 =	simm.s32 $0x1BFF;
	s21 =	sshll.u32 s7, $0x1;
	s4 =	sadd.s32 s5, s19  }
0x9d: {  	s8 =	simm.s32 $0x0;
	s20 =	sshll.u32 s6, $0x1;
	s6 =	sadd.s32 s21, s4  }
0x9e: {  	[timem:s8], [sflag:s22] =	dma.local [hbm:s6], s20  }
0x9f: {  	_ =	swait.ge [sflag:s22], s20  }
0xa0: {  	s5 =	ssub.s32 $0x0, s20;
	[sflag:s22] =	ssyncset.done $0x0  }
0xa1: {  	[sflag:s22] =	ssyncadd.s32 s5;
	_ =	sdelay $0x1  }
0xa2: {  	s23 =	simm.s32 $0x1B8B  }
0xa3: {  	_ =	swait.ge [sflag:s23], $0x1  }
0xa4: {  	[sflag:s23] =	ssyncset.done $0x0  }
0xa5: {  	s25 =	simm.s32 $0x1B8E;
	s24 =	sld [smem:$0x3FFE];
	[sflag:s23] =	ssyncadd.s32 $0xFFFFFFFF  }
0xa6: {  	s26 =	simm.s32 $execute0_lowered;
	[smem:$0x3FD2] =	sst s25  }
0xa7: {  	s6 =	sshll.u32 s26, $0x1;
	_ =	strace $0x80000049;
	[dreg:$0x1] =	wrdreg $0xFFFFFFFF  }
0xa8: {  	s28 =	simm.s32 $_size_execute0_lowered;
	s4 =	sadd.s32 s4, s6;
	[dreg:$0x0] =	wrdreg $0x0  }
0xa9: {  	s6 =	sshll.u32 s28, $0x1;
	[dreg:$0x2] =	wrdreg s4  }
0xaa: {  	[dreg:$0x3] =	wrdreg s6  }
0xab: {  	[dreg:$0x4] =	wrdreg $0xC0  }
0xac: {  	_ =	task [dreg:s8], $0x5FFFF  }
0xad: {  	[dreg:$0x1] =	wrdreg $0xFFFFFFFF  }
0xae: {  	[dreg:$0x0] =	wrdreg $0x60  }
0xaf: {  	[dreg:$0x2] =	wrdreg s18  }
0xb0: {  	[dreg:$0x3] =	wrdreg s24  }
0xb1: {  	[dreg:$0x4] =	wrdreg s2  }
0xb2: {  	[dreg:$0x5] =	wrdreg $0x7C800  }
0xb3: {  	[dreg:$0x6] =	wrdreg $0x9  }
0xb4: {  	_ =	task.clear_ibuf [dreg:s8], $0x7FFFF;
	_ =	strace $0x90000049  }
0xb5: {  	s29 =	simm.s32 $0x9;
	_ =	strace $0x8000004B  }
0xb6: {  	_ =	swait.ge [sflag:s29], $0x1  }
0xb7: {  	[sflag:s29] =	ssyncadd.s32 $0xFFFFFFFF  }
0xb8: {  	_ =	strace $0x9000004B  }
0xb9: {  	_ =	sfence  }
0xba: {  	s30 =	sld [smem:$0x0];
	_ =	sdelay $0x2  }
0xbb: {  	s31 =	sshll.u32 s1, $0xD;
	s1 =	sshrl.u32 s1, $0x2  }
0xbc: {  	s3 =	sand.u32 $0x4000, s31;
	s1 =	sadd.s32 s1, s30  }
0xbd: {  	s0 =	sor.u32 s3, s0;
	s1 =	sshll.u32 s1, $0x11  }
0xbe: {  	s0 =	sor.u32 s1, s0  }
0xbf: {  	s0 =	sadd.s32 $0x8F2B, s0  }
0xc0: {  	[sflag:s0] =	ssyncadd.remote.s32 $0x1  }
0xc1: {  	_ =	sfence.sel $0xFFFF  }
0xc2: {  	[dreg:$0x0] =	wrdreg $0xFFFFFFFF;
	(pc) =	sbr.abs _section_cstart, $3  }
0xc3: {  	[dreg:$0x1] =	wrdreg $0xFFFFFFFF  }
0xc4: {  	_ =	task.clear_ibuf [dreg:s8], $0x2FFFF;
	_ =	strace $0x9FFFFFFF  }
0xc5: {  	(tm) =	ssettm $0x7FFFFFFF  }
tec
execute0_lowered:
.L_overlay_start_1:
0x0: {  	(tag) =	ssettag $0x1  }
0x1: {  	s0 =	rddreg [dreg:$0x0]  }
0x2: {  	s2 =	rddreg [dreg:$0x1]  }
0x3: {  	s1 =	srdreg.scid;
	s4 =	rddreg [dreg:$0x3];
	s5 =	simm.s32 $0x0  }
0x4: {  	s16 =	stileid.u32;
	s1 =	sand.u32 $0x1, s1;
	[smem:$0x7FF] =	sst s5  }
0x5: {  	s7 =	sshll.u32 s16, $0x7;
	s12 =	smul.u32 $0x13800, s16;
	s3 =	sshll.u32 s1, $0x4  }
0x6: {  	s8 =	sadd.s32 $0x3000, s2;
	s28 =	smul.u32 $0x4E000, s16;
	s3 =	sor.u32 s16, s3  }
0x7: {  	s23 =	ssub.s32 $0x2, s1;
	s1 =	smul.u32 $0x138800, s1;
	s6 =	sshrl.u32 s3, $0x3  }
0x8: {  	s13 =	sadd.s32 $0x6A200, s2;
	s15 =	sadd.s32 $0x12C00, s12;
	s9 =	smul.u32 $0x13C00, s6  }
0x9: {  	s10 =	sand.u32 $0x380, s7;
	s7 =	sadd.s32 $0x23000, s2;
	s29 =	sadd.s32 s1, s15  }
0xa: {  	s30 =	sshrl.u32 s1, $0x3;
	s6 =	sadd.s32 $0x43000, s2;
	s9 =	sor.u32 s10, s9  }
0xb: {  	s10 =	sadd.s32 s15, s4;
	s15 =	sadd.s32 s13, s30;
	s9 =	sshrl.u32 s9, $0x3  }
0xc: {  	s31 =	sadd.s32 $0x27000, s15;
	s2 =	sadd.s32 s9, s2;
	s9 =	sshll.u32 s3, $0xC  }
0xd: {  	_ =	strace $0x8000004A;
	[dreg:$0xb] =	wrdreg s31;
	s3 =	sadd.s32 s7, s9  }
0xe: {  	s24 =	sshrl.u32 s23, $0x1;
	s25 =	sadd.s32 s8, s9;
	[dreg:$0x5] =	wrdreg s3  }
0xf: {  	s26 =	sor.u32 $0x10, s9;
	s2 =	sadd.s32 $0xB8400, s2;
	[dreg:$0x6] =	wrdreg s25  }
0x10: {  	s14 =	ssub.s32 s23, s24;
	s17 =	sadd.s32 s7, s26;
	[dreg:$0x9] =	wrdreg s2  }
0x11: {  	s3 =	sadd.s32 s8, s26;
	s2 =	sshrl.u32 s29, $0x3;
	[dreg:$0x7] =	wrdreg s17  }
0x12: {  	[dreg:$0x8] =	wrdreg s3;
	s3 =	sshrl.u32 s28, $0x2;
	s2 =	sadd.s32 s13, s2  }
0x13: {  	[dreg:$0xa] =	wrdreg s2;
	s19 =	sadd.s32 s3, s4;
	s3 =	smax.u32 s14, $0x1  }
0x14: {  	[dreg:$0xc] =	wrdreg s3;
	s14 =	sadd.s32 $0x1400, s19  }
0x15: {  	s15 =	sadd.s32 $0x2800, s19;
	[dreg:$0xd] =	wrdreg s14  }
0x16: {  	s17 =	sadd.s32 $0x3C00, s19;
	[dreg:$0xe] =	wrdreg s15  }
0x17: {  	s18 =	sadd.s32 $0x5000, s19;
	[dreg:$0xf] =	wrdreg s17  }
0x18: {  	s20 =	sadd.s32 $0x6400, s19;
	[dreg:$0x10] =	wrdreg s18  }
0x19: {  	v0 =	vimm.s32 $0xEFCDAB89;
	s21 =	sadd.s32 $0x7800, s19;
	[dreg:$0x11] =	wrdreg s20  }
0x1a: {  	v1 =	vimm.s32 $0x67452301;
	v2 =	vimm.s32 $0xDCFE98BA;
	s22 =	sadd.s32 $0x8C00, s19;
	[dreg:$0x12] =	wrdreg s21  }
0x1b: {  	v3 =	vimm.s32 $0x54761032;
	v4 =	vimm.s32 $0xBA98FEDC;
	s23 =	sadd.s32 $0xA000, s19;
	[dreg:$0x13] =	wrdreg s22  }
0x1c: {  	v5 =	vimm.s32 $0x32107654;
	v6 =	vimm.s32 $0xFEDCBA98;
	s25 =	sadd.s32 $0xB400, s19;
	[dreg:$0x14] =	wrdreg s23  }
0x1d: {  	v7 =	vimm.s32 $0x76543210;
	v0 =	vunpack.c.l.s4.s8 v0;
	v1 =	vunpack.c.l.s4.s8 v1;
	s26 =	sadd.s32 $0xC800, s19;
	[dreg:$0x15] =	wrdreg s25  }
0x1e: {  	v2 =	vunpack.c.l.s4.s8 v2;
	v3 =	vunpack.c.l.s4.s8 v3;
	v4 =	vunpack.c.l.s4.s8 v4;
	s28 =	sadd.s32 $0xDC00, s19;
	[dreg:$0x16] =	wrdreg s26  }
0x1f: {  	s11 =	sadd.s32 $0x138000, s4;
	v5 =	vunpack.c.l.s4.s8 v5;
	v6 =	vunpack.c.l.s4.s8 v6;
	v0 =	vunpack.c.0.s8.s32 v0;
	s29 =	sadd.s32 $0xF000, s19;
	[dreg:$0x17] =	wrdreg s28  }
0x20: {  	v1 =	vunpack.c.0.s8.s32 v1;
	v2 =	vunpack.c.0.s8.s32 v2;
	v3 =	vunpack.c.0.s8.s32 v3;
	s1 =	sadd.s32 s12, s1;
	s30 =	sadd.s32 $0x10400, s19;
	[dreg:$0x18] =	wrdreg s29  }
0x21: {  	v7 =	vunpack.c.l.s4.s8 v7;
	v4 =	vunpack.c.0.s8.s32 v4;
	v5 =	vunpack.c.0.s8.s32 v5;
	s1 =	sshrl.u32 s1, $0x3;
	s31 =	sadd.s32 $0x11800, s19;
	[dreg:$0x19] =	wrdreg s30  }
0x22: {  	p0 =	sne.s32 s16, $0xF;
	v1 =	vcombine.low v1, v0;
	v2 =	vcombine.low v3, v2;
	v3 =	vunpack.c.0.s8.s32 v6;
	s24 =	sadd.s32 s1, s13;
	[dreg:$0x1a] =	wrdreg s31  }
0x23: {  	vm0 =	vcmask $0x3F20;
	v4 =	vcombine.low v5, v4;
	v5 =	vunpack.c.0.s8.s32 v7;
	s14 =	simm.s32 $0x5;
	s17 =	simm.s32 $0x28;
	s18 =	simm.s32 $0x1  }
0x24: {  	v0 =	vimm.f32 $0.0e+00;
	v1 =	vand.u32 $0xF, v1;
	v6 =	vand.u32 $0xF, v3;
	s20 =	simm.s32 $0x2;
	s21 =	simm.s32 $0x7C00;
	s22 =	simm.s32 $0x5400  }
0x25: {  	v2 =	vand.u32 $0xF, v2;
	v3 =	vand.u32 $0xF, v4;
	v4 =	vcombine.low v6, v5;
	s23 =	simm.s32 $0x3;
	s25 =	simm.s32 $0x4;
	s26 =	simm.s32 $0x0  }
.LBB2_1:
0x26: {  	s1 =	rddreg [dreg:$0x2];
	s2 =	simm.s32 $0x7B80  }
0x27: {  	[tilespmem:s2], [sflag:$0x5] =	stream.linear.gather [hbm4b:s1+s5], $0x80, $0x38;
	[tilespmem:$0x1B500] =	vst v63  }
0x28: {  	_ =	swait.ge [sflag:s14], $0x80  }
0x29: {  	[sflag:s14] =	ssyncset.done $0x0  }
0x2a: {  	[sflag:s14] =	ssyncadd.s32 $0xFFFFFF80  }
0x2b: {  	v5 =	vld [tilespmem:$0x7B80]  }
0x2c: {  	v6 =	vld [tilespmem:$0x7B90]  }
0x2d: {  	v7 =	vld [tilespmem:$0x7BA0]  }
0x2e: {  	v8 =	vld [tilespmem:$0x7BB0]  }
0x2f: {  	v9 =	vld [tilespmem:$0x7BC0]  }
0x30: {  	v10 =	vld [tilespmem:$0x7BD0]  }
0x31: {  	v11 =	vld [tilespmem:$0x7BE0]  }
0x32: {  	s1 =	simm.s32 $0x0;
	v12 =	vld [tilespmem:$0x7BF0]  }
.LBB2_2:
0x33: {  	p1 =	sne.s32 s1, $0x9C00  }
.Ltmp0:
0x34: {  	_ = 	snop;
	(pc) =	sbr.rel @p1 .LBB2_2-.Ltmp0, $3  }
0x35: {  	_ =	sdelay $0x1  }
0x36: {  	s2 =	sshra.s32 s1, $0x2  }
0x37: {  	s1 =	sadd.s32 $0x40, s1;
	[tilespmem:s2+$0x5400] =	vst v0  }
0x38: {  	s1 =	simm.s32 $0x0;
	s2 =	simm.s32 $0x200  }
.LBB2_4:
0x39: {  	p1 =	sne.s32 s2, $0x4E00;
	[tilespmem:s1+$0x70] =	vst v0  }
0x3a: {  	[tilespmem:s1+$0x0] =	vst v0  }
0x3b: {  	[tilespmem:s1+$0x10] =	vst v0  }
.Ltmp1:
0x3c: {  	[tilespmem:s1+$0x20] =	vst v0;
	(pc) =	sbr.rel @p1 .LBB2_4-.Ltmp1, $4  }
0x3d: {  	[tilespmem:s1+$0x30] =	vst v0  }
0x3e: {  	[tilespmem:s1+$0x40] =	vst v0  }
0x3f: {  	[tilespmem:s1+$0x50] =	vst v0  }
0x40: {  	[tilespmem:s1+$0x60] =	vst v0;
	s1 =	sshra.s32 s2, $0x2;
	s2 =	sadd.s32 $0x200, s2  }
0x41: {  	[tilespmem:s1+$0x70] =	vst v0  }
0x42: {  	[tilespmem:s1+$0x0] =	vst v0  }
0x43: {  	[tilespmem:s1+$0x10] =	vst v0  }
0x44: {  	[tilespmem:s1+$0x20] =	vst v0  }
0x45: {  	[tilespmem:s1+$0x30] =	vst v0  }
0x46: {  	[tilespmem:s1+$0x40] =	vst v0  }
0x47: {  	[tilespmem:s1+$0x50] =	vst v0  }
0x48: {  	[tilespmem:s1+$0x60] =	vst v0  }
0x49: {  	[spmem:s19] =	stream.linear.scatter [tilespmem:s5], [sflag:$0x5], $0x1400, $0x38;
	[tilespmem:$0x1B500] =	vst v63  }
0x4a: {  	_ =	swait.ge [sflag:s14], $0x1400  }
0x4b: {  	[sflag:s14] =	ssyncset.done $0x0  }
0x4c: {  	s3 =	rddreg [dreg:$0xd];
	[sflag:s14] =	ssyncadd.s32 $0xFFFFEC00  }
0x4d: {  	[spmem:s3] =	stream.linear.scatter [tilespmem:s5], [sflag:$0x5], $0x1400, $0x38;
	[tilespmem:$0x1B500] =	vst v63  }
0x4e: {  	_ =	swait.ge [sflag:s14], $0x1400  }
0x4f: {  	[sflag:s14] =	ssyncset.done $0x0  }
0x50: {  	s12 =	rddreg [dreg:$0xe];
	[sflag:s14] =	ssyncadd.s32 $0xFFFFEC00  }
0x51: {  	[spmem:s12] =	stream.linear.scatter [tilespmem:s5], [sflag:$0x5], $0x1400, $0x38;
	[tilespmem:$0x1B500] =	vst v63  }
0x52: {  	_ =	swait.ge [sflag:s14], $0x1400  }
0x53: {  	[sflag:s14] =	ssyncset.done $0x0  }
0x54: {  	s13 =	rddreg [dreg:$0xf];
	[sflag:s14] =	ssyncadd.s32 $0xFFFFEC00  }
0x55: {  	[spmem:s13] =	stream.linear.scatter [tilespmem:s5], [sflag:$0x5], $0x1400, $0x38;
	[tilespmem:$0x1B500] =	vst v63  }
0x56: {  	_ =	swait.ge [sflag:s14], $0x1400  }
0x57: {  	[sflag:s14] =	ssyncset.done $0x0  }
0x58: {  	s15 =	rddreg [dreg:$0x10];
	[sflag:s14] =	ssyncadd.s32 $0xFFFFEC00  }
0x59: {  	[spmem:s15] =	stream.linear.scatter [tilespmem:s5], [sflag:$0x5], $0x1400, $0x38;
	[tilespmem:$0x1B500] =	vst v63  }
0x5a: {  	_ =	swait.ge [sflag:s14], $0x1400  }
0x5b: {  	[sflag:s14] =	ssyncset.done $0x0  }
0x5c: {  	s16 =	rddreg [dreg:$0x11];
	[sflag:s14] =	ssyncadd.s32 $0xFFFFEC00  }
0x5d: {  	[spmem:s16] =	stream.linear.scatter [tilespmem:s5], [sflag:$0x5], $0x1400, $0x38;
	[tilespmem:$0x1B500] =	vst v63  }
0x5e: {  	_ =	swait.ge [sflag:s14], $0x1400  }
0x5f: {  	[sflag:s14] =	ssyncset.done $0x0  }
0x60: {  	s28 =	rddreg [dreg:$0x12];
	[sflag:s14] =	ssyncadd.s32 $0xFFFFEC00  }
0x61: {  	[spmem:s28] =	stream.linear.scatter [tilespmem:s5], [sflag:$0x5], $0x1400, $0x38;
	[tilespmem:$0x1B500] =	vst v63  }
0x62: {  	_ =	swait.ge [sflag:s14], $0x1400  }
0x63: {  	[sflag:s14] =	ssyncset.done $0x0  }
0x64: {  	s29 =	rddreg [dreg:$0x13];
	[sflag:s14] =	ssyncadd.s32 $0xFFFFEC00  }
0x65: {  	[spmem:s29] =	stream.linear.scatter [tilespmem:s5], [sflag:$0x5], $0x1400, $0x38;
	[tilespmem:$0x1B500] =	vst v63  }
0x66: {  	_ =	swait.ge [sflag:s14], $0x1400  }
0x67: {  	[sflag:s14] =	ssyncset.done $0x0  }
0x68: {  	s30 =	rddreg [dreg:$0x14];
	[sflag:s14] =	ssyncadd.s32 $0xFFFFEC00  }
0x69: {  	[spmem:s30] =	stream.linear.scatter [tilespmem:s5], [sflag:$0x5], $0x1400, $0x38;
	[tilespmem:$0x1B500] =	vst v63  }
0x6a: {  	_ =	swait.ge [sflag:s14], $0x1400  }
0x6b: {  	[sflag:s14] =	ssyncset.done $0x0  }
0x6c: {  	s31 =	rddreg [dreg:$0x15];
	[sflag:s14] =	ssyncadd.s32 $0xFFFFEC00  }
0x6d: {  	[spmem:s31] =	stream.linear.scatter [tilespmem:s5], [sflag:$0x5], $0x1400, $0x38;
	[tilespmem:$0x1B500] =	vst v63  }
0x6e: {  	_ =	swait.ge [sflag:s14], $0x1400  }
0x6f: {  	[sflag:s14] =	ssyncset.done $0x0  }
0x70: {  	s2 =	rddreg [dreg:$0x16];
	[sflag:s14] =	ssyncadd.s32 $0xFFFFEC00  }
0x71: {  	[spmem:s2] =	stream.linear.scatter [tilespmem:s5], [sflag:$0x5], $0x1400, $0x38;
	[tilespmem:$0x1B500] =	vst v63  }
0x72: {  	_ =	swait.ge [sflag:s14], $0x1400  }
0x73: {  	[sflag:s14] =	ssyncset.done $0x0  }
0x74: {  	s3 =	rddreg [dreg:$0x17];
	[sflag:s14] =	ssyncadd.s32 $0xFFFFEC00  }
0x75: {  	[spmem:s3] =	stream.linear.scatter [tilespmem:s5], [sflag:$0x5], $0x1400, $0x38;
	[tilespmem:$0x1B500] =	vst v63  }
0x76: {  	_ =	swait.ge [sflag:s14], $0x1400  }
0x77: {  	[sflag:s14] =	ssyncset.done $0x0  }
0x78: {  	s12 =	rddreg [dreg:$0x18];
	[sflag:s14] =	ssyncadd.s32 $0xFFFFEC00  }
0x79: {  	[spmem:s12] =	stream.linear.scatter [tilespmem:s5], [sflag:$0x5], $0x1400, $0x38;
	[tilespmem:$0x1B500] =	vst v63  }
0x7a: {  	_ =	swait.ge [sflag:s14], $0x1400  }
0x7b: {  	[sflag:s14] =	ssyncset.done $0x0  }
0x7c: {  	s13 =	rddreg [dreg:$0x19];
	[sflag:s14] =	ssyncadd.s32 $0xFFFFEC00  }
0x7d: {  	[spmem:s13] =	stream.linear.scatter [tilespmem:s5], [sflag:$0x5], $0x1400, $0x38;
	[tilespmem:$0x1B500] =	vst v63  }
0x7e: {  	_ =	swait.ge [sflag:s14], $0x1400  }
0x7f: {  	[sflag:s14] =	ssyncset.done $0x0  }
0x80: {  	s15 =	rddreg [dreg:$0x1a];
	[sflag:s14] =	ssyncadd.s32 $0xFFFFEC00  }
0x81: {  	[spmem:s15] =	stream.linear.scatter [tilespmem:s5], [sflag:$0x5], $0x1400, $0x38;
	[tilespmem:$0x1B500] =	vst v63  }
0x82: {  	_ =	swait.ge [sflag:s14], $0x1400  }
0x83: {  	[sflag:s14] =	ssyncset.done $0x0  }
0x84: {  	[sflag:s14] =	ssyncadd.s32 $0xFFFFEC00  }
0x85: {  	[spmem:s10] =	stream.linear.scatter [tilespmem:s5], [sflag:$0x5], $0xC00, $0x38;
	[tilespmem:$0x1B500] =	vst v63  }
0x86: {  	_ =	swait.ge [sflag:s14], $0xC00  }
0x87: {  	[sflag:s14] =	ssyncset.done $0x0  }
0x88: {  	s1 =	simm.s32 @!p0 $0x0;
	[sflag:s14] =	ssyncadd.s32 $0xFFFFF400  }
0x89: {  	[spmem:s11] =	stream.linear.scatter @!p0 [tilespmem:s1], [sflag:$0x5], $0x800, $0x38;
	[tilespmem:$0x1B500] =	vst v63  }
0x8a: {  	s1 =	simm.s32 @!p0 $0x5  }
0x8b: {  	_ =	swait.ge @!p0 [sflag:s1], $0x800  }
0x8c: {  	[sflag:s1] =	ssyncset.done @!p0 $0x0  }
0x8d: {  	[sflag:s1] =	ssyncadd.s32 @!p0 $0xFFFFF800  }
0x8e: {  	[bflag:$0x0] =	sbarrier.arrive $0xFFFF  }
0x8f: {  	s3 =	simm.s32 $0x5000;
	s1 =	simm.s32 $0x0;
	s2 =	rddreg [dreg:$0x5]  }
0x90: {  	[tilespmem:s3], [sflag:$0x5] =	stream.linear.gather [hbm4b:s2+s1], $0x80, $0x38;
	[tilespmem:$0x1B500] =	vst v63  }
0x91: {  	_ =	swait.ge [sflag:s14], $0x80  }
0x92: {  	[sflag:s14] =	ssyncset.done $0x0  }
0x93: {  	s12 =	simm.s32 $0x5200;
	s16 =	rddreg [dreg:$0x6];
	[sflag:s14] =	ssyncadd.s32 $0xFFFFFF80  }
0x94: {  	[tilespmem:s12], [sflag:$0x5] =	stream.linear.gather [hbm4b:s16+s1], $0x80, $0x38;
	[tilespmem:$0x1B500] =	vst v63  }
0x95: {  	_ =	swait.ge [sflag:s14], $0x80  }
0x96: {  	[sflag:s14] =	ssyncset.done $0x0  }
0x97: {  	s13 =	simm.s32 $0x5080;
	s28 =	rddreg [dreg:$0x7];
	[sflag:s14] =	ssyncadd.s32 $0xFFFFFF80  }
0x98: {  	[tilespmem:s13], [sflag:$0x5] =	stream.linear.gather [hbm4b:s28+s1], $0x80, $0x38;
	[tilespmem:$0x1B500] =	vst v63  }
0x99: {  	_ =	swait.ge [sflag:s14], $0x80  }
0x9a: {  	[sflag:s14] =	ssyncset.done $0x0  }
0x9b: {  	s30 =	simm.s32 $0x5280;
	s29 =	rddreg [dreg:$0x8];
	[sflag:s14] =	ssyncadd.s32 $0xFFFFFF80  }
0x9c: {  	[tilespmem:s30], [sflag:$0x5] =	stream.linear.gather [hbm4b:s29+s1], $0x80, $0x38;
	[tilespmem:$0x1B500] =	vst v63  }
0x9d: {  	_ =	swait.ge [sflag:s14], $0x80  }
0x9e: {  	[sflag:s14] =	ssyncset.done $0x0  }
0x9f: {  	[sflag:s14] =	ssyncadd.s32 $0xFFFFFF80  }
0xa0: {  	[tilespmem:s1], [sflag:$0x1] =	stream.indirect.gather [hbm4b:s0+s17], $0x80, s3, s17, $0xb8;
	[tilespmem:$0x1B500] =	vst v63  }
0xa1: {  	p1 =	por $0x0, $0x0;
	s31 =	simm.s32 $0x2800  }
0xa2: {  	[tilespmem:s31], [sflag:$0x2] =	stream.indirect.gather [hbm4b:s6+s17], $0x80, s12, s17, $0xb8;
	[tilespmem:$0x1B500] =	vst v63  }
.LBB2_6:
0xa3: {  	p2 =	sgt.u32 s1, $0xF7  }
0xa4: {  	s2 =	sadd.s32 @!p2 $0x2, s1  }
0xa5: {  	s3 =	smul.u32 @!p2 $0xAB, s2;
	_ =	sdelay $0x1  }
0xa6: {  	s3 =	sshrl.u32 @!p2 s3, $0x9  }
0xa7: {  	s3 =	sand.u32 @!p2 $0x7F, s3  }
0xa8: {  	s3 =	smul.u32 @!p2 $0x3, s3  }
0xa9: {  	s12 =	sshll.u32 @!p2 s2, $0x4  }
0xaa: {  	s15 =	sand.u32 @!p2 $0x1F80, s12;
	s2 =	ssub.s32 @!p2 s2, s3  }
0xab: {  	s12 =	sand.u32 @!p2 $0x70, s12;
	s3 =	sadd.s32 @!p2 s9, s15;
	s2 =	sand.u32 @!p2 $0xFF, s2  }
0xac: {  	s3 =	sor.u32 @!p2 s12, s3;
	s2 =	sshll.u32 @!p2 s2, $0x7  }
0xad: {  	s16 =	simm.s32 @!p2 $0x0;
	s15 =	sadd.s32 @!p2 s7, s3;
	s12 =	sor.u32 @!p2 $0x5000, s2  }
0xae: {  	[tilespmem:s12], [sflag:$0x4] =	stream.linear.gather @!p2 [hbm4b:s15+s16], $0x80, $0x38;
	[tilespmem:$0x1B500] =	vst v63  }
0xaf: {  	s3 =	sadd.s32 @!p2 s8, s3;
	s2 =	sor.u32 @!p2 $0x5200, s2  }
0xb0: {  	[tilespmem:s2], [sflag:$0x4] =	stream.linear.gather @!p2 [hbm4b:s3+s16], $0x80, $0x38;
	[tilespmem:$0x1B500] =	vst v63  }
0xb1: {  	p2 =	seq.s32 s1, $0x0;
	_ =	swait.ge [sflag:s18], $0x1400  }
.Ltmp2:
0xb2: {  	[sflag:s18] =	ssyncset.done $0x0;
	(pc) =	sbr.rel @p2 .LBB2_9-.Ltmp2, $4  }
0xb3: {  	[sflag:s18] =	ssyncadd.s32 $0xFFFFEC00  }
0xb4: {  	_ =	swait.ge [sflag:s20], $0x1400  }
0xb5: {  	[sflag:s20] =	ssyncset.done $0x0  }
0xb6: {  	s29 =	sand.u32 $0x1, s1;
	s28 =	sadd.s32 $0x1, s1;
	[sflag:s20] =	ssyncadd.s32 $0xFFFFEC00  }
0xb7: {  	p2 =	seq.s32 s1, $0xF9  }
.Ltmp3:
0xb8: {  	_ = 	snop;
	(pc) =	sbr.rel @p2 .LBB2_10-.Ltmp3, $4  }
0xb9: {  	_ = 	snop  }
0xba: {  	_ =	swait.ge [sflag:s23], $0x1400  }
0xbb: {  	[sflag:s23] =	ssyncset.done $0x0  }
0xbc: {  	[sflag:s23] =	ssyncadd.s32 $0xFFFFEC00  }
0xbd: {  	_ =	swait.ge [sflag:s25], $0x80  }
0xbe: {  	[sflag:s25] =	ssyncset.done $0x0  }
0xbf: {  	[sflag:s25] =	ssyncadd.s32 $0xFFFFFF80  }
0xc0: {  	_ =	swait.ge [sflag:s25], $0x80  }
0xc1: {  	[sflag:s25] =	ssyncset.done $0x0  }
0xc2: {  	[sflag:s25] =	ssyncadd.s32 $0xFFFFFF80  }
.LBB2_9:
0xc3: {  	s2 =	sand.u32 $0xFF, s28  }
0xc4: {  	s2 =	smul.u32 $0xAB, s2;
	_ =	sdelay $0x1  }
0xc5: {  	s2 =	sshrl.u32 s2, $0x9  }
0xc6: {  	s2 =	smul.u32 $0x3, s2;
	_ =	sdelay $0x1  }
0xc7: {  	s2 =	ssub.s32 s28, s2  }
0xc8: {  	s3 =	sxor.u32 $0x1, s29;
	s2 =	sand.u32 $0xFF, s2  }
0xc9: {  	s3 =	smul.u32 $0x1400, s3;
	s2 =	sshll.u32 s2, $0x7  }
0xca: {  	s12 =	sadd.s32 $0x5000, s2  }
0xcb: {  	[tilespmem:s3], [sflag:$0x1] =	stream.indirect.gather [hbm4b:s0+s17], $0x80, s12, s17, $0xb8;
	[tilespmem:$0x1B500] =	vst v63  }
0xcc: {  	s2 =	sadd.s32 $0x5200, s2;
	s3 =	sadd.s32 $0x2800, s3  }
0xcd: {  	[tilespmem:s3], [sflag:$0x2] =	stream.indirect.gather [hbm4b:s6+s17], $0x80, s2, s17, $0xb8;
	[tilespmem:$0x1B500] =	vst v63  }
.LBB2_10:
0xce: {  	s2 =	simm.s32 $0x1  }
0xcf: {  	s2 =	simm.s32 @!p1 $0x0  }
0xd0: {  	s2 =	smul.u32 $0x5000, s2;
	_ =	sdelay $0x1  }
0xd1: {  	s2 =	sshrl.u32 s2, $0x2  }
0xd2: {  	s30 =	sor.u32 $0x80, s2  }
0xd3: {  	s2 =	sadd.s32 $0x2880, s2;
	v38 =	vld [tilespmem:s30+$0x0]  }
0xd4: {  	v13 =	vld [tilespmem:s2+$0x0]  }
0xd5: {  	v33 =	vld [tilespmem:s30+$0x10]  }
0xd6: {  	v14 =	vld [tilespmem:s2+$0x10]  }
0xd7: {  	v15 =	vld [tilespmem:s30+$0x20]  }
0xd8: {  	v16 =	vld [tilespmem:s2+$0x20]  }
0xd9: {  	v18 =	vld [tilespmem:s2+$0x30];
	v17 =	vadd.f32 v13, v38  }
0xda: {  	v13 =	vld [tilespmem:s30+$0x30]  }
0xdb: {  	v21 =	vld [tilespmem:s2+$0x40];
	v20 =	vadd.f32 v14, v33;
	v19 =	vmul.f32 $2.000000030e-01, v17  }
0xdc: {  	v14 =	vld [tilespmem:s30+$0x40]  }
0xdd: {  	v24 =	vld [tilespmem:s2+$0x50];
	v22 =	vadd.f32 v16, v15;
	v17 =	vmax.f32 v17, v19;
	v19 =	vmul.f32 $2.000000030e-01, v20  }
0xde: {  	v16 =	vld [tilespmem:s30+$0x50];
	v23 =	vmul.f32 v17, v5  }
0xdf: {  	v25 =	vld [tilespmem:s2+$0x60];
	v18 =	vadd.f32 v18, v13;
	v19 =	vmax.f32 v20, v19;
	v20 =	vmul.f32 $2.000000030e-01, v22  }
0xe0: {  	v17 =	vld [tilespmem:s30+$0x60];
	v23 =	vadd.f32 $0.0e+00, v23;
	v19 =	vmul.f32 v19, v6  }
0xe1: {  	v41 =	vld [tilespmem:s30+$0x70];
	v21 =	vadd.f32 v21, v14;
	v20 =	vmax.f32 v22, v20;
	v22 =	vmul.f32 $2.000000030e-01, v18  }
0xe2: {  	v19 =	vadd.f32 v19, v23;
	v20 =	vmul.f32 v20, v7;
	v23 =	vld [tilespmem:s2+$0x70]  }
0xe3: {  	v26 =	vld [tilespmem:s2+$0xFFFFFF80];
	v24 =	vadd.f32 v24, v16;
	v18 =	vmax.f32 v18, v22;
	v22 =	vmul.f32 $2.000000030e-01, v21  }
0xe4: {  	v42 =	vld [tilespmem:s30+$0xFFFFFF80];
	v19 =	vadd.f32 v20, v19;
	v18 =	vmul.f32 v18, v8  }
0xe5: {  	v39 =	vld [tilespmem:s30+$0xFFFFFF90];
	v20 =	vmax.f32 v21, v22;
	v21 =	vmul.f32 $2.000000030e-01, v24;
	v22 =	vadd.f32 v25, v17  }
0xe6: {  	v25 =	vld [tilespmem:s2+$0xFFFFFF90];
	v18 =	vadd.f32 v18, v19;
	v19 =	vmul.f32 v20, v9  }
0xe7: {  	v43 =	vld [tilespmem:s30+$0xFFFFFFA0];
	v20 =	vmax.f32 v24, v21;
	v21 =	vmul.f32 $2.000000030e-01, v22;
	v23 =	vadd.f32 v23, v41  }
0xe8: {  	v24 =	vld [tilespmem:s2+$0xFFFFFFA0];
	v18 =	vadd.f32 v19, v18;
	v19 =	vmul.f32 v20, v10  }
0xe9: {  	v40 =	vld [tilespmem:s30+$0xFFFFFFB0];
	v20 =	vadd.f32 v26, v42;
	v21 =	vmax.f32 v22, v21;
	v22 =	vmul.f32 $2.000000030e-01, v23  }
0xea: {  	v26 =	vld [tilespmem:s2+$0xFFFFFFB0];
	v18 =	vadd.f32 v19, v18;
	v19 =	vmul.f32 v21, v11  }
0xeb: {  	v44 =	vld [tilespmem:s30+$0xFFFFFFC0];
	v21 =	vmul.f32 $2.000000030e-01, v20;
	v25 =	vadd.f32 v25, v39;
	v22 =	vmax.f32 v23, v22  }
0xec: {  	v27 =	vld [tilespmem:s2+$0xFFFFFFC0];
	v18 =	vadd.f32 v19, v18;
	v19 =	vmul.f32 v22, v12  }
0xed: {  	v45 =	vld [tilespmem:s30+$0xFFFFFFD0];
	v20 =	vmax.f32 v20, v21;
	v21 =	vmul.f32 $2.000000030e-01, v25;
	v22 =	vadd.f32 v24, v43  }
0xee: {  	v24 =	vld [tilespmem:s2+$0xFFFFFFD0];
	v20 =	vmul.f32 v20, v5;
	v18 =	vadd.f32 v19, v18  }
0xef: {  	v28 =	vld [tilespmem:s2+$0xFFFFFFE0];
	v26 =	vadd.f32 v26, v40;
	v19 =	vmax.f32 v25, v21;
	v21 =	vmul.f32 $2.000000030e-01, v22  }
0xf0: {  	v23 =	vld [tilespmem:s30+$0xFFFFFFE0];
	v20 =	vadd.f32 $0.0e+00, v20;
	v19 =	vmul.f32 v19, v6;
	v29 =	vperm.xlane v18, v1  }
0xf1: {  	v27 =	vadd.f32 v27, v44;
	v25 =	vld [tilespmem:s30+$0xFFFFFFF0];
	v21 =	vmax.f32 v22, v21;
	v22 =	vmul.f32 $2.000000030e-01, v26  }
0xf2: {  	v19 =	vadd.f32 v19, v20;
	v20 =	vmul.f32 v21, v7;
	v21 =	vld [tilespmem:s2+$0xFFFFFFF0];
	v18 =	vadd.f32 v18, v29  }
0xf3: {  	v24 =	vadd.f32 v24, v45;
	v22 =	vmax.f32 v26, v22;
	v26 =	vmul.f32 $2.000000030e-01, v27  }
0xf4: {  	v19 =	vadd.f32 v20, v19;
	v20 =	vmul.f32 v22, v8;
	v22 =	vperm.xlane v18, v2  }
0xf5: {  	v28 =	vadd.f32 v28, v23;
	s2 =	sadd.s32 $0x100, s2;
	v26 =	vmax.f32 v27, v26;
	v27 =	vmul.f32 $2.000000030e-01, v24  }
0xf6: {  	v31 =	vld [tilespmem:s2+$0x30];
	v19 =	vadd.f32 v20, v19;
	v20 =	vmul.f32 v26, v9;
	v18 =	vadd.f32 v18, v22  }
0xf7: {  	v36 =	vld [tilespmem:s2+$0x50];
	v22 =	vmax.f32 v24, v27;
	v24 =	vmul.f32 $2.000000030e-01, v28;
	v21 =	vadd.f32 v21, v25  }
0xf8: {  	s15 =	sadd.s32 $0x100, s30;
	v47 =	vld [tilespmem:s2+$0x60];
	v19 =	vadd.f32 v20, v19;
	v22 =	vmul.f32 v22, v10;
	v26 =	vperm.xlane v18, v3  }
0xf9: {  	v20 =	vld [tilespmem:s15+$0x0];
	v24 =	vmax.f32 v28, v24;
	v27 =	vmul.f32 $2.000000030e-01, v21  }
0xfa: {  	v28 =	vld [tilespmem:s2+$0x0];
	v19 =	vadd.f32 v22, v19;
	v22 =	vmul.f32 v24, v11;
	v26 =	vadd.f32 v18, v26  }
0xfb: {  	v24 =	vld [tilespmem:s15+$0x10];
	v18 =	vmax.f32 v21, v27  }
0xfc: {  	v27 =	vld [tilespmem:s2+$0x10];
	v19 =	vadd.f32 v22, v19;
	v21 =	vmul.f32 v18, v12;
	v22 =	vperm.xlane v26, v4  }
0xfd: {  	v18 =	vld [tilespmem:s15+$0x20]  }
0xfe: {  	v29 =	vadd.f32 v21, v19;
	v19 =	vld [tilespmem:s15+$0x30];
	v21 =	vadd.f32 v26, v22  }
0xff: {  	v22 =	vld [tilespmem:s2+$0x20];
	v26 =	vadd.f32 v28, v20  }
0x100: {  	v48 =	vld [tilespmem:s2+$0x70];
	v28 =	vperm.xlane v29, v1;
	v30 =	vmul.f32 $1.442695020e+00, v21  }
0x101: {  	s3 =	simm.s32 $0x0;
	v27 =	vadd.f32 v27, v24;
	v32 =	vmul.f32 $2.000000030e-01, v26;
	v21 =	vld [tilespmem:s15+$0x40]  }
0x102: {  	v46 =	vmov s3;
	v28 =	vadd.f32 v29, v28;
	v29 =	vld [tilespmem:s2+$0x40];
	(erf) = vpow2.f32 v30  }
0x103: {  	v26 =	vmax.f32 v26, v32;
	v30 =	vmul.f32 $2.000000030e-01, v27;
	v37 =	vadd.f32 v31, v19;
	v31 =	vld [tilespmem:s15+$0x70]  }
0x104: {  	v46 =	vand.u32 $0xFFFFFFFE, v46;
	v55 =	vadd.f32 v22, v18;
	v22 =	vld [tilespmem:s15+$0x50];
	v35 =	vmul.f32 v26, v5  }
0x105: {  	v34 =	vperm.xlane v28, v2;
	v26 =	vld [tilespmem:s15+$0x60];
	v27 =	vmax.f32 v27, v30;
	v56 =	vmul.f32 $2.000000030e-01, v37  }
0x106: {  	v30 =	vmul.f32 $2.000000030e-01, v55;
	v35 =	vadd.f32 $0.0e+00, v35;
	v27 =	vmul.f32 v27, v6  }
0x107: {  	v46 =	vbroadcast v46, $0x0;
	v49 =	vld [tilespmem:s2+$0xFFFFFF80];
	v34 =	vadd.f32 v28, v34;
	v29 =	vadd.f32 v29, v21  }
0x108: {  	v50 =	vld [tilespmem:s2+$0xFFFFFF90];
	v32 =	vmax.f32 v37, v56;
	v30 =	vmax.f32 v55, v30;
	v35 =	vadd.f32 v27, v35  }
0x109: {  	v28 =	vld [tilespmem:s15+$0xFFFFFF90];
	v60 =	vperm.xlane v34, v3;
	v48 =	vadd.f32 v48, v31;
	v30 =	vmul.f32 v30, v7  }
0x10a: {  	v27 =	vld [tilespmem:s15+$0xFFFFFF80];
	v57 =	vmul.f32 $2.000000030e-01, v29;
	v36 =	vadd.f32 v36, v22;
	v59 =	vadd.f32 v47, v26  }
0x10b: {  	v62 =	vld [tilespmem:s2+$0xFFFFFFA0];
	v32 =	vmul.f32 v32, v8;
	v34 =	vadd.f32 v34, v60;
	v30 =	vadd.f32 v30, v35  }
0x10c: {  	v52 =	vld [tilespmem:s2+$0xFFFFFFB0];
	v63 =	vmul.f32 $2.000000030e-01, v48;
	v29 =	vmax.f32 v29, v57;
	v58 =	vmul.f32 $2.000000030e-01, v36  }
0x10d: {  	v61 =	vmul.f32 $2.000000030e-01, v59;
	v51 =	vperm.xlane v34, v4;
	v32 =	vadd.f32 v32, v30;
	v30 =	vld [tilespmem:s15+$0xFFFFFFA0]  }
0x10e: {  	v50 =	vadd.f32 v50, v28;
	v29 =	vmul.f32 v29, v9;
	v35 =	vmax.f32 v36, v58;
	v58 =	vld [tilespmem:s2+$0xFFFFFFC0]  }
0x10f: {  	v37 =	vmax.f32 v48, v63;
	v49 =	vadd.f32 v49, v27;
	v56 =	vadd.f32 v34, v51;
	v34 =	vld [tilespmem:s15+$0xFFFFFFC0]  }
0x110: {  	v57 =	vmul.f32 v37, v12;
	v35 =	vmul.f32 v35, v10;
	v32 =	vadd.f32 v29, v32;
	v29 =	vld [tilespmem:s15+$0xFFFFFFB0]  }
0x111: {  	v36 =	vmax.f32 v59, v61;
	v59 =	vmul.f32 $2.000000030e-01, v50;
	v37 =	vld [tilespmem:s15+$0xFFFFFFF0];
	v55 =	vmul.f32 $2.000000030e-01, v49  }
0x112: {  	v54 =	vmul.f32 v36, v11;
	v48 =	vmul.f32 $1.442695020e+00, v56;
	v32 =	vadd.f32 v35, v32;
	v35 =	vld [tilespmem:s15+$0xFFFFFFD0]  }
0x113: {  	v36 =	vmax.f32 v49, v55;
	v49 =	vmax.f32 v50, v59;
	v59 =	vld [tilespmem:s2+$0xFFFFFFF0];
	v47 =	vadd.f32 v62, v30  }
0x114: {  	v36 =	vmul.f32 v36, v5;
	(erf) = vpow2.f32 v48;
	v62 =	vld [tilespmem:s2+$0xFFFFFFD0];
	v32 =	vadd.f32 v54, v32  }
0x115: {  	v55 =	vadd.f32 v58, v34;
	v60 =	vmul.f32 $2.000000030e-01, v47;
	v61 =	vadd.f32 v52, v29  }
0x116: {  	s16 =	simm.s32 $0x1;
	v49 =	vmul.f32 v49, v6;
	v63 =	vadd.f32 $0.0e+00, v36;
	v32 =	vadd.f32 v57, v32  }
0x117: {  	v54 =	vld [tilespmem:s2+$0xFFFFFFE0];
	v58 =	vmov s16;
	v47 =	vmax.f32 v47, v60;
	v57 =	vmul.f32 $2.000000030e-01, v61  }
0x118: {  	v36 =	vld [tilespmem:s15+$0xFFFFFFE0];
	v49 =	vadd.f32 v49, v63;
	v51 =	vadd.f32 v59, v37;
	v53 =	vperm.xlane v32, v1  }
0x119: {  	v60 =	vmul.f32 $2.000000030e-01, v55;
	v47 =	vmul.f32 v47, v7;
	v48 =	vadd.f32 v62, v35  }
0x11a: {  	v50 =	vmax.f32 v61, v57;
	v57 =	vmul.f32 $2.000000030e-01, v51;
	v53 =	vadd.f32 v32, v53  }
0x11b: {  	v32 =	vpop (erf);
	v47 =	vadd.f32 v47, v49;
	v50 =	vmul.f32 v50, v8;
	v62 =	vmul.f32 $2.000000030e-01, v48  }
0x11c: {  	v49 =	vmax.f32 v55, v60;
	v41 =	vmul.f32 v32, v41;
	v61 =	vperm.xlane v53, v2  }
0x11d: {  	v54 =	vadd.f32 v54, v36;
	v38 =	vmul.f32 v32, v38;
	v33 =	vmul.f32 v32, v33  }
0x11e: {  	v49 =	vmul.f32 v49, v9;
	v47 =	vadd.f32 v50, v47;
	v53 =	vadd.f32 v53, v61  }
0x11f: {  	s12 =	smul.u32 $0xAB, s1;
	[tilespmem:v58+s21+$0x0] =	vst.idx.msk $0x1, v32;
	v60 =	vmax.f32 v51, v57;
	v48 =	vmax.f32 v48, v62;
	v63 =	vmul.f32 $2.000000030e-01, v54  }
0x120: {  	[tilespmem:s30+$0x70] =	vst v41;
	v48 =	vmul.f32 v48, v10;
	v47 =	vadd.f32 v49, v47;
	v41 =	vpop (erf);
	v55 =	vperm.xlane v53, v3  }
0x121: {  	s3 =	sshrl.u32 s12, $0x9;
	v56 =	vmax.f32 v54, v63;
	[tilespmem:v46+s21+$0x0] =	vst.idx.msk $0x1, v41;
	v42 =	vmul.f32 v41, v42  }
0x122: {  	s3 =	sand.u32 $0x7F, s3;
	[tilespmem:s30+$0x0] =	vst v38;
	v58 =	vadd.f32 v48, v47;
	v46 =	vmul.f32 v56, v11;
	v59 =	vadd.f32 v53, v55  }
0x123: {  	s3 =	smul.u32 $0x3, s3;
	v62 =	vmul.f32 v60, v12;
	[tilespmem:s30+$0x10] =	vst v33;
	v39 =	vmul.f32 v41, v39  }
0x124: {  	s16 =	sadd.s32 $0x100, s15;
	v61 =	vmul.f32 v41, v43;
	[tilespmem:s30+$0xFFFFFF80] =	vst v42;
	v38 =	vadd.f32 v46, v58;
	v63 =	vperm.xlane v59, v4  }
0x125: {  	s12 =	simm.s32 $0x6;
	s13 =	ssub.s32 s1, s3;
	s3 =	sadd.s32 $0x100, s2;
	v33 =	vld [tilespmem:s16+$0x0];
	v51 =	vmul.f32 v41, v44;
	[tilespmem:s30+$0xFFFFFF90] =	vst v39;
	v55 =	vmul.f32 v41, v40  }
0x126: {  	s1 =	simm.s32 $0x2;
	s31 =	sand.u32 $0xFF, s13;
	s2 =	simm.s32 $0x4;
	v42 =	vld [tilespmem:s3+$0x0];
	[tilespmem:s30+$0xFFFFFFA0] =	vst v61;
	v53 =	vmul.f32 v41, v45;
	v43 =	vadd.f32 v62, v38;
	v57 =	vadd.f32 v59, v63  }
.LBB2_11:
0x127: {  	p2 =	slt.u32 s12, $0x26;
	v40 =	vld [tilespmem:s16+$0x10];
	[tilespmem:s30+$0xFFFFFFB0] =	vst v55;
	v44 =	vmul.f32 v41, v23;
	v41 =	vmul.f32 v41, v25;
	v39 =	vmovc v34;
	v38 =	vmov v35  }
0x128: {  	v23 =	vmovc v36;
	v25 =	vmov v37;
	v34 =	vld [tilespmem:s3+$0x10];
	v35 =	vperm.xlane v43, v1;
	v45 =	vmul.f32 $1.442695020e+00, v57;
	[tilespmem:s30+$0xFFFFFFC0] =	vst v51  }
0x129: {  	v36 =	vmul.f32 v32, v15;
	v37 =	vmul.f32 v32, v13;
	v15 =	vmovc v18;
	v13 =	vmov v19;
	[tilespmem:s30+$0xFFFFFFD0] =	vst v53;
	v18 =	vld [tilespmem:s16+$0x20]  }
0x12a: {  	v46 =	vld [tilespmem:s3+$0x20];
	v35 =	vadd.f32 v43, v35;
	(erf) = vpow2.f32 v45;
	[tilespmem:s30+$0xFFFFFFE0] =	vst v44;
	v43 =	vmul.f32 v32, v14;
	v14 =	vmovc v21  }
0x12b: {  	v44 =	vadd.f32 v42, v33;
	v19 =	vld [tilespmem:s16+$0x30];
	[tilespmem:s30+$0xFFFFFFF0] =	vst v41;
	v41 =	vmul.f32 v32, v16;
	v32 =	vmul.f32 v32, v17  }
0x12c: {  	v47 =	vmov s1;
	v16 =	vmovc v22;
	v17 =	vmov v26;
	v45 =	vld [tilespmem:s3+$0x30];
	v42 =	vperm.xlane v35, v2;
	[tilespmem:s30+$0x20] =	vst v36  }
0x12d: {  	v22 =	vmul.f32 $2.000000030e-01, v44;
	v26 =	vadd.f32 v34, v40;
	v21 =	vld [tilespmem:s16+$0x40];
	v34 =	vand.u32 $0xFFFFFFFE, v47;
	[tilespmem:s30+$0x30] =	vst v37  }
0x12e: {  	v36 =	vld [tilespmem:s3+$0x40];
	v35 =	vadd.f32 v35, v42;
	v42 =	vbroadcast v34, $0x0;
	[tilespmem:s30+$0x40] =	vst v43  }
0x12f: {  	s13 =	sadd.s32 $0x1, s1;
	s1 =	smov.u32 s2;
	s2 =	smov.u32 s12;
	v34 =	vmax.f32 v44, v22;
	v37 =	vmul.f32 $2.000000030e-01, v26;
	v43 =	vadd.f32 v46, v18;
	v22 =	vld [tilespmem:s16+$0x50];
	[tilespmem:s30+$0x50] =	vst v41  }
0x130: {  	v46 =	vmov s13;
	v34 =	vmul.f32 v34, v5;
	v41 =	vld [tilespmem:s3+$0x50];
	v44 =	vperm.xlane v35, v3;
	[tilespmem:s30+$0x60] =	vst v32;
	s30 =	smov.u32 s15;
	s15 =	smov.u32 s16  }
0x131: {  	v49 =	vmax.f32 v26, v37;
	v37 =	vmul.f32 $2.000000030e-01, v43;
	v45 =	vadd.f32 v45, v19;
	v26 =	vld [tilespmem:s16+$0x60]  }
0x132: {  	v34 =	vadd.f32 $0.0e+00, v34;
	v47 =	vmul.f32 v49, v6;
	v48 =	vld [tilespmem:s3+$0x60];
	v35 =	vadd.f32 v35, v44  }
0x133: {  	v37 =	vmax.f32 v43, v37;
	v43 =	vmul.f32 $2.000000030e-01, v45;
	v36 =	vadd.f32 v36, v21;
	v44 =	vld [tilespmem:s16+$0x70];
	v32 =	vpop (erf)  }
0x134: {  	v34 =	vadd.f32 v47, v34;
	v37 =	vmul.f32 v37, v7;
	v47 =	vld [tilespmem:s3+$0x70];
	v31 =	vmul.f32 v32, v31  }
0x135: {  	v49 =	vld [tilespmem:s3+$0xFFFFFF80];
	v43 =	vmax.f32 v45, v43;
	v45 =	vmul.f32 $2.000000030e-01, v36;
	v41 =	vadd.f32 v41, v22;
	[tilespmem:v46+s21+$0x0] =	vst.idx.msk $0x1, v32  }
0x136: {  	v46 =	vld [tilespmem:s16+$0xFFFFFF80];
	v34 =	vadd.f32 v37, v34;
	v37 =	vmul.f32 v43, v8;
	v43 =	vperm.xlane v35, v4;
	[tilespmem:s30+$0x70] =	vst v31  }
0x137: {  	v50 =	vld [tilespmem:s16+$0xFFFFFF90];
	v51 =	vmax.f32 v36, v45;
	v36 =	vmul.f32 $2.000000030e-01, v41;
	v45 =	vadd.f32 v48, v26  }
0x138: {  	v48 =	vld [tilespmem:s3+$0xFFFFFF90];
	v34 =	vadd.f32 v37, v34;
	v37 =	vmul.f32 v51, v9;
	v35 =	vadd.f32 v35, v43;
	v31 =	vmovc v44  }
0x139: {  	v43 =	vld [tilespmem:s16+$0xFFFFFFA0];
	v36 =	vmax.f32 v41, v36;
	v41 =	vmul.f32 $2.000000030e-01, v45;
	v44 =	vadd.f32 v47, v31  }
0x13a: {  	v47 =	vld [tilespmem:s3+$0xFFFFFFA0];
	v34 =	vadd.f32 v37, v34;
	v36 =	vmul.f32 v36, v10;
	v35 =	vmul.f32 $1.442695020e+00, v35  }
0x13b: {  	v37 =	vadd.f32 v49, v46;
	v49 =	vld [tilespmem:s16+$0xFFFFFFB0];
	v41 =	vmax.f32 v45, v41;
	v45 =	vmul.f32 $2.000000030e-01, v44  }
0x13c: {  	v51 =	vld [tilespmem:s3+$0xFFFFFFB0];
	v36 =	vadd.f32 v36, v34;
	v41 =	vmul.f32 v41, v11;
	(erf) = vpow2.f32 v35  }
0x13d: {  	v35 =	vmul.f32 $2.000000030e-01, v37;
	v48 =	vadd.f32 v48, v50;
	v34 =	vld [tilespmem:s16+$0xFFFFFFC0];
	v44 =	vmax.f32 v44, v45  }
0x13e: {  	v45 =	vld [tilespmem:s3+$0xFFFFFFC0];
	v36 =	vadd.f32 v41, v36;
	v41 =	vmul.f32 v44, v12;
	v44 =	vmul.f32 v32, v20;
	v20 =	vmovc v33  }
0x13f: {  	v33 =	vmax.f32 v37, v35;
	v37 =	vmul.f32 $2.000000030e-01, v48;
	v47 =	vadd.f32 v47, v43;
	v35 =	vld [tilespmem:s16+$0xFFFFFFD0]  }
0x140: {  	v33 =	vmul.f32 v33, v5;
	v52 =	vld [tilespmem:s3+$0xFFFFFFD0];
	v41 =	vadd.f32 v41, v36;
	[tilespmem:s30+$0x0] =	vst v44;
	v44 =	vmul.f32 v32, v24  }
0x141: {  	v24 =	vmovc v40;
	v37 =	vmax.f32 v48, v37;
	v48 =	vmul.f32 $2.000000030e-01, v47;
	v51 =	vadd.f32 v51, v49;
	v36 =	vld [tilespmem:s16+$0xFFFFFFE0]  }
0x142: {  	v33 =	vadd.f32 $0.0e+00, v33;
	v40 =	vmul.f32 v37, v6;
	v53 =	vld [tilespmem:s3+$0xFFFFFFE0];
	v54 =	vperm.xlane v41, v1;
	[tilespmem:s30+$0x10] =	vst v44  }
0x143: {  	v44 =	vmax.f32 v47, v48;
	v47 =	vmul.f32 $2.000000030e-01, v51;
	v45 =	vadd.f32 v45, v34;
	v37 =	vld [tilespmem:s16+$0xFFFFFFF0]  }
0x144: {  	v33 =	vadd.f32 v40, v33;
	v40 =	vmul.f32 v44, v7;
	v44 =	vld [tilespmem:s3+$0xFFFFFFF0];
	v48 =	vadd.f32 v41, v54  }
0x145: {  	v47 =	vmax.f32 v51, v47;
	v51 =	vmul.f32 $2.000000030e-01, v45;
	v52 =	vadd.f32 v52, v35;
	v41 =	vpop (erf)  }
0x146: {  	v33 =	vadd.f32 v40, v33;
	v40 =	vmul.f32 v47, v8;
	v47 =	vperm.xlane v48, v2  }
0x147: {  	v45 =	vmax.f32 v45, v51;
	v51 =	vmul.f32 $2.000000030e-01, v52;
	v53 =	vadd.f32 v53, v36;
	[tilespmem:v42+s21+$0x0] =	vst.idx.msk $0x1, v41  }
0x148: {  	v33 =	vadd.f32 v40, v33;
	v40 =	vmul.f32 v45, v9;
	v42 =	vadd.f32 v48, v47  }
0x149: {  	v45 =	vmax.f32 v52, v51;
	v47 =	vmul.f32 $2.000000030e-01, v53;
	v44 =	vadd.f32 v44, v37  }
0x14a: {  	v33 =	vadd.f32 v40, v33;
	v40 =	vmul.f32 v45, v10;
	v45 =	vperm.xlane v42, v3  }
0x14b: {  	v51 =	vmul.f32 v41, v27;
	v27 =	vmovc v46;
	v47 =	vmax.f32 v53, v47;
	v48 =	vmul.f32 $2.000000030e-01, v44  }
.Ltmp4:
0x14c: {  	v33 =	vadd.f32 v40, v33;
	v40 =	vmul.f32 v47, v11;
	v45 =	vadd.f32 v42, v45;
	(pc) =	sbr.rel @p2 .LBB2_11-.Ltmp4, $4  }
0x14d: {  	v46 =	vmul.f32 v41, v30;
	v42 =	vmax.f32 v44, v48;
	[tilespmem:s30+$0xFFFFFF80] =	vst v51;
	v44 =	vmul.f32 v41, v28  }
0x14e: {  	s16 =	sadd.s32 $0x100, s16;
	v28 =	vmovc v50;
	v40 =	vadd.f32 v40, v33;
	v47 =	vmul.f32 v42, v12;
	v48 =	vperm.xlane v45, v4  }
0x14f: {  	s3 =	sadd.s32 $0x100, s3;
	v55 =	vmul.f32 v41, v29;
	v29 =	vmovc v49;
	v30 =	vmov v43;
	v51 =	vmul.f32 v41, v39;
	v33 =	vld [tilespmem:s16+$0x0];
	[tilespmem:s30+$0xFFFFFF90] =	vst v44  }
0x150: {  	s12 =	sadd.s32 $0x2, s12;
	v53 =	vmul.f32 v41, v38;
	v42 =	vld [tilespmem:s3+$0x0];
	v43 =	vadd.f32 v47, v40;
	v57 =	vadd.f32 v45, v48;
	[tilespmem:s30+$0xFFFFFFA0] =	vst v46  }
0x151: {  	v44 =	vld [tilespmem:s16+$0x10];
	_ =	sdelay $0x4  }
0x152: {  	[tilespmem:$0x1FFA0] =	vst v44  }
0x153: {  	v38 =	vld [tilespmem:s16+$0x20];
	_ =	sdelay $0x4  }
0x154: {  	v45 =	vld [tilespmem:s3+$0x10];
	[tilespmem:$0x1FFB0] =	vst v38  }
0x155: {  	v39 =	vld [tilespmem:s16+$0x30];
	_ =	sdelay $0x4  }
0x156: {  	v46 =	vld [tilespmem:s3+$0x20];
	[tilespmem:$0x1FFC0] =	vst v39  }
0x157: {  	v40 =	vld [tilespmem:s16+$0x40];
	_ =	sdelay $0x4  }
0x158: {  	v47 =	vld [tilespmem:s3+$0x30];
	[tilespmem:$0x1FFD0] =	vst v40  }
0x159: {  	v48 =	vadd.f32 v42, v33;
	v42 =	vld [tilespmem:s16+$0x50];
	_ =	sdelay $0x3  }
0x15a: {  	v50 =	vperm.xlane v43, v1  }
0x15b: {  	v49 =	vld [tilespmem:s3+$0x40];
	[tilespmem:$0x1FFE0] =	vst v42  }
0x15c: {  	v50 =	vadd.f32 v43, v50;
	v43 =	vld [tilespmem:s16+$0x60];
	_ =	sdelay $0x1  }
0x15d: {  	v54 =	vadd.f32 v45, v44  }
0x15e: {  	v52 =	vmul.f32 $2.000000030e-01, v48  }
0x15f: {  	v63 =	vmul.f32 $2.000000030e-01, v54  }
0x160: {  	v62 =	vmax.f32 v48, v52;
	v56 =	vld [tilespmem:s3+$0x50];
	[tilespmem:$0x1FFF0] =	vst v43  }
0x161: {  	v59 =	vmul.f32 v62, v5;
	v48 =	vmax.f32 v54, v63;
	v46 =	vadd.f32 v46, v38;
	v52 =	vld [tilespmem:s3+$0x60]  }
0x162: {  	v48 =	vmul.f32 v48, v6;
	v45 =	vld [tilespmem:s16+$0x70]  }
0x163: {  	v38 =	vadd.f32 $0.0e+00, v59;
	v54 =	vmul.f32 $2.000000030e-01, v46;
	v60 =	vadd.f32 v47, v39;
	v61 =	vld [tilespmem:s3+$0x70]  }
0x164: {  	v58 =	vperm.xlane v50, v2;
	v59 =	vld [tilespmem:s3+$0xFFFFFF80]  }
0x165: {  	v48 =	vadd.f32 v48, v38;
	v54 =	vmax.f32 v46, v54;
	v39 =	vmul.f32 $2.000000030e-01, v60;
	v46 =	vld [tilespmem:s16+$0xFFFFFF80]  }
0x166: {  	v54 =	vmul.f32 v54, v7;
	v49 =	vadd.f32 v49, v40;
	v56 =	vadd.f32 v56, v42;
	v47 =	vld [tilespmem:s16+$0xFFFFFF90]  }
0x167: {  	v50 =	vadd.f32 v50, v58;
	v58 =	vmax.f32 v60, v39;
	v60 =	vld [tilespmem:s3+$0xFFFFFF90]  }
0x168: {  	v54 =	vadd.f32 v54, v48;
	v63 =	vmul.f32 $2.000000030e-01, v49;
	v48 =	vld [tilespmem:s16+$0xFFFFFFA0];
	v38 =	vmul.f32 $2.000000030e-01, v56  }
0x169: {  	v62 =	vperm.xlane v50, v3;
	v58 =	vmul.f32 v58, v8;
	v40 =	vld [tilespmem:s3+$0xFFFFFFA0]  }
0x16a: {  	v63 =	vmax.f32 v49, v63;
	v49 =	vld [tilespmem:s16+$0xFFFFFFB0];
	v56 =	vmax.f32 v56, v38;
	v52 =	vadd.f32 v52, v43  }
0x16b: {  	v54 =	vadd.f32 v58, v54;
	v42 =	vld [tilespmem:s3+$0xFFFFFFB0];
	v56 =	vmul.f32 v56, v10;
	v58 =	vadd.f32 v59, v46  }
0x16c: {  	v62 =	vadd.f32 v50, v62;
	v59 =	vmul.f32 v63, v9;
	v63 =	vmul.f32 $2.000000030e-01, v52  }
0x16d: {  	v61 =	vadd.f32 v61, v45;
	v38 =	vadd.f32 v60, v47;
	v60 =	vld [tilespmem:s16+$0xFFFFFFC0];
	v44 =	vmul.f32 $2.000000030e-01, v58  }
0x16e: {  	v40 =	vadd.f32 v40, v48;
	v54 =	vadd.f32 v59, v54;
	v59 =	vmax.f32 v52, v63;
	v63 =	vld [tilespmem:s3+$0xFFFFFFC0]  }
0x16f: {  	v39 =	vmul.f32 $2.000000030e-01, v61;
	v50 =	vmax.f32 v58, v44;
	v58 =	vmul.f32 $2.000000030e-01, v38;
	v52 =	vld [tilespmem:s16+$0xFFFFFFD0]  }
0x170: {  	v42 =	vadd.f32 v42, v49;
	v43 =	vadd.f32 v56, v54;
	v54 =	vld [tilespmem:s3+$0xFFFFFFD0];
	v50 =	vmul.f32 v50, v5  }
0x171: {  	v44 =	vld [tilespmem:s16+$0xFFFFFFE0];
	v39 =	vmax.f32 v61, v39;
	v56 =	vmax.f32 v38, v58;
	v58 =	vmul.f32 $2.000000030e-01, v40  }
0x172: {  	v59 =	vmul.f32 v59, v11;
	v38 =	vld [tilespmem:s3+$0xFFFFFFE0];
	v50 =	vadd.f32 $0.0e+00, v50;
	v61 =	vmul.f32 v56, v6  }
0x173: {  	v56 =	vld [tilespmem:s16+$0xFFFFFFF0];
	v40 =	vmax.f32 v40, v58;
	v58 =	vmul.f32 $2.000000030e-01, v42;
	v63 =	vadd.f32 v63, v60  }
0x174: {  	v39 =	vmul.f32 v39, v12;
	v50 =	vadd.f32 v61, v50;
	v40 =	vmul.f32 v40, v7;
	v61 =	vld [tilespmem:s3+$0xFFFFFFF0]  }
0x175: {  	v54 =	vadd.f32 v54, v52;
	v42 =	vmax.f32 v42, v58;
	v58 =	vmul.f32 $2.000000030e-01, v63  }
0x176: {  	v43 =	vadd.f32 v59, v43;
	v40 =	vadd.f32 v40, v50;
	v42 =	vmul.f32 v42, v8  }
0x177: {  	v38 =	vadd.f32 v38, v44;
	v50 =	vmax.f32 v63, v58;
	v63 =	vmul.f32 $2.000000030e-01, v54  }
0x178: {  	v40 =	vadd.f32 v42, v40;
	v42 =	vmul.f32 $1.442695020e+00, v57;
	v50 =	vmul.f32 v50, v9  }
0x179: {  	v57 =	vmul.f32 $2.000000030e-01, v38;
	v58 =	vadd.f32 v61, v56;
	v54 =	vmax.f32 v54, v63  }
0x17a: {  	v40 =	vadd.f32 v50, v40;
	v50 =	vmul.f32 v54, v10  }
0x17b: {  	v39 =	vadd.f32 v39, v43;
	v38 =	vmax.f32 v38, v57;
	v61 =	vmul.f32 $2.000000030e-01, v58  }
0x17c: {  	v63 =	vperm.xlane v62, v4;
	v38 =	vmul.f32 v38, v11;
	v40 =	vadd.f32 v50, v40  }
0x17d: {  	(erf) = vpow2.f32 v42;
	v54 =	vperm.xlane v39, v1;
	v50 =	vmax.f32 v58, v61  }
0x17e: {  	[tilespmem:s30+$0xFFFFFFB0] =	vst v55;
	v63 =	vadd.f32 v62, v63;
	v43 =	vmul.f32 v50, v12;
	v38 =	vadd.f32 v38, v40  }
0x17f: {  	v23 =	vmul.f32 v41, v23;
	v25 =	vmul.f32 v41, v25;
	[tilespmem:s30+$0xFFFFFFC0] =	vst v51;
	v39 =	vadd.f32 v39, v54  }
0x180: {  	v15 =	vmul.f32 v32, v15;
	[tilespmem:s30+$0xFFFFFFD0] =	vst v53;
	v42 =	vmul.f32 $1.442695020e+00, v63;
	v38 =	vadd.f32 v43, v38  }
0x181: {  	v13 =	vmul.f32 v32, v13;
	[tilespmem:s30+$0xFFFFFFE0] =	vst v23;
	v55 =	vperm.xlane v39, v2  }
0x182: {  	s12 =	sadd.s32 $0x1, s1;
	[tilespmem:s30+$0xFFFFFFF0] =	vst v25;
	(erf) = vpow2.f32 v42;
	v57 =	vperm.xlane v38, v1  }
0x183: {  	v14 =	vmul.f32 v32, v14;
	[tilespmem:s30+$0x20] =	vst v15;
	v58 =	vmov s12;
	v15 =	vadd.f32 v39, v55  }
0x184: {  	v16 =	vmul.f32 v32, v16;
	[tilespmem:s30+$0x30] =	vst v13;
	v59 =	vadd.f32 v38, v57  }
0x185: {  	v17 =	vmul.f32 v32, v17;
	[tilespmem:s30+$0x40] =	vst v14;
	v61 =	vmov s1;
	v14 =	vperm.xlane v15, v3  }
0x186: {  	[tilespmem:s30+$0x50] =	vst v16;
	v13 =	vand.u32 $0xFFFFFFFE, v61;
	v63 =	vpop (erf);
	v62 =	vperm.xlane v59, v2  }
0x187: {  	[tilespmem:s30+$0x60] =	vst v17;
	v13 =	vbroadcast v13, $0x0;
	v20 =	vmul.f32 v63, v20;
	v14 =	vadd.f32 v15, v14  }
0x188: {  	[tilespmem:v58+s21+$0x0] =	vst.idx.msk $0x1, v63;
	v39 =	vmul.f32 v63, v24;
	v15 =	vadd.f32 v59, v62  }
0x189: {  	v55 =	vmul.f32 v63, v22;
	[tilespmem:s15+$0x0] =	vst v20;
	v40 =	vperm.xlane v14, v4  }
0x18a: {  	v38 =	vmul.f32 v63, v31;
	[tilespmem:s15+$0x10] =	vst v39;
	v41 =	vperm.xlane v15, v3  }
0x18b: {  	[tilespmem:s15+$0x50] =	vst v55;
	v42 =	vpop (erf);
	v14 =	vadd.f32 v14, v40  }
0x18c: {  	[tilespmem:s15+$0x70] =	vst v38;
	v43 =	vmul.f32 v42, v27;
	v15 =	vadd.f32 v15, v41  }
0x18d: {  	[tilespmem:v13+s21+$0x0] =	vst.idx.msk $0x1, v42;
	v13 =	vmul.f32 v42, v28;
	v14 =	vmul.f32 $1.442695020e+00, v14  }
0x18e: {  	v50 =	vmul.f32 v42, v30;
	[tilespmem:s15+$0xFFFFFF80] =	vst v43;
	v51 =	vperm.xlane v15, v4  }
0x18f: {  	v53 =	vmul.f32 v42, v34;
	[tilespmem:s15+$0xFFFFFF90] =	vst v13;
	(erf) = vpow2.f32 v14  }
0x190: {  	v13 =	vmul.f32 v42, v29;
	[tilespmem:s15+$0xFFFFFFA0] =	vst v50;
	v14 =	vadd.f32 v15, v51  }
0x191: {  	[tilespmem:s15+$0xFFFFFFC0] =	vst v53;
	v15 =	vmul.f32 v42, v35  }
0x192: {  	[tilespmem:s15+$0xFFFFFFB0] =	vst v13;
	v13 =	vmul.f32 v42, v36;
	v14 =	vmul.f32 $1.442695020e+00, v14  }
0x193: {  	v54 =	vmul.f32 v42, v37;
	[tilespmem:s15+$0xFFFFFFD0] =	vst v15;
	v15 =	vmul.f32 v63, v18  }
0x194: {  	s13 =	sadd.s32 $0x1, s2;
	[tilespmem:s15+$0xFFFFFFE0] =	vst v13;
	(erf) = vpow2.f32 v14;
	v14 =	vmul.f32 v63, v21  }
0x195: {  	v13 =	vmul.f32 v63, v19;
	[tilespmem:s15+$0x20] =	vst v15;
	v15 =	vmov s13  }
0x196: {  	[tilespmem:s15+$0xFFFFFFF0] =	vst v54  }
0x197: {  	[tilespmem:s15+$0x30] =	vst v13;
	v13 =	vmul.f32 v63, v26  }
0x198: {  	[tilespmem:s15+$0x40] =	vst v14;
	v14 =	vpop (erf)  }
0x199: {  	[tilespmem:s15+$0x60] =	vst v13;
	v13 =	vmul.f32 v14, v45  }
0x19a: {  	v57 =	vmov s2;
	[tilespmem:v15+s21+$0x0] =	vst.idx.msk $0x1, v14  }
0x19b: {  	v58 =	vand.u32 $0xFFFFFFFE, v57;
	[tilespmem:s16+$0x70] =	vst v13  }
0x19c: {  	v16 =	vbroadcast v58, $0x0;
	v13 =	vld [tilespmem:$0x1FFA0]  }
0x19d: {  	v15 =	vmul.f32 v14, v33;
	_ =	sdelay $0x3  }
0x19e: {  	[tilespmem:s16+$0x0] =	vst v15;
	v15 =	vpop (erf);
	v13 =	vmul.f32 v14, v13  }
0x19f: {  	[tilespmem:v16+s21+$0x0] =	vst.idx.msk $0x1, v15;
	v59 =	vmul.f32 v15, v47  }
0x1a0: {  	[tilespmem:s16+$0x10] =	vst v13;
	v13 =	vmul.f32 v15, v46  }
0x1a1: {  	v61 =	vmul.f32 v15, v49;
	[tilespmem:s16+$0xFFFFFF90] =	vst v59  }
0x1a2: {  	[tilespmem:s16+$0xFFFFFF80] =	vst v13;
	v13 =	vmul.f32 v15, v48  }
0x1a3: {  	v62 =	vmul.f32 v15, v60;
	[tilespmem:s16+$0xFFFFFFB0] =	vst v61  }
0x1a4: {  	[tilespmem:s16+$0xFFFFFFA0] =	vst v13;
	v13 =	vmul.f32 v15, v52  }
0x1a5: {  	v63 =	vmul.f32 v15, v44;
	[tilespmem:s16+$0xFFFFFFC0] =	vst v62  }
0x1a6: {  	[tilespmem:s16+$0xFFFFFFD0] =	vst v13  }
0x1a7: {  	v13 =	vld [tilespmem:$0x1FFB0];
	[tilespmem:s16+$0xFFFFFFE0] =	vst v63  }
0x1a8: {  	v16 =	vld [tilespmem:$0x1FFC0];
	_ =	sdelay $0x2  }
0x1a9: {  	v15 =	vmul.f32 v15, v56  }
0x1aa: {  	v13 =	vmul.f32 v14, v13  }
0x1ab: {  	[tilespmem:s16+$0xFFFFFFF0] =	vst v15;
	v16 =	vmul.f32 v14, v16  }
0x1ac: {  	v15 =	vld [tilespmem:$0x1FFD0];
	[tilespmem:s16+$0x20] =	vst v13  }
0x1ad: {  	v13 =	vld [tilespmem:$0x1FFE0];
	[tilespmem:s16+$0x30] =	vst v16  }
0x1ae: {  	v16 =	vld [tilespmem:$0x1FFF0];
	_ =	sdelay $0x2  }
0x1af: {  	v15 =	vmul.f32 v14, v15  }
0x1b0: {  	v13 =	vmul.f32 v14, v13  }
0x1b1: {  	[tilespmem:s16+$0x40] =	vst v15;
	v14 =	vmul.f32 v14, v16  }
0x1b2: {  	[tilespmem:s16+$0x50] =	vst v13  }
0x1b3: {  	s30 =	sshll.u32 s31, $0x7;
	[tilespmem:s16+$0x60] =	vst v14  }
0x1b4: {  	v13 =	vld [tilespmem:s30+$0x5200];
	_ =	sdelay $0x2  }
0x1b5: {  	v14 =	vld [tilespmem:$0x7C00];
	_ =	sdelay $0x4  }
0x1b6: {  	[tilespmem:v13+s22+$0x0] =	vst.idx.add.f32.msk $0xffff, v14  }
0x1b7: {  	v13 =	vld [tilespmem:s30+$0x5210];
	_ =	sdelay $0x2  }
0x1b8: {  	v14 =	vld [tilespmem:$0x7C10];
	_ =	sdelay $0x4  }
0x1b9: {  	[tilespmem:v13+s22+$0x0] =	vst.idx.add.f32.msk $0xffff, v14  }
0x1ba: {  	v13 =	vld [tilespmem:s30+$0x5218];
	_ =	sdelay $0x2  }
0x1bb: {  	v14 =	vld [tilespmem:$0x7C18];
	_ =	sdelay $0x1  }
0x1bc: {  	p2 =	sne.s32 s28, $0xFA;
	s31 =	smul.u32 $0x5000, s29  }
.Ltmp5:
0x1bd: {  	_ = 	snop;
	(pc) =	sbr.rel @p2 .LBB2_6-.Ltmp5, $4  }
0x1be: {  	_ = 	snop  }
0x1bf: {  	s1 =	sadd.s32 $0x5200, s30;
	s2 =	sshrl.u32 s31, $0x2;
	[tilespmem:v13+s22+$0x0] =	vst.idx.add.f32.msk vm0, v14  }
0x1c0: {  	[spmem:s4] =	stream.indirect.scatter.add.f32 [tilespmem:s2], [sflag:$0x3], $0x80, s1, s17, $0xb8;
	[tilespmem:$0x1B500] =	vst v63  }
0x1c1: {  	p1 =	por !p1, !p1;
	s1 =	smov.u32 s28  }
0x1c2: {  	_ =	swait.ge [sflag:s23], $0x1400  }
0x1c3: {  	s2 =	simm.s32 $0x80;
	[sflag:s23] =	ssyncset.done $0x0  }
0x1c4: {  	s3 =	simm.s32 $0x400;
	s1 =	rddreg [dreg:$0x9];
	[sflag:s23] =	ssyncadd.s32 $0xFFFFEC00  }
0x1c5: {  	[hbm4b:s1+s2] =	stream.strided.scatter [tilespmem:s22], [sflag:$0x5], $0x2780, s3, s2, $0x38;
	[tilespmem:$0x1B500] =	vst v63  }
0x1c6: {  	_ =	swait.ge [sflag:s14], $0x2780  }
0x1c7: {  	[sflag:s14] =	ssyncset.done $0x0  }
0x1c8: {  	[sflag:s14] =	ssyncadd.s32 $0xFFFFD880  }
0x1c9: {  	[bflag:$0x0] =	sbarrier.arrive $0xFFFF  }
0x1ca: {  	[tilespmem:s5], [sflag:$0x5] =	stream.linear.gather [spmem:s19], $0x1400, $0x38;
	[tilespmem:$0x1B500] =	vst v63  }
0x1cb: {  	_ =	swait.ge [sflag:s14], $0x1400  }
0x1cc: {  	[sflag:s14] =	ssyncset.done $0x0  }
0x1cd: {  	s31 =	sadd.s32 $0x0, s24;
	[sflag:s14] =	ssyncadd.s32 $0xFFFFEC00  }
0x1ce: {  	[hbm4b:s31+s5] =	stream.linear.scatter [tilespmem:s5], [sflag:$0x5], $0x1400, $0x38;
	[tilespmem:$0x1B500] =	vst v63  }
0x1cf: {  	_ =	swait.ge [sflag:s14], $0x1400  }
0x1d0: {  	s1 =	simm.s32 $0x280;
	s2 =	smov.u32 s19;
	[sflag:s14] =	ssyncset.done $0x0  }
.LBB2_14:
0x1d1: {  	p1 =	sne.s32 s1, $0x2300;
	[sflag:s14] =	ssyncadd.s32 $0xFFFFEC00;
	s2 =	sadd.s32 $0x1400, s2  }
0x1d2: {  	[tilespmem:s5], [sflag:$0x5] =	stream.linear.gather [spmem:s2], $0x1400, $0x38;
	[tilespmem:$0x1B500] =	vst v63  }
0x1d3: {  	s3 =	smov.u32 s1;
	s1 =	sadd.s32 $0x280, s1;
	_ =	swait.ge [sflag:s14], $0x1400  }
.Ltmp6:
0x1d4: {  	[sflag:s14] =	ssyncset.done $0x0;
	(pc) =	sbr.rel @p1 .LBB2_14-.Ltmp6, $4  }
0x1d5: {  	s3 =	sadd.s32 s3, s24;
	[sflag:s14] =	ssyncadd.s32 $0xFFFFEC00  }
0x1d6: {  	[hbm4b:s3+s5] =	stream.linear.scatter [tilespmem:s5], [sflag:$0x5], $0x1400, $0x38;
	[tilespmem:$0x1B500] =	vst v63  }
0x1d7: {  	_ =	swait.ge [sflag:s14], $0x1400  }
0x1d8: {  	[sflag:s14] =	ssyncset.done $0x0  }
0x1d9: {  	[sflag:s14] =	ssyncadd.s32 $0xFFFFEC00  }
0x1da: {  	[tilespmem:s5], [sflag:$0x5] =	stream.linear.gather [spmem:s10], $0xC00, $0x38;
	[tilespmem:$0x1B500] =	vst v63  }
0x1db: {  	_ =	swait.ge [sflag:s14], $0xC00  }
0x1dc: {  	[sflag:s14] =	ssyncset.done $0x0  }
0x1dd: {  	s1 =	rddreg [dreg:$0xa];
	[sflag:s14] =	ssyncadd.s32 $0xFFFFF400  }
0x1de: {  	[hbm4b:s1+s5] =	stream.linear.scatter [tilespmem:s5], [sflag:$0x5], $0xC00, $0x38;
	[tilespmem:$0x1B500] =	vst v63  }
0x1df: {  	_ =	swait.ge [sflag:s14], $0xC00  }
0x1e0: {  	[sflag:s14] =	ssyncset.done $0x0  }
0x1e1: {  	s2 =	simm.s32 @!p0 $0x5;
	s1 =	simm.s32 @!p0 $0x0;
	[sflag:s14] =	ssyncadd.s32 $0xFFFFF400  }
0x1e2: {  	[tilespmem:s1], [sflag:$0x5] =	stream.linear.gather @!p0 [spmem:s11], $0x800, $0x38;
	[tilespmem:$0x1B500] =	vst v63  }
0x1e3: {  	_ =	swait.ge @!p0 [sflag:s2], $0x800  }
0x1e4: {  	[sflag:s2] =	ssyncset.done @!p0 $0x0  }
0x1e5: {  	s3 =	rddreg [dreg:$0xb];
	[sflag:s2] =	ssyncadd.s32 @!p0 $0xFFFFF800  }
0x1e6: {  	[hbm4b:s3+s1] =	stream.linear.scatter @!p0 [tilespmem:s1], [sflag:$0x5], $0x800, $0x38;
	[tilespmem:$0x1B500] =	vst v63  }
0x1e7: {  	_ =	swait.ge @!p0 [sflag:s2], $0x800  }
0x1e8: {  	s26 =	sadd.s32 $0x1, s26;
	s31 =	rddreg [dreg:$0xc]  }
0x1e9: {  	p1 =	sne.s32 s26, s31  }
.Ltmp7:
0x1ea: {  	_ = 	snop;
	(pc) =	sbr.rel @p1 .LBB2_1-.Ltmp7, $3  }
0x1eb: {  	_ =	sdelay $0x1  }
0x1ec: {  	[sflag:s2] =	ssyncset.done @!p0 $0x0  }
0x1ed: {  	[sflag:s2] =	ssyncadd.s32 @!p0 $0xFFFFF800  }
0x1ee: {  	_ =	sfence.sel $0x180000  }
0x1ef: {  	[bflag:$0x0] =	sbarrier.arrive $0xFFFF  }
0x1f0: {  	_ =	strace $0x9000004A  }
0x1f1: {  	s0 =	stileid.u32;
	[bflag:$0x2] =	sbarrier.arrive $0xFFFF  }
0x1f2: {  	p0 =	sne.s32 s0, $0x0;
	s0 =	rddreg [dreg:$0x4]  }
0x1f3: {  	s0 =	sadd.s32 @!p0 $0x100000, s0  }
0x1f4: {  	[sflag:s0] =	ssyncadd.tile.s32 @!p0 $0x1;
	_ =	shalt  }
.Lfunc_end2:
_tile_overlayer_lowered:
.L_overlay_start_2:
0x1f5: {  	(tag) =	ssettag $0x2  }
0x1f6: {  	s0 =	rddreg [dreg:$0x0];
	s2 =	stileid.u32  }
0x1f7: {  	s1 =	rddreg [dreg:$0x1];
	p0 =	sne.s32 s2, $0x0  }
0x1f8: {  	s3 =	rddreg [dreg:$0x2];
	[bflag:$0x3] =	sbarrier.arrive $0xFFFF;
	s2 =	simm.s32 @!p0 $0x1C05  }
0x1f9: {  	[timem:s3], [sflag:s2] =	dma.local @!p0 [hbm:s0], s1  }
0x1fa: {  	s0 =	simm.s32 @!p0 $0x5  }
0x1fb: {  	_ =	swait.ge @!p0 [sflag:s0], s1  }
0x1fc: {  	s1 =	ssub.s32 @!p0 $0x0, s1;
	[sflag:s0] =	ssyncset.done @!p0 $0x0  }
0x1fd: {  	[sflag:s0] =	ssyncadd.s32 @!p0 s1  }
0x1fe: {  	[bflag:$0x3] =	sbarrier.arrive $0xFFFF  }
0x1ff: {  	_ =	shalt  }

// kernel: kernel.8.cloned.1.call-start
scs
__scs_entry_jumppad:
0x0: {  	(pc) =	sbr.rel $0x88, $3  }
0x1: {  	(tag) =	ssettag $0x0;
	lr =	simm.s32 $0x1  }
0x2: {  	[smem:$0x3F97] =	sst lr;
	_ =	strace $0xD0000000  }
0x3: {  	_ = 	snop  }
0x4: {  	_ = 	snop  }
0x5: {  	_ = 	snop  }
0x6: {  	_ = 	snop  }
0x7: {  	_ = 	snop  }
__scs_overlays_trampoline_lowered:
0x8: {  	[smem:$0x3FA6] =	sst s0  }
0x9: {  	[smem:$0x3FA7] =	sst s1  }
0xa: {  	[smem:$0x3FA8] =	sst s2  }
0xb: {  	[smem:$0x3FA9] =	sst s3  }
0xc: {  	[smem:$0x3FAA] =	sst s4  }
0xd: {  	[smem:$0x3FAB] =	sst s5  }
0xe: {  	[smem:$0x3FAC] =	sst s6  }
0xf: {  	[smem:$0x3FAD] =	sst s7  }
0x10: {  	[smem:$0x3FAE] =	sst s8  }
0x11: {  	[smem:$0x3FAF] =	sst s9;
	s0 =	simm.s32 @!p0 $0x0  }
0x12: {  	s1 =	sld [smem:$0x3F95];
	s0 =	simm.s32 @p0 $0x1  }
0x13: {  	[smem:$0x3FB0] =	sst s0;
	s0 =	simm.s32 @!p1 $0x0  }
0x14: {  	s2 =	sld [smem:$0x3F94];
	s0 =	simm.s32 @p1 $0x1  }
0x15: {  	[smem:$0x3FB1] =	sst s0;
	s0 =	simm.s32 @!p2 $0x0  }
0x16: {  	s3 =	sld [smem:$0x3FDB];
	s0 =	simm.s32 @p2 $0x1  }
0x17: {  	s4 =	simm.s32 $0x1BF5;
	[smem:$0x3FB3] =	sst s0  }
0x18: {  	s0 =	sld [smem:$0x3F96];
	_ =	swait.ge [sflag:s4], $0x0  }
0x19: {  	s7 =	sld [smem:$0x3F97]  }
0x1a: {  	s8 =	sadd.s32 $0xFFFFE003, lr  }
0x1b: {  	s9 =	sadd.s32 $0xFFFFFEF7, lr;
	s5 =	simm.s32 $0xFFFFFFFF;
	p2 =	slt.u32 s8, $0xFFFFF086  }
0x1c: {  	p1 =	slt.u32 s9, $0xF7A;
	s5 =	simm.s32 @!p2 $0x0  }
0x1d: {  	s5 =	simm.s32 @p1 $0x1;
	p0 =	seq.s32 s7, s2  }
0x1e: {  	s7 =	smul.u32 @!p0 $0xF7A, s2;
	p2 =	seq.s32 @!p0 s5, $0x0  }
0x1f: {  	s9 =	smul.u32 $0xF7A, s1;
	s8 =	simm.s32 @!p0 $0x1BF5;
	p2 =	por !p2, p0  }
0x20: {  	[sflag:s8] =	ssyncset.s32 @!p0 $0xFFFFF086;
	s6 =	sadd.s32 @!p0 s3, s7;
	s7 =	simm.s32 @!p0 $0x108  }
0x21: {  	s3 =	sadd.s32 s3, s9;
	s6 =	sadd.s32 @!p0 $0x88, s6;
	s7 =	simm.s32 @p2 $0x1082  }
0x22: {  	[simem:s7], [sflag:s8] =	dma.local @!p0 [hbm:s6], $0xF7A  }
0x23: {  	s9 =	sor.u32 $0xD0000000, s2;
	s6 =	simm.s32 $0x108;
	_ =	swait.ge @!p0 [sflag:s8], $0x0  }
0x24: {  	s3 =	sadd.s32 $0x88, s3;
	s6 =	simm.s32 @!p1 $0x1082;
	[sflag:s4] =	ssyncset.s32 $0xFFFFF086  }
0x25: {  	[simem:s6], [sflag:s4] =	dma.local [hbm:s3], $0xF7A  }
0x26: {  	[smem:$0x3F97] =	sst s1;
	(tag) =	ssettag s2;
	_ =	strace s9  }
0x27: {  	s1 =	sld [smem:$0x3FA7]  }
0x28: {  	s2 =	sld [smem:$0x3FA8]  }
0x29: {  	s4 =	sld [smem:$0x3FAA]  }
0x2a: {  	p0 =	seq.s32 s5, $0x0;
	s5 =	sld [smem:$0x3FAB]  }
0x2b: {  	s6 =	sld [smem:$0x3FAC]  }
0x2c: {  	s7 =	sld [smem:$0x3FAD]  }
0x2d: {  	s3 =	simm.s32 $0x108;
	s8 =	sld [smem:$0x3FAE]  }
0x2e: {  	s3 =	simm.s32 @!p0 $0x1082;
	s9 =	sld [smem:$0x3FAF]  }
0x2f: {  	lr =	sadd.s32 s0, s3;
	s0 =	sld [smem:$0x3FA6]  }
0x30: {  	s3 =	sld [smem:$0x3FA9]  }
0x31: {  	[smem:$0x3FB2] =	sst s10  }
0x32: {  	s10 =	sld [smem:$0x3FB0];
	_ =	sdelay $0x3  }
0x33: {  	p0 =	seq.s32 s10, $0x1;
	s10 =	sld [smem:$0x3FB2];
	_ =	sdelay $0x3  }
0x34: {  	[smem:$0x3FB2] =	sst s10  }
0x35: {  	s10 =	sld [smem:$0x3FB1];
	_ =	sdelay $0x3  }
0x36: {  	p1 =	seq.s32 s10, $0x1;
	s10 =	sld [smem:$0x3FB2];
	_ =	sdelay $0x3  }
0x37: {  	[smem:$0x3FB2] =	sst s10  }
0x38: {  	s10 =	sld [smem:$0x3FB3]  }
0x39: {  	_ = 	snop;
	(pc) =	sbr.ind lr, $3  }
0x3a: {  	_ = 	snop  }
0x3b: {  	_ = 	snop  }
0x3c: {  	p2 =	seq.s32 s10, $0x1;
	s10 =	sld [smem:$0x3FB2]  }
0x3d: {  	_ =	shalt  }
0x3e: {  	_ =	shalt  }
0x3f: {  	_ =	shalt  }
0x40: {  	_ =	shalt  }
0x41: {  	_ =	shalt  }
0x42: {  	_ =	shalt  }
0x43: {  	_ =	shalt  }
0x44: {  	_ =	shalt  }
0x45: {  	_ =	shalt  }
0x46: {  	_ =	shalt  }
0x47: {  	_ =	shalt  }
0x48: {  	_ =	shalt  }
0x49: {  	_ =	shalt  }
0x4a: {  	_ =	shalt  }
0x4b: {  	_ =	shalt  }
0x4c: {  	_ =	shalt  }
0x4d: {  	_ =	shalt  }
0x4e: {  	_ =	shalt  }
0x4f: {  	_ =	shalt  }
0x50: {  	_ =	shalt  }
0x51: {  	_ =	shalt  }
0x52: {  	_ =	shalt  }
0x53: {  	_ =	shalt  }
0x54: {  	_ =	shalt  }
0x55: {  	_ =	shalt  }
0x56: {  	_ =	shalt  }
0x57: {  	_ =	shalt  }
0x58: {  	_ =	shalt  }
0x59: {  	_ =	shalt  }
0x5a: {  	_ =	shalt  }
0x5b: {  	_ =	shalt  }
0x5c: {  	_ =	shalt  }
0x5d: {  	_ =	shalt  }
0x5e: {  	_ =	shalt  }
0x5f: {  	_ =	shalt  }
0x60: {  	_ =	shalt  }
0x61: {  	_ =	shalt  }
0x62: {  	_ =	shalt  }
0x63: {  	_ =	shalt  }
0x64: {  	_ =	shalt  }
0x65: {  	_ =	shalt  }
0x66: {  	_ =	shalt  }
0x67: {  	_ =	shalt  }
0x68: {  	_ =	shalt  }
0x69: {  	_ =	shalt  }
0x6a: {  	_ =	shalt  }
0x6b: {  	_ =	shalt  }
0x6c: {  	_ =	shalt  }
0x6d: {  	_ =	shalt  }
0x6e: {  	_ =	shalt  }
0x6f: {  	_ =	shalt  }
0x70: {  	_ =	shalt  }
0x71: {  	_ =	shalt  }
0x72: {  	_ =	shalt  }
0x73: {  	_ =	shalt  }
0x74: {  	_ =	shalt  }
0x75: {  	_ =	shalt  }
0x76: {  	_ =	shalt  }
0x77: {  	_ =	shalt  }
0x78: {  	_ =	shalt  }
0x79: {  	_ =	shalt  }
0x7a: {  	_ =	shalt  }
0x7b: {  	_ =	shalt  }
0x7c: {  	_ =	shalt  }
0x7d: {  	_ =	shalt  }
0x7e: {  	_ =	shalt  }
0x7f: {  	_ =	shalt  }
0x80: {  	_ =	shalt  }
0x81: {  	_ =	shalt  }
0x82: {  	_ =	shalt  }
0x83: {  	_ =	shalt  }
0x84: {  	_ =	shalt  }
0x85: {  	_ =	shalt  }
0x86: {  	_ =	shalt  }
0x87: {  	_ =	shalt  }
.Lfunc_end0:
.L_simem_size_0:
called_computation_lowered:
.L_overlay_start_0:
0x88: {  	s2 =	sld [smem:$0x3FD9]  }
0x89: {  	s3 =	sld [smem:$0x3FFE];
	_ =	sdelay $0x1  }
0x8a: {  	s1 =	srdreg.scid  }
0x8b: {  	s0 =	sand.u32 $0x1, s1  }
0x8c: {  	s17 =	sshll.u32 s0, $0xA;
	s2 =	sadd.s32 s3, s2  }
0x8d: {  	s2 =	sadd.s32 s2, s17  }
0x8e: {  	[smem:$0x3FBE] =	sst s2  }
0x8f: {  	_ = 	snop  }
0x90: {  	s2 =	sld [smem:$0x3FC5]  }
0x91: {  	s18 =	sld [smem:$0x3FD0];
	(tm) =	ssettm $0x1  }
0x92: {  	s4 =	sld [smem:$0x3FFB];
	_ =	sdelay $0x3  }
0x93: {  	_ =	strace s4  }
0x94: {  	s4 =	sld [smem:$0x3FFC];
	_ =	sdelay $0x3  }
0x95: {  	_ =	strace s4  }
0x96: {  	s4 =	sld [smem:$0x3FFD];
	_ =	sdelay $0x3  }
0x97: {  	_ =	strace s4  }
0x98: {  	_ =	strace $0x8FFFFFFF  }
0x99: {  	s19 =	sld [smem:$0x3FDB];
	_ =	sdelay $0x1  }
0x9a: {  	s5 =	simm.s32 $_scs_section_size  }
0x9b: {  	s6 =	simm.s32 $_size__tile_overlayer_lowered;
	s7 =	simm.s32 $_tile_overlayer_lowered  }
0x9c: {  	s22 =	simm.s32 $0x1BFF;
	s21 =	sshll.u32 s7, $0x1;
	s4 =	sadd.s32 s5, s19  }
0x9d: {  	s8 =	simm.s32 $0x0;
	s20 =	sshll.u32 s6, $0x1;
	s6 =	sadd.s32 s21, s4  }
0x9e: {  	[timem:s8], [sflag:s22] =	dma.local [hbm:s6], s20  }
0x9f: {  	_ =	swait.ge [sflag:s22], s20  }
0xa0: {  	s5 =	ssub.s32 $0x0, s20;
	[sflag:s22] =	ssyncset.done $0x0  }
0xa1: {  	[sflag:s22] =	ssyncadd.s32 s5;
	_ =	sdelay $0x1  }
0xa2: {  	s23 =	simm.s32 $0x1B8B  }
0xa3: {  	_ =	swait.ge [sflag:s23], $0x1  }
0xa4: {  	[sflag:s23] =	ssyncset.done $0x0  }
0xa5: {  	s25 =	simm.s32 $0x1B8E;
	s24 =	sld [smem:$0x3FFE];
	[sflag:s23] =	ssyncadd.s32 $0xFFFFFFFF  }
0xa6: {  	s26 =	simm.s32 $execute0_lowered;
	[smem:$0x3FD2] =	sst s25  }
0xa7: {  	s6 =	sshll.u32 s26, $0x1;
	_ =	strace $0x80000046;
	[dreg:$0x1] =	wrdreg $0xFFFFFFFF  }
0xa8: {  	s28 =	simm.s32 $_size_execute0_lowered;
	s4 =	sadd.s32 s4, s6;
	[dreg:$0x0] =	wrdreg $0x0  }
0xa9: {  	s6 =	sshll.u32 s28, $0x1;
	[dreg:$0x2] =	wrdreg s4  }
0xaa: {  	[dreg:$0x3] =	wrdreg s6  }
0xab: {  	[dreg:$0x4] =	wrdreg $0xC0  }
0xac: {  	_ =	task [dreg:s8], $0x5FFFF  }
0xad: {  	[dreg:$0x1] =	wrdreg $0xFFFFFFFF  }
0xae: {  	[dreg:$0x0] =	wrdreg $0x60  }
0xaf: {  	[dreg:$0x2] =	wrdreg s18  }
0xb0: {  	[dreg:$0x3] =	wrdreg s24  }
0xb1: {  	[dreg:$0x4] =	wrdreg s2  }
0xb2: {  	[dreg:$0x5] =	wrdreg $0x7C800  }
0xb3: {  	[dreg:$0x6] =	wrdreg $0x9  }
0xb4: {  	_ =	task.clear_ibuf [dreg:s8], $0x7FFFF;
	_ =	strace $0x90000046  }
0xb5: {  	s29 =	simm.s32 $0x9;
	_ =	strace $0x80000048  }
0xb6: {  	_ =	swait.ge [sflag:s29], $0x1  }
0xb7: {  	[sflag:s29] =	ssyncadd.s32 $0xFFFFFFFF  }
0xb8: {  	_ =	strace $0x90000048  }
0xb9: {  	_ =	sfence  }
0xba: {  	s30 =	sld [smem:$0x0];
	_ =	sdelay $0x2  }
0xbb: {  	s31 =	sshll.u32 s1, $0xD;
	s1 =	sshrl.u32 s1, $0x2  }
0xbc: {  	s3 =	sand.u32 $0x4000, s31;
	s1 =	sadd.s32 s1, s30  }
0xbd: {  	s0 =	sor.u32 s3, s0;
	s1 =	sshll.u32 s1, $0x11  }
0xbe: {  	s0 =	sor.u32 s1, s0  }
0xbf: {  	s0 =	sadd.s32 $0x8F2B, s0  }
0xc0: {  	[sflag:s0] =	ssyncadd.remote.s32 $0x1  }
0xc1: {  	_ =	sfence.sel $0xFFFF  }
0xc2: {  	[dreg:$0x0] =	wrdreg $0xFFFFFFFF;
	(pc) =	sbr.abs _section_cstart, $3  }
0xc3: {  	[dreg:$0x1] =	wrdreg $0xFFFFFFFF  }
0xc4: {  	_ =	task.clear_ibuf [dreg:s8], $0x2FFFF;
	_ =	strace $0x9FFFFFFF  }
0xc5: {  	(tm) =	ssettm $0x7FFFFFFF  }
tec
execute0_lowered:
.L_overlay_start_1:
0x0: {  	(tag) =	ssettag $0x1  }
0x1: {  	s0 =	rddreg [dreg:$0x0]  }
0x2: {  	s2 =	rddreg [dreg:$0x1]  }
0x3: {  	s1 =	srdreg.scid;
	s4 =	rddreg [dreg:$0x3];
	s5 =	simm.s32 $0x0  }
0x4: {  	s16 =	stileid.u32;
	s1 =	sand.u32 $0x1, s1;
	[smem:$0x7FF] =	sst s5  }
0x5: {  	s7 =	sshll.u32 s16, $0x7;
	s12 =	smul.u32 $0x13800, s16;
	s3 =	sshll.u32 s1, $0x4  }
0x6: {  	s8 =	sadd.s32 $0x3000, s2;
	s28 =	smul.u32 $0x4E000, s16;
	s3 =	sor.u32 s16, s3  }
0x7: {  	s23 =	ssub.s32 $0x2, s1;
	s1 =	smul.u32 $0x138800, s1;
	s6 =	sshrl.u32 s3, $0x3  }
0x8: {  	s13 =	sadd.s32 $0x6A200, s2;
	s15 =	sadd.s32 $0x12C00, s12;
	s9 =	smul.u32 $0x13C00, s6  }
0x9: {  	s10 =	sand.u32 $0x380, s7;
	s7 =	sadd.s32 $0x23000, s2;
	s29 =	sadd.s32 s1, s15  }
0xa: {  	s30 =	sshrl.u32 s1, $0x3;
	s6 =	sadd.s32 $0x43000, s2;
	s9 =	sor.u32 s10, s9  }
0xb: {  	s10 =	sadd.s32 s15, s4;
	s15 =	sadd.s32 s13, s30;
	s9 =	sshrl.u32 s9, $0x3  }
0xc: {  	s31 =	sadd.s32 $0x27000, s15;
	s2 =	sadd.s32 s9, s2;
	s9 =	sshll.u32 s3, $0xC  }
0xd: {  	_ =	strace $0x80000047;
	[dreg:$0xb] =	wrdreg s31;
	s3 =	sadd.s32 s7, s9  }
0xe: {  	s24 =	sshrl.u32 s23, $0x1;
	s25 =	sadd.s32 s8, s9;
	[dreg:$0x5] =	wrdreg s3  }
0xf: {  	s26 =	sor.u32 $0x10, s9;
	s2 =	sadd.s32 $0xB8400, s2;
	[dreg:$0x6] =	wrdreg s25  }
0x10: {  	s14 =	ssub.s32 s23, s24;
	s17 =	sadd.s32 s7, s26;
	[dreg:$0x9] =	wrdreg s2  }
0x11: {  	s3 =	sadd.s32 s8, s26;
	s2 =	sshrl.u32 s29, $0x3;
	[dreg:$0x7] =	wrdreg s17  }
0x12: {  	[dreg:$0x8] =	wrdreg s3;
	s3 =	sshrl.u32 s28, $0x2;
	s2 =	sadd.s32 s13, s2  }
0x13: {  	[dreg:$0xa] =	wrdreg s2;
	s19 =	sadd.s32 s3, s4;
	s3 =	smax.u32 s14, $0x1  }
0x14: {  	[dreg:$0xc] =	wrdreg s3;
	s14 =	sadd.s32 $0x1400, s19  }
0x15: {  	s15 =	sadd.s32 $0x2800, s19;
	[dreg:$0xd] =	wrdreg s14  }
0x16: {  	s17 =	sadd.s32 $0x3C00, s19;
	[dreg:$0xe] =	wrdreg s15  }
0x17: {  	s18 =	sadd.s32 $0x5000, s19;
	[dreg:$0xf] =	wrdreg s17  }
0x18: {  	s20 =	sadd.s32 $0x6400, s19;
	[dreg:$0x10] =	wrdreg s18  }
0x19: {  	v0 =	vimm.s32 $0xEFCDAB89;
	s21 =	sadd.s32 $0x7800, s19;
	[dreg:$0x11] =	wrdreg s20  }
0x1a: {  	v1 =	vimm.s32 $0x67452301;
	v2 =	vimm.s32 $0xDCFE98BA;
	s22 =	sadd.s32 $0x8C00, s19;
	[dreg:$0x12] =	wrdreg s21  }
0x1b: {  	v3 =	vimm.s32 $0x54761032;
	v4 =	vimm.s32 $0xBA98FEDC;
	s23 =	sadd.s32 $0xA000, s19;
	[dreg:$0x13] =	wrdreg s22  }
0x1c: {  	v5 =	vimm.s32 $0x32107654;
	v6 =	vimm.s32 $0xFEDCBA98;
	s25 =	sadd.s32 $0xB400, s19;
	[dreg:$0x14] =	wrdreg s23  }
0x1d: {  	v7 =	vimm.s32 $0x76543210;
	v0 =	vunpack.c.l.s4.s8 v0;
	v1 =	vunpack.c.l.s4.s8 v1;
	s26 =	sadd.s32 $0xC800, s19;
	[dreg:$0x15] =	wrdreg s25  }
0x1e: {  	v2 =	vunpack.c.l.s4.s8 v2;
	v3 =	vunpack.c.l.s4.s8 v3;
	v4 =	vunpack.c.l.s4.s8 v4;
	s28 =	sadd.s32 $0xDC00, s19;
	[dreg:$0x16] =	wrdreg s26  }
0x1f: {  	s11 =	sadd.s32 $0x138000, s4;
	v5 =	vunpack.c.l.s4.s8 v5;
	v6 =	vunpack.c.l.s4.s8 v6;
	v0 =	vunpack.c.0.s8.s32 v0;
	s29 =	sadd.s32 $0xF000, s19;
	[dreg:$0x17] =	wrdreg s28  }
0x20: {  	v1 =	vunpack.c.0.s8.s32 v1;
	v2 =	vunpack.c.0.s8.s32 v2;
	v3 =	vunpack.c.0.s8.s32 v3;
	s1 =	sadd.s32 s12, s1;
	s30 =	sadd.s32 $0x10400, s19;
	[dreg:$0x18] =	wrdreg s29  }
0x21: {  	v7 =	vunpack.c.l.s4.s8 v7;
	v4 =	vunpack.c.0.s8.s32 v4;
	v5 =	vunpack.c.0.s8.s32 v5;
	s1 =	sshrl.u32 s1, $0x3;
	s31 =	sadd.s32 $0x11800, s19;
	[dreg:$0x19] =	wrdreg s30  }
0x22: {  	p0 =	sne.s32 s16, $0xF;
	v1 =	vcombine.low v1, v0;
	v2 =	vcombine.low v3, v2;
	v3 =	vunpack.c.0.s8.s32 v6;
	s24 =	sadd.s32 s1, s13;
	[dreg:$0x1a] =	wrdreg s31  }
0x23: {  	vm0 =	vcmask $0x3F20;
	v4 =	vcombine.low v5, v4;
	v5 =	vunpack.c.0.s8.s32 v7;
	s14 =	simm.s32 $0x5;
	s17 =	simm.s32 $0x28;
	s18 =	simm.s32 $0x1  }
0x24: {  	v0 =	vimm.f32 $0.0e+00;
	v1 =	vand.u32 $0xF, v1;
	v6 =	vand.u32 $0xF, v3;
	s20 =	simm.s32 $0x2;
	s21 =	simm.s32 $0x7C00;
	s22 =	simm.s32 $0x5400  }
0x25: {  	v2 =	vand.u32 $0xF, v2;
	v3 =	vand.u32 $0xF, v4;
	v4 =	vcombine.low v6, v5;
	s23 =	simm.s32 $0x3;
	s25 =	simm.s32 $0x4;
	s26 =	simm.s32 $0x0  }
.LBB2_1:
0x26: {  	s1 =	rddreg [dreg:$0x2];
	s2 =	simm.s32 $0x7B80  }
0x27: {  	[tilespmem:s2], [sflag:$0x5] =	stream.linear.gather [hbm4b:s1+s5], $0x80, $0x38;
	[tilespmem:$0x1B500] =	vst v63  }
0x28: {  	_ =	swait.ge [sflag:s14], $0x80  }
0x29: {  	[sflag:s14] =	ssyncset.done $0x0  }
0x2a: {  	[sflag:s14] =	ssyncadd.s32 $0xFFFFFF80  }
0x2b: {  	v5 =	vld [tilespmem:$0x7B80]  }
0x2c: {  	v6 =	vld [tilespmem:$0x7B90]  }
0x2d: {  	v7 =	vld [tilespmem:$0x7BA0]  }
0x2e: {  	v8 =	vld [tilespmem:$0x7BB0]  }
0x2f: {  	v9 =	vld [tilespmem:$0x7BC0]  }
0x30: {  	v10 =	vld [tilespmem:$0x7BD0]  }
0x31: {  	v11 =	vld [tilespmem:$0x7BE0]  }
0x32: {  	s1 =	simm.s32 $0x0;
	v12 =	vld [tilespmem:$0x7BF0]  }
.LBB2_2:
0x33: {  	p1 =	sne.s32 s1, $0x9C00  }
.Ltmp0:
0x34: {  	_ = 	snop;
	(pc) =	sbr.rel @p1 .LBB2_2-.Ltmp0, $3  }
0x35: {  	_ =	sdelay $0x1  }
0x36: {  	s2 =	sshra.s32 s1, $0x2  }
0x37: {  	s1 =	sadd.s32 $0x40, s1;
	[tilespmem:s2+$0x5400] =	vst v0  }
0x38: {  	s1 =	simm.s32 $0x0;
	s2 =	simm.s32 $0x200  }
.LBB2_4:
0x39: {  	p1 =	sne.s32 s2, $0x4E00;
	[tilespmem:s1+$0x70] =	vst v0  }
0x3a: {  	[tilespmem:s1+$0x0] =	vst v0  }
0x3b: {  	[tilespmem:s1+$0x10] =	vst v0  }
.Ltmp1:
0x3c: {  	[tilespmem:s1+$0x20] =	vst v0;
	(pc) =	sbr.rel @p1 .LBB2_4-.Ltmp1, $4  }
0x3d: {  	[tilespmem:s1+$0x30] =	vst v0  }
0x3e: {  	[tilespmem:s1+$0x40] =	vst v0  }
0x3f: {  	[tilespmem:s1+$0x50] =	vst v0  }
0x40: {  	[tilespmem:s1+$0x60] =	vst v0;
	s1 =	sshra.s32 s2, $0x2;
	s2 =	sadd.s32 $0x200, s2  }
0x41: {  	[tilespmem:s1+$0x70] =	vst v0  }
0x42: {  	[tilespmem:s1+$0x0] =	vst v0  }
0x43: {  	[tilespmem:s1+$0x10] =	vst v0  }
0x44: {  	[tilespmem:s1+$0x20] =	vst v0  }
0x45: {  	[tilespmem:s1+$0x30] =	vst v0  }
0x46: {  	[tilespmem:s1+$0x40] =	vst v0  }
0x47: {  	[tilespmem:s1+$0x50] =	vst v0  }
0x48: {  	[tilespmem:s1+$0x60] =	vst v0  }
0x49: {  	[spmem:s19] =	stream.linear.scatter [tilespmem:s5], [sflag:$0x5], $0x1400, $0x38;
	[tilespmem:$0x1B500] =	vst v63  }
0x4a: {  	_ =	swait.ge [sflag:s14], $0x1400  }
0x4b: {  	[sflag:s14] =	ssyncset.done $0x0  }
0x4c: {  	s3 =	rddreg [dreg:$0xd];
	[sflag:s14] =	ssyncadd.s32 $0xFFFFEC00  }
0x4d: {  	[spmem:s3] =	stream.linear.scatter [tilespmem:s5], [sflag:$0x5], $0x1400, $0x38;
	[tilespmem:$0x1B500] =	vst v63  }
0x4e: {  	_ =	swait.ge [sflag:s14], $0x1400  }
0x4f: {  	[sflag:s14] =	ssyncset.done $0x0  }
0x50: {  	s12 =	rddreg [dreg:$0xe];
	[sflag:s14] =	ssyncadd.s32 $0xFFFFEC00  }
0x51: {  	[spmem:s12] =	stream.linear.scatter [tilespmem:s5], [sflag:$0x5], $0x1400, $0x38;
	[tilespmem:$0x1B500] =	vst v63  }
0x52: {  	_ =	swait.ge [sflag:s14], $0x1400  }
0x53: {  	[sflag:s14] =	ssyncset.done $0x0  }
0x54: {  	s13 =	rddreg [dreg:$0xf];
	[sflag:s14] =	ssyncadd.s32 $0xFFFFEC00  }
0x55: {  	[spmem:s13] =	stream.linear.scatter [tilespmem:s5], [sflag:$0x5], $0x1400, $0x38;
	[tilespmem:$0x1B500] =	vst v63  }
0x56: {  	_ =	swait.ge [sflag:s14], $0x1400  }
0x57: {  	[sflag:s14] =	ssyncset.done $0x0  }
0x58: {  	s15 =	rddreg [dreg:$0x10];
	[sflag:s14] =	ssyncadd.s32 $0xFFFFEC00  }
0x59: {  	[spmem:s15] =	stream.linear.scatter [tilespmem:s5], [sflag:$0x5], $0x1400, $0x38;
	[tilespmem:$0x1B500] =	vst v63  }
0x5a: {  	_ =	swait.ge [sflag:s14], $0x1400  }
0x5b: {  	[sflag:s14] =	ssyncset.done $0x0  }
0x5c: {  	s16 =	rddreg [dreg:$0x11];
	[sflag:s14] =	ssyncadd.s32 $0xFFFFEC00  }
0x5d: {  	[spmem:s16] =	stream.linear.scatter [tilespmem:s5], [sflag:$0x5], $0x1400, $0x38;
	[tilespmem:$0x1B500] =	vst v63  }
0x5e: {  	_ =	swait.ge [sflag:s14], $0x1400  }
0x5f: {  	[sflag:s14] =	ssyncset.done $0x0  }
0x60: {  	s28 =	rddreg [dreg:$0x12];
	[sflag:s14] =	ssyncadd.s32 $0xFFFFEC00  }
0x61: {  	[spmem:s28] =	stream.linear.scatter [tilespmem:s5], [sflag:$0x5], $0x1400, $0x38;
	[tilespmem:$0x1B500] =	vst v63  }
0x62: {  	_ =	swait.ge [sflag:s14], $0x1400  }
0x63: {  	[sflag:s14] =	ssyncset.done $0x0  }
0x64: {  	s29 =	rddreg [dreg:$0x13];
	[sflag:s14] =	ssyncadd.s32 $0xFFFFEC00  }
0x65: {  	[spmem:s29] =	stream.linear.scatter [tilespmem:s5], [sflag:$0x5], $0x1400, $0x38;
	[tilespmem:$0x1B500] =	vst v63  }
0x66: {  	_ =	swait.ge [sflag:s14], $0x1400  }
0x67: {  	[sflag:s14] =	ssyncset.done $0x0  }
0x68: {  	s30 =	rddreg [dreg:$0x14];
	[sflag:s14] =	ssyncadd.s32 $0xFFFFEC00  }
0x69: {  	[spmem:s30] =	stream.linear.scatter [tilespmem:s5], [sflag:$0x5], $0x1400, $0x38;
	[tilespmem:$0x1B500] =	vst v63  }
0x6a: {  	_ =	swait.ge [sflag:s14], $0x1400  }
0x6b: {  	[sflag:s14] =	ssyncset.done $0x0  }
0x6c: {  	s31 =	rddreg [dreg:$0x15];
	[sflag:s14] =	ssyncadd.s32 $0xFFFFEC00  }
0x6d: {  	[spmem:s31] =	stream.linear.scatter [tilespmem:s5], [sflag:$0x5], $0x1400, $0x38;
	[tilespmem:$0x1B500] =	vst v63  }
0x6e: {  	_ =	swait.ge [sflag:s14], $0x1400  }
0x6f: {  	[sflag:s14] =	ssyncset.done $0x0  }
0x70: {  	s2 =	rddreg [dreg:$0x16];
	[sflag:s14] =	ssyncadd.s32 $0xFFFFEC00  }
0x71: {  	[spmem:s2] =	stream.linear.scatter [tilespmem:s5], [sflag:$0x5], $0x1400, $0x38;
	[tilespmem:$0x1B500] =	vst v63  }
0x72: {  	_ =	swait.ge [sflag:s14], $0x1400  }
0x73: {  	[sflag:s14] =	ssyncset.done $0x0  }
0x74: {  	s3 =	rddreg [dreg:$0x17];
	[sflag:s14] =	ssyncadd.s32 $0xFFFFEC00  }
0x75: {  	[spmem:s3] =	stream.linear.scatter [tilespmem:s5], [sflag:$0x5], $0x1400, $0x38;
	[tilespmem:$0x1B500] =	vst v63  }
0x76: {  	_ =	swait.ge [sflag:s14], $0x1400  }
0x77: {  	[sflag:s14] =	ssyncset.done $0x0  }
0x78: {  	s12 =	rddreg [dreg:$0x18];
	[sflag:s14] =	ssyncadd.s32 $0xFFFFEC00  }
0x79: {  	[spmem:s12] =	stream.linear.scatter [tilespmem:s5], [sflag:$0x5], $0x1400, $0x38;
	[tilespmem:$0x1B500] =	vst v63  }
0x7a: {  	_ =	swait.ge [sflag:s14], $0x1400  }
0x7b: {  	[sflag:s14] =	ssyncset.done $0x0  }
0x7c: {  	s13 =	rddreg [dreg:$0x19];
	[sflag:s14] =	ssyncadd.s32 $0xFFFFEC00  }
0x7d: {  	[spmem:s13] =	stream.linear.scatter [tilespmem:s5], [sflag:$0x5], $0x1400, $0x38;
	[tilespmem:$0x1B500] =	vst v63  }
0x7e: {  	_ =	swait.ge [sflag:s14], $0x1400  }
0x7f: {  	[sflag:s14] =	ssyncset.done $0x0  }
0x80: {  	s15 =	rddreg [dreg:$0x1a];
	[sflag:s14] =	ssyncadd.s32 $0xFFFFEC00  }
0x81: {  	[spmem:s15] =	stream.linear.scatter [tilespmem:s5], [sflag:$0x5], $0x1400, $0x38;
	[tilespmem:$0x1B500] =	vst v63  }
0x82: {  	_ =	swait.ge [sflag:s14], $0x1400  }
0x83: {  	[sflag:s14] =	ssyncset.done $0x0  }
0x84: {  	[sflag:s14] =	ssyncadd.s32 $0xFFFFEC00  }
0x85: {  	[spmem:s10] =	stream.linear.scatter [tilespmem:s5], [sflag:$0x5], $0xC00, $0x38;
	[tilespmem:$0x1B500] =	vst v63  }
0x86: {  	_ =	swait.ge [sflag:s14], $0xC00  }
0x87: {  	[sflag:s14] =	ssyncset.done $0x0  }
0x88: {  	s1 =	simm.s32 @!p0 $0x0;
	[sflag:s14] =	ssyncadd.s32 $0xFFFFF400  }
0x89: {  	[spmem:s11] =	stream.linear.scatter @!p0 [tilespmem:s1], [sflag:$0x5], $0x800, $0x38;
	[tilespmem:$0x1B500] =	vst v63  }
0x8a: {  	s1 =	simm.s32 @!p0 $0x5  }
0x8b: {  	_ =	swait.ge @!p0 [sflag:s1], $0x800  }
0x8c: {  	[sflag:s1] =	ssyncset.done @!p0 $0x0  }
0x8d: {  	[sflag:s1] =	ssyncadd.s32 @!p0 $0xFFFFF800  }
0x8e: {  	[bflag:$0x0] =	sbarrier.arrive $0xFFFF  }
0x8f: {  	s3 =	simm.s32 $0x5000;
	s1 =	simm.s32 $0x0;
	s2 =	rddreg [dreg:$0x5]  }
0x90: {  	[tilespmem:s3], [sflag:$0x5] =	stream.linear.gather [hbm4b:s2+s1], $0x80, $0x38;
	[tilespmem:$0x1B500] =	vst v63  }
0x91: {  	_ =	swait.ge [sflag:s14], $0x80  }
0x92: {  	[sflag:s14] =	ssyncset.done $0x0  }
0x93: {  	s12 =	simm.s32 $0x5200;
	s16 =	rddreg [dreg:$0x6];
	[sflag:s14] =	ssyncadd.s32 $0xFFFFFF80  }
0x94: {  	[tilespmem:s12], [sflag:$0x5] =	stream.linear.gather [hbm4b:s16+s1], $0x80, $0x38;
	[tilespmem:$0x1B500] =	vst v63  }
0x95: {  	_ =	swait.ge [sflag:s14], $0x80  }
0x96: {  	[sflag:s14] =	ssyncset.done $0x0  }
0x97: {  	s13 =	simm.s32 $0x5080;
	s28 =	rddreg [dreg:$0x7];
	[sflag:s14] =	ssyncadd.s32 $0xFFFFFF80  }
0x98: {  	[tilespmem:s13], [sflag:$0x5] =	stream.linear.gather [hbm4b:s28+s1], $0x80, $0x38;
	[tilespmem:$0x1B500] =	vst v63  }
0x99: {  	_ =	swait.ge [sflag:s14], $0x80  }
0x9a: {  	[sflag:s14] =	ssyncset.done $0x0  }
0x9b: {  	s30 =	simm.s32 $0x5280;
	s29 =	rddreg [dreg:$0x8];
	[sflag:s14] =	ssyncadd.s32 $0xFFFFFF80  }
0x9c: {  	[tilespmem:s30], [sflag:$0x5] =	stream.linear.gather [hbm4b:s29+s1], $0x80, $0x38;
	[tilespmem:$0x1B500] =	vst v63  }
0x9d: {  	_ =	swait.ge [sflag:s14], $0x80  }
0x9e: {  	[sflag:s14] =	ssyncset.done $0x0  }
0x9f: {  	[sflag:s14] =	ssyncadd.s32 $0xFFFFFF80  }
0xa0: {  	[tilespmem:s1], [sflag:$0x1] =	stream.indirect.gather [hbm4b:s0+s17], $0x80, s3, s17, $0xb8;
	[tilespmem:$0x1B500] =	vst v63  }
0xa1: {  	p1 =	por $0x0, $0x0;
	s31 =	simm.s32 $0x2800  }
0xa2: {  	[tilespmem:s31], [sflag:$0x2] =	stream.indirect.gather [hbm4b:s6+s17], $0x80, s12, s17, $0xb8;
	[tilespmem:$0x1B500] =	vst v63  }
.LBB2_6:
0xa3: {  	p2 =	sgt.u32 s1, $0xF7  }
0xa4: {  	s2 =	sadd.s32 @!p2 $0x2, s1  }
0xa5: {  	s3 =	smul.u32 @!p2 $0xAB, s2;
	_ =	sdelay $0x1  }
0xa6: {  	s3 =	sshrl.u32 @!p2 s3, $0x9  }
0xa7: {  	s3 =	sand.u32 @!p2 $0x7F, s3  }
0xa8: {  	s3 =	smul.u32 @!p2 $0x3, s3  }
0xa9: {  	s12 =	sshll.u32 @!p2 s2, $0x4  }
0xaa: {  	s15 =	sand.u32 @!p2 $0x1F80, s12;
	s2 =	ssub.s32 @!p2 s2, s3  }
0xab: {  	s12 =	sand.u32 @!p2 $0x70, s12;
	s3 =	sadd.s32 @!p2 s9, s15;
	s2 =	sand.u32 @!p2 $0xFF, s2  }
0xac: {  	s3 =	sor.u32 @!p2 s12, s3;
	s2 =	sshll.u32 @!p2 s2, $0x7  }
0xad: {  	s16 =	simm.s32 @!p2 $0x0;
	s15 =	sadd.s32 @!p2 s7, s3;
	s12 =	sor.u32 @!p2 $0x5000, s2  }
0xae: {  	[tilespmem:s12], [sflag:$0x4] =	stream.linear.gather @!p2 [hbm4b:s15+s16], $0x80, $0x38;
	[tilespmem:$0x1B500] =	vst v63  }
0xaf: {  	s3 =	sadd.s32 @!p2 s8, s3;
	s2 =	sor.u32 @!p2 $0x5200, s2  }
0xb0: {  	[tilespmem:s2], [sflag:$0x4] =	stream.linear.gather @!p2 [hbm4b:s3+s16], $0x80, $0x38;
	[tilespmem:$0x1B500] =	vst v63  }
0xb1: {  	p2 =	seq.s32 s1, $0x0;
	_ =	swait.ge [sflag:s18], $0x1400  }
.Ltmp2:
0xb2: {  	[sflag:s18] =	ssyncset.done $0x0;
	(pc) =	sbr.rel @p2 .LBB2_9-.Ltmp2, $4  }
0xb3: {  	[sflag:s18] =	ssyncadd.s32 $0xFFFFEC00  }
0xb4: {  	_ =	swait.ge [sflag:s20], $0x1400  }
0xb5: {  	[sflag:s20] =	ssyncset.done $0x0  }
0xb6: {  	s29 =	sand.u32 $0x1, s1;
	s28 =	sadd.s32 $0x1, s1;
	[sflag:s20] =	ssyncadd.s32 $0xFFFFEC00  }
0xb7: {  	p2 =	seq.s32 s1, $0xF9  }
.Ltmp3:
0xb8: {  	_ = 	snop;
	(pc) =	sbr.rel @p2 .LBB2_10-.Ltmp3, $4  }
0xb9: {  	_ = 	snop  }
0xba: {  	_ =	swait.ge [sflag:s23], $0x1400  }
0xbb: {  	[sflag:s23] =	ssyncset.done $0x0  }
0xbc: {  	[sflag:s23] =	ssyncadd.s32 $0xFFFFEC00  }
0xbd: {  	_ =	swait.ge [sflag:s25], $0x80  }
0xbe: {  	[sflag:s25] =	ssyncset.done $0x0  }
0xbf: {  	[sflag:s25] =	ssyncadd.s32 $0xFFFFFF80  }
0xc0: {  	_ =	swait.ge [sflag:s25], $0x80  }
0xc1: {  	[sflag:s25] =	ssyncset.done $0x0  }
0xc2: {  	[sflag:s25] =	ssyncadd.s32 $0xFFFFFF80  }
.LBB2_9:
0xc3: {  	s2 =	sand.u32 $0xFF, s28  }
0xc4: {  	s2 =	smul.u32 $0xAB, s2;
	_ =	sdelay $0x1  }
0xc5: {  	s2 =	sshrl.u32 s2, $0x9  }
0xc6: {  	s2 =	smul.u32 $0x3, s2;
	_ =	sdelay $0x1  }
0xc7: {  	s2 =	ssub.s32 s28, s2  }
0xc8: {  	s3 =	sxor.u32 $0x1, s29;
	s2 =	sand.u32 $0xFF, s2  }
0xc9: {  	s3 =	smul.u32 $0x1400, s3;
	s2 =	sshll.u32 s2, $0x7  }
0xca: {  	s12 =	sadd.s32 $0x5000, s2  }
0xcb: {  	[tilespmem:s3], [sflag:$0x1] =	stream.indirect.gather [hbm4b:s0+s17], $0x80, s12, s17, $0xb8;
	[tilespmem:$0x1B500] =	vst v63  }
0xcc: {  	s2 =	sadd.s32 $0x5200, s2;
	s3 =	sadd.s32 $0x2800, s3  }
0xcd: {  	[tilespmem:s3], [sflag:$0x2] =	stream.indirect.gather [hbm4b:s6+s17], $0x80, s2, s17, $0xb8;
	[tilespmem:$0x1B500] =	vst v63  }
.LBB2_10:
0xce: {  	s2 =	simm.s32 $0x1  }
0xcf: {  	s2 =	simm.s32 @!p1 $0x0  }
0xd0: {  	s2 =	smul.u32 $0x5000, s2;
	_ =	sdelay $0x1  }
0xd1: {  	s2 =	sshrl.u32 s2, $0x2  }
0xd2: {  	s30 =	sor.u32 $0x80, s2  }
0xd3: {  	s2 =	sadd.s32 $0x2880, s2;
	v38 =	vld [tilespmem:s30+$0x0]  }
0xd4: {  	v13 =	vld [tilespmem:s2+$0x0]  }
0xd5: {  	v33 =	vld [tilespmem:s30+$0x10]  }
0xd6: {  	v14 =	vld [tilespmem:s2+$0x10]  }
0xd7: {  	v15 =	vld [tilespmem:s30+$0x20]  }
0xd8: {  	v16 =	vld [tilespmem:s2+$0x20]  }
0xd9: {  	v18 =	vld [tilespmem:s2+$0x30];
	v17 =	vadd.f32 v13, v38  }
0xda: {  	v13 =	vld [tilespmem:s30+$0x30]  }
0xdb: {  	v21 =	vld [tilespmem:s2+$0x40];
	v20 =	vadd.f32 v14, v33;
	v19 =	vmul.f32 $2.000000030e-01, v17  }
0xdc: {  	v14 =	vld [tilespmem:s30+$0x40]  }
0xdd: {  	v24 =	vld [tilespmem:s2+$0x50];
	v22 =	vadd.f32 v16, v15;
	v17 =	vmax.f32 v17, v19;
	v19 =	vmul.f32 $2.000000030e-01, v20  }
0xde: {  	v16 =	vld [tilespmem:s30+$0x50];
	v23 =	vmul.f32 v17, v5  }
0xdf: {  	v25 =	vld [tilespmem:s2+$0x60];
	v18 =	vadd.f32 v18, v13;
	v19 =	vmax.f32 v20, v19;
	v20 =	vmul.f32 $2.000000030e-01, v22  }
0xe0: {  	v17 =	vld [tilespmem:s30+$0x60];
	v23 =	vadd.f32 $0.0e+00, v23;
	v19 =	vmul.f32 v19, v6  }
0xe1: {  	v41 =	vld [tilespmem:s30+$0x70];
	v21 =	vadd.f32 v21, v14;
	v20 =	vmax.f32 v22, v20;
	v22 =	vmul.f32 $2.000000030e-01, v18  }
0xe2: {  	v19 =	vadd.f32 v19, v23;
	v20 =	vmul.f32 v20, v7;
	v23 =	vld [tilespmem:s2+$0x70]  }
0xe3: {  	v26 =	vld [tilespmem:s2+$0xFFFFFF80];
	v24 =	vadd.f32 v24, v16;
	v18 =	vmax.f32 v18, v22;
	v22 =	vmul.f32 $2.000000030e-01, v21  }
0xe4: {  	v42 =	vld [tilespmem:s30+$0xFFFFFF80];
	v19 =	vadd.f32 v20, v19;
	v18 =	vmul.f32 v18, v8  }
0xe5: {  	v39 =	vld [tilespmem:s30+$0xFFFFFF90];
	v20 =	vmax.f32 v21, v22;
	v21 =	vmul.f32 $2.000000030e-01, v24;
	v22 =	vadd.f32 v25, v17  }
0xe6: {  	v25 =	vld [tilespmem:s2+$0xFFFFFF90];
	v18 =	vadd.f32 v18, v19;
	v19 =	vmul.f32 v20, v9  }
0xe7: {  	v43 =	vld [tilespmem:s30+$0xFFFFFFA0];
	v20 =	vmax.f32 v24, v21;
	v21 =	vmul.f32 $2.000000030e-01, v22;
	v23 =	vadd.f32 v23, v41  }
0xe8: {  	v24 =	vld [tilespmem:s2+$0xFFFFFFA0];
	v18 =	vadd.f32 v19, v18;
	v19 =	vmul.f32 v20, v10  }
0xe9: {  	v40 =	vld [tilespmem:s30+$0xFFFFFFB0];
	v20 =	vadd.f32 v26, v42;
	v21 =	vmax.f32 v22, v21;
	v22 =	vmul.f32 $2.000000030e-01, v23  }
0xea: {  	v26 =	vld [tilespmem:s2+$0xFFFFFFB0];
	v18 =	vadd.f32 v19, v18;
	v19 =	vmul.f32 v21, v11  }
0xeb: {  	v44 =	vld [tilespmem:s30+$0xFFFFFFC0];
	v21 =	vmul.f32 $2.000000030e-01, v20;
	v25 =	vadd.f32 v25, v39;
	v22 =	vmax.f32 v23, v22  }
0xec: {  	v27 =	vld [tilespmem:s2+$0xFFFFFFC0];
	v18 =	vadd.f32 v19, v18;
	v19 =	vmul.f32 v22, v12  }
0xed: {  	v45 =	vld [tilespmem:s30+$0xFFFFFFD0];
	v20 =	vmax.f32 v20, v21;
	v21 =	vmul.f32 $2.000000030e-01, v25;
	v22 =	vadd.f32 v24, v43  }
0xee: {  	v24 =	vld [tilespmem:s2+$0xFFFFFFD0];
	v20 =	vmul.f32 v20, v5;
	v18 =	vadd.f32 v19, v18  }
0xef: {  	v28 =	vld [tilespmem:s2+$0xFFFFFFE0];
	v26 =	vadd.f32 v26, v40;
	v19 =	vmax.f32 v25, v21;
	v21 =	vmul.f32 $2.000000030e-01, v22  }
0xf0: {  	v23 =	vld [tilespmem:s30+$0xFFFFFFE0];
	v20 =	vadd.f32 $0.0e+00, v20;
	v19 =	vmul.f32 v19, v6;
	v29 =	vperm.xlane v18, v1  }
0xf1: {  	v27 =	vadd.f32 v27, v44;
	v25 =	vld [tilespmem:s30+$0xFFFFFFF0];
	v21 =	vmax.f32 v22, v21;
	v22 =	vmul.f32 $2.000000030e-01, v26  }
0xf2: {  	v19 =	vadd.f32 v19, v20;
	v20 =	vmul.f32 v21, v7;
	v21 =	vld [tilespmem:s2+$0xFFFFFFF0];
	v18 =	vadd.f32 v18, v29  }
0xf3: {  	v24 =	vadd.f32 v24, v45;
	v22 =	vmax.f32 v26, v22;
	v26 =	vmul.f32 $2.000000030e-01, v27  }
0xf4: {  	v19 =	vadd.f32 v20, v19;
	v20 =	vmul.f32 v22, v8;
	v22 =	vperm.xlane v18, v2  }
0xf5: {  	v28 =	vadd.f32 v28, v23;
	s2 =	sadd.s32 $0x100, s2;
	v26 =	vmax.f32 v27, v26;
	v27 =	vmul.f32 $2.000000030e-01, v24  }
0xf6: {  	v31 =	vld [tilespmem:s2+$0x30];
	v19 =	vadd.f32 v20, v19;
	v20 =	vmul.f32 v26, v9;
	v18 =	vadd.f32 v18, v22  }
0xf7: {  	v36 =	vld [tilespmem:s2+$0x50];
	v22 =	vmax.f32 v24, v27;
	v24 =	vmul.f32 $2.000000030e-01, v28;
	v21 =	vadd.f32 v21, v25  }
0xf8: {  	s15 =	sadd.s32 $0x100, s30;
	v47 =	vld [tilespmem:s2+$0x60];
	v19 =	vadd.f32 v20, v19;
	v22 =	vmul.f32 v22, v10;
	v26 =	vperm.xlane v18, v3  }
0xf9: {  	v20 =	vld [tilespmem:s15+$0x0];
	v24 =	vmax.f32 v28, v24;
	v27 =	vmul.f32 $2.000000030e-01, v21  }
0xfa: {  	v28 =	vld [tilespmem:s2+$0x0];
	v19 =	vadd.f32 v22, v19;
	v22 =	vmul.f32 v24, v11;
	v26 =	vadd.f32 v18, v26  }
0xfb: {  	v24 =	vld [tilespmem:s15+$0x10];
	v18 =	vmax.f32 v21, v27  }
0xfc: {  	v27 =	vld [tilespmem:s2+$0x10];
	v19 =	vadd.f32 v22, v19;
	v21 =	vmul.f32 v18, v12;
	v22 =	vperm.xlane v26, v4  }
0xfd: {  	v18 =	vld [tilespmem:s15+$0x20]  }
0xfe: {  	v29 =	vadd.f32 v21, v19;
	v19 =	vld [tilespmem:s15+$0x30];
	v21 =	vadd.f32 v26, v22  }
0xff: {  	v22 =	vld [tilespmem:s2+$0x20];
	v26 =	vadd.f32 v28, v20  }
0x100: {  	v48 =	vld [tilespmem:s2+$0x70];
	v28 =	vperm.xlane v29, v1;
	v30 =	vmul.f32 $1.442695020e+00, v21  }
0x101: {  	s3 =	simm.s32 $0x0;
	v27 =	vadd.f32 v27, v24;
	v32 =	vmul.f32 $2.000000030e-01, v26;
	v21 =	vld [tilespmem:s15+$0x40]  }
0x102: {  	v46 =	vmov s3;
	v28 =	vadd.f32 v29, v28;
	v29 =	vld [tilespmem:s2+$0x40];
	(erf) = vpow2.f32 v30  }
0x103: {  	v26 =	vmax.f32 v26, v32;
	v30 =	vmul.f32 $2.000000030e-01, v27;
	v37 =	vadd.f32 v31, v19;
	v31 =	vld [tilespmem:s15+$0x70]  }
0x104: {  	v46 =	vand.u32 $0xFFFFFFFE, v46;
	v55 =	vadd.f32 v22, v18;
	v22 =	vld [tilespmem:s15+$0x50];
	v35 =	vmul.f32 v26, v5  }
0x105: {  	v34 =	vperm.xlane v28, v2;
	v26 =	vld [tilespmem:s15+$0x60];
	v27 =	vmax.f32 v27, v30;
	v56 =	vmul.f32 $2.000000030e-01, v37  }
0x106: {  	v30 =	vmul.f32 $2.000000030e-01, v55;
	v35 =	vadd.f32 $0.0e+00, v35;
	v27 =	vmul.f32 v27, v6  }
0x107: {  	v46 =	vbroadcast v46, $0x0;
	v49 =	vld [tilespmem:s2+$0xFFFFFF80];
	v34 =	vadd.f32 v28, v34;
	v29 =	vadd.f32 v29, v21  }
0x108: {  	v50 =	vld [tilespmem:s2+$0xFFFFFF90];
	v32 =	vmax.f32 v37, v56;
	v30 =	vmax.f32 v55, v30;
	v35 =	vadd.f32 v27, v35  }
0x109: {  	v28 =	vld [tilespmem:s15+$0xFFFFFF90];
	v60 =	vperm.xlane v34, v3;
	v48 =	vadd.f32 v48, v31;
	v30 =	vmul.f32 v30, v7  }
0x10a: {  	v27 =	vld [tilespmem:s15+$0xFFFFFF80];
	v57 =	vmul.f32 $2.000000030e-01, v29;
	v36 =	vadd.f32 v36, v22;
	v59 =	vadd.f32 v47, v26  }
0x10b: {  	v62 =	vld [tilespmem:s2+$0xFFFFFFA0];
	v32 =	vmul.f32 v32, v8;
	v34 =	vadd.f32 v34, v60;
	v30 =	vadd.f32 v30, v35  }
0x10c: {  	v52 =	vld [tilespmem:s2+$0xFFFFFFB0];
	v63 =	vmul.f32 $2.000000030e-01, v48;
	v29 =	vmax.f32 v29, v57;
	v58 =	vmul.f32 $2.000000030e-01, v36  }
0x10d: {  	v61 =	vmul.f32 $2.000000030e-01, v59;
	v51 =	vperm.xlane v34, v4;
	v32 =	vadd.f32 v32, v30;
	v30 =	vld [tilespmem:s15+$0xFFFFFFA0]  }
0x10e: {  	v50 =	vadd.f32 v50, v28;
	v29 =	vmul.f32 v29, v9;
	v35 =	vmax.f32 v36, v58;
	v58 =	vld [tilespmem:s2+$0xFFFFFFC0]  }
0x10f: {  	v37 =	vmax.f32 v48, v63;
	v49 =	vadd.f32 v49, v27;
	v56 =	vadd.f32 v34, v51;
	v34 =	vld [tilespmem:s15+$0xFFFFFFC0]  }
0x110: {  	v57 =	vmul.f32 v37, v12;
	v35 =	vmul.f32 v35, v10;
	v32 =	vadd.f32 v29, v32;
	v29 =	vld [tilespmem:s15+$0xFFFFFFB0]  }
0x111: {  	v36 =	vmax.f32 v59, v61;
	v59 =	vmul.f32 $2.000000030e-01, v50;
	v37 =	vld [tilespmem:s15+$0xFFFFFFF0];
	v55 =	vmul.f32 $2.000000030e-01, v49  }
0x112: {  	v54 =	vmul.f32 v36, v11;
	v48 =	vmul.f32 $1.442695020e+00, v56;
	v32 =	vadd.f32 v35, v32;
	v35 =	vld [tilespmem:s15+$0xFFFFFFD0]  }
0x113: {  	v36 =	vmax.f32 v49, v55;
	v49 =	vmax.f32 v50, v59;
	v59 =	vld [tilespmem:s2+$0xFFFFFFF0];
	v47 =	vadd.f32 v62, v30  }
0x114: {  	v36 =	vmul.f32 v36, v5;
	(erf) = vpow2.f32 v48;
	v62 =	vld [tilespmem:s2+$0xFFFFFFD0];
	v32 =	vadd.f32 v54, v32  }
0x115: {  	v55 =	vadd.f32 v58, v34;
	v60 =	vmul.f32 $2.000000030e-01, v47;
	v61 =	vadd.f32 v52, v29  }
0x116: {  	s16 =	simm.s32 $0x1;
	v49 =	vmul.f32 v49, v6;
	v63 =	vadd.f32 $0.0e+00, v36;
	v32 =	vadd.f32 v57, v32  }
0x117: {  	v54 =	vld [tilespmem:s2+$0xFFFFFFE0];
	v58 =	vmov s16;
	v47 =	vmax.f32 v47, v60;
	v57 =	vmul.f32 $2.000000030e-01, v61  }
0x118: {  	v36 =	vld [tilespmem:s15+$0xFFFFFFE0];
	v49 =	vadd.f32 v49, v63;
	v51 =	vadd.f32 v59, v37;
	v53 =	vperm.xlane v32, v1  }
0x119: {  	v60 =	vmul.f32 $2.000000030e-01, v55;
	v47 =	vmul.f32 v47, v7;
	v48 =	vadd.f32 v62, v35  }
0x11a: {  	v50 =	vmax.f32 v61, v57;
	v57 =	vmul.f32 $2.000000030e-01, v51;
	v53 =	vadd.f32 v32, v53  }
0x11b: {  	v32 =	vpop (erf);
	v47 =	vadd.f32 v47, v49;
	v50 =	vmul.f32 v50, v8;
	v62 =	vmul.f32 $2.000000030e-01, v48  }
0x11c: {  	v49 =	vmax.f32 v55, v60;
	v41 =	vmul.f32 v32, v41;
	v61 =	vperm.xlane v53, v2  }
0x11d: {  	v54 =	vadd.f32 v54, v36;
	v38 =	vmul.f32 v32, v38;
	v33 =	vmul.f32 v32, v33  }
0x11e: {  	v49 =	vmul.f32 v49, v9;
	v47 =	vadd.f32 v50, v47;
	v53 =	vadd.f32 v53, v61  }
0x11f: {  	s12 =	smul.u32 $0xAB, s1;
	[tilespmem:v58+s21+$0x0] =	vst.idx.msk $0x1, v32;
	v60 =	vmax.f32 v51, v57;
	v48 =	vmax.f32 v48, v62;
	v63 =	vmul.f32 $2.000000030e-01, v54  }
0x120: {  	[tilespmem:s30+$0x70] =	vst v41;
	v48 =	vmul.f32 v48, v10;
	v47 =	vadd.f32 v49, v47;
	v41 =	vpop (erf);
	v55 =	vperm.xlane v53, v3  }
0x121: {  	s3 =	sshrl.u32 s12, $0x9;
	v56 =	vmax.f32 v54, v63;
	[tilespmem:v46+s21+$0x0] =	vst.idx.msk $0x1, v41;
	v42 =	vmul.f32 v41, v42  }
0x122: {  	s3 =	sand.u32 $0x7F, s3;
	[tilespmem:s30+$0x0] =	vst v38;
	v58 =	vadd.f32 v48, v47;
	v46 =	vmul.f32 v56, v11;
	v59 =	vadd.f32 v53, v55  }
0x123: {  	s3 =	smul.u32 $0x3, s3;
	v62 =	vmul.f32 v60, v12;
	[tilespmem:s30+$0x10] =	vst v33;
	v39 =	vmul.f32 v41, v39  }
0x124: {  	s16 =	sadd.s32 $0x100, s15;
	v61 =	vmul.f32 v41, v43;
	[tilespmem:s30+$0xFFFFFF80] =	vst v42;
	v38 =	vadd.f32 v46, v58;
	v63 =	vperm.xlane v59, v4  }
0x125: {  	s12 =	simm.s32 $0x6;
	s13 =	ssub.s32 s1, s3;
	s3 =	sadd.s32 $0x100, s2;
	v33 =	vld [tilespmem:s16+$0x0];
	v51 =	vmul.f32 v41, v44;
	[tilespmem:s30+$0xFFFFFF90] =	vst v39;
	v55 =	vmul.f32 v41, v40  }
0x126: {  	s1 =	simm.s32 $0x2;
	s31 =	sand.u32 $0xFF, s13;
	s2 =	simm.s32 $0x4;
	v42 =	vld [tilespmem:s3+$0x0];
	[tilespmem:s30+$0xFFFFFFA0] =	vst v61;
	v53 =	vmul.f32 v41, v45;
	v43 =	vadd.f32 v62, v38;
	v57 =	vadd.f32 v59, v63  }
.LBB2_11:
0x127: {  	p2 =	slt.u32 s12, $0x26;
	v40 =	vld [tilespmem:s16+$0x10];
	[tilespmem:s30+$0xFFFFFFB0] =	vst v55;
	v44 =	vmul.f32 v41, v23;
	v41 =	vmul.f32 v41, v25;
	v39 =	vmovc v34;
	v38 =	vmov v35  }
0x128: {  	v23 =	vmovc v36;
	v25 =	vmov v37;
	v34 =	vld [tilespmem:s3+$0x10];
	v35 =	vperm.xlane v43, v1;
	v45 =	vmul.f32 $1.442695020e+00, v57;
	[tilespmem:s30+$0xFFFFFFC0] =	vst v51  }
0x129: {  	v36 =	vmul.f32 v32, v15;
	v37 =	vmul.f32 v32, v13;
	v15 =	vmovc v18;
	v13 =	vmov v19;
	[tilespmem:s30+$0xFFFFFFD0] =	vst v53;
	v18 =	vld [tilespmem:s16+$0x20]  }
0x12a: {  	v46 =	vld [tilespmem:s3+$0x20];
	v35 =	vadd.f32 v43, v35;
	(erf) = vpow2.f32 v45;
	[tilespmem:s30+$0xFFFFFFE0] =	vst v44;
	v43 =	vmul.f32 v32, v14;
	v14 =	vmovc v21  }
0x12b: {  	v44 =	vadd.f32 v42, v33;
	v19 =	vld [tilespmem:s16+$0x30];
	[tilespmem:s30+$0xFFFFFFF0] =	vst v41;
	v41 =	vmul.f32 v32, v16;
	v32 =	vmul.f32 v32, v17  }
0x12c: {  	v47 =	vmov s1;
	v16 =	vmovc v22;
	v17 =	vmov v26;
	v45 =	vld [tilespmem:s3+$0x30];
	v42 =	vperm.xlane v35, v2;
	[tilespmem:s30+$0x20] =	vst v36  }
0x12d: {  	v22 =	vmul.f32 $2.000000030e-01, v44;
	v26 =	vadd.f32 v34, v40;
	v21 =	vld [tilespmem:s16+$0x40];
	v34 =	vand.u32 $0xFFFFFFFE, v47;
	[tilespmem:s30+$0x30] =	vst v37  }
0x12e: {  	v36 =	vld [tilespmem:s3+$0x40];
	v35 =	vadd.f32 v35, v42;
	v42 =	vbroadcast v34, $0x0;
	[tilespmem:s30+$0x40] =	vst v43  }
0x12f: {  	s13 =	sadd.s32 $0x1, s1;
	s1 =	smov.u32 s2;
	s2 =	smov.u32 s12;
	v34 =	vmax.f32 v44, v22;
	v37 =	vmul.f32 $2.000000030e-01, v26;
	v43 =	vadd.f32 v46, v18;
	v22 =	vld [tilespmem:s16+$0x50];
	[tilespmem:s30+$0x50] =	vst v41  }
0x130: {  	v46 =	vmov s13;
	v34 =	vmul.f32 v34, v5;
	v41 =	vld [tilespmem:s3+$0x50];
	v44 =	vperm.xlane v35, v3;
	[tilespmem:s30+$0x60] =	vst v32;
	s30 =	smov.u32 s15;
	s15 =	smov.u32 s16  }
0x131: {  	v49 =	vmax.f32 v26, v37;
	v37 =	vmul.f32 $2.000000030e-01, v43;
	v45 =	vadd.f32 v45, v19;
	v26 =	vld [tilespmem:s16+$0x60]  }
0x132: {  	v34 =	vadd.f32 $0.0e+00, v34;
	v47 =	vmul.f32 v49, v6;
	v48 =	vld [tilespmem:s3+$0x60];
	v35 =	vadd.f32 v35, v44  }
0x133: {  	v37 =	vmax.f32 v43, v37;
	v43 =	vmul.f32 $2.000000030e-01, v45;
	v36 =	vadd.f32 v36, v21;
	v44 =	vld [tilespmem:s16+$0x70];
	v32 =	vpop (erf)  }
0x134: {  	v34 =	vadd.f32 v47, v34;
	v37 =	vmul.f32 v37, v7;
	v47 =	vld [tilespmem:s3+$0x70];
	v31 =	vmul.f32 v32, v31  }
0x135: {  	v49 =	vld [tilespmem:s3+$0xFFFFFF80];
	v43 =	vmax.f32 v45, v43;
	v45 =	vmul.f32 $2.000000030e-01, v36;
	v41 =	vadd.f32 v41, v22;
	[tilespmem:v46+s21+$0x0] =	vst.idx.msk $0x1, v32  }
0x136: {  	v46 =	vld [tilespmem:s16+$0xFFFFFF80];
	v34 =	vadd.f32 v37, v34;
	v37 =	vmul.f32 v43, v8;
	v43 =	vperm.xlane v35, v4;
	[tilespmem:s30+$0x70] =	vst v31  }
0x137: {  	v50 =	vld [tilespmem:s16+$0xFFFFFF90];
	v51 =	vmax.f32 v36, v45;
	v36 =	vmul.f32 $2.000000030e-01, v41;
	v45 =	vadd.f32 v48, v26  }
0x138: {  	v48 =	vld [tilespmem:s3+$0xFFFFFF90];
	v34 =	vadd.f32 v37, v34;
	v37 =	vmul.f32 v51, v9;
	v35 =	vadd.f32 v35, v43;
	v31 =	vmovc v44  }
0x139: {  	v43 =	vld [tilespmem:s16+$0xFFFFFFA0];
	v36 =	vmax.f32 v41, v36;
	v41 =	vmul.f32 $2.000000030e-01, v45;
	v44 =	vadd.f32 v47, v31  }
0x13a: {  	v47 =	vld [tilespmem:s3+$0xFFFFFFA0];
	v34 =	vadd.f32 v37, v34;
	v36 =	vmul.f32 v36, v10;
	v35 =	vmul.f32 $1.442695020e+00, v35  }
0x13b: {  	v37 =	vadd.f32 v49, v46;
	v49 =	vld [tilespmem:s16+$0xFFFFFFB0];
	v41 =	vmax.f32 v45, v41;
	v45 =	vmul.f32 $2.000000030e-01, v44  }
0x13c: {  	v51 =	vld [tilespmem:s3+$0xFFFFFFB0];
	v36 =	vadd.f32 v36, v34;
	v41 =	vmul.f32 v41, v11;
	(erf) = vpow2.f32 v35  }
0x13d: {  	v35 =	vmul.f32 $2.000000030e-01, v37;
	v48 =	vadd.f32 v48, v50;
	v34 =	vld [tilespmem:s16+$0xFFFFFFC0];
	v44 =	vmax.f32 v44, v45  }
0x13e: {  	v45 =	vld [tilespmem:s3+$0xFFFFFFC0];
	v36 =	vadd.f32 v41, v36;
	v41 =	vmul.f32 v44, v12;
	v44 =	vmul.f32 v32, v20;
	v20 =	vmovc v33  }
0x13f: {  	v33 =	vmax.f32 v37, v35;
	v37 =	vmul.f32 $2.000000030e-01, v48;
	v47 =	vadd.f32 v47, v43;
	v35 =	vld [tilespmem:s16+$0xFFFFFFD0]  }
0x140: {  	v33 =	vmul.f32 v33, v5;
	v52 =	vld [tilespmem:s3+$0xFFFFFFD0];
	v41 =	vadd.f32 v41, v36;
	[tilespmem:s30+$0x0] =	vst v44;
	v44 =	vmul.f32 v32, v24  }
0x141: {  	v24 =	vmovc v40;
	v37 =	vmax.f32 v48, v37;
	v48 =	vmul.f32 $2.000000030e-01, v47;
	v51 =	vadd.f32 v51, v49;
	v36 =	vld [tilespmem:s16+$0xFFFFFFE0]  }
0x142: {  	v33 =	vadd.f32 $0.0e+00, v33;
	v40 =	vmul.f32 v37, v6;
	v53 =	vld [tilespmem:s3+$0xFFFFFFE0];
	v54 =	vperm.xlane v41, v1;
	[tilespmem:s30+$0x10] =	vst v44  }
0x143: {  	v44 =	vmax.f32 v47, v48;
	v47 =	vmul.f32 $2.000000030e-01, v51;
	v45 =	vadd.f32 v45, v34;
	v37 =	vld [tilespmem:s16+$0xFFFFFFF0]  }
0x144: {  	v33 =	vadd.f32 v40, v33;
	v40 =	vmul.f32 v44, v7;
	v44 =	vld [tilespmem:s3+$0xFFFFFFF0];
	v48 =	vadd.f32 v41, v54  }
0x145: {  	v47 =	vmax.f32 v51, v47;
	v51 =	vmul.f32 $2.000000030e-01, v45;
	v52 =	vadd.f32 v52, v35;
	v41 =	vpop (erf)  }
0x146: {  	v33 =	vadd.f32 v40, v33;
	v40 =	vmul.f32 v47, v8;
	v47 =	vperm.xlane v48, v2  }
0x147: {  	v45 =	vmax.f32 v45, v51;
	v51 =	vmul.f32 $2.000000030e-01, v52;
	v53 =	vadd.f32 v53, v36;
	[tilespmem:v42+s21+$0x0] =	vst.idx.msk $0x1, v41  }
0x148: {  	v33 =	vadd.f32 v40, v33;
	v40 =	vmul.f32 v45, v9;
	v42 =	vadd.f32 v48, v47  }
0x149: {  	v45 =	vmax.f32 v52, v51;
	v47 =	vmul.f32 $2.000000030e-01, v53;
	v44 =	vadd.f32 v44, v37  }
0x14a: {  	v33 =	vadd.f32 v40, v33;
	v40 =	vmul.f32 v45, v10;
	v45 =	vperm.xlane v42, v3  }
0x14b: {  	v51 =	vmul.f32 v41, v27;
	v27 =	vmovc v46;
	v47 =	vmax.f32 v53, v47;
	v48 =	vmul.f32 $2.000000030e-01, v44  }
.Ltmp4:
0x14c: {  	v33 =	vadd.f32 v40, v33;
	v40 =	vmul.f32 v47, v11;
	v45 =	vadd.f32 v42, v45;
	(pc) =	sbr.rel @p2 .LBB2_11-.Ltmp4, $4  }
0x14d: {  	v46 =	vmul.f32 v41, v30;
	v42 =	vmax.f32 v44, v48;
	[tilespmem:s30+$0xFFFFFF80] =	vst v51;
	v44 =	vmul.f32 v41, v28  }
0x14e: {  	s16 =	sadd.s32 $0x100, s16;
	v28 =	vmovc v50;
	v40 =	vadd.f32 v40, v33;
	v47 =	vmul.f32 v42, v12;
	v48 =	vperm.xlane v45, v4  }
0x14f: {  	s3 =	sadd.s32 $0x100, s3;
	v55 =	vmul.f32 v41, v29;
	v29 =	vmovc v49;
	v30 =	vmov v43;
	v51 =	vmul.f32 v41, v39;
	v33 =	vld [tilespmem:s16+$0x0];
	[tilespmem:s30+$0xFFFFFF90] =	vst v44  }
0x150: {  	s12 =	sadd.s32 $0x2, s12;
	v53 =	vmul.f32 v41, v38;
	v42 =	vld [tilespmem:s3+$0x0];
	v43 =	vadd.f32 v47, v40;
	v57 =	vadd.f32 v45, v48;
	[tilespmem:s30+$0xFFFFFFA0] =	vst v46  }
0x151: {  	v44 =	vld [tilespmem:s16+$0x10];
	_ =	sdelay $0x4  }
0x152: {  	[tilespmem:$0x1FFA0] =	vst v44  }
0x153: {  	v38 =	vld [tilespmem:s16+$0x20];
	_ =	sdelay $0x4  }
0x154: {  	v45 =	vld [tilespmem:s3+$0x10];
	[tilespmem:$0x1FFB0] =	vst v38  }
0x155: {  	v39 =	vld [tilespmem:s16+$0x30];
	_ =	sdelay $0x4  }
0x156: {  	v46 =	vld [tilespmem:s3+$0x20];
	[tilespmem:$0x1FFC0] =	vst v39  }
0x157: {  	v40 =	vld [tilespmem:s16+$0x40];
	_ =	sdelay $0x4  }
0x158: {  	v47 =	vld [tilespmem:s3+$0x30];
	[tilespmem:$0x1FFD0] =	vst v40  }
0x159: {  	v48 =	vadd.f32 v42, v33;
	v42 =	vld [tilespmem:s16+$0x50];
	_ =	sdelay $0x3  }
0x15a: {  	v50 =	vperm.xlane v43, v1  }
0x15b: {  	v49 =	vld [tilespmem:s3+$0x40];
	[tilespmem:$0x1FFE0] =	vst v42  }
0x15c: {  	v50 =	vadd.f32 v43, v50;
	v43 =	vld [tilespmem:s16+$0x60];
	_ =	sdelay $0x1  }
0x15d: {  	v54 =	vadd.f32 v45, v44  }
0x15e: {  	v52 =	vmul.f32 $2.000000030e-01, v48  }
0x15f: {  	v63 =	vmul.f32 $2.000000030e-01, v54  }
0x160: {  	v62 =	vmax.f32 v48, v52;
	v56 =	vld [tilespmem:s3+$0x50];
	[tilespmem:$0x1FFF0] =	vst v43  }
0x161: {  	v59 =	vmul.f32 v62, v5;
	v48 =	vmax.f32 v54, v63;
	v46 =	vadd.f32 v46, v38;
	v52 =	vld [tilespmem:s3+$0x60]  }
0x162: {  	v48 =	vmul.f32 v48, v6;
	v45 =	vld [tilespmem:s16+$0x70]  }
0x163: {  	v38 =	vadd.f32 $0.0e+00, v59;
	v54 =	vmul.f32 $2.000000030e-01, v46;
	v60 =	vadd.f32 v47, v39;
	v61 =	vld [tilespmem:s3+$0x70]  }
0x164: {  	v58 =	vperm.xlane v50, v2;
	v59 =	vld [tilespmem:s3+$0xFFFFFF80]  }
0x165: {  	v48 =	vadd.f32 v48, v38;
	v54 =	vmax.f32 v46, v54;
	v39 =	vmul.f32 $2.000000030e-01, v60;
	v46 =	vld [tilespmem:s16+$0xFFFFFF80]  }
0x166: {  	v54 =	vmul.f32 v54, v7;
	v49 =	vadd.f32 v49, v40;
	v56 =	vadd.f32 v56, v42;
	v47 =	vld [tilespmem:s16+$0xFFFFFF90]  }
0x167: {  	v50 =	vadd.f32 v50, v58;
	v58 =	vmax.f32 v60, v39;
	v60 =	vld [tilespmem:s3+$0xFFFFFF90]  }
0x168: {  	v54 =	vadd.f32 v54, v48;
	v63 =	vmul.f32 $2.000000030e-01, v49;
	v48 =	vld [tilespmem:s16+$0xFFFFFFA0];
	v38 =	vmul.f32 $2.000000030e-01, v56  }
0x169: {  	v62 =	vperm.xlane v50, v3;
	v58 =	vmul.f32 v58, v8;
	v40 =	vld [tilespmem:s3+$0xFFFFFFA0]  }
0x16a: {  	v63 =	vmax.f32 v49, v63;
	v49 =	vld [tilespmem:s16+$0xFFFFFFB0];
	v56 =	vmax.f32 v56, v38;
	v52 =	vadd.f32 v52, v43  }
0x16b: {  	v54 =	vadd.f32 v58, v54;
	v42 =	vld [tilespmem:s3+$0xFFFFFFB0];
	v56 =	vmul.f32 v56, v10;
	v58 =	vadd.f32 v59, v46  }
0x16c: {  	v62 =	vadd.f32 v50, v62;
	v59 =	vmul.f32 v63, v9;
	v63 =	vmul.f32 $2.000000030e-01, v52  }
0x16d: {  	v61 =	vadd.f32 v61, v45;
	v38 =	vadd.f32 v60, v47;
	v60 =	vld [tilespmem:s16+$0xFFFFFFC0];
	v44 =	vmul.f32 $2.000000030e-01, v58  }
0x16e: {  	v40 =	vadd.f32 v40, v48;
	v54 =	vadd.f32 v59, v54;
	v59 =	vmax.f32 v52, v63;
	v63 =	vld [tilespmem:s3+$0xFFFFFFC0]  }
0x16f: {  	v39 =	vmul.f32 $2.000000030e-01, v61;
	v50 =	vmax.f32 v58, v44;
	v58 =	vmul.f32 $2.000000030e-01, v38;
	v52 =	vld [tilespmem:s16+$0xFFFFFFD0]  }
0x170: {  	v42 =	vadd.f32 v42, v49;
	v43 =	vadd.f32 v56, v54;
	v54 =	vld [tilespmem:s3+$0xFFFFFFD0];
	v50 =	vmul.f32 v50, v5  }
0x171: {  	v44 =	vld [tilespmem:s16+$0xFFFFFFE0];
	v39 =	vmax.f32 v61, v39;
	v56 =	vmax.f32 v38, v58;
	v58 =	vmul.f32 $2.000000030e-01, v40  }
0x172: {  	v59 =	vmul.f32 v59, v11;
	v38 =	vld [tilespmem:s3+$0xFFFFFFE0];
	v50 =	vadd.f32 $0.0e+00, v50;
	v61 =	vmul.f32 v56, v6  }
0x173: {  	v56 =	vld [tilespmem:s16+$0xFFFFFFF0];
	v40 =	vmax.f32 v40, v58;
	v58 =	vmul.f32 $2.000000030e-01, v42;
	v63 =	vadd.f32 v63, v60  }
0x174: {  	v39 =	vmul.f32 v39, v12;
	v50 =	vadd.f32 v61, v50;
	v40 =	vmul.f32 v40, v7;
	v61 =	vld [tilespmem:s3+$0xFFFFFFF0]  }
0x175: {  	v54 =	vadd.f32 v54, v52;
	v42 =	vmax.f32 v42, v58;
	v58 =	vmul.f32 $2.000000030e-01, v63  }
0x176: {  	v43 =	vadd.f32 v59, v43;
	v40 =	vadd.f32 v40, v50;
	v42 =	vmul.f32 v42, v8  }
0x177: {  	v38 =	vadd.f32 v38, v44;
	v50 =	vmax.f32 v63, v58;
	v63 =	vmul.f32 $2.000000030e-01, v54  }
0x178: {  	v40 =	vadd.f32 v42, v40;
	v42 =	vmul.f32 $1.442695020e+00, v57;
	v50 =	vmul.f32 v50, v9  }
0x179: {  	v57 =	vmul.f32 $2.000000030e-01, v38;
	v58 =	vadd.f32 v61, v56;
	v54 =	vmax.f32 v54, v63  }
0x17a: {  	v40 =	vadd.f32 v50, v40;
	v50 =	vmul.f32 v54, v10  }
0x17b: {  	v39 =	vadd.f32 v39, v43;
	v38 =	vmax.f32 v38, v57;
	v61 =	vmul.f32 $2.000000030e-01, v58  }
0x17c: {  	v63 =	vperm.xlane v62, v4;
	v38 =	vmul.f32 v38, v11;
	v40 =	vadd.f32 v50, v40  }
0x17d: {  	(erf) = vpow2.f32 v42;
	v54 =	vperm.xlane v39, v1;
	v50 =	vmax.f32 v58, v61  }
0x17e: {  	[tilespmem:s30+$0xFFFFFFB0] =	vst v55;
	v63 =	vadd.f32 v62, v63;
	v43 =	vmul.f32 v50, v12;
	v38 =	vadd.f32 v38, v40  }
0x17f: {  	v23 =	vmul.f32 v41, v23;
	v25 =	vmul.f32 v41, v25;
	[tilespmem:s30+$0xFFFFFFC0] =	vst v51;
	v39 =	vadd.f32 v39, v54  }
0x180: {  	v15 =	vmul.f32 v32, v15;
	[tilespmem:s30+$0xFFFFFFD0] =	vst v53;
	v42 =	vmul.f32 $1.442695020e+00, v63;
	v38 =	vadd.f32 v43, v38  }
0x181: {  	v13 =	vmul.f32 v32, v13;
	[tilespmem:s30+$0xFFFFFFE0] =	vst v23;
	v55 =	vperm.xlane v39, v2  }
0x182: {  	s12 =	sadd.s32 $0x1, s1;
	[tilespmem:s30+$0xFFFFFFF0] =	vst v25;
	(erf) = vpow2.f32 v42;
	v57 =	vperm.xlane v38, v1  }
0x183: {  	v14 =	vmul.f32 v32, v14;
	[tilespmem:s30+$0x20] =	vst v15;
	v58 =	vmov s12;
	v15 =	vadd.f32 v39, v55  }
0x184: {  	v16 =	vmul.f32 v32, v16;
	[tilespmem:s30+$0x30] =	vst v13;
	v59 =	vadd.f32 v38, v57  }
0x185: {  	v17 =	vmul.f32 v32, v17;
	[tilespmem:s30+$0x40] =	vst v14;
	v61 =	vmov s1;
	v14 =	vperm.xlane v15, v3  }
0x186: {  	[tilespmem:s30+$0x50] =	vst v16;
	v13 =	vand.u32 $0xFFFFFFFE, v61;
	v63 =	vpop (erf);
	v62 =	vperm.xlane v59, v2  }
0x187: {  	[tilespmem:s30+$0x60] =	vst v17;
	v13 =	vbroadcast v13, $0x0;
	v20 =	vmul.f32 v63, v20;
	v14 =	vadd.f32 v15, v14  }
0x188: {  	[tilespmem:v58+s21+$0x0] =	vst.idx.msk $0x1, v63;
	v39 =	vmul.f32 v63, v24;
	v15 =	vadd.f32 v59, v62  }
0x189: {  	v55 =	vmul.f32 v63, v22;
	[tilespmem:s15+$0x0] =	vst v20;
	v40 =	vperm.xlane v14, v4  }
0x18a: {  	v38 =	vmul.f32 v63, v31;
	[tilespmem:s15+$0x10] =	vst v39;
	v41 =	vperm.xlane v15, v3  }
0x18b: {  	[tilespmem:s15+$0x50] =	vst v55;
	v42 =	vpop (erf);
	v14 =	vadd.f32 v14, v40  }
0x18c: {  	[tilespmem:s15+$0x70] =	vst v38;
	v43 =	vmul.f32 v42, v27;
	v15 =	vadd.f32 v15, v41  }
0x18d: {  	[tilespmem:v13+s21+$0x0] =	vst.idx.msk $0x1, v42;
	v13 =	vmul.f32 v42, v28;
	v14 =	vmul.f32 $1.442695020e+00, v14  }
0x18e: {  	v50 =	vmul.f32 v42, v30;
	[tilespmem:s15+$0xFFFFFF80] =	vst v43;
	v51 =	vperm.xlane v15, v4  }
0x18f: {  	v53 =	vmul.f32 v42, v34;
	[tilespmem:s15+$0xFFFFFF90] =	vst v13;
	(erf) = vpow2.f32 v14  }
0x190: {  	v13 =	vmul.f32 v42, v29;
	[tilespmem:s15+$0xFFFFFFA0] =	vst v50;
	v14 =	vadd.f32 v15, v51  }
0x191: {  	[tilespmem:s15+$0xFFFFFFC0] =	vst v53;
	v15 =	vmul.f32 v42, v35  }
0x192: {  	[tilespmem:s15+$0xFFFFFFB0] =	vst v13;
	v13 =	vmul.f32 v42, v36;
	v14 =	vmul.f32 $1.442695020e+00, v14  }
0x193: {  	v54 =	vmul.f32 v42, v37;
	[tilespmem:s15+$0xFFFFFFD0] =	vst v15;
	v15 =	vmul.f32 v63, v18  }
0x194: {  	s13 =	sadd.s32 $0x1, s2;
	[tilespmem:s15+$0xFFFFFFE0] =	vst v13;
	(erf) = vpow2.f32 v14;
	v14 =	vmul.f32 v63, v21  }
0x195: {  	v13 =	vmul.f32 v63, v19;
	[tilespmem:s15+$0x20] =	vst v15;
	v15 =	vmov s13  }
0x196: {  	[tilespmem:s15+$0xFFFFFFF0] =	vst v54  }
0x197: {  	[tilespmem:s15+$0x30] =	vst v13;
	v13 =	vmul.f32 v63, v26  }
0x198: {  	[tilespmem:s15+$0x40] =	vst v14;
	v14 =	vpop (erf)  }
0x199: {  	[tilespmem:s15+$0x60] =	vst v13;
	v13 =	vmul.f32 v14, v45  }
0x19a: {  	v57 =	vmov s2;
	[tilespmem:v15+s21+$0x0] =	vst.idx.msk $0x1, v14  }
0x19b: {  	v58 =	vand.u32 $0xFFFFFFFE, v57;
	[tilespmem:s16+$0x70] =	vst v13  }
0x19c: {  	v16 =	vbroadcast v58, $0x0;
	v13 =	vld [tilespmem:$0x1FFA0]  }
0x19d: {  	v15 =	vmul.f32 v14, v33;
	_ =	sdelay $0x3  }
0x19e: {  	[tilespmem:s16+$0x0] =	vst v15;
	v15 =	vpop (erf);
	v13 =	vmul.f32 v14, v13  }
0x19f: {  	[tilespmem:v16+s21+$0x0] =	vst.idx.msk $0x1, v15;
	v59 =	vmul.f32 v15, v47  }
0x1a0: {  	[tilespmem:s16+$0x10] =	vst v13;
	v13 =	vmul.f32 v15, v46  }
0x1a1: {  	v61 =	vmul.f32 v15, v49;
	[tilespmem:s16+$0xFFFFFF90] =	vst v59  }
0x1a2: {  	[tilespmem:s16+$0xFFFFFF80] =	vst v13;
	v13 =	vmul.f32 v15, v48  }
0x1a3: {  	v62 =	vmul.f32 v15, v60;
	[tilespmem:s16+$0xFFFFFFB0] =	vst v61  }
0x1a4: {  	[tilespmem:s16+$0xFFFFFFA0] =	vst v13;
	v13 =	vmul.f32 v15, v52  }
0x1a5: {  	v63 =	vmul.f32 v15, v44;
	[tilespmem:s16+$0xFFFFFFC0] =	vst v62  }
0x1a6: {  	[tilespmem:s16+$0xFFFFFFD0] =	vst v13  }
0x1a7: {  	v13 =	vld [tilespmem:$0x1FFB0];
	[tilespmem:s16+$0xFFFFFFE0] =	vst v63  }
0x1a8: {  	v16 =	vld [tilespmem:$0x1FFC0];
	_ =	sdelay $0x2  }
0x1a9: {  	v15 =	vmul.f32 v15, v56  }
0x1aa: {  	v13 =	vmul.f32 v14, v13  }
0x1ab: {  	[tilespmem:s16+$0xFFFFFFF0] =	vst v15;
	v16 =	vmul.f32 v14, v16  }
0x1ac: {  	v15 =	vld [tilespmem:$0x1FFD0];
	[tilespmem:s16+$0x20] =	vst v13  }
0x1ad: {  	v13 =	vld [tilespmem:$0x1FFE0];
	[tilespmem:s16+$0x30] =	vst v16  }
0x1ae: {  	v16 =	vld [tilespmem:$0x1FFF0];
	_ =	sdelay $0x2  }
0x1af: {  	v15 =	vmul.f32 v14, v15  }
0x1b0: {  	v13 =	vmul.f32 v14, v13  }
0x1b1: {  	[tilespmem:s16+$0x40] =	vst v15;
	v14 =	vmul.f32 v14, v16  }
0x1b2: {  	[tilespmem:s16+$0x50] =	vst v13  }
0x1b3: {  	s30 =	sshll.u32 s31, $0x7;
	[tilespmem:s16+$0x60] =	vst v14  }
0x1b4: {  	v13 =	vld [tilespmem:s30+$0x5200];
	_ =	sdelay $0x2  }
0x1b5: {  	v14 =	vld [tilespmem:$0x7C00];
	_ =	sdelay $0x4  }
0x1b6: {  	[tilespmem:v13+s22+$0x0] =	vst.idx.add.f32.msk $0xffff, v14  }
0x1b7: {  	v13 =	vld [tilespmem:s30+$0x5210];
	_ =	sdelay $0x2  }
0x1b8: {  	v14 =	vld [tilespmem:$0x7C10];
	_ =	sdelay $0x4  }
0x1b9: {  	[tilespmem:v13+s22+$0x0] =	vst.idx.add.f32.msk $0xffff, v14  }
0x1ba: {  	v13 =	vld [tilespmem:s30+$0x5218];
	_ =	sdelay $0x2  }
0x1bb: {  	v14 =	vld [tilespmem:$0x7C18];
	_ =	sdelay $0x1  }
0x1bc: {  	p2 =	sne.s32 s28, $0xFA;
	s31 =	smul.u32 $0x5000, s29  }
.Ltmp5:
0x1bd: {  	_ = 	snop;
	(pc) =	sbr.rel @p2 .LBB2_6-.Ltmp5, $4  }
0x1be: {  	_ = 	snop  }
0x1bf: {  	s1 =	sadd.s32 $0x5200, s30;
	s2 =	sshrl.u32 s31, $0x2;
	[tilespmem:v13+s22+$0x0] =	vst.idx.add.f32.msk vm0, v14  }
0x1c0: {  	[spmem:s4] =	stream.indirect.scatter.add.f32 [tilespmem:s2], [sflag:$0x3], $0x80, s1, s17, $0xb8;
	[tilespmem:$0x1B500] =	vst v63  }
0x1c1: {  	p1 =	por !p1, !p1;
	s1 =	smov.u32 s28  }
0x1c2: {  	_ =	swait.ge [sflag:s23], $0x1400  }
0x1c3: {  	s2 =	simm.s32 $0x80;
	[sflag:s23] =	ssyncset.done $0x0  }
0x1c4: {  	s3 =	simm.s32 $0x400;
	s1 =	rddreg [dreg:$0x9];
	[sflag:s23] =	ssyncadd.s32 $0xFFFFEC00  }
0x1c5: {  	[hbm4b:s1+s2] =	stream.strided.scatter [tilespmem:s22], [sflag:$0x5], $0x2780, s3, s2, $0x38;
	[tilespmem:$0x1B500] =	vst v63  }
0x1c6: {  	_ =	swait.ge [sflag:s14], $0x2780  }
0x1c7: {  	[sflag:s14] =	ssyncset.done $0x0  }
0x1c8: {  	[sflag:s14] =	ssyncadd.s32 $0xFFFFD880  }
0x1c9: {  	[bflag:$0x0] =	sbarrier.arrive $0xFFFF  }
0x1ca: {  	[tilespmem:s5], [sflag:$0x5] =	stream.linear.gather [spmem:s19], $0x1400, $0x38;
	[tilespmem:$0x1B500] =	vst v63  }
0x1cb: {  	_ =	swait.ge [sflag:s14], $0x1400  }
0x1cc: {  	[sflag:s14] =	ssyncset.done $0x0  }
0x1cd: {  	s31 =	sadd.s32 $0x0, s24;
	[sflag:s14] =	ssyncadd.s32 $0xFFFFEC00  }
0x1ce: {  	[hbm4b:s31+s5] =	stream.linear.scatter [tilespmem:s5], [sflag:$0x5], $0x1400, $0x38;
	[tilespmem:$0x1B500] =	vst v63  }
0x1cf: {  	_ =	swait.ge [sflag:s14], $0x1400  }
0x1d0: {  	s1 =	simm.s32 $0x280;
	s2 =	smov.u32 s19;
	[sflag:s14] =	ssyncset.done $0x0  }
.LBB2_14:
0x1d1: {  	p1 =	sne.s32 s1, $0x2300;
	[sflag:s14] =	ssyncadd.s32 $0xFFFFEC00;
	s2 =	sadd.s32 $0x1400, s2  }
0x1d2: {  	[tilespmem:s5], [sflag:$0x5] =	stream.linear.gather [spmem:s2], $0x1400, $0x38;
	[tilespmem:$0x1B500] =	vst v63  }
0x1d3: {  	s3 =	smov.u32 s1;
	s1 =	sadd.s32 $0x280, s1;
	_ =	swait.ge [sflag:s14], $0x1400  }
.Ltmp6:
0x1d4: {  	[sflag:s14] =	ssyncset.done $0x0;
	(pc) =	sbr.rel @p1 .LBB2_14-.Ltmp6, $4  }
0x1d5: {  	s3 =	sadd.s32 s3, s24;
	[sflag:s14] =	ssyncadd.s32 $0xFFFFEC00  }
0x1d6: {  	[hbm4b:s3+s5] =	stream.linear.scatter [tilespmem:s5], [sflag:$0x5], $0x1400, $0x38;
	[tilespmem:$0x1B500] =	vst v63  }
0x1d7: {  	_ =	swait.ge [sflag:s14], $0x1400  }
0x1d8: {  	[sflag:s14] =	ssyncset.done $0x0  }
0x1d9: {  	[sflag:s14] =	ssyncadd.s32 $0xFFFFEC00  }
0x1da: {  	[tilespmem:s5], [sflag:$0x5] =	stream.linear.gather [spmem:s10], $0xC00, $0x38;
	[tilespmem:$0x1B500] =	vst v63  }
0x1db: {  	_ =	swait.ge [sflag:s14], $0xC00  }
0x1dc: {  	[sflag:s14] =	ssyncset.done $0x0  }
0x1dd: {  	s1 =	rddreg [dreg:$0xa];
	[sflag:s14] =	ssyncadd.s32 $0xFFFFF400  }
0x1de: {  	[hbm4b:s1+s5] =	stream.linear.scatter [tilespmem:s5], [sflag:$0x5], $0xC00, $0x38;
	[tilespmem:$0x1B500] =	vst v63  }
0x1df: {  	_ =	swait.ge [sflag:s14], $0xC00  }
0x1e0: {  	[sflag:s14] =	ssyncset.done $0x0  }
0x1e1: {  	s2 =	simm.s32 @!p0 $0x5;
	s1 =	simm.s32 @!p0 $0x0;
	[sflag:s14] =	ssyncadd.s32 $0xFFFFF400  }
0x1e2: {  	[tilespmem:s1], [sflag:$0x5] =	stream.linear.gather @!p0 [spmem:s11], $0x800, $0x38;
	[tilespmem:$0x1B500] =	vst v63  }
0x1e3: {  	_ =	swait.ge @!p0 [sflag:s2], $0x800  }
0x1e4: {  	[sflag:s2] =	ssyncset.done @!p0 $0x0  }
0x1e5: {  	s3 =	rddreg [dreg:$0xb];
	[sflag:s2] =	ssyncadd.s32 @!p0 $0xFFFFF800  }
0x1e6: {  	[hbm4b:s3+s1] =	stream.linear.scatter @!p0 [tilespmem:s1], [sflag:$0x5], $0x800, $0x38;
	[tilespmem:$0x1B500] =	vst v63  }
0x1e7: {  	_ =	swait.ge @!p0 [sflag:s2], $0x800  }
0x1e8: {  	s26 =	sadd.s32 $0x1, s26;
	s31 =	rddreg [dreg:$0xc]  }
0x1e9: {  	p1 =	sne.s32 s26, s31  }
.Ltmp7:
0x1ea: {  	_ = 	snop;
	(pc) =	sbr.rel @p1 .LBB2_1-.Ltmp7, $3  }
0x1eb: {  	_ =	sdelay $0x1  }
0x1ec: {  	[sflag:s2] =	ssyncset.done @!p0 $0x0  }
0x1ed: {  	[sflag:s2] =	ssyncadd.s32 @!p0 $0xFFFFF800  }
0x1ee: {  	_ =	sfence.sel $0x180000  }
0x1ef: {  	[bflag:$0x0] =	sbarrier.arrive $0xFFFF  }
0x1f0: {  	_ =	strace $0x90000047  }
0x1f1: {  	s0 =	stileid.u32;
	[bflag:$0x2] =	sbarrier.arrive $0xFFFF  }
0x1f2: {  	p0 =	sne.s32 s0, $0x0;
	s0 =	rddreg [dreg:$0x4]  }
0x1f3: {  	s0 =	sadd.s32 @!p0 $0x100000, s0  }
0x1f4: {  	[sflag:s0] =	ssyncadd.tile.s32 @!p0 $0x1;
	_ =	shalt  }
.Lfunc_end2:
_tile_overlayer_lowered:
.L_overlay_start_2:
0x1f5: {  	(tag) =	ssettag $0x2  }
0x1f6: {  	s0 =	rddreg [dreg:$0x0];
	s2 =	stileid.u32  }
0x1f7: {  	s1 =	rddreg [dreg:$0x1];
	p0 =	sne.s32 s2, $0x0  }
0x1f8: {  	s3 =	rddreg [dreg:$0x2];
	[bflag:$0x3] =	sbarrier.arrive $0xFFFF;
	s2 =	simm.s32 @!p0 $0x1C05  }
0x1f9: {  	[timem:s3], [sflag:s2] =	dma.local @!p0 [hbm:s0], s1  }
0x1fa: {  	s0 =	simm.s32 @!p0 $0x5  }
0x1fb: {  	_ =	swait.ge @!p0 [sflag:s0], s1  }
0x1fc: {  	s1 =	ssub.s32 @!p0 $0x0, s1;
	[sflag:s0] =	ssyncset.done @!p0 $0x0  }
0x1fd: {  	[sflag:s0] =	ssyncadd.s32 @!p0 s1  }
0x1fe: {  	[bflag:$0x3] =	sbarrier.arrive $0xFFFF  }
0x1ff: {  	_ =	shalt  }

</sc_bundles>
